<compile_context>
chip_gen: v7x
topology: tpu7x:2x2x1
jax: 0.10.2.dev20260603
libtpu: 0.0.44.dev20260713+nightly
codegen_flags: <defaults>
</compile_context>

<pallas_src>
import functools

import jax
import jax.numpy as jnp
from jax import lax
from jax.experimental import pallas as pl
from jax.experimental.pallas import tpu as pltpu
from jax.experimental.pallas import tpu_sc as plsc

V = 100000
D = 128
B = 1024
W = 20

NC = 2
NS = 16
NW = NC * NS
BPW = B // NW
CR = BPW * W
CHUNK = 128
L = 16
NV = D // L

TV = 4096
NT = (V + TV - 1) // TV
LOG2E = 1.4426950408889634
NPAD = NT * TV - V


def _rsqrt_bcast(tot):
  i = lax.bitcast_convert_type(tot, jnp.int32)
  y0 = lax.bitcast_convert_type(
      jnp.int32(0x5F3759DF) - lax.shift_right_logical(i, 1), jnp.float32)
  y = jnp.full((L,), y0, jnp.float32)
  t = jnp.full((L,), tot, jnp.float32)
  for _ in range(2):
    y = y * (1.5 - 0.5 * t * y * y)
  return y


def _sc_gather_normalize(table, idx_ctx, idx_cen):
  mesh = plsc.VectorSubcoreMesh(core_axis_name="c", subcore_axis_name="s")

  @functools.partial(
      pl.kernel,
      out_type=(
          jax.ShapeDtypeStruct((B, D), jnp.float32),
          jax.ShapeDtypeStruct((B, D), jnp.float32),
      ),
      mesh=mesh,
      scratch_types=[
          pltpu.VMEM((CR,), jnp.int32),
          pltpu.VMEM((BPW,), jnp.int32),
          pltpu.VMEM((CR, D), jnp.float32),
          pltpu.VMEM((BPW, D), jnp.float32),
          pltpu.VMEM((BPW, D), jnp.float32),
          pltpu.VMEM((BPW, D), jnp.float32),
          pltpu.VMEM((L,), jnp.float32),
      ] + [pltpu.SemaphoreType.DMA] * (len(range(0, CR, CHUNK)) + 1),
  )
  def body(table_hbm, idxc_hbm, idxn_hbm, x_hbm, cen_hbm,
           idxc_v, idxn_v, rows_v, cen_v, xv, cennv, red_v, *sems):
    wid = lax.axis_index("s") * NC + lax.axis_index("c")
    pltpu.sync_copy(idxc_hbm.at[pl.ds(wid * CR, CR)], idxc_v)
    pltpu.sync_copy(idxn_hbm.at[pl.ds(wid * BPW, BPW)], idxn_v)
    chunks = [(k, min(CHUNK, CR - k)) for k in range(0, CR, CHUNK)]
    copies = [
        pltpu.async_copy(table_hbm.at[idxc_v.at[pl.ds(k, sz)]],
                         rows_v.at[pl.ds(k, sz)], sems[ci])
        for ci, (k, sz) in enumerate(chunks)
    ]
    cen_copy = pltpu.async_copy(table_hbm.at[idxn_v], cen_v, sems[-1])
    cen_copy.wait()

    def _norm_row(ref, r):
      vs = [ref[r, pl.ds(k * L, L)] for k in range(NV)]
      ss = vs[0] * vs[0]
      for k in range(1, NV):
        ss = ss + vs[k] * vs[k]
      tot = ss[0]
      for l in range(1, L):
        tot = tot + ss[l]
      inv = _rsqrt_bcast(tot)
      return [v * inv for v in vs]

    def _ctx_body(b, _):
      acc = None
      for m in range(W):
        nv = _norm_row(rows_v, b * W + m)
        acc = nv if acc is None else [a + v for a, v in zip(acc, nv)]
      for k in range(NV):
        xv[b, pl.ds(k * L, L)] = acc[k]
      nc = _norm_row(cen_v, b)
      for k in range(NV):
        cennv[b, pl.ds(k * L, L)] = nc[k]
      return 0

    for c in copies:
      c.wait()
    lax.fori_loop(0, BPW, _ctx_body, 0)
    pltpu.sync_copy(xv, x_hbm.at[pl.ds(wid * BPW, BPW)])
    pltpu.sync_copy(cennv, cen_hbm.at[pl.ds(wid * BPW, BPW)])

  return body(table, idx_ctx, idx_cen)


def _fused_body(x_in, cen_ref, w_ref, loss_ref, xb_ref, acc_ref):
  i = pl.program_id(0)

  @pl.when(i == 0)
  def _init():
    xb_ref[...] = x_in[...].astype(jnp.bfloat16)
    acc_ref[...] = jnp.zeros_like(acc_ref)

  def _lanesum(es):
    p = es[:, 0:D]
    for c in range(D, es.shape[1], D):
      p = p + es[:, c:c + D]
    return p

  def _vocab_step(masked):
    w = w_ref[...]
    ss = jnp.sum(w * w, axis=1, keepdims=True)
    if masked:
      row = i * TV + lax.broadcasted_iota(jnp.int32, (TV, 1), 0)
      ss = jnp.where(row < V, ss, 1e30)
    inv = lax.rsqrt(ss) * LOG2E
    wn = (w * inv).astype(jnp.bfloat16)
    xb = xb_ref[...]

    CH = 512
    part = None
    prev = None
    for t in range(TV // CH):
      st = lax.dot_general(xb, wn[t * CH:(t + 1) * CH],
                           (((1,), (1,)), ((), ())),
                           preferred_element_type=jnp.float32)
      if prev is not None:
        p = _lanesum(jnp.exp2(prev))
        part = p if part is None else part + p
      prev = st
    part = part + _lanesum(jnp.exp2(prev))
    acc_ref[...] += part

  pl.when(i < NT - 1)(lambda: _vocab_step(False))
  pl.when(i == NT - 1)(lambda: _vocab_step(True))

  @pl.when(i == NT - 1)
  def _epilogue():
    tgt = jnp.sum(x_in[...] * cen_ref[...], axis=1, keepdims=True)
    z = jnp.sum(acc_ref[...], axis=1, keepdims=True) - NPAD
    lvec = jnp.log(z) - tgt
    loss_ref[...] = jnp.sum(lvec, axis=0, keepdims=True) / B


def kernel(context_words, central_words, negative_sampling, weight):
  del negative_sampling
  idx_ctx = context_words.reshape(-1).astype(jnp.int32)
  idx_cen = central_words.reshape(-1).astype(jnp.int32)
  x, cenn = _sc_gather_normalize(weight, idx_ctx, idx_cen)

  loss = pl.pallas_call(
      _fused_body,
      grid=(NT,),
      in_specs=[
          pl.BlockSpec((B, D), lambda i: (0, 0)),
          pl.BlockSpec((B, D), lambda i: (0, 0)),
          pl.BlockSpec((TV, D), lambda i: (i, 0)),
      ],
      out_specs=pl.BlockSpec((1, 1), lambda i: (0, 0)),
      out_shape=jax.ShapeDtypeStruct((1, 1), jnp.float32),
      scratch_shapes=[
          pltpu.VMEM((B, D), jnp.bfloat16),
          pltpu.VMEM((B, D), jnp.float32),
      ],
  )(x, cenn, weight)
  return loss[0, 0]

# --- scband reference (transcript-rebuilt; emitter-appended) ---
"""Pipeline reference for scband-cbowmodule-29489245454779 (READ-ONLY COPY).

The authoritative reference and input builder live on the scoring server;
editing this copy changes nothing except your own understanding.
"""

import jax, jax.numpy as jnp
import numpy as np

VOCAB = 100000
EMBED_DIM = 128
BATCH = 1024
WINDOW = 20


def setup_inputs(seed: int = 0) -> dict:
    key = jax.random.key(seed)
    k1, k2, k3 = jax.random.split(key, 3)
    context_words = jax.random.randint(k1, (BATCH, WINDOW), 0, VOCAB, dtype=jnp.int64 if jax.config.jax_enable_x64 else jnp.int32).astype(jnp.int32)
    central_words = jax.random.randint(k2, (BATCH,), 0, VOCAB, dtype=jnp.int64 if jax.config.jax_enable_x64 else jnp.int32).astype(jnp.int32)
    weight = jax.random.normal(k3, (VOCAB, EMBED_DIM), dtype=jnp.float32)
    return {"context_words": context_words, "central_words": central_words, "negative_sampling": 0, "weight": weight}


def reference(context_words, central_words, negative_sampling, weight):
    # negative_sampling=0 -> forward_without_negative_sampling path (deterministic)
    # F.normalize(weight, p=2, dim=1) with eps clamp
    norm = jnp.maximum(jnp.linalg.norm(weight, axis=1, keepdims=True), 1e-12)
    norm_weight = weight / norm
    # embedding gather: norm_weight[x] -> [N, M, d]
    x = jnp.take(norm_weight, context_words, axis=0)
    # sum over CBOW window -> [N, d]
    x = jnp.sum(x, axis=1)
    # F.linear(x, norm_weight) -> x @ norm_weight.T -> [N, V]
    scores = jnp.matmul(x, norm_weight.T)
    # CrossEntropyLoss (mean reduction)
    log_z = jax.scipy.special.logsumexp(scores, axis=1)
    tgt_scores = jnp.take_along_axis(scores, central_words[:, None].astype(jnp.int32), axis=1)[:, 0]
    loss = jnp.mean(log_z - tgt_scores)
    return loss

if __name__ == "__main__":
    import jax
    _d = setup_inputs()
    print(jax.jit(kernel)(*tuple(_d.values())))

</pallas_src>

<mosaic_0001>
#map = affine_map<(d0, d1) -> (0, 0)>
#map1 = affine_map<(d0, d1) -> (0)>
module attributes {stable_mosaic.version = 14 : i64} {
  func.func @body(%arg0: i32, %arg1: i32, %arg2: memref<100000x128xf32, #tpu.memory_space<hbm>>, %arg3: memref<20480xi32, #tpu.memory_space<hbm>>, %arg4: memref<1024xi32, #tpu.memory_space<hbm>>, %arg5: memref<1024x128xf32, #tpu.memory_space<hbm>>, %arg6: memref<1024x128xf32, #tpu.memory_space<hbm>>, %arg7: memref<640xi32, #tpu.memory_space<vmem>>, %arg8: memref<32xi32, #tpu.memory_space<vmem>>, %arg9: memref<640x128xf32, #tpu.memory_space<vmem>>, %arg10: memref<32x128xf32, #tpu.memory_space<vmem>>, %arg11: memref<32x128xf32, #tpu.memory_space<vmem>>, %arg12: memref<32x128xf32, #tpu.memory_space<vmem>>, %arg13: memref<16xf32, #tpu.memory_space<vmem>>, %arg14: memref<!tpu.dma_semaphore, #tpu.memory_space<semaphore_mem>>, %arg15: memref<!tpu.dma_semaphore, #tpu.memory_space<semaphore_mem>>, %arg16: memref<!tpu.dma_semaphore, #tpu.memory_space<semaphore_mem>>, %arg17: memref<!tpu.dma_semaphore, #tpu.memory_space<semaphore_mem>>, %arg18: memref<!tpu.dma_semaphore, #tpu.memory_space<semaphore_mem>>, %arg19: memref<!tpu.dma_semaphore, #tpu.memory_space<semaphore_mem>>) attributes {dimension_semantics = [#tpu.dimension_semantics<core_parallel>, #tpu.dimension_semantics<subcore_parallel>], iteration_bounds = array<i64: 2, 16>, scalar_prefetch = 0 : i64, scratch_operands = 13 : i64, tpu.core_type = #tpu.core_type<sc_vector_subcore>, window_params = [{transform_indices = #map}, {transform_indices = #map1}, {transform_indices = #map1}, {transform_indices = #map}, {transform_indices = #map}]} {
    %mul3A = arith.constant 2 : i32
    %mul3A_0 = arith.muli %arg1, %mul3A : i32
    %add3A = arith.addi %mul3A_0, %arg0 : i32
    %mul3A_1 = arith.constant 640 : i32
    %mul3A_2 = arith.muli %add3A, %mul3A_1 : i32
    "tpu.region"() ({
      %run_scoped3A = tpu.sem_alloc : memref<!tpu.dma_semaphore, #tpu.memory_space<semaphore_mem>>
      %dma_start3A_99 = tpu.memref_slice %arg3[%mul3A_2] : memref<20480xi32, #tpu.memory_space<hbm>> -> memref<640xi32, #tpu.memory_space<hbm>>
      %dma_start3A_100 = tpu.memref_slice %arg3[%mul3A_2] : memref<20480xi32, #tpu.memory_space<hbm>> -> memref<640xi32, #tpu.memory_space<hbm>>
      tpu.enqueue_dma source(%dma_start3A_100 : memref<640xi32, #tpu.memory_space<hbm>>) target(%arg7 : memref<640xi32, #tpu.memory_space<vmem>>) target_semaphore(%run_scoped3A : memref<!tpu.dma_semaphore, #tpu.memory_space<semaphore_mem>>)
      %dma_wait3A_101 = tpu.memref_slice %arg3[%mul3A_2] : memref<20480xi32, #tpu.memory_space<hbm>> -> memref<640xi32, #tpu.memory_space<hbm>>
      %dma_wait3A_102 = tpu.memref_slice %arg3[%mul3A_2] : memref<20480xi32, #tpu.memory_space<hbm>> -> memref<640xi32, #tpu.memory_space<hbm>>
      tpu.wait_dma2 semaphore(%run_scoped3A : memref<!tpu.dma_semaphore, #tpu.memory_space<semaphore_mem>>) src(%dma_wait3A_102 : memref<640xi32, #tpu.memory_space<hbm>>) dst(%arg7 : memref<640xi32, #tpu.memory_space<vmem>>)
      tpu.yield
    }) : () -> ()
    %mul3A_3 = arith.constant 32 : i32
    %mul3A_4 = arith.muli %add3A, %mul3A_3 : i32
    "tpu.region"() ({
      %run_scoped3A = tpu.sem_alloc : memref<!tpu.dma_semaphore, #tpu.memory_space<semaphore_mem>>
      %dma_start3A_99 = tpu.memref_slice %arg4[%mul3A_4] : memref<1024xi32, #tpu.memory_space<hbm>> -> memref<32xi32, #tpu.memory_space<hbm>>
      %dma_start3A_100 = tpu.memref_slice %arg4[%mul3A_4] : memref<1024xi32, #tpu.memory_space<hbm>> -> memref<32xi32, #tpu.memory_space<hbm>>
      tpu.enqueue_dma source(%dma_start3A_100 : memref<32xi32, #tpu.memory_space<hbm>>) target(%arg8 : memref<32xi32, #tpu.memory_space<vmem>>) target_semaphore(%run_scoped3A : memref<!tpu.dma_semaphore, #tpu.memory_space<semaphore_mem>>)
      %dma_wait3A_101 = tpu.memref_slice %arg4[%mul3A_4] : memref<1024xi32, #tpu.memory_space<hbm>> -> memref<32xi32, #tpu.memory_space<hbm>>
      %dma_wait3A_102 = tpu.memref_slice %arg4[%mul3A_4] : memref<1024xi32, #tpu.memory_space<hbm>> -> memref<32xi32, #tpu.memory_space<hbm>>
      tpu.wait_dma2 semaphore(%run_scoped3A : memref<!tpu.dma_semaphore, #tpu.memory_space<semaphore_mem>>) src(%dma_wait3A_102 : memref<32xi32, #tpu.memory_space<hbm>>) dst(%arg8 : memref<32xi32, #tpu.memory_space<vmem>>)
      tpu.yield
    }) : () -> ()
    %dma_start3A = arith.constant 0 : i32
    %dma_start3A_5 = arith.constant 0 : i32
    %dma_start3A_6 = tpu.memref_slice %arg9[%dma_start3A, %dma_start3A_5] : memref<640x128xf32, #tpu.memory_space<vmem>> -> memref<128x128xf32, #tpu.memory_space<vmem>>
    %dma_start3A_7 = arith.constant 0 : i32
    %dma_start3A_8 = tpu.memref_slice %arg7[%dma_start3A_7] : memref<640xi32, #tpu.memory_space<vmem>> -> memref<128xi32, #tpu.memory_space<vmem>>
    %dma_start3A_9 = arith.constant 0 : i32
    %dma_start3A_10 = arith.constant 0 : i32
    %dma_start3A_11 = tpu.memref_slice %arg2[%dma_start3A_9, %dma_start3A_10] : memref<100000x128xf32, #tpu.memory_space<hbm>> -> memref<100000x128xf32, #tpu.memory_space<hbm>>
    tpu.enqueue_indirect_dma source(%dma_start3A_11 : memref<100000x128xf32, #tpu.memory_space<hbm>>) target(%dma_start3A_6 : memref<128x128xf32, #tpu.memory_space<vmem>>) offsets(%dma_start3A_8 : memref<128xi32, #tpu.memory_space<vmem>>) semaphore(%arg14 : memref<!tpu.dma_semaphore, #tpu.memory_space<semaphore_mem>>)
    %dma_start3A_12 = arith.constant 128 : i32
    %dma_start3A_13 = arith.constant 0 : i32
    %dma_start3A_14 = tpu.memref_slice %arg9[%dma_start3A_12, %dma_start3A_13] : memref<640x128xf32, #tpu.memory_space<vmem>> -> memref<128x128xf32, #tpu.memory_space<vmem>>
    %dma_start3A_15 = arith.constant 128 : i32
    %dma_start3A_16 = tpu.memref_slice %arg7[%dma_start3A_15] : memref<640xi32, #tpu.memory_space<vmem>> -> memref<128xi32, #tpu.memory_space<vmem>>
    %dma_start3A_17 = arith.constant 0 : i32
    %dma_start3A_18 = arith.constant 0 : i32
    %dma_start3A_19 = tpu.memref_slice %arg2[%dma_start3A_17, %dma_start3A_18] : memref<100000x128xf32, #tpu.memory_space<hbm>> -> memref<100000x128xf32, #tpu.memory_space<hbm>>
    tpu.enqueue_indirect_dma source(%dma_start3A_19 : memref<100000x128xf32, #tpu.memory_space<hbm>>) target(%dma_start3A_14 : memref<128x128xf32, #tpu.memory_space<vmem>>) offsets(%dma_start3A_16 : memref<128xi32, #tpu.memory_space<vmem>>) semaphore(%arg15 : memref<!tpu.dma_semaphore, #tpu.memory_space<semaphore_mem>>)
    %dma_start3A_20 = arith.constant 256 : i32
    %dma_start3A_21 = arith.constant 0 : i32
    %dma_start3A_22 = tpu.memref_slice %arg9[%dma_start3A_20, %dma_start3A_21] : memref<640x128xf32, #tpu.memory_space<vmem>> -> memref<128x128xf32, #tpu.memory_space<vmem>>
    %dma_start3A_23 = arith.constant 256 : i32
    %dma_start3A_24 = tpu.memref_slice %arg7[%dma_start3A_23] : memref<640xi32, #tpu.memory_space<vmem>> -> memref<128xi32, #tpu.memory_space<vmem>>
    %dma_start3A_25 = arith.constant 0 : i32
    %dma_start3A_26 = arith.constant 0 : i32
    %dma_start3A_27 = tpu.memref_slice %arg2[%dma_start3A_25, %dma_start3A_26] : memref<100000x128xf32, #tpu.memory_space<hbm>> -> memref<100000x128xf32, #tpu.memory_space<hbm>>
    tpu.enqueue_indirect_dma source(%dma_start3A_27 : memref<100000x128xf32, #tpu.memory_space<hbm>>) target(%dma_start3A_22 : memref<128x128xf32, #tpu.memory_space<vmem>>) offsets(%dma_start3A_24 : memref<128xi32, #tpu.memory_space<vmem>>) semaphore(%arg16 : memref<!tpu.dma_semaphore, #tpu.memory_space<semaphore_mem>>)
    %dma_start3A_28 = arith.constant 384 : i32
    %dma_start3A_29 = arith.constant 0 : i32
    %dma_start3A_30 = tpu.memref_slice %arg9[%dma_start3A_28, %dma_start3A_29] : memref<640x128xf32, #tpu.memory_space<vmem>> -> memref<128x128xf32, #tpu.memory_space<vmem>>
    %dma_start3A_31 = arith.constant 384 : i32
    %dma_start3A_32 = tpu.memref_slice %arg7[%dma_start3A_31] : memref<640xi32, #tpu.memory_space<vmem>> -> memref<128xi32, #tpu.memory_space<vmem>>
    %dma_start3A_33 = arith.constant 0 : i32
    %dma_start3A_34 = arith.constant 0 : i32
    %dma_start3A_35 = tpu.memref_slice %arg2[%dma_start3A_33, %dma_start3A_34] : memref<100000x128xf32, #tpu.memory_space<hbm>> -> memref<100000x128xf32, #tpu.memory_space<hbm>>
    tpu.enqueue_indirect_dma source(%dma_start3A_35 : memref<100000x128xf32, #tpu.memory_space<hbm>>) target(%dma_start3A_30 : memref<128x128xf32, #tpu.memory_space<vmem>>) offsets(%dma_start3A_32 : memref<128xi32, #tpu.memory_space<vmem>>) semaphore(%arg17 : memref<!tpu.dma_semaphore, #tpu.memory_space<semaphore_mem>>)
    %dma_start3A_36 = arith.constant 512 : i32
    %dma_start3A_37 = arith.constant 0 : i32
    %dma_start3A_38 = tpu.memref_slice %arg9[%dma_start3A_36, %dma_start3A_37] : memref<640x128xf32, #tpu.memory_space<vmem>> -> memref<128x128xf32, #tpu.memory_space<vmem>>
    %dma_start3A_39 = arith.constant 512 : i32
    %dma_start3A_40 = tpu.memref_slice %arg7[%dma_start3A_39] : memref<640xi32, #tpu.memory_space<vmem>> -> memref<128xi32, #tpu.memory_space<vmem>>
    %dma_start3A_41 = arith.constant 0 : i32
    %dma_start3A_42 = arith.constant 0 : i32
    %dma_start3A_43 = tpu.memref_slice %arg2[%dma_start3A_41, %dma_start3A_42] : memref<100000x128xf32, #tpu.memory_space<hbm>> -> memref<100000x128xf32, #tpu.memory_space<hbm>>
    tpu.enqueue_indirect_dma source(%dma_start3A_43 : memref<100000x128xf32, #tpu.memory_space<hbm>>) target(%dma_start3A_38 : memref<128x128xf32, #tpu.memory_space<vmem>>) offsets(%dma_start3A_40 : memref<128xi32, #tpu.memory_space<vmem>>) semaphore(%arg18 : memref<!tpu.dma_semaphore, #tpu.memory_space<semaphore_mem>>)
    %dma_start3A_44 = arith.constant 0 : i32
    %dma_start3A_45 = arith.constant 0 : i32
    %dma_start3A_46 = tpu.memref_slice %arg2[%dma_start3A_44, %dma_start3A_45] : memref<100000x128xf32, #tpu.memory_space<hbm>> -> memref<100000x128xf32, #tpu.memory_space<hbm>>
    tpu.enqueue_indirect_dma source(%dma_start3A_46 : memref<100000x128xf32, #tpu.memory_space<hbm>>) target(%arg10 : memref<32x128xf32, #tpu.memory_space<vmem>>) offsets(%arg8 : memref<32xi32, #tpu.memory_space<vmem>>) semaphore(%arg19 : memref<!tpu.dma_semaphore, #tpu.memory_space<semaphore_mem>>)
    %dma_wait3A = arith.constant 0 : i32
    %dma_wait3A_47 = arith.constant 0 : i32
    %dma_wait3A_48 = tpu.memref_slice %arg2[%dma_wait3A, %dma_wait3A_47] : memref<100000x128xf32, #tpu.memory_space<hbm>> -> memref<100000x128xf32, #tpu.memory_space<hbm>>
    tpu.wait_indirect_dma semaphore(%arg19 : memref<!tpu.dma_semaphore, #tpu.memory_space<semaphore_mem>>) src(%dma_wait3A_48 : memref<100000x128xf32, #tpu.memory_space<hbm>>) dst(%arg10 : memref<32x128xf32, #tpu.memory_space<vmem>>)
    %dma_wait3A_49 = arith.constant 0 : i32
    %dma_wait3A_50 = arith.constant 0 : i32
    %dma_wait3A_51 = tpu.memref_slice %arg9[%dma_wait3A_49, %dma_wait3A_50] : memref<640x128xf32, #tpu.memory_space<vmem>> -> memref<128x128xf32, #tpu.memory_space<vmem>>
    %dma_wait3A_52 = arith.constant 0 : i32
    %dma_wait3A_53 = tpu.memref_slice %arg7[%dma_wait3A_52] : memref<640xi32, #tpu.memory_space<vmem>> -> memref<128xi32, #tpu.memory_space<vmem>>
    %dma_wait3A_54 = arith.constant 0 : i32
    %dma_wait3A_55 = arith.constant 0 : i32
    %dma_wait3A_56 = tpu.memref_slice %arg2[%dma_wait3A_54, %dma_wait3A_55] : memref<100000x128xf32, #tpu.memory_space<hbm>> -> memref<100000x128xf32, #tpu.memory_space<hbm>>
    tpu.wait_indirect_dma semaphore(%arg14 : memref<!tpu.dma_semaphore, #tpu.memory_space<semaphore_mem>>) src(%dma_wait3A_56 : memref<100000x128xf32, #tpu.memory_space<hbm>>) dst(%dma_wait3A_51 : memref<128x128xf32, #tpu.memory_space<vmem>>)
    %dma_wait3A_57 = arith.constant 128 : i32
    %dma_wait3A_58 = arith.constant 0 : i32
    %dma_wait3A_59 = tpu.memref_slice %arg9[%dma_wait3A_57, %dma_wait3A_58] : memref<640x128xf32, #tpu.memory_space<vmem>> -> memref<128x128xf32, #tpu.memory_space<vmem>>
    %dma_wait3A_60 = arith.constant 128 : i32
    %dma_wait3A_61 = tpu.memref_slice %arg7[%dma_wait3A_60] : memref<640xi32, #tpu.memory_space<vmem>> -> memref<128xi32, #tpu.memory_space<vmem>>
    %dma_wait3A_62 = arith.constant 0 : i32
    %dma_wait3A_63 = arith.constant 0 : i32
    %dma_wait3A_64 = tpu.memref_slice %arg2[%dma_wait3A_62, %dma_wait3A_63] : memref<100000x128xf32, #tpu.memory_space<hbm>> -> memref<100000x128xf32, #tpu.memory_space<hbm>>
    tpu.wait_indirect_dma semaphore(%arg15 : memref<!tpu.dma_semaphore, #tpu.memory_space<semaphore_mem>>) src(%dma_wait3A_64 : memref<100000x128xf32, #tpu.memory_space<hbm>>) dst(%dma_wait3A_59 : memref<128x128xf32, #tpu.memory_space<vmem>>)
    %dma_wait3A_65 = arith.constant 256 : i32
    %dma_wait3A_66 = arith.constant 0 : i32
    %dma_wait3A_67 = tpu.memref_slice %arg9[%dma_wait3A_65, %dma_wait3A_66] : memref<640x128xf32, #tpu.memory_space<vmem>> -> memref<128x128xf32, #tpu.memory_space<vmem>>
    %dma_wait3A_68 = arith.constant 256 : i32
    %dma_wait3A_69 = tpu.memref_slice %arg7[%dma_wait3A_68] : memref<640xi32, #tpu.memory_space<vmem>> -> memref<128xi32, #tpu.memory_space<vmem>>
    %dma_wait3A_70 = arith.constant 0 : i32
    %dma_wait3A_71 = arith.constant 0 : i32
    %dma_wait3A_72 = tpu.memref_slice %arg2[%dma_wait3A_70, %dma_wait3A_71] : memref<100000x128xf32, #tpu.memory_space<hbm>> -> memref<100000x128xf32, #tpu.memory_space<hbm>>
    tpu.wait_indirect_dma semaphore(%arg16 : memref<!tpu.dma_semaphore, #tpu.memory_space<semaphore_mem>>) src(%dma_wait3A_72 : memref<100000x128xf32, #tpu.memory_space<hbm>>) dst(%dma_wait3A_67 : memref<128x128xf32, #tpu.memory_space<vmem>>)
    %dma_wait3A_73 = arith.constant 384 : i32
    %dma_wait3A_74 = arith.constant 0 : i32
    %dma_wait3A_75 = tpu.memref_slice %arg9[%dma_wait3A_73, %dma_wait3A_74] : memref<640x128xf32, #tpu.memory_space<vmem>> -> memref<128x128xf32, #tpu.memory_space<vmem>>
    %dma_wait3A_76 = arith.constant 384 : i32
    %dma_wait3A_77 = tpu.memref_slice %arg7[%dma_wait3A_76] : memref<640xi32, #tpu.memory_space<vmem>> -> memref<128xi32, #tpu.memory_space<vmem>>
    %dma_wait3A_78 = arith.constant 0 : i32
    %dma_wait3A_79 = arith.constant 0 : i32
    %dma_wait3A_80 = tpu.memref_slice %arg2[%dma_wait3A_78, %dma_wait3A_79] : memref<100000x128xf32, #tpu.memory_space<hbm>> -> memref<100000x128xf32, #tpu.memory_space<hbm>>
    tpu.wait_indirect_dma semaphore(%arg17 : memref<!tpu.dma_semaphore, #tpu.memory_space<semaphore_mem>>) src(%dma_wait3A_80 : memref<100000x128xf32, #tpu.memory_space<hbm>>) dst(%dma_wait3A_75 : memref<128x128xf32, #tpu.memory_space<vmem>>)
    %dma_wait3A_81 = arith.constant 512 : i32
    %dma_wait3A_82 = arith.constant 0 : i32
    %dma_wait3A_83 = tpu.memref_slice %arg9[%dma_wait3A_81, %dma_wait3A_82] : memref<640x128xf32, #tpu.memory_space<vmem>> -> memref<128x128xf32, #tpu.memory_space<vmem>>
    %dma_wait3A_84 = arith.constant 512 : i32
    %dma_wait3A_85 = tpu.memref_slice %arg7[%dma_wait3A_84] : memref<640xi32, #tpu.memory_space<vmem>> -> memref<128xi32, #tpu.memory_space<vmem>>
    %dma_wait3A_86 = arith.constant 0 : i32
    %dma_wait3A_87 = arith.constant 0 : i32
    %dma_wait3A_88 = tpu.memref_slice %arg2[%dma_wait3A_86, %dma_wait3A_87] : memref<100000x128xf32, #tpu.memory_space<hbm>> -> memref<100000x128xf32, #tpu.memory_space<hbm>>
    tpu.wait_indirect_dma semaphore(%arg18 : memref<!tpu.dma_semaphore, #tpu.memory_space<semaphore_mem>>) src(%dma_wait3A_88 : memref<100000x128xf32, #tpu.memory_space<hbm>>) dst(%dma_wait3A_83 : memref<128x128xf32, #tpu.memory_space<vmem>>)
    %scan3A = arith.constant 0 : i32
    %scan3A_89 = arith.constant 0 : i32
    %scan3A_90 = arith.constant 32 : i32
    %scan3A_91 = arith.addi %scan3A_89, %scan3A_90 : i32
    %scan3A_92 = arith.constant 1 : i32
    %scan3A_93 = scf.for %scan3A_99 = %scan3A_89 to %scan3A_91 step %scan3A_92 iter_args(%scan3A_100 = %scan3A) -> (i32)  : i32 {
      %mul3A_101 = arith.constant 20 : i32
      %mul3A_102 = arith.muli %scan3A_99, %mul3A_101 : i32
      %add3A_103 = arith.constant 0 : i32
      %add3A_104 = arith.addi %mul3A_102, %add3A_103 : i32
      %get3A = arith.index_cast %add3A_104 : i32 to index
      %get3A_105 = arith.constant 0 : index
      %get3A_106 = tpu.vector_load %arg9[%get3A, %get3A_105] {strides = array<i32>} : memref<640x128xf32, #tpu.memory_space<vmem>>, vector<1x16xf32>,
      %get3A_107 = vector.shape_cast %get3A_106 : vector<1x16xf32> to vector<16xf32>
      %get3A_108 = arith.index_cast %add3A_104 : i32 to index
      %get3A_109 = arith.constant 16 : index
      %get3A_110 = tpu.vector_load %arg9[%get3A_108, %get3A_109] {strides = array<i32>} : memref<640x128xf32, #tpu.memory_space<vmem>>, vector<1x16xf32>,
      %get3A_111 = vector.shape_cast %get3A_110 : vector<1x16xf32> to vector<16xf32>
      %get3A_112 = arith.index_cast %add3A_104 : i32 to index
      %get3A_113 = arith.constant 32 : index
      %get3A_114 = tpu.vector_load %arg9[%get3A_112, %get3A_113] {strides = array<i32>} : memref<640x128xf32, #tpu.memory_space<vmem>>, vector<1x16xf32>,
      %get3A_115 = vector.shape_cast %get3A_114 : vector<1x16xf32> to vector<16xf32>
      %get3A_116 = arith.index_cast %add3A_104 : i32 to index
      %get3A_117 = arith.constant 48 : index
      %get3A_118 = tpu.vector_load %arg9[%get3A_116, %get3A_117] {strides = array<i32>} : memref<640x128xf32, #tpu.memory_space<vmem>>, vector<1x16xf32>,
      %get3A_119 = vector.shape_cast %get3A_118 : vector<1x16xf32> to vector<16xf32>
      %get3A_120 = arith.index_cast %add3A_104 : i32 to index
      %get3A_121 = arith.constant 64 : index
      %get3A_122 = tpu.vector_load %arg9[%get3A_120, %get3A_121] {strides = array<i32>} : memref<640x128xf32, #tpu.memory_space<vmem>>, vector<1x16xf32>,
      %get3A_123 = vector.shape_cast %get3A_122 : vector<1x16xf32> to vector<16xf32>
      %get3A_124 = arith.index_cast %add3A_104 : i32 to index
      %get3A_125 = arith.constant 80 : index
      %get3A_126 = tpu.vector_load %arg9[%get3A_124, %get3A_125] {strides = array<i32>} : memref<640x128xf32, #tpu.memory_space<vmem>>, vector<1x16xf32>,
      %get3A_127 = vector.shape_cast %get3A_126 : vector<1x16xf32> to vector<16xf32>
      %get3A_128 = arith.index_cast %add3A_104 : i32 to index
      %get3A_129 = arith.constant 96 : index
      %get3A_130 = tpu.vector_load %arg9[%get3A_128, %get3A_129] {strides = array<i32>} : memref<640x128xf32, #tpu.memory_space<vmem>>, vector<1x16xf32>,
      %get3A_131 = vector.shape_cast %get3A_130 : vector<1x16xf32> to vector<16xf32>
      %get3A_132 = arith.index_cast %add3A_104 : i32 to index
      %get3A_133 = arith.constant 112 : index
      %get3A_134 = tpu.vector_load %arg9[%get3A_132, %get3A_133] {strides = array<i32>} : memref<640x128xf32, #tpu.memory_space<vmem>>, vector<1x16xf32>,
      %get3A_135 = vector.shape_cast %get3A_134 : vector<1x16xf32> to vector<16xf32>
      %mul3A_136 = arith.mulf %get3A_107, %get3A_107 : vector<16xf32>
      %mul3A_137 = arith.mulf %get3A_111, %get3A_111 : vector<16xf32>
      %add3A_138 = arith.addf %mul3A_136, %mul3A_137 : vector<16xf32>
      %mul3A_139 = arith.mulf %get3A_115, %get3A_115 : vector<16xf32>
      %add3A_140 = arith.addf %add3A_138, %mul3A_139 : vector<16xf32>
      %mul3A_141 = arith.mulf %get3A_119, %get3A_119 : vector<16xf32>
      %add3A_142 = arith.addf %add3A_140, %mul3A_141 : vector<16xf32>
      %mul3A_143 = arith.mulf %get3A_123, %get3A_123 : vector<16xf32>
      %add3A_144 = arith.addf %add3A_142, %mul3A_143 : vector<16xf32>
      %mul3A_145 = arith.mulf %get3A_127, %get3A_127 : vector<16xf32>
      %add3A_146 = arith.addf %add3A_144, %mul3A_145 : vector<16xf32>
      %mul3A_147 = arith.mulf %get3A_131, %get3A_131 : vector<16xf32>
      %add3A_148 = arith.addf %add3A_146, %mul3A_147 : vector<16xf32>
      %mul3A_149 = arith.mulf %get3A_135, %get3A_135 : vector<16xf32>
      %add3A_150 = arith.addf %add3A_148, %mul3A_149 : vector<16xf32>
      %slice3A = vector.extract_strided_slice %add3A_150 {offsets = [0], sizes = [1], strides = [1]} : vector<16xf32> to vector<1xf32>
      %squeeze3A = vector.extract %slice3A[0] : f32 from vector<1xf32>
      %slice3A_151 = vector.extract_strided_slice %add3A_150 {offsets = [1], sizes = [1], strides = [1]} : vector<16xf32> to vector<1xf32>
      %squeeze3A_152 = vector.extract %slice3A_151[0] : f32 from vector<1xf32>
      %add3A_153 = arith.addf %squeeze3A, %squeeze3A_152 : f32
      %slice3A_154 = vector.extract_strided_slice %add3A_150 {offsets = [2], sizes = [1], strides = [1]} : vector<16xf32> to vector<1xf32>
      %squeeze3A_155 = vector.extract %slice3A_154[0] : f32 from vector<1xf32>
      %add3A_156 = arith.addf %add3A_153, %squeeze3A_155 : f32
      %slice3A_157 = vector.extract_strided_slice %add3A_150 {offsets = [3], sizes = [1], strides = [1]} : vector<16xf32> to vector<1xf32>
      %squeeze3A_158 = vector.extract %slice3A_157[0] : f32 from vector<1xf32>
      %add3A_159 = arith.addf %add3A_156, %squeeze3A_158 : f32
      %slice3A_160 = vector.extract_strided_slice %add3A_150 {offsets = [4], sizes = [1], strides = [1]} : vector<16xf32> to vector<1xf32>
      %squeeze3A_161 = vector.extract %slice3A_160[0] : f32 from vector<1xf32>
      %add3A_162 = arith.addf %add3A_159, %squeeze3A_161 : f32
      %slice3A_163 = vector.extract_strided_slice %add3A_150 {offsets = [5], sizes = [1], strides = [1]} : vector<16xf32> to vector<1xf32>
      %squeeze3A_164 = vector.extract %slice3A_163[0] : f32 from vector<1xf32>
      %add3A_165 = arith.addf %add3A_162, %squeeze3A_164 : f32
      %slice3A_166 = vector.extract_strided_slice %add3A_150 {offsets = [6], sizes = [1], strides = [1]} : vector<16xf32> to vector<1xf32>
      %squeeze3A_167 = vector.extract %slice3A_166[0] : f32 from vector<1xf32>
      %add3A_168 = arith.addf %add3A_165, %squeeze3A_167 : f32
      %slice3A_169 = vector.extract_strided_slice %add3A_150 {offsets = [7], sizes = [1], strides = [1]} : vector<16xf32> to vector<1xf32>
      %squeeze3A_170 = vector.extract %slice3A_169[0] : f32 from vector<1xf32>
      %add3A_171 = arith.addf %add3A_168, %squeeze3A_170 : f32
      %slice3A_172 = vector.extract_strided_slice %add3A_150 {offsets = [8], sizes = [1], strides = [1]} : vector<16xf32> to vector<1xf32>
      %squeeze3A_173 = vector.extract %slice3A_172[0] : f32 from vector<1xf32>
      %add3A_174 = arith.addf %add3A_171, %squeeze3A_173 : f32
      %slice3A_175 = vector.extract_strided_slice %add3A_150 {offsets = [9], sizes = [1], strides = [1]} : vector<16xf32> to vector<1xf32>
      %squeeze3A_176 = vector.extract %slice3A_175[0] : f32 from vector<1xf32>
      %add3A_177 = arith.addf %add3A_174, %squeeze3A_176 : f32
      %slice3A_178 = vector.extract_strided_slice %add3A_150 {offsets = [10], sizes = [1], strides = [1]} : vector<16xf32> to vector<1xf32>
      %squeeze3A_179 = vector.extract %slice3A_178[0] : f32 from vector<1xf32>
      %add3A_180 = arith.addf %add3A_177, %squeeze3A_179 : f32
      %slice3A_181 = vector.extract_strided_slice %add3A_150 {offsets = [11], sizes = [1], strides = [1]} : vector<16xf32> to vector<1xf32>
      %squeeze3A_182 = vector.extract %slice3A_181[0] : f32 from vector<1xf32>
      %add3A_183 = arith.addf %add3A_180, %squeeze3A_182 : f32
      %slice3A_184 = vector.extract_strided_slice %add3A_150 {offsets = [12], sizes = [1], strides = [1]} : vector<16xf32> to vector<1xf32>
      %squeeze3A_185 = vector.extract %slice3A_184[0] : f32 from vector<1xf32>
      %add3A_186 = arith.addf %add3A_183, %squeeze3A_185 : f32
      %slice3A_187 = vector.extract_strided_slice %add3A_150 {offsets = [13], sizes = [1], strides = [1]} : vector<16xf32> to vector<1xf32>
      %squeeze3A_188 = vector.extract %slice3A_187[0] : f32 from vector<1xf32>
      %add3A_189 = arith.addf %add3A_186, %squeeze3A_188 : f32
      %slice3A_190 = vector.extract_strided_slice %add3A_150 {offsets = [14], sizes = [1], strides = [1]} : vector<16xf32> to vector<1xf32>
      %squeeze3A_191 = vector.extract %slice3A_190[0] : f32 from vector<1xf32>
      %add3A_192 = arith.addf %add3A_189, %squeeze3A_191 : f32
      %slice3A_193 = vector.extract_strided_slice %add3A_150 {offsets = [15], sizes = [1], strides = [1]} : vector<16xf32> to vector<1xf32>
      %squeeze3A_194 = vector.extract %slice3A_193[0] : f32 from vector<1xf32>
      %add3A_195 = arith.addf %add3A_192, %squeeze3A_194 : f32
      %bitcast_convert_type3A = arith.bitcast %add3A_195 : f32 to i32
      %shift_right_logical3A = arith.constant 1 : i32
      %shift_right_logical3A_196 = arith.shrui %bitcast_convert_type3A, %shift_right_logical3A : i32
      %sub3A = arith.constant 1597463007 : i32
      %sub3A_197 = arith.subi %sub3A, %shift_right_logical3A_196 : i32
      %bitcast_convert_type3A_198 = arith.bitcast %sub3A_197 : i32 to f32
      %broadcast_in_dim3A = vector.broadcast %bitcast_convert_type3A_198 : f32 to vector<16xf32>
      %broadcast_in_dim3A_199 = vector.broadcast %add3A_195 : f32 to vector<16xf32>
      %mul3A_200 = arith.constant 5.000000e-01 : f32
      %mul3A_201 = vector.broadcast %mul3A_200 : f32 to vector<16xf32>
      %mul3A_202 = arith.mulf %mul3A_201, %broadcast_in_dim3A_199 : vector<16xf32>
      %mul3A_203 = arith.mulf %mul3A_202, %broadcast_in_dim3A : vector<16xf32>
      %mul3A_204 = arith.mulf %mul3A_203, %broadcast_in_dim3A : vector<16xf32>
      %sub3A_205 = arith.constant 1.500000e+00 : f32
      %sub3A_206 = vector.broadcast %sub3A_205 : f32 to vector<16xf32>
      %sub3A_207 = arith.subf %sub3A_206, %mul3A_204 : vector<16xf32>
      %mul3A_208 = arith.mulf %broadcast_in_dim3A, %sub3A_207 : vector<16xf32>
      %mul3A_209 = arith.constant 5.000000e-01 : f32
      %mul3A_210 = vector.broadcast %mul3A_209 : f32 to vector<16xf32>
      %mul3A_211 = arith.mulf %mul3A_210, %broadcast_in_dim3A_199 : vector<16xf32>
      %mul3A_212 = arith.mulf %mul3A_211, %mul3A_208 : vector<16xf32>
      %mul3A_213 = arith.mulf %mul3A_212, %mul3A_208 : vector<16xf32>
      %sub3A_214 = arith.constant 1.500000e+00 : f32
      %sub3A_215 = vector.broadcast %sub3A_214 : f32 to vector<16xf32>
      %sub3A_216 = arith.subf %sub3A_215, %mul3A_213 : vector<16xf32>
      %mul3A_217 = arith.mulf %mul3A_208, %sub3A_216 : vector<16xf32>
      %mul3A_218 = arith.mulf %get3A_107, %mul3A_217 : vector<16xf32>
      %mul3A_219 = arith.mulf %get3A_111, %mul3A_217 : vector<16xf32>
      %mul3A_220 = arith.mulf %get3A_115, %mul3A_217 : vector<16xf32>
      %mul3A_221 = arith.mulf %get3A_119, %mul3A_217 : vector<16xf32>
      %mul3A_222 = arith.mulf %get3A_123, %mul3A_217 : vector<16xf32>
      %mul3A_223 = arith.mulf %get3A_127, %mul3A_217 : vector<16xf32>
      %mul3A_224 = arith.mulf %get3A_131, %mul3A_217 : vector<16xf32>
      %mul3A_225 = arith.mulf %get3A_135, %mul3A_217 : vector<16xf32>
      %mul3A_226 = arith.constant 20 : i32
      %mul3A_227 = arith.muli %scan3A_99, %mul3A_226 : i32
      %add3A_228 = arith.constant 1 : i32
      %add3A_229 = arith.addi %mul3A_227, %add3A_228 : i32
      %get3A_230 = arith.index_cast %add3A_229 : i32 to index
      %get3A_231 = arith.constant 0 : index
      %get3A_232 = tpu.vector_load %arg9[%get3A_230, %get3A_231] {strides = array<i32>} : memref<640x128xf32, #tpu.memory_space<vmem>>, vector<1x16xf32>,
      %get3A_233 = vector.shape_cast %get3A_232 : vector<1x16xf32> to vector<16xf32>
      %get3A_234 = arith.index_cast %add3A_229 : i32 to index
      %get3A_235 = arith.constant 16 : index
      %get3A_236 = tpu.vector_load %arg9[%get3A_234, %get3A_235] {strides = array<i32>} : memref<640x128xf32, #tpu.memory_space<vmem>>, vector<1x16xf32>,
      %get3A_237 = vector.shape_cast %get3A_236 : vector<1x16xf32> to vector<16xf32>
      %get3A_238 = arith.index_cast %add3A_229 : i32 to index
      %get3A_239 = arith.constant 32 : index
      %get3A_240 = tpu.vector_load %arg9[%get3A_238, %get3A_239] {strides = array<i32>} : memref<640x128xf32, #tpu.memory_space<vmem>>, vector<1x16xf32>,
      %get3A_241 = vector.shape_cast %get3A_240 : vector<1x16xf32> to vector<16xf32>
      %get3A_242 = arith.index_cast %add3A_229 : i32 to index
      %get3A_243 = arith.constant 48 : index
      %get3A_244 = tpu.vector_load %arg9[%get3A_242, %get3A_243] {strides = array<i32>} : memref<640x128xf32, #tpu.memory_space<vmem>>, vector<1x16xf32>,
      %get3A_245 = vector.shape_cast %get3A_244 : vector<1x16xf32> to vector<16xf32>
      %get3A_246 = arith.index_cast %add3A_229 : i32 to index
      %get3A_247 = arith.constant 64 : index
      %get3A_248 = tpu.vector_load %arg9[%get3A_246, %get3A_247] {strides = array<i32>} : memref<640x128xf32, #tpu.memory_space<vmem>>, vector<1x16xf32>,
      %get3A_249 = vector.shape_cast %get3A_248 : vector<1x16xf32> to vector<16xf32>
      %get3A_250 = arith.index_cast %add3A_229 : i32 to index
      %get3A_251 = arith.constant 80 : index
      %get3A_252 = tpu.vector_load %arg9[%get3A_250, %get3A_251] {strides = array<i32>} : memref<640x128xf32, #tpu.memory_space<vmem>>, vector<1x16xf32>,
      %get3A_253 = vector.shape_cast %get3A_252 : vector<1x16xf32> to vector<16xf32>
      %get3A_254 = arith.index_cast %add3A_229 : i32 to index
      %get3A_255 = arith.constant 96 : index
      %get3A_256 = tpu.vector_load %arg9[%get3A_254, %get3A_255] {strides = array<i32>} : memref<640x128xf32, #tpu.memory_space<vmem>>, vector<1x16xf32>,
      %get3A_257 = vector.shape_cast %get3A_256 : vector<1x16xf32> to vector<16xf32>
      %get3A_258 = arith.index_cast %add3A_229 : i32 to index
      %get3A_259 = arith.constant 112 : index
      %get3A_260 = tpu.vector_load %arg9[%get3A_258, %get3A_259] {strides = array<i32>} : memref<640x128xf32, #tpu.memory_space<vmem>>, vector<1x16xf32>,
      %get3A_261 = vector.shape_cast %get3A_260 : vector<1x16xf32> to vector<16xf32>
      %mul3A_262 = arith.mulf %get3A_233, %get3A_233 : vector<16xf32>
      %mul3A_263 = arith.mulf %get3A_237, %get3A_237 : vector<16xf32>
      %add3A_264 = arith.addf %mul3A_262, %mul3A_263 : vector<16xf32>
      %mul3A_265 = arith.mulf %get3A_241, %get3A_241 : vector<16xf32>
      %add3A_266 = arith.addf %add3A_264, %mul3A_265 : vector<16xf32>
      %mul3A_267 = arith.mulf %get3A_245, %get3A_245 : vector<16xf32>
      %add3A_268 = arith.addf %add3A_266, %mul3A_267 : vector<16xf32>
      %mul3A_269 = arith.mulf %get3A_249, %get3A_249 : vector<16xf32>
      %add3A_270 = arith.addf %add3A_268, %mul3A_269 : vector<16xf32>
      %mul3A_271 = arith.mulf %get3A_253, %get3A_253 : vector<16xf32>
      %add3A_272 = arith.addf %add3A_270, %mul3A_271 : vector<16xf32>
      %mul3A_273 = arith.mulf %get3A_257, %get3A_257 : vector<16xf32>
      %add3A_274 = arith.addf %add3A_272, %mul3A_273 : vector<16xf32>
      %mul3A_275 = arith.mulf %get3A_261, %get3A_261 : vector<16xf32>
      %add3A_276 = arith.addf %add3A_274, %mul3A_275 : vector<16xf32>
      %slice3A_277 = vector.extract_strided_slice %add3A_276 {offsets = [0], sizes = [1], strides = [1]} : vector<16xf32> to vector<1xf32>
      %squeeze3A_278 = vector.extract %slice3A_277[0] : f32 from vector<1xf32>
      %slice3A_279 = vector.extract_strided_slice %add3A_276 {offsets = [1], sizes = [1], strides = [1]} : vector<16xf32> to vector<1xf32>
      %squeeze3A_280 = vector.extract %slice3A_279[0] : f32 from vector<1xf32>
      %add3A_281 = arith.addf %squeeze3A_278, %squeeze3A_280 : f32
      %slice3A_282 = vector.extract_strided_slice %add3A_276 {offsets = [2], sizes = [1], strides = [1]} : vector<16xf32> to vector<1xf32>
      %squeeze3A_283 = vector.extract %slice3A_282[0] : f32 from vector<1xf32>
      %add3A_284 = arith.addf %add3A_281, %squeeze3A_283 : f32
      %slice3A_285 = vector.extract_strided_slice %add3A_276 {offsets = [3], sizes = [1], strides = [1]} : vector<16xf32> to vector<1xf32>
      %squeeze3A_286 = vector.extract %slice3A_285[0] : f32 from vector<1xf32>
      %add3A_287 = arith.addf %add3A_284, %squeeze3A_286 : f32
      %slice3A_288 = vector.extract_strided_slice %add3A_276 {offsets = [4], sizes = [1], strides = [1]} : vector<16xf32> to vector<1xf32>
      %squeeze3A_289 = vector.extract %slice3A_288[0] : f32 from vector<1xf32>
      %add3A_290 = arith.addf %add3A_287, %squeeze3A_289 : f32
      %slice3A_291 = vector.extract_strided_slice %add3A_276 {offsets = [5], sizes = [1], strides = [1]} : vector<16xf32> to vector<1xf32>
      %squeeze3A_292 = vector.extract %slice3A_291[0] : f32 from vector<1xf32>
      %add3A_293 = arith.addf %add3A_290, %squeeze3A_292 : f32
      %slice3A_294 = vector.extract_strided_slice %add3A_276 {offsets = [6], sizes = [1], strides = [1]} : vector<16xf32> to vector<1xf32>
      %squeeze3A_295 = vector.extract %slice3A_294[0] : f32 from vector<1xf32>
      %add3A_296 = arith.addf %add3A_293, %squeeze3A_295 : f32
      %slice3A_297 = vector.extract_strided_slice %add3A_276 {offsets = [7], sizes = [1], strides = [1]} : vector<16xf32> to vector<1xf32>
      %squeeze3A_298 = vector.extract %slice3A_297[0] : f32 from vector<1xf32>
      %add3A_299 = arith.addf %add3A_296, %squeeze3A_298 : f32
      %slice3A_300 = vector.extract_strided_slice %add3A_276 {offsets = [8], sizes = [1], strides = [1]} : vector<16xf32> to vector<1xf32>
      %squeeze3A_301 = vector.extract %slice3A_300[0] : f32 from vector<1xf32>
      %add3A_302 = arith.addf %add3A_299, %squeeze3A_301 : f32
      %slice3A_303 = vector.extract_strided_slice %add3A_276 {offsets = [9], sizes = [1], strides = [1]} : vector<16xf32> to vector<1xf32>
      %squeeze3A_304 = vector.extract %slice3A_303[0] : f32 from vector<1xf32>
      %add3A_305 = arith.addf %add3A_302, %squeeze3A_304 : f32
      %slice3A_306 = vector.extract_strided_slice %add3A_276 {offsets = [10], sizes = [1], strides = [1]} : vector<16xf32> to vector<1xf32>
      %squeeze3A_307 = vector.extract %slice3A_306[0] : f32 from vector<1xf32>
      %add3A_308 = arith.addf %add3A_305, %squeeze3A_307 : f32
      %slice3A_309 = vector.extract_strided_slice %add3A_276 {offsets = [11], sizes = [1], strides = [1]} : vector<16xf32> to vector<1xf32>
      %squeeze3A_310 = vector.extract %slice3A_309[0] : f32 from vector<1xf32>
      %add3A_311 = arith.addf %add3A_308, %squeeze3A_310 : f32
      %slice3A_312 = vector.extract_strided_slice %add3A_276 {offsets = [12], sizes = [1], strides = [1]} : vector<16xf32> to vector<1xf32>
      %squeeze3A_313 = vector.extract %slice3A_312[0] : f32 from vector<1xf32>
      %add3A_314 = arith.addf %add3A_311, %squeeze3A_313 : f32
      %slice3A_315 = vector.extract_strided_slice %add3A_276 {offsets = [13], sizes = [1], strides = [1]} : vector<16xf32> to vector<1xf32>
      %squeeze3A_316 = vector.extract %slice3A_315[0] : f32 from vector<1xf32>
      %add3A_317 = arith.addf %add3A_314, %squeeze3A_316 : f32
      %slice3A_318 = vector.extract_strided_slice %add3A_276 {offsets = [14], sizes = [1], strides = [1]} : vector<16xf32> to vector<1xf32>
      %squeeze3A_319 = vector.extract %slice3A_318[0] : f32 from vector<1xf32>
      %add3A_320 = arith.addf %add3A_317, %squeeze3A_319 : f32
      %slice3A_321 = vector.extract_strided_slice %add3A_276 {offsets = [15], sizes = [1], strides = [1]} : vector<16xf32> to vector<1xf32>
      %squeeze3A_322 = vector.extract %slice3A_321[0] : f32 from vector<1xf32>
      %add3A_323 = arith.addf %add3A_320, %squeeze3A_322 : f32
      %bitcast_convert_type3A_324 = arith.bitcast %add3A_323 : f32 to i32
      %shift_right_logical3A_325 = arith.constant 1 : i32
      %shift_right_logical3A_326 = arith.shrui %bitcast_convert_type3A_324, %shift_right_logical3A_325 : i32
      %sub3A_327 = arith.constant 1597463007 : i32
      %sub3A_328 = arith.subi %sub3A_327, %shift_right_logical3A_326 : i32
      %bitcast_convert_type3A_329 = arith.bitcast %sub3A_328 : i32 to f32
      %broadcast_in_dim3A_330 = vector.broadcast %bitcast_convert_type3A_329 : f32 to vector<16xf32>
      %broadcast_in_dim3A_331 = vector.broadcast %add3A_323 : f32 to vector<16xf32>
      %mul3A_332 = arith.constant 5.000000e-01 : f32
      %mul3A_333 = vector.broadcast %mul3A_332 : f32 to vector<16xf32>
      %mul3A_334 = arith.mulf %mul3A_333, %broadcast_in_dim3A_331 : vector<16xf32>
      %mul3A_335 = arith.mulf %mul3A_334, %broadcast_in_dim3A_330 : vector<16xf32>
      %mul3A_336 = arith.mulf %mul3A_335, %broadcast_in_dim3A_330 : vector<16xf32>
      %sub3A_337 = arith.constant 1.500000e+00 : f32
      %sub3A_338 = vector.broadcast %sub3A_337 : f32 to vector<16xf32>
      %sub3A_339 = arith.subf %sub3A_338, %mul3A_336 : vector<16xf32>
      %mul3A_340 = arith.mulf %broadcast_in_dim3A_330, %sub3A_339 : vector<16xf32>
      %mul3A_341 = arith.constant 5.000000e-01 : f32
      %mul3A_342 = vector.broadcast %mul3A_341 : f32 to vector<16xf32>
      %mul3A_343 = arith.mulf %mul3A_342, %broadcast_in_dim3A_331 : vector<16xf32>
      %mul3A_344 = arith.mulf %mul3A_343, %mul3A_340 : vector<16xf32>
      %mul3A_345 = arith.mulf %mul3A_344, %mul3A_340 : vector<16xf32>
      %sub3A_346 = arith.constant 1.500000e+00 : f32
      %sub3A_347 = vector.broadcast %sub3A_346 : f32 to vector<16xf32>
      %sub3A_348 = arith.subf %sub3A_347, %mul3A_345 : vector<16xf32>
      %mul3A_349 = arith.mulf %mul3A_340, %sub3A_348 : vector<16xf32>
      %mul3A_350 = arith.mulf %get3A_233, %mul3A_349 : vector<16xf32>
      %mul3A_351 = arith.mulf %get3A_237, %mul3A_349 : vector<16xf32>
      %mul3A_352 = arith.mulf %get3A_241, %mul3A_349 : vector<16xf32>
      %mul3A_353 = arith.mulf %get3A_245, %mul3A_349 : vector<16xf32>
      %mul3A_354 = arith.mulf %get3A_249, %mul3A_349 : vector<16xf32>
      %mul3A_355 = arith.mulf %get3A_253, %mul3A_349 : vector<16xf32>
      %mul3A_356 = arith.mulf %get3A_257, %mul3A_349 : vector<16xf32>
      %mul3A_357 = arith.mulf %get3A_261, %mul3A_349 : vector<16xf32>
      %add3A_358 = arith.addf %mul3A_218, %mul3A_350 : vector<16xf32>
      %add3A_359 = arith.addf %mul3A_219, %mul3A_351 : vector<16xf32>
      %add3A_360 = arith.addf %mul3A_220, %mul3A_352 : vector<16xf32>
      %add3A_361 = arith.addf %mul3A_221, %mul3A_353 : vector<16xf32>
      %add3A_362 = arith.addf %mul3A_222, %mul3A_354 : vector<16xf32>
      %add3A_363 = arith.addf %mul3A_223, %mul3A_355 : vector<16xf32>
      %add3A_364 = arith.addf %mul3A_224, %mul3A_356 : vector<16xf32>
      %add3A_365 = arith.addf %mul3A_225, %mul3A_357 : vector<16xf32>
      %mul3A_366 = arith.constant 20 : i32
      %mul3A_367 = arith.muli %scan3A_99, %mul3A_366 : i32
      %add3A_368 = arith.constant 2 : i32
      %add3A_369 = arith.addi %mul3A_367, %add3A_368 : i32
      %get3A_370 = arith.index_cast %add3A_369 : i32 to index
      %get3A_371 = arith.constant 0 : index
      %get3A_372 = tpu.vector_load %arg9[%get3A_370, %get3A_371] {strides = array<i32>} : memref<640x128xf32, #tpu.memory_space<vmem>>, vector<1x16xf32>,
      %get3A_373 = vector.shape_cast %get3A_372 : vector<1x16xf32> to vector<16xf32>
      %get3A_374 = arith.index_cast %add3A_369 : i32 to index
      %get3A_375 = arith.constant 16 : index
      %get3A_376 = tpu.vector_load %arg9[%get3A_374, %get3A_375] {strides = array<i32>} : memref<640x128xf32, #tpu.memory_space<vmem>>, vector<1x16xf32>,
      %get3A_377 = vector.shape_cast %get3A_376 : vector<1x16xf32> to vector<16xf32>
      %get3A_378 = arith.index_cast %add3A_369 : i32 to index
      %get3A_379 = arith.constant 32 : index
      %get3A_380 = tpu.vector_load %arg9[%get3A_378, %get3A_379] {strides = array<i32>} : memref<640x128xf32, #tpu.memory_space<vmem>>, vector<1x16xf32>,
      %get3A_381 = vector.shape_cast %get3A_380 : vector<1x16xf32> to vector<16xf32>
      %get3A_382 = arith.index_cast %add3A_369 : i32 to index
      %get3A_383 = arith.constant 48 : index
      %get3A_384 = tpu.vector_load %arg9[%get3A_382, %get3A_383] {strides = array<i32>} : memref<640x128xf32, #tpu.memory_space<vmem>>, vector<1x16xf32>,
      %get3A_385 = vector.shape_cast %get3A_384 : vector<1x16xf32> to vector<16xf32>
      %get3A_386 = arith.index_cast %add3A_369 : i32 to index
      %get3A_387 = arith.constant 64 : index
      %get3A_388 = tpu.vector_load %arg9[%get3A_386, %get3A_387] {strides = array<i32>} : memref<640x128xf32, #tpu.memory_space<vmem>>, vector<1x16xf32>,
      %get3A_389 = vector.shape_cast %get3A_388 : vector<1x16xf32> to vector<16xf32>
      %get3A_390 = arith.index_cast %add3A_369 : i32 to index
      %get3A_391 = arith.constant 80 : index
      %get3A_392 = tpu.vector_load %arg9[%get3A_390, %get3A_391] {strides = array<i32>} : memref<640x128xf32, #tpu.memory_space<vmem>>, vector<1x16xf32>,
      %get3A_393 = vector.shape_cast %get3A_392 : vector<1x16xf32> to vector<16xf32>
      %get3A_394 = arith.index_cast %add3A_369 : i32 to index
      %get3A_395 = arith.constant 96 : index
      %get3A_396 = tpu.vector_load %arg9[%get3A_394, %get3A_395] {strides = array<i32>} : memref<640x128xf32, #tpu.memory_space<vmem>>, vector<1x16xf32>,
      %get3A_397 = vector.shape_cast %get3A_396 : vector<1x16xf32> to vector<16xf32>
      %get3A_398 = arith.index_cast %add3A_369 : i32 to index
      %get3A_399 = arith.constant 112 : index
      %get3A_400 = tpu.vector_load %arg9[%get3A_398, %get3A_399] {strides = array<i32>} : memref<640x128xf32, #tpu.memory_space<vmem>>, vector<1x16xf32>,
      %get3A_401 = vector.shape_cast %get3A_400 : vector<1x16xf32> to vector<16xf32>
      %mul3A_402 = arith.mulf %get3A_373, %get3A_373 : vector<16xf32>
      %mul3A_403 = arith.mulf %get3A_377, %get3A_377 : vector<16xf32>
      %add3A_404 = arith.addf %mul3A_402, %mul3A_403 : vector<16xf32>
      %mul3A_405 = arith.mulf %get3A_381, %get3A_381 : vector<16xf32>
      %add3A_406 = arith.addf %add3A_404, %mul3A_405 : vector<16xf32>
      %mul3A_407 = arith.mulf %get3A_385, %get3A_385 : vector<16xf32>
      %add3A_408 = arith.addf %add3A_406, %mul3A_407 : vector<16xf32>
      %mul3A_409 = arith.mulf %get3A_389, %get3A_389 : vector<16xf32>
      %add3A_410 = arith.addf %add3A_408, %mul3A_409 : vector<16xf32>
      %mul3A_411 = arith.mulf %get3A_393, %get3A_393 : vector<16xf32>
      %add3A_412 = arith.addf %add3A_410, %mul3A_411 : vector<16xf32>
      %mul3A_413 = arith.mulf %get3A_397, %get3A_397 : vector<16xf32>
      %add3A_414 = arith.addf %add3A_412, %mul3A_413 : vector<16xf32>
      %mul3A_415 = arith.mulf %get3A_401, %get3A_401 : vector<16xf32>
      %add3A_416 = arith.addf %add3A_414, %mul3A_415 : vector<16xf32>
      %slice3A_417 = vector.extract_strided_slice %add3A_416 {offsets = [0], sizes = [1], strides = [1]} : vector<16xf32> to vector<1xf32>
      %squeeze3A_418 = vector.extract %slice3A_417[0] : f32 from vector<1xf32>
      %slice3A_419 = vector.extract_strided_slice %add3A_416 {offsets = [1], sizes = [1], strides = [1]} : vector<16xf32> to vector<1xf32>
      %squeeze3A_420 = vector.extract %slice3A_419[0] : f32 from vector<1xf32>
      %add3A_421 = arith.addf %squeeze3A_418, %squeeze3A_420 : f32
      %slice3A_422 = vector.extract_strided_slice %add3A_416 {offsets = [2], sizes = [1], strides = [1]} : vector<16xf32> to vector<1xf32>
      %squeeze3A_423 = vector.extract %slice3A_422[0] : f32 from vector<1xf32>
      %add3A_424 = arith.addf %add3A_421, %squeeze3A_423 : f32
      %slice3A_425 = vector.extract_strided_slice %add3A_416 {offsets = [3], sizes = [1], strides = [1]} : vector<16xf32> to vector<1xf32>
      %squeeze3A_426 = vector.extract %slice3A_425[0] : f32 from vector<1xf32>
      %add3A_427 = arith.addf %add3A_424, %squeeze3A_426 : f32
      %slice3A_428 = vector.extract_strided_slice %add3A_416 {offsets = [4], sizes = [1], strides = [1]} : vector<16xf32> to vector<1xf32>
      %squeeze3A_429 = vector.extract %slice3A_428[0] : f32 from vector<1xf32>
      %add3A_430 = arith.addf %add3A_427, %squeeze3A_429 : f32
      %slice3A_431 = vector.extract_strided_slice %add3A_416 {offsets = [5], sizes = [1], strides = [1]} : vector<16xf32> to vector<1xf32>
      %squeeze3A_432 = vector.extract %slice3A_431[0] : f32 from vector<1xf32>
      %add3A_433 = arith.addf %add3A_430, %squeeze3A_432 : f32
      %slice3A_434 = vector.extract_strided_slice %add3A_416 {offsets = [6], sizes = [1], strides = [1]} : vector<16xf32> to vector<1xf32>
      %squeeze3A_435 = vector.extract %slice3A_434[0] : f32 from vector<1xf32>
      %add3A_436 = arith.addf %add3A_433, %squeeze3A_435 : f32
      %slice3A_437 = vector.extract_strided_slice %add3A_416 {offsets = [7], sizes = [1], strides = [1]} : vector<16xf32> to vector<1xf32>
      %squeeze3A_438 = vector.extract %slice3A_437[0] : f32 from vector<1xf32>
      %add3A_439 = arith.addf %add3A_436, %squeeze3A_438 : f32
      %slice3A_440 = vector.extract_strided_slice %add3A_416 {offsets = [8], sizes = [1], strides = [1]} : vector<16xf32> to vector<1xf32>
      %squeeze3A_441 = vector.extract %slice3A_440[0] : f32 from vector<1xf32>
      %add3A_442 = arith.addf %add3A_439, %squeeze3A_441 : f32
      %slice3A_443 = vector.extract_strided_slice %add3A_416 {offsets = [9], sizes = [1], strides = [1]} : vector<16xf32> to vector<1xf32>
      %squeeze3A_444 = vector.extract %slice3A_443[0] : f32 from vector<1xf32>
      %add3A_445 = arith.addf %add3A_442, %squeeze3A_444 : f32
      %slice3A_446 = vector.extract_strided_slice %add3A_416 {offsets = [10], sizes = [1], strides = [1]} : vector<16xf32> to vector<1xf32>
      %squeeze3A_447 = vector.extract %slice3A_446[0] : f32 from vector<1xf32>
      %add3A_448 = arith.addf %add3A_445, %squeeze3A_447 : f32
      %slice3A_449 = vector.extract_strided_slice %add3A_416 {offsets = [11], sizes = [1], strides = [1]} : vector<16xf32> to vector<1xf32>
      %squeeze3A_450 = vector.extract %slice3A_449[0] : f32 from vector<1xf32>
      %add3A_451 = arith.addf %add3A_448, %squeeze3A_450 : f32
      %slice3A_452 = vector.extract_strided_slice %add3A_416 {offsets = [12], sizes = [1], strides = [1]} : vector<16xf32> to vector<1xf32>
      %squeeze3A_453 = vector.extract %slice3A_452[0] : f32 from vector<1xf32>
      %add3A_454 = arith.addf %add3A_451, %squeeze3A_453 : f32
      %slice3A_455 = vector.extract_strided_slice %add3A_416 {offsets = [13], sizes = [1], strides = [1]} : vector<16xf32> to vector<1xf32>
      %squeeze3A_456 = vector.extract %slice3A_455[0] : f32 from vector<1xf32>
      %add3A_457 = arith.addf %add3A_454, %squeeze3A_456 : f32
      %slice3A_458 = vector.extract_strided_slice %add3A_416 {offsets = [14], sizes = [1], strides = [1]} : vector<16xf32> to vector<1xf32>
      %squeeze3A_459 = vector.extract %slice3A_458[0] : f32 from vector<1xf32>
      %add3A_460 = arith.addf %add3A_457, %squeeze3A_459 : f32
      %slice3A_461 = vector.extract_strided_slice %add3A_416 {offsets = [15], sizes = [1], strides = [1]} : vector<16xf32> to vector<1xf32>
      %squeeze3A_462 = vector.extract %slice3A_461[0] : f32 from vector<1xf32>
      %add3A_463 = arith.addf %add3A_460, %squeeze3A_462 : f32
      %bitcast_convert_type3A_464 = arith.bitcast %add3A_463 : f32 to i32
      %shift_right_logical3A_465 = arith.constant 1 : i32
      %shift_right_logical3A_466 = arith.shrui %bitcast_convert_type3A_464, %shift_right_logical3A_465 : i32
      %sub3A_467 = arith.constant 1597463007 : i32
      %sub3A_468 = arith.subi %sub3A_467, %shift_right_logical3A_466 : i32
      %bitcast_convert_type3A_469 = arith.bitcast %sub3A_468 : i32 to f32
      %broadcast_in_dim3A_470 = vector.broadcast %bitcast_convert_type3A_469 : f32 to vector<16xf32>
      %broadcast_in_dim3A_471 = vector.broadcast %add3A_463 : f32 to vector<16xf32>
      %mul3A_472 = arith.constant 5.000000e-01 : f32
      %mul3A_473 = vector.broadcast %mul3A_472 : f32 to vector<16xf32>
      %mul3A_474 = arith.mulf %mul3A_473, %broadcast_in_dim3A_471 : vector<16xf32>
      %mul3A_475 = arith.mulf %mul3A_474, %broadcast_in_dim3A_470 : vector<16xf32>
      %mul3A_476 = arith.mulf %mul3A_475, %broadcast_in_dim3A_470 : vector<16xf32>
      %sub3A_477 = arith.constant 1.500000e+00 : f32
      %sub3A_478 = vector.broadcast %sub3A_477 : f32 to vector<16xf32>
      %sub3A_479 = arith.subf %sub3A_478, %mul3A_476 : vector<16xf32>
      %mul3A_480 = arith.mulf %broadcast_in_dim3A_470, %sub3A_479 : vector<16xf32>
      %mul3A_481 = arith.constant 5.000000e-01 : f32
      %mul3A_482 = vector.broadcast %mul3A_481 : f32 to vector<16xf32>
      %mul3A_483 = arith.mulf %mul3A_482, %broadcast_in_dim3A_471 : vector<16xf32>
      %mul3A_484 = arith.mulf %mul3A_483, %mul3A_480 : vector<16xf32>
      %mul3A_485 = arith.mulf %mul3A_484, %mul3A_480 : vector<16xf32>
      %sub3A_486 = arith.constant 1.500000e+00 : f32
      %sub3A_487 = vector.broadcast %sub3A_486 : f32 to vector<16xf32>
      %sub3A_488 = arith.subf %sub3A_487, %mul3A_485 : vector<16xf32>
      %mul3A_489 = arith.mulf %mul3A_480, %sub3A_488 : vector<16xf32>
      %mul3A_490 = arith.mulf %get3A_373, %mul3A_489 : vector<16xf32>
      %mul3A_491 = arith.mulf %get3A_377, %mul3A_489 : vector<16xf32>
      %mul3A_492 = arith.mulf %get3A_381, %mul3A_489 : vector<16xf32>
      %mul3A_493 = arith.mulf %get3A_385, %mul3A_489 : vector<16xf32>
      %mul3A_494 = arith.mulf %get3A_389, %mul3A_489 : vector<16xf32>
      %mul3A_495 = arith.mulf %get3A_393, %mul3A_489 : vector<16xf32>
      %mul3A_496 = arith.mulf %get3A_397, %mul3A_489 : vector<16xf32>
      %mul3A_497 = arith.mulf %get3A_401, %mul3A_489 : vector<16xf32>
      %add3A_498 = arith.addf %add3A_358, %mul3A_490 : vector<16xf32>
      %add3A_499 = arith.addf %add3A_359, %mul3A_491 : vector<16xf32>
      %add3A_500 = arith.addf %add3A_360, %mul3A_492 : vector<16xf32>
      %add3A_501 = arith.addf %add3A_361, %mul3A_493 : vector<16xf32>
      %add3A_502 = arith.addf %add3A_362, %mul3A_494 : vector<16xf32>
      %add3A_503 = arith.addf %add3A_363, %mul3A_495 : vector<16xf32>
      %add3A_504 = arith.addf %add3A_364, %mul3A_496 : vector<16xf32>
      %add3A_505 = arith.addf %add3A_365, %mul3A_497 : vector<16xf32>
      %mul3A_506 = arith.constant 20 : i32
      %mul3A_507 = arith.muli %scan3A_99, %mul3A_506 : i32
      %add3A_508 = arith.constant 3 : i32
      %add3A_509 = arith.addi %mul3A_507, %add3A_508 : i32
      %get3A_510 = arith.index_cast %add3A_509 : i32 to index
      %get3A_511 = arith.constant 0 : index
      %get3A_512 = tpu.vector_load %arg9[%get3A_510, %get3A_511] {strides = array<i32>} : memref<640x128xf32, #tpu.memory_space<vmem>>, vector<1x16xf32>,
      %get3A_513 = vector.shape_cast %get3A_512 : vector<1x16xf32> to vector<16xf32>
      %get3A_514 = arith.index_cast %add3A_509 : i32 to index
      %get3A_515 = arith.constant 16 : index
      %get3A_516 = tpu.vector_load %arg9[%get3A_514, %get3A_515] {strides = array<i32>} : memref<640x128xf32, #tpu.memory_space<vmem>>, vector<1x16xf32>,
      %get3A_517 = vector.shape_cast %get3A_516 : vector<1x16xf32> to vector<16xf32>
      %get3A_518 = arith.index_cast %add3A_509 : i32 to index
      %get3A_519 = arith.constant 32 : index
      %get3A_520 = tpu.vector_load %arg9[%get3A_518, %get3A_519] {strides = array<i32>} : memref<640x128xf32, #tpu.memory_space<vmem>>, vector<1x16xf32>,
      %get3A_521 = vector.shape_cast %get3A_520 : vector<1x16xf32> to vector<16xf32>
      %get3A_522 = arith.index_cast %add3A_509 : i32 to index
      %get3A_523 = arith.constant 48 : index
      %get3A_524 = tpu.vector_load %arg9[%get3A_522, %get3A_523] {strides = array<i32>} : memref<640x128xf32, #tpu.memory_space<vmem>>, vector<1x16xf32>,
      %get3A_525 = vector.shape_cast %get3A_524 : vector<1x16xf32> to vector<16xf32>
      %get3A_526 = arith.index_cast %add3A_509 : i32 to index
      %get3A_527 = arith.constant 64 : index
      %get3A_528 = tpu.vector_load %arg9[%get3A_526, %get3A_527] {strides = array<i32>} : memref<640x128xf32, #tpu.memory_space<vmem>>, vector<1x16xf32>,
      %get3A_529 = vector.shape_cast %get3A_528 : vector<1x16xf32> to vector<16xf32>
      %get3A_530 = arith.index_cast %add3A_509 : i32 to index
      %get3A_531 = arith.constant 80 : index
      %get3A_532 = tpu.vector_load %arg9[%get3A_530, %get3A_531] {strides = array<i32>} : memref<640x128xf32, #tpu.memory_space<vmem>>, vector<1x16xf32>,
      %get3A_533 = vector.shape_cast %get3A_532 : vector<1x16xf32> to vector<16xf32>
      %get3A_534 = arith.index_cast %add3A_509 : i32 to index
      %get3A_535 = arith.constant 96 : index
      %get3A_536 = tpu.vector_load %arg9[%get3A_534, %get3A_535] {strides = array<i32>} : memref<640x128xf32, #tpu.memory_space<vmem>>, vector<1x16xf32>,
      %get3A_537 = vector.shape_cast %get3A_536 : vector<1x16xf32> to vector<16xf32>
      %get3A_538 = arith.index_cast %add3A_509 : i32 to index
      %get3A_539 = arith.constant 112 : index
      %get3A_540 = tpu.vector_load %arg9[%get3A_538, %get3A_539] {strides = array<i32>} : memref<640x128xf32, #tpu.memory_space<vmem>>, vector<1x16xf32>,
      %get3A_541 = vector.shape_cast %get3A_540 : vector<1x16xf32> to vector<16xf32>
      %mul3A_542 = arith.mulf %get3A_513, %get3A_513 : vector<16xf32>
      %mul3A_543 = arith.mulf %get3A_517, %get3A_517 : vector<16xf32>
      %add3A_544 = arith.addf %mul3A_542, %mul3A_543 : vector<16xf32>
      %mul3A_545 = arith.mulf %get3A_521, %get3A_521 : vector<16xf32>
      %add3A_546 = arith.addf %add3A_544, %mul3A_545 : vector<16xf32>
      %mul3A_547 = arith.mulf %get3A_525, %get3A_525 : vector<16xf32>
      %add3A_548 = arith.addf %add3A_546, %mul3A_547 : vector<16xf32>
      %mul3A_549 = arith.mulf %get3A_529, %get3A_529 : vector<16xf32>
      %add3A_550 = arith.addf %add3A_548, %mul3A_549 : vector<16xf32>
      %mul3A_551 = arith.mulf %get3A_533, %get3A_533 : vector<16xf32>
      %add3A_552 = arith.addf %add3A_550, %mul3A_551 : vector<16xf32>
      %mul3A_553 = arith.mulf %get3A_537, %get3A_537 : vector<16xf32>
      %add3A_554 = arith.addf %add3A_552, %mul3A_553 : vector<16xf32>
      %mul3A_555 = arith.mulf %get3A_541, %get3A_541 : vector<16xf32>
      %add3A_556 = arith.addf %add3A_554, %mul3A_555 : vector<16xf32>
      %slice3A_557 = vector.extract_strided_slice %add3A_556 {offsets = [0], sizes = [1], strides = [1]} : vector<16xf32> to vector<1xf32>
      %squeeze3A_558 = vector.extract %slice3A_557[0] : f32 from vector<1xf32>
      %slice3A_559 = vector.extract_strided_slice %add3A_556 {offsets = [1], sizes = [1], strides = [1]} : vector<16xf32> to vector<1xf32>
      %squeeze3A_560 = vector.extract %slice3A_559[0] : f32 from vector<1xf32>
      %add3A_561 = arith.addf %squeeze3A_558, %squeeze3A_560 : f32
      %slice3A_562 = vector.extract_strided_slice %add3A_556 {offsets = [2], sizes = [1], strides = [1]} : vector<16xf32> to vector<1xf32>
      %squeeze3A_563 = vector.extract %slice3A_562[0] : f32 from vector<1xf32>
      %add3A_564 = arith.addf %add3A_561, %squeeze3A_563 : f32
      %slice3A_565 = vector.extract_strided_slice %add3A_556 {offsets = [3], sizes = [1], strides = [1]} : vector<16xf32> to vector<1xf32>
      %squeeze3A_566 = vector.extract %slice3A_565[0] : f32 from vector<1xf32>
      %add3A_567 = arith.addf %add3A_564, %squeeze3A_566 : f32
      %slice3A_568 = vector.extract_strided_slice %add3A_556 {offsets = [4], sizes = [1], strides = [1]} : vector<16xf32> to vector<1xf32>
      %squeeze3A_569 = vector.extract %slice3A_568[0] : f32 from vector<1xf32>
      %add3A_570 = arith.addf %add3A_567, %squeeze3A_569 : f32
      %slice3A_571 = vector.extract_strided_slice %add3A_556 {offsets = [5], sizes = [1], strides = [1]} : vector<16xf32> to vector<1xf32>
      %squeeze3A_572 = vector.extract %slice3A_571[0] : f32 from vector<1xf32>
      %add3A_573 = arith.addf %add3A_570, %squeeze3A_572 : f32
      %slice3A_574 = vector.extract_strided_slice %add3A_556 {offsets = [6], sizes = [1], strides = [1]} : vector<16xf32> to vector<1xf32>
      %squeeze3A_575 = vector.extract %slice3A_574[0] : f32 from vector<1xf32>
      %add3A_576 = arith.addf %add3A_573, %squeeze3A_575 : f32
      %slice3A_577 = vector.extract_strided_slice %add3A_556 {offsets = [7], sizes = [1], strides = [1]} : vector<16xf32> to vector<1xf32>
      %squeeze3A_578 = vector.extract %slice3A_577[0] : f32 from vector<1xf32>
      %add3A_579 = arith.addf %add3A_576, %squeeze3A_578 : f32
      %slice3A_580 = vector.extract_strided_slice %add3A_556 {offsets = [8], sizes = [1], strides = [1]} : vector<16xf32> to vector<1xf32>
      %squeeze3A_581 = vector.extract %slice3A_580[0] : f32 from vector<1xf32>
      %add3A_582 = arith.addf %add3A_579, %squeeze3A_581 : f32
      %slice3A_583 = vector.extract_strided_slice %add3A_556 {offsets = [9], sizes = [1], strides = [1]} : vector<16xf32> to vector<1xf32>
      %squeeze3A_584 = vector.extract %slice3A_583[0] : f32 from vector<1xf32>
      %add3A_585 = arith.addf %add3A_582, %squeeze3A_584 : f32
      %slice3A_586 = vector.extract_strided_slice %add3A_556 {offsets = [10], sizes = [1], strides = [1]} : vector<16xf32> to vector<1xf32>
      %squeeze3A_587 = vector.extract %slice3A_586[0] : f32 from vector<1xf32>
      %add3A_588 = arith.addf %add3A_585, %squeeze3A_587 : f32
      %slice3A_589 = vector.extract_strided_slice %add3A_556 {offsets = [11], sizes = [1], strides = [1]} : vector<16xf32> to vector<1xf32>
      %squeeze3A_590 = vector.extract %slice3A_589[0] : f32 from vector<1xf32>
      %add3A_591 = arith.addf %add3A_588, %squeeze3A_590 : f32
      %slice3A_592 = vector.extract_strided_slice %add3A_556 {offsets = [12], sizes = [1], strides = [1]} : vector<16xf32> to vector<1xf32>
      %squeeze3A_593 = vector.extract %slice3A_592[0] : f32 from vector<1xf32>
      %add3A_594 = arith.addf %add3A_591, %squeeze3A_593 : f32
      %slice3A_595 = vector.extract_strided_slice %add3A_556 {offsets = [13], sizes = [1], strides = [1]} : vector<16xf32> to vector<1xf32>
      %squeeze3A_596 = vector.extract %slice3A_595[0] : f32 from vector<1xf32>
      %add3A_597 = arith.addf %add3A_594, %squeeze3A_596 : f32
      %slice3A_598 = vector.extract_strided_slice %add3A_556 {offsets = [14], sizes = [1], strides = [1]} : vector<16xf32> to vector<1xf32>
      %squeeze3A_599 = vector.extract %slice3A_598[0] : f32 from vector<1xf32>
      %add3A_600 = arith.addf %add3A_597, %squeeze3A_599 : f32
      %slice3A_601 = vector.extract_strided_slice %add3A_556 {offsets = [15], sizes = [1], strides = [1]} : vector<16xf32> to vector<1xf32>
      %squeeze3A_602 = vector.extract %slice3A_601[0] : f32 from vector<1xf32>
      %add3A_603 = arith.addf %add3A_600, %squeeze3A_602 : f32
      %bitcast_convert_type3A_604 = arith.bitcast %add3A_603 : f32 to i32
      %shift_right_logical3A_605 = arith.constant 1 : i32
      %shift_right_logical3A_606 = arith.shrui %bitcast_convert_type3A_604, %shift_right_logical3A_605 : i32
      %sub3A_607 = arith.constant 1597463007 : i32
      %sub3A_608 = arith.subi %sub3A_607, %shift_right_logical3A_606 : i32
      %bitcast_convert_type3A_609 = arith.bitcast %sub3A_608 : i32 to f32
      %broadcast_in_dim3A_610 = vector.broadcast %bitcast_convert_type3A_609 : f32 to vector<16xf32>
      %broadcast_in_dim3A_611 = vector.broadcast %add3A_603 : f32 to vector<16xf32>
      %mul3A_612 = arith.constant 5.000000e-01 : f32
      %mul3A_613 = vector.broadcast %mul3A_612 : f32 to vector<16xf32>
      %mul3A_614 = arith.mulf %mul3A_613, %broadcast_in_dim3A_611 : vector<16xf32>
      %mul3A_615 = arith.mulf %mul3A_614, %broadcast_in_dim3A_610 : vector<16xf32>
      %mul3A_616 = arith.mulf %mul3A_615, %broadcast_in_dim3A_610 : vector<16xf32>
      %sub3A_617 = arith.constant 1.500000e+00 : f32
      %sub3A_618 = vector.broadcast %sub3A_617 : f32 to vector<16xf32>
      %sub3A_619 = arith.subf %sub3A_618, %mul3A_616 : vector<16xf32>
      %mul3A_620 = arith.mulf %broadcast_in_dim3A_610, %sub3A_619 : vector<16xf32>
      %mul3A_621 = arith.constant 5.000000e-01 : f32
      %mul3A_622 = vector.broadcast %mul3A_621 : f32 to vector<16xf32>
      %mul3A_623 = arith.mulf %mul3A_622, %broadcast_in_dim3A_611 : vector<16xf32>
      %mul3A_624 = arith.mulf %mul3A_623, %mul3A_620 : vector<16xf32>
      %mul3A_625 = arith.mulf %mul3A_624, %mul3A_620 : vector<16xf32>
      %sub3A_626 = arith.constant 1.500000e+00 : f32
      %sub3A_627 = vector.broadcast %sub3A_626 : f32 to vector<16xf32>
      %sub3A_628 = arith.subf %sub3A_627, %mul3A_625 : vector<16xf32>
      %mul3A_629 = arith.mulf %mul3A_620, %sub3A_628 : vector<16xf32>
      %mul3A_630 = arith.mulf %get3A_513, %mul3A_629 : vector<16xf32>
      %mul3A_631 = arith.mulf %get3A_517, %mul3A_629 : vector<16xf32>
      %mul3A_632 = arith.mulf %get3A_521, %mul3A_629 : vector<16xf32>
      %mul3A_633 = arith.mulf %get3A_525, %mul3A_629 : vector<16xf32>
      %mul3A_634 = arith.mulf %get3A_529, %mul3A_629 : vector<16xf32>
      %mul3A_635 = arith.mulf %get3A_533, %mul3A_629 : vector<16xf32>
      %mul3A_636 = arith.mulf %get3A_537, %mul3A_629 : vector<16xf32>
      %mul3A_637 = arith.mulf %get3A_541, %mul3A_629 : vector<16xf32>
      %add3A_638 = arith.addf %add3A_498, %mul3A_630 : vector<16xf32>
      %add3A_639 = arith.addf %add3A_499, %mul3A_631 : vector<16xf32>
      %add3A_640 = arith.addf %add3A_500, %mul3A_632 : vector<16xf32>
      %add3A_641 = arith.addf %add3A_501, %mul3A_633 : vector<16xf32>
      %add3A_642 = arith.addf %add3A_502, %mul3A_634 : vector<16xf32>
      %add3A_643 = arith.addf %add3A_503, %mul3A_635 : vector<16xf32>
      %add3A_644 = arith.addf %add3A_504, %mul3A_636 : vector<16xf32>
      %add3A_645 = arith.addf %add3A_505, %mul3A_637 : vector<16xf32>
      %mul3A_646 = arith.constant 20 : i32
      %mul3A_647 = arith.muli %scan3A_99, %mul3A_646 : i32
      %add3A_648 = arith.constant 4 : i32
      %add3A_649 = arith.addi %mul3A_647, %add3A_648 : i32
      %get3A_650 = arith.index_cast %add3A_649 : i32 to index
      %get3A_651 = arith.constant 0 : index
      %get3A_652 = tpu.vector_load %arg9[%get3A_650, %get3A_651] {strides = array<i32>} : memref<640x128xf32, #tpu.memory_space<vmem>>, vector<1x16xf32>,
      %get3A_653 = vector.shape_cast %get3A_652 : vector<1x16xf32> to vector<16xf32>
      %get3A_654 = arith.index_cast %add3A_649 : i32 to index
      %get3A_655 = arith.constant 16 : index
      %get3A_656 = tpu.vector_load %arg9[%get3A_654, %get3A_655] {strides = array<i32>} : memref<640x128xf32, #tpu.memory_space<vmem>>, vector<1x16xf32>,
      %get3A_657 = vector.shape_cast %get3A_656 : vector<1x16xf32> to vector<16xf32>
      %get3A_658 = arith.index_cast %add3A_649 : i32 to index
      %get3A_659 = arith.constant 32 : index
      %get3A_660 = tpu.vector_load %arg9[%get3A_658, %get3A_659] {strides = array<i32>} : memref<640x128xf32, #tpu.memory_space<vmem>>, vector<1x16xf32>,
      %get3A_661 = vector.shape_cast %get3A_660 : vector<1x16xf32> to vector<16xf32>
      %get3A_662 = arith.index_cast %add3A_649 : i32 to index
      %get3A_663 = arith.constant 48 : index
      %get3A_664 = tpu.vector_load %arg9[%get3A_662, %get3A_663] {strides = array<i32>} : memref<640x128xf32, #tpu.memory_space<vmem>>, vector<1x16xf32>,
      %get3A_665 = vector.shape_cast %get3A_664 : vector<1x16xf32> to vector<16xf32>
      %get3A_666 = arith.index_cast %add3A_649 : i32 to index
      %get3A_667 = arith.constant 64 : index
      %get3A_668 = tpu.vector_load %arg9[%get3A_666, %get3A_667] {strides = array<i32>} : memref<640x128xf32, #tpu.memory_space<vmem>>, vector<1x16xf32>,
      %get3A_669 = vector.shape_cast %get3A_668 : vector<1x16xf32> to vector<16xf32>
      %get3A_670 = arith.index_cast %add3A_649 : i32 to index
      %get3A_671 = arith.constant 80 : index
      %get3A_672 = tpu.vector_load %arg9[%get3A_670, %get3A_671] {strides = array<i32>} : memref<640x128xf32, #tpu.memory_space<vmem>>, vector<1x16xf32>,
      %get3A_673 = vector.shape_cast %get3A_672 : vector<1x16xf32> to vector<16xf32>
      %get3A_674 = arith.index_cast %add3A_649 : i32 to index
      %get3A_675 = arith.constant 96 : index
      %get3A_676 = tpu.vector_load %arg9[%get3A_674, %get3A_675] {strides = array<i32>} : memref<640x128xf32, #tpu.memory_space<vmem>>, vector<1x16xf32>,
      %get3A_677 = vector.shape_cast %get3A_676 : vector<1x16xf32> to vector<16xf32>
      %get3A_678 = arith.index_cast %add3A_649 : i32 to index
      %get3A_679 = arith.constant 112 : index
      %get3A_680 = tpu.vector_load %arg9[%get3A_678, %get3A_679] {strides = array<i32>} : memref<640x128xf32, #tpu.memory_space<vmem>>, vector<1x16xf32>,
      %get3A_681 = vector.shape_cast %get3A_680 : vector<1x16xf32> to vector<16xf32>
      %mul3A_682 = arith.mulf %get3A_653, %get3A_653 : vector<16xf32>
      %mul3A_683 = arith.mulf %get3A_657, %get3A_657 : vector<16xf32>
      %add3A_684 = arith.addf %mul3A_682, %mul3A_683 : vector<16xf32>
      %mul3A_685 = arith.mulf %get3A_661, %get3A_661 : vector<16xf32>
      %add3A_686 = arith.addf %add3A_684, %mul3A_685 : vector<16xf32>
      %mul3A_687 = arith.mulf %get3A_665, %get3A_665 : vector<16xf32>
      %add3A_688 = arith.addf %add3A_686, %mul3A_687 : vector<16xf32>
      %mul3A_689 = arith.mulf %get3A_669, %get3A_669 : vector<16xf32>
      %add3A_690 = arith.addf %add3A_688, %mul3A_689 : vector<16xf32>
      %mul3A_691 = arith.mulf %get3A_673, %get3A_673 : vector<16xf32>
      %add3A_692 = arith.addf %add3A_690, %mul3A_691 : vector<16xf32>
      %mul3A_693 = arith.mulf %get3A_677, %get3A_677 : vector<16xf32>
      %add3A_694 = arith.addf %add3A_692, %mul3A_693 : vector<16xf32>
      %mul3A_695 = arith.mulf %get3A_681, %get3A_681 : vector<16xf32>
      %add3A_696 = arith.addf %add3A_694, %mul3A_695 : vector<16xf32>
      %slice3A_697 = vector.extract_strided_slice %add3A_696 {offsets = [0], sizes = [1], strides = [1]} : vector<16xf32> to vector<1xf32>
      %squeeze3A_698 = vector.extract %slice3A_697[0] : f32 from vector<1xf32>
      %slice3A_699 = vector.extract_strided_slice %add3A_696 {offsets = [1], sizes = [1], strides = [1]} : vector<16xf32> to vector<1xf32>
      %squeeze3A_700 = vector.extract %slice3A_699[0] : f32 from vector<1xf32>
      %add3A_701 = arith.addf %squeeze3A_698, %squeeze3A_700 : f32
      %slice3A_702 = vector.extract_strided_slice %add3A_696 {offsets = [2], sizes = [1], strides = [1]} : vector<16xf32> to vector<1xf32>
      %squeeze3A_703 = vector.extract %slice3A_702[0] : f32 from vector<1xf32>
      %add3A_704 = arith.addf %add3A_701, %squeeze3A_703 : f32
      %slice3A_705 = vector.extract_strided_slice %add3A_696 {offsets = [3], sizes = [1], strides = [1]} : vector<16xf32> to vector<1xf32>
      %squeeze3A_706 = vector.extract %slice3A_705[0] : f32 from vector<1xf32>
      %add3A_707 = arith.addf %add3A_704, %squeeze3A_706 : f32
      %slice3A_708 = vector.extract_strided_slice %add3A_696 {offsets = [4], sizes = [1], strides = [1]} : vector<16xf32> to vector<1xf32>
      %squeeze3A_709 = vector.extract %slice3A_708[0] : f32 from vector<1xf32>
      %add3A_710 = arith.addf %add3A_707, %squeeze3A_709 : f32
      %slice3A_711 = vector.extract_strided_slice %add3A_696 {offsets = [5], sizes = [1], strides = [1]} : vector<16xf32> to vector<1xf32>
      %squeeze3A_712 = vector.extract %slice3A_711[0] : f32 from vector<1xf32>
      %add3A_713 = arith.addf %add3A_710, %squeeze3A_712 : f32
      %slice3A_714 = vector.extract_strided_slice %add3A_696 {offsets = [6], sizes = [1], strides = [1]} : vector<16xf32> to vector<1xf32>
      %squeeze3A_715 = vector.extract %slice3A_714[0] : f32 from vector<1xf32>
      %add3A_716 = arith.addf %add3A_713, %squeeze3A_715 : f32
      %slice3A_717 = vector.extract_strided_slice %add3A_696 {offsets = [7], sizes = [1], strides = [1]} : vector<16xf32> to vector<1xf32>
      %squeeze3A_718 = vector.extract %slice3A_717[0] : f32 from vector<1xf32>
      %add3A_719 = arith.addf %add3A_716, %squeeze3A_718 : f32
      %slice3A_720 = vector.extract_strided_slice %add3A_696 {offsets = [8], sizes = [1], strides = [1]} : vector<16xf32> to vector<1xf32>
      %squeeze3A_721 = vector.extract %slice3A_720[0] : f32 from vector<1xf32>
      %add3A_722 = arith.addf %add3A_719, %squeeze3A_721 : f32
      %slice3A_723 = vector.extract_strided_slice %add3A_696 {offsets = [9], sizes = [1], strides = [1]} : vector<16xf32> to vector<1xf32>
      %squeeze3A_724 = vector.extract %slice3A_723[0] : f32 from vector<1xf32>
      %add3A_725 = arith.addf %add3A_722, %squeeze3A_724 : f32
      %slice3A_726 = vector.extract_strided_slice %add3A_696 {offsets = [10], sizes = [1], strides = [1]} : vector<16xf32> to vector<1xf32>
      %squeeze3A_727 = vector.extract %slice3A_726[0] : f32 from vector<1xf32>
      %add3A_728 = arith.addf %add3A_725, %squeeze3A_727 : f32
      %slice3A_729 = vector.extract_strided_slice %add3A_696 {offsets = [11], sizes = [1], strides = [1]} : vector<16xf32> to vector<1xf32>
      %squeeze3A_730 = vector.extract %slice3A_729[0] : f32 from vector<1xf32>
      %add3A_731 = arith.addf %add3A_728, %squeeze3A_730 : f32
      %slice3A_732 = vector.extract_strided_slice %add3A_696 {offsets = [12], sizes = [1], strides = [1]} : vector<16xf32> to vector<1xf32>
      %squeeze3A_733 = vector.extract %slice3A_732[0] : f32 from vector<1xf32>
      %add3A_734 = arith.addf %add3A_731, %squeeze3A_733 : f32
      %slice3A_735 = vector.extract_strided_slice %add3A_696 {offsets = [13], sizes = [1], strides = [1]} : vector<16xf32> to vector<1xf32>
      %squeeze3A_736 = vector.extract %slice3A_735[0] : f32 from vector<1xf32>
      %add3A_737 = arith.addf %add3A_734, %squeeze3A_736 : f32
      %slice3A_738 = vector.extract_strided_slice %add3A_696 {offsets = [14], sizes = [1], strides = [1]} : vector<16xf32> to vector<1xf32>
      %squeeze3A_739 = vector.extract %slice3A_738[0] : f32 from vector<1xf32>
      %add3A_740 = arith.addf %add3A_737, %squeeze3A_739 : f32
      %slice3A_741 = vector.extract_strided_slice %add3A_696 {offsets = [15], sizes = [1], strides = [1]} : vector<16xf32> to vector<1xf32>
      %squeeze3A_742 = vector.extract %slice3A_741[0] : f32 from vector<1xf32>
      %add3A_743 = arith.addf %add3A_740, %squeeze3A_742 : f32
      %bitcast_convert_type3A_744 = arith.bitcast %add3A_743 : f32 to i32
      %shift_right_logical3A_745 = arith.constant 1 : i32
      %shift_right_logical3A_746 = arith.shrui %bitcast_convert_type3A_744, %shift_right_logical3A_745 : i32
      %sub3A_747 = arith.constant 1597463007 : i32
      %sub3A_748 = arith.subi %sub3A_747, %shift_right_logical3A_746 : i32
      %bitcast_convert_type3A_749 = arith.bitcast %sub3A_748 : i32 to f32
      %broadcast_in_dim3A_750 = vector.broadcast %bitcast_convert_type3A_749 : f32 to vector<16xf32>
      %broadcast_in_dim3A_751 = vector.broadcast %add3A_743 : f32 to vector<16xf32>
      %mul3A_752 = arith.constant 5.000000e-01 : f32
      %mul3A_753 = vector.broadcast %mul3A_752 : f32 to vector<16xf32>
      %mul3A_754 = arith.mulf %mul3A_753, %broadcast_in_dim3A_751 : vector<16xf32>
      %mul3A_755 = arith.mulf %mul3A_754, %broadcast_in_dim3A_750 : vector<16xf32>
      %mul3A_756 = arith.mulf %mul3A_755, %broadcast_in_dim3A_750 : vector<16xf32>
      %sub3A_757 = arith.constant 1.500000e+00 : f32
      %sub3A_758 = vector.broadcast %sub3A_757 : f32 to vector<16xf32>
      %sub3A_759 = arith.subf %sub3A_758, %mul3A_756 : vector<16xf32>
      %mul3A_760 = arith.mulf %broadcast_in_dim3A_750, %sub3A_759 : vector<16xf32>
      %mul3A_761 = arith.constant 5.000000e-01 : f32
      %mul3A_762 = vector.broadcast %mul3A_761 : f32 to vector<16xf32>
      %mul3A_763 = arith.mulf %mul3A_762, %broadcast_in_dim3A_751 : vector<16xf32>
      %mul3A_764 = arith.mulf %mul3A_763, %mul3A_760 : vector<16xf32>
      %mul3A_765 = arith.mulf %mul3A_764, %mul3A_760 : vector<16xf32>
      %sub3A_766 = arith.constant 1.500000e+00 : f32
      %sub3A_767 = vector.broadcast %sub3A_766 : f32 to vector<16xf32>
      %sub3A_768 = arith.subf %sub3A_767, %mul3A_765 : vector<16xf32>
      %mul3A_769 = arith.mulf %mul3A_760, %sub3A_768 : vector<16xf32>
      %mul3A_770 = arith.mulf %get3A_653, %mul3A_769 : vector<16xf32>
      %mul3A_771 = arith.mulf %get3A_657, %mul3A_769 : vector<16xf32>
      %mul3A_772 = arith.mulf %get3A_661, %mul3A_769 : vector<16xf32>
      %mul3A_773 = arith.mulf %get3A_665, %mul3A_769 : vector<16xf32>
      %mul3A_774 = arith.mulf %get3A_669, %mul3A_769 : vector<16xf32>
      %mul3A_775 = arith.mulf %get3A_673, %mul3A_769 : vector<16xf32>
      %mul3A_776 = arith.mulf %get3A_677, %mul3A_769 : vector<16xf32>
      %mul3A_777 = arith.mulf %get3A_681, %mul3A_769 : vector<16xf32>
      %add3A_778 = arith.addf %add3A_638, %mul3A_770 : vector<16xf32>
      %add3A_779 = arith.addf %add3A_639, %mul3A_771 : vector<16xf32>
      %add3A_780 = arith.addf %add3A_640, %mul3A_772 : vector<16xf32>
      %add3A_781 = arith.addf %add3A_641, %mul3A_773 : vector<16xf32>
      %add3A_782 = arith.addf %add3A_642, %mul3A_774 : vector<16xf32>
      %add3A_783 = arith.addf %add3A_643, %mul3A_775 : vector<16xf32>
      %add3A_784 = arith.addf %add3A_644, %mul3A_776 : vector<16xf32>
      %add3A_785 = arith.addf %add3A_645, %mul3A_777 : vector<16xf32>
      %mul3A_786 = arith.constant 20 : i32
      %mul3A_787 = arith.muli %scan3A_99, %mul3A_786 : i32
      %add3A_788 = arith.constant 5 : i32
      %add3A_789 = arith.addi %mul3A_787, %add3A_788 : i32
      %get3A_790 = arith.index_cast %add3A_789 : i32 to index
      %get3A_791 = arith.constant 0 : index
      %get3A_792 = tpu.vector_load %arg9[%get3A_790, %get3A_791] {strides = array<i32>} : memref<640x128xf32, #tpu.memory_space<vmem>>, vector<1x16xf32>,
      %get3A_793 = vector.shape_cast %get3A_792 : vector<1x16xf32> to vector<16xf32>
      %get3A_794 = arith.index_cast %add3A_789 : i32 to index
      %get3A_795 = arith.constant 16 : index
      %get3A_796 = tpu.vector_load %arg9[%get3A_794, %get3A_795] {strides = array<i32>} : memref<640x128xf32, #tpu.memory_space<vmem>>, vector<1x16xf32>,
      %get3A_797 = vector.shape_cast %get3A_796 : vector<1x16xf32> to vector<16xf32>
      %get3A_798 = arith.index_cast %add3A_789 : i32 to index
      %get3A_799 = arith.constant 32 : index
      %get3A_800 = tpu.vector_load %arg9[%get3A_798, %get3A_799] {strides = array<i32>} : memref<640x128xf32, #tpu.memory_space<vmem>>, vector<1x16xf32>,
      %get3A_801 = vector.shape_cast %get3A_800 : vector<1x16xf32> to vector<16xf32>
      %get3A_802 = arith.index_cast %add3A_789 : i32 to index
      %get3A_803 = arith.constant 48 : index
      %get3A_804 = tpu.vector_load %arg9[%get3A_802, %get3A_803] {strides = array<i32>} : memref<640x128xf32, #tpu.memory_space<vmem>>, vector<1x16xf32>,
      %get3A_805 = vector.shape_cast %get3A_804 : vector<1x16xf32> to vector<16xf32>
      %get3A_806 = arith.index_cast %add3A_789 : i32 to index
      %get3A_807 = arith.constant 64 : index
      %get3A_808 = tpu.vector_load %arg9[%get3A_806, %get3A_807] {strides = array<i32>} : memref<640x128xf32, #tpu.memory_space<vmem>>, vector<1x16xf32>,
      %get3A_809 = vector.shape_cast %get3A_808 : vector<1x16xf32> to vector<16xf32>
      %get3A_810 = arith.index_cast %add3A_789 : i32 to index
      %get3A_811 = arith.constant 80 : index
      %get3A_812 = tpu.vector_load %arg9[%get3A_810, %get3A_811] {strides = array<i32>} : memref<640x128xf32, #tpu.memory_space<vmem>>, vector<1x16xf32>,
      %get3A_813 = vector.shape_cast %get3A_812 : vector<1x16xf32> to vector<16xf32>
      %get3A_814 = arith.index_cast %add3A_789 : i32 to index
      %get3A_815 = arith.constant 96 : index
      %get3A_816 = tpu.vector_load %arg9[%get3A_814, %get3A_815] {strides = array<i32>} : memref<640x128xf32, #tpu.memory_space<vmem>>, vector<1x16xf32>,
      %get3A_817 = vector.shape_cast %get3A_816 : vector<1x16xf32> to vector<16xf32>
      %get3A_818 = arith.index_cast %add3A_789 : i32 to index
      %get3A_819 = arith.constant 112 : index
      %get3A_820 = tpu.vector_load %arg9[%get3A_818, %get3A_819] {strides = array<i32>} : memref<640x128xf32, #tpu.memory_space<vmem>>, vector<1x16xf32>,
      %get3A_821 = vector.shape_cast %get3A_820 : vector<1x16xf32> to vector<16xf32>
      %mul3A_822 = arith.mulf %get3A_793, %get3A_793 : vector<16xf32>
      %mul3A_823 = arith.mulf %get3A_797, %get3A_797 : vector<16xf32>
      %add3A_824 = arith.addf %mul3A_822, %mul3A_823 : vector<16xf32>
      %mul3A_825 = arith.mulf %get3A_801, %get3A_801 : vector<16xf32>
      %add3A_826 = arith.addf %add3A_824, %mul3A_825 : vector<16xf32>
      %mul3A_827 = arith.mulf %get3A_805, %get3A_805 : vector<16xf32>
      %add3A_828 = arith.addf %add3A_826, %mul3A_827 : vector<16xf32>
      %mul3A_829 = arith.mulf %get3A_809, %get3A_809 : vector<16xf32>
      %add3A_830 = arith.addf %add3A_828, %mul3A_829 : vector<16xf32>
      %mul3A_831 = arith.mulf %get3A_813, %get3A_813 : vector<16xf32>
      %add3A_832 = arith.addf %add3A_830, %mul3A_831 : vector<16xf32>
      %mul3A_833 = arith.mulf %get3A_817, %get3A_817 : vector<16xf32>
      %add3A_834 = arith.addf %add3A_832, %mul3A_833 : vector<16xf32>
      %mul3A_835 = arith.mulf %get3A_821, %get3A_821 : vector<16xf32>
      %add3A_836 = arith.addf %add3A_834, %mul3A_835 : vector<16xf32>
      %slice3A_837 = vector.extract_strided_slice %add3A_836 {offsets = [0], sizes = [1], strides = [1]} : vector<16xf32> to vector<1xf32>
      %squeeze3A_838 = vector.extract %slice3A_837[0] : f32 from vector<1xf32>
      %slice3A_839 = vector.extract_strided_slice %add3A_836 {offsets = [1], sizes = [1], strides = [1]} : vector<16xf32> to vector<1xf32>
      %squeeze3A_840 = vector.extract %slice3A_839[0] : f32 from vector<1xf32>
      %add3A_841 = arith.addf %squeeze3A_838, %squeeze3A_840 : f32
      %slice3A_842 = vector.extract_strided_slice %add3A_836 {offsets = [2], sizes = [1], strides = [1]} : vector<16xf32> to vector<1xf32>
      %squeeze3A_843 = vector.extract %slice3A_842[0] : f32 from vector<1xf32>
      %add3A_844 = arith.addf %add3A_841, %squeeze3A_843 : f32
      %slice3A_845 = vector.extract_strided_slice %add3A_836 {offsets = [3], sizes = [1], strides = [1]} : vector<16xf32> to vector<1xf32>
      %squeeze3A_846 = vector.extract %slice3A_845[0] : f32 from vector<1xf32>
      %add3A_847 = arith.addf %add3A_844, %squeeze3A_846 : f32
      %slice3A_848 = vector.extract_strided_slice %add3A_836 {offsets = [4], sizes = [1], strides = [1]} : vector<16xf32> to vector<1xf32>
      %squeeze3A_849 = vector.extract %slice3A_848[0] : f32 from vector<1xf32>
      %add3A_850 = arith.addf %add3A_847, %squeeze3A_849 : f32
      %slice3A_851 = vector.extract_strided_slice %add3A_836 {offsets = [5], sizes = [1], strides = [1]} : vector<16xf32> to vector<1xf32>
      %squeeze3A_852 = vector.extract %slice3A_851[0] : f32 from vector<1xf32>
      %add3A_853 = arith.addf %add3A_850, %squeeze3A_852 : f32
      %slice3A_854 = vector.extract_strided_slice %add3A_836 {offsets = [6], sizes = [1], strides = [1]} : vector<16xf32> to vector<1xf32>
      %squeeze3A_855 = vector.extract %slice3A_854[0] : f32 from vector<1xf32>
      %add3A_856 = arith.addf %add3A_853, %squeeze3A_855 : f32
      %slice3A_857 = vector.extract_strided_slice %add3A_836 {offsets = [7], sizes = [1], strides = [1]} : vector<16xf32> to vector<1xf32>
      %squeeze3A_858 = vector.extract %slice3A_857[0] : f32 from vector<1xf32>
      %add3A_859 = arith.addf %add3A_856, %squeeze3A_858 : f32
      %slice3A_860 = vector.extract_strided_slice %add3A_836 {offsets = [8], sizes = [1], strides = [1]} : vector<16xf32> to vector<1xf32>
      %squeeze3A_861 = vector.extract %slice3A_860[0] : f32 from vector<1xf32>
      %add3A_862 = arith.addf %add3A_859, %squeeze3A_861 : f32
      %slice3A_863 = vector.extract_strided_slice %add3A_836 {offsets = [9], sizes = [1], strides = [1]} : vector<16xf32> to vector<1xf32>
      %squeeze3A_864 = vector.extract %slice3A_863[0] : f32 from vector<1xf32>
      %add3A_865 = arith.addf %add3A_862, %squeeze3A_864 : f32
      %slice3A_866 = vector.extract_strided_slice %add3A_836 {offsets = [10], sizes = [1], strides = [1]} : vector<16xf32> to vector<1xf32>
      %squeeze3A_867 = vector.extract %slice3A_866[0] : f32 from vector<1xf32>
      %add3A_868 = arith.addf %add3A_865, %squeeze3A_867 : f32
      %slice3A_869 = vector.extract_strided_slice %add3A_836 {offsets = [11], sizes = [1], strides = [1]} : vector<16xf32> to vector<1xf32>
      %squeeze3A_870 = vector.extract %slice3A_869[0] : f32 from vector<1xf32>
      %add3A_871 = arith.addf %add3A_868, %squeeze3A_870 : f32
      %slice3A_872 = vector.extract_strided_slice %add3A_836 {offsets = [12], sizes = [1], strides = [1]} : vector<16xf32> to vector<1xf32>
      %squeeze3A_873 = vector.extract %slice3A_872[0] : f32 from vector<1xf32>
      %add3A_874 = arith.addf %add3A_871, %squeeze3A_873 : f32
      %slice3A_875 = vector.extract_strided_slice %add3A_836 {offsets = [13], sizes = [1], strides = [1]} : vector<16xf32> to vector<1xf32>
      %squeeze3A_876 = vector.extract %slice3A_875[0] : f32 from vector<1xf32>
      %add3A_877 = arith.addf %add3A_874, %squeeze3A_876 : f32
      %slice3A_878 = vector.extract_strided_slice %add3A_836 {offsets = [14], sizes = [1], strides = [1]} : vector<16xf32> to vector<1xf32>
      %squeeze3A_879 = vector.extract %slice3A_878[0] : f32 from vector<1xf32>
      %add3A_880 = arith.addf %add3A_877, %squeeze3A_879 : f32
      %slice3A_881 = vector.extract_strided_slice %add3A_836 {offsets = [15], sizes = [1], strides = [1]} : vector<16xf32> to vector<1xf32>
      %squeeze3A_882 = vector.extract %slice3A_881[0] : f32 from vector<1xf32>
      %add3A_883 = arith.addf %add3A_880, %squeeze3A_882 : f32
      %bitcast_convert_type3A_884 = arith.bitcast %add3A_883 : f32 to i32
      %shift_right_logical3A_885 = arith.constant 1 : i32
      %shift_right_logical3A_886 = arith.shrui %bitcast_convert_type3A_884, %shift_right_logical3A_885 : i32
      %sub3A_887 = arith.constant 1597463007 : i32
      %sub3A_888 = arith.subi %sub3A_887, %shift_right_logical3A_886 : i32
      %bitcast_convert_type3A_889 = arith.bitcast %sub3A_888 : i32 to f32
      %broadcast_in_dim3A_890 = vector.broadcast %bitcast_convert_type3A_889 : f32 to vector<16xf32>
      %broadcast_in_dim3A_891 = vector.broadcast %add3A_883 : f32 to vector<16xf32>
      %mul3A_892 = arith.constant 5.000000e-01 : f32
      %mul3A_893 = vector.broadcast %mul3A_892 : f32 to vector<16xf32>
      %mul3A_894 = arith.mulf %mul3A_893, %broadcast_in_dim3A_891 : vector<16xf32>
      %mul3A_895 = arith.mulf %mul3A_894, %broadcast_in_dim3A_890 : vector<16xf32>
      %mul3A_896 = arith.mulf %mul3A_895, %broadcast_in_dim3A_890 : vector<16xf32>
      %sub3A_897 = arith.constant 1.500000e+00 : f32
      %sub3A_898 = vector.broadcast %sub3A_897 : f32 to vector<16xf32>
      %sub3A_899 = arith.subf %sub3A_898, %mul3A_896 : vector<16xf32>
      %mul3A_900 = arith.mulf %broadcast_in_dim3A_890, %sub3A_899 : vector<16xf32>
      %mul3A_901 = arith.constant 5.000000e-01 : f32
      %mul3A_902 = vector.broadcast %mul3A_901 : f32 to vector<16xf32>
      %mul3A_903 = arith.mulf %mul3A_902, %broadcast_in_dim3A_891 : vector<16xf32>
      %mul3A_904 = arith.mulf %mul3A_903, %mul3A_900 : vector<16xf32>
      %mul3A_905 = arith.mulf %mul3A_904, %mul3A_900 : vector<16xf32>
      %sub3A_906 = arith.constant 1.500000e+00 : f32
      %sub3A_907 = vector.broadcast %sub3A_906 : f32 to vector<16xf32>
      %sub3A_908 = arith.subf %sub3A_907, %mul3A_905 : vector<16xf32>
      %mul3A_909 = arith.mulf %mul3A_900, %sub3A_908 : vector<16xf32>
      %mul3A_910 = arith.mulf %get3A_793, %mul3A_909 : vector<16xf32>
      %mul3A_911 = arith.mulf %get3A_797, %mul3A_909 : vector<16xf32>
      %mul3A_912 = arith.mulf %get3A_801, %mul3A_909 : vector<16xf32>
      %mul3A_913 = arith.mulf %get3A_805, %mul3A_909 : vector<16xf32>
      %mul3A_914 = arith.mulf %get3A_809, %mul3A_909 : vector<16xf32>
      %mul3A_915 = arith.mulf %get3A_813, %mul3A_909 : vector<16xf32>
      %mul3A_916 = arith.mulf %get3A_817, %mul3A_909 : vector<16xf32>
      %mul3A_917 = arith.mulf %get3A_821, %mul3A_909 : vector<16xf32>
      %add3A_918 = arith.addf %add3A_778, %mul3A_910 : vector<16xf32>
      %add3A_919 = arith.addf %add3A_779, %mul3A_911 : vector<16xf32>
      %add3A_920 = arith.addf %add3A_780, %mul3A_912 : vector<16xf32>
      %add3A_921 = arith.addf %add3A_781, %mul3A_913 : vector<16xf32>
      %add3A_922 = arith.addf %add3A_782, %mul3A_914 : vector<16xf32>
      %add3A_923 = arith.addf %add3A_783, %mul3A_915 : vector<16xf32>
      %add3A_924 = arith.addf %add3A_784, %mul3A_916 : vector<16xf32>
      %add3A_925 = arith.addf %add3A_785, %mul3A_917 : vector<16xf32>
      %mul3A_926 = arith.constant 20 : i32
      %mul3A_927 = arith.muli %scan3A_99, %mul3A_926 : i32
      %add3A_928 = arith.constant 6 : i32
      %add3A_929 = arith.addi %mul3A_927, %add3A_928 : i32
      %get3A_930 = arith.index_cast %add3A_929 : i32 to index
      %get3A_931 = arith.constant 0 : index
      %get3A_932 = tpu.vector_load %arg9[%get3A_930, %get3A_931] {strides = array<i32>} : memref<640x128xf32, #tpu.memory_space<vmem>>, vector<1x16xf32>,
      %get3A_933 = vector.shape_cast %get3A_932 : vector<1x16xf32> to vector<16xf32>
      %get3A_934 = arith.index_cast %add3A_929 : i32 to index
      %get3A_935 = arith.constant 16 : index
      %get3A_936 = tpu.vector_load %arg9[%get3A_934, %get3A_935] {strides = array<i32>} : memref<640x128xf32, #tpu.memory_space<vmem>>, vector<1x16xf32>,
      %get3A_937 = vector.shape_cast %get3A_936 : vector<1x16xf32> to vector<16xf32>
      %get3A_938 = arith.index_cast %add3A_929 : i32 to index
      %get3A_939 = arith.constant 32 : index
      %get3A_940 = tpu.vector_load %arg9[%get3A_938, %get3A_939] {strides = array<i32>} : memref<640x128xf32, #tpu.memory_space<vmem>>, vector<1x16xf32>,
      %get3A_941 = vector.shape_cast %get3A_940 : vector<1x16xf32> to vector<16xf32>
      %get3A_942 = arith.index_cast %add3A_929 : i32 to index
      %get3A_943 = arith.constant 48 : index
      %get3A_944 = tpu.vector_load %arg9[%get3A_942, %get3A_943] {strides = array<i32>} : memref<640x128xf32, #tpu.memory_space<vmem>>, vector<1x16xf32>,
      %get3A_945 = vector.shape_cast %get3A_944 : vector<1x16xf32> to vector<16xf32>
      %get3A_946 = arith.index_cast %add3A_929 : i32 to index
      %get3A_947 = arith.constant 64 : index
      %get3A_948 = tpu.vector_load %arg9[%get3A_946, %get3A_947] {strides = array<i32>} : memref<640x128xf32, #tpu.memory_space<vmem>>, vector<1x16xf32>,
      %get3A_949 = vector.shape_cast %get3A_948 : vector<1x16xf32> to vector<16xf32>
      %get3A_950 = arith.index_cast %add3A_929 : i32 to index
      %get3A_951 = arith.constant 80 : index
      %get3A_952 = tpu.vector_load %arg9[%get3A_950, %get3A_951] {strides = array<i32>} : memref<640x128xf32, #tpu.memory_space<vmem>>, vector<1x16xf32>,
      %get3A_953 = vector.shape_cast %get3A_952 : vector<1x16xf32> to vector<16xf32>
      %get3A_954 = arith.index_cast %add3A_929 : i32 to index
      %get3A_955 = arith.constant 96 : index
      %get3A_956 = tpu.vector_load %arg9[%get3A_954, %get3A_955] {strides = array<i32>} : memref<640x128xf32, #tpu.memory_space<vmem>>, vector<1x16xf32>,
      %get3A_957 = vector.shape_cast %get3A_956 : vector<1x16xf32> to vector<16xf32>
      %get3A_958 = arith.index_cast %add3A_929 : i32 to index
      %get3A_959 = arith.constant 112 : index
      %get3A_960 = tpu.vector_load %arg9[%get3A_958, %get3A_959] {strides = array<i32>} : memref<640x128xf32, #tpu.memory_space<vmem>>, vector<1x16xf32>,
      %get3A_961 = vector.shape_cast %get3A_960 : vector<1x16xf32> to vector<16xf32>
      %mul3A_962 = arith.mulf %get3A_933, %get3A_933 : vector<16xf32>
      %mul3A_963 = arith.mulf %get3A_937, %get3A_937 : vector<16xf32>
      %add3A_964 = arith.addf %mul3A_962, %mul3A_963 : vector<16xf32>
      %mul3A_965 = arith.mulf %get3A_941, %get3A_941 : vector<16xf32>
      %add3A_966 = arith.addf %add3A_964, %mul3A_965 : vector<16xf32>
      %mul3A_967 = arith.mulf %get3A_945, %get3A_945 : vector<16xf32>
      %add3A_968 = arith.addf %add3A_966, %mul3A_967 : vector<16xf32>
      %mul3A_969 = arith.mulf %get3A_949, %get3A_949 : vector<16xf32>
      %add3A_970 = arith.addf %add3A_968, %mul3A_969 : vector<16xf32>
      %mul3A_971 = arith.mulf %get3A_953, %get3A_953 : vector<16xf32>
      %add3A_972 = arith.addf %add3A_970, %mul3A_971 : vector<16xf32>
      %mul3A_973 = arith.mulf %get3A_957, %get3A_957 : vector<16xf32>
      %add3A_974 = arith.addf %add3A_972, %mul3A_973 : vector<16xf32>
      %mul3A_975 = arith.mulf %get3A_961, %get3A_961 : vector<16xf32>
      %add3A_976 = arith.addf %add3A_974, %mul3A_975 : vector<16xf32>
      %slice3A_977 = vector.extract_strided_slice %add3A_976 {offsets = [0], sizes = [1], strides = [1]} : vector<16xf32> to vector<1xf32>
      %squeeze3A_978 = vector.extract %slice3A_977[0] : f32 from vector<1xf32>
      %slice3A_979 = vector.extract_strided_slice %add3A_976 {offsets = [1], sizes = [1], strides = [1]} : vector<16xf32> to vector<1xf32>
      %squeeze3A_980 = vector.extract %slice3A_979[0] : f32 from vector<1xf32>
      %add3A_981 = arith.addf %squeeze3A_978, %squeeze3A_980 : f32
      %slice3A_982 = vector.extract_strided_slice %add3A_976 {offsets = [2], sizes = [1], strides = [1]} : vector<16xf32> to vector<1xf32>
      %squeeze3A_983 = vector.extract %slice3A_982[0] : f32 from vector<1xf32>
      %add3A_984 = arith.addf %add3A_981, %squeeze3A_983 : f32
      %slice3A_985 = vector.extract_strided_slice %add3A_976 {offsets = [3], sizes = [1], strides = [1]} : vector<16xf32> to vector<1xf32>
      %squeeze3A_986 = vector.extract %slice3A_985[0] : f32 from vector<1xf32>
      %add3A_987 = arith.addf %add3A_984, %squeeze3A_986 : f32
      %slice3A_988 = vector.extract_strided_slice %add3A_976 {offsets = [4], sizes = [1], strides = [1]} : vector<16xf32> to vector<1xf32>
      %squeeze3A_989 = vector.extract %slice3A_988[0] : f32 from vector<1xf32>
      %add3A_990 = arith.addf %add3A_987, %squeeze3A_989 : f32
      %slice3A_991 = vector.extract_strided_slice %add3A_976 {offsets = [5], sizes = [1], strides = [1]} : vector<16xf32> to vector<1xf32>
      %squeeze3A_992 = vector.extract %slice3A_991[0] : f32 from vector<1xf32>
      %add3A_993 = arith.addf %add3A_990, %squeeze3A_992 : f32
      %slice3A_994 = vector.extract_strided_slice %add3A_976 {offsets = [6], sizes = [1], strides = [1]} : vector<16xf32> to vector<1xf32>
      %squeeze3A_995 = vector.extract %slice3A_994[0] : f32 from vector<1xf32>
      %add3A_996 = arith.addf %add3A_993, %squeeze3A_995 : f32
      %slice3A_997 = vector.extract_strided_slice %add3A_976 {offsets = [7], sizes = [1], strides = [1]} : vector<16xf32> to vector<1xf32>
      %squeeze3A_998 = vector.extract %slice3A_997[0] : f32 from vector<1xf32>
      %add3A_999 = arith.addf %add3A_996, %squeeze3A_998 : f32
      %slice3A_1000 = vector.extract_strided_slice %add3A_976 {offsets = [8], sizes = [1], strides = [1]} : vector<16xf32> to vector<1xf32>
      %squeeze3A_1001 = vector.extract %slice3A_1000[0] : f32 from vector<1xf32>
      %add3A_1002 = arith.addf %add3A_999, %squeeze3A_1001 : f32
      %slice3A_1003 = vector.extract_strided_slice %add3A_976 {offsets = [9], sizes = [1], strides = [1]} : vector<16xf32> to vector<1xf32>
      %squeeze3A_1004 = vector.extract %slice3A_1003[0] : f32 from vector<1xf32>
      %add3A_1005 = arith.addf %add3A_1002, %squeeze3A_1004 : f32
      %slice3A_1006 = vector.extract_strided_slice %add3A_976 {offsets = [10], sizes = [1], strides = [1]} : vector<16xf32> to vector<1xf32>
      %squeeze3A_1007 = vector.extract %slice3A_1006[0] : f32 from vector<1xf32>
      %add3A_1008 = arith.addf %add3A_1005, %squeeze3A_1007 : f32
      %slice3A_1009 = vector.extract_strided_slice %add3A_976 {offsets = [11], sizes = [1], strides = [1]} : vector<16xf32> to vector<1xf32>
      %squeeze3A_1010 = vector.extract %slice3A_1009[0] : f32 from vector<1xf32>
      %add3A_1011 = arith.addf %add3A_1008, %squeeze3A_1010 : f32
      %slice3A_1012 = vector.extract_strided_slice %add3A_976 {offsets = [12], sizes = [1], strides = [1]} : vector<16xf32> to vector<1xf32>
      %squeeze3A_1013 = vector.extract %slice3A_1012[0] : f32 from vector<1xf32>
      %add3A_1014 = arith.addf %add3A_1011, %squeeze3A_1013 : f32
      %slice3A_1015 = vector.extract_strided_slice %add3A_976 {offsets = [13], sizes = [1], strides = [1]} : vector<16xf32> to vector<1xf32>
      %squeeze3A_1016 = vector.extract %slice3A_1015[0] : f32 from vector<1xf32>
      %add3A_1017 = arith.addf %add3A_1014, %squeeze3A_1016 : f32
      %slice3A_1018 = vector.extract_strided_slice %add3A_976 {offsets = [14], sizes = [1], strides = [1]} : vector<16xf32> to vector<1xf32>
      %squeeze3A_1019 = vector.extract %slice3A_1018[0] : f32 from vector<1xf32>
      %add3A_1020 = arith.addf %add3A_1017, %squeeze3A_1019 : f32
      %slice3A_1021 = vector.extract_strided_slice %add3A_976 {offsets = [15], sizes = [1], strides = [1]} : vector<16xf32> to vector<1xf32>
      %squeeze3A_1022 = vector.extract %slice3A_1021[0] : f32 from vector<1xf32>
      %add3A_1023 = arith.addf %add3A_1020, %squeeze3A_1022 : f32
      %bitcast_convert_type3A_1024 = arith.bitcast %add3A_1023 : f32 to i32
      %shift_right_logical3A_1025 = arith.constant 1 : i32
      %shift_right_logical3A_1026 = arith.shrui %bitcast_convert_type3A_1024, %shift_right_logical3A_1025 : i32
      %sub3A_1027 = arith.constant 1597463007 : i32
      %sub3A_1028 = arith.subi %sub3A_1027, %shift_right_logical3A_1026 : i32
      %bitcast_convert_type3A_1029 = arith.bitcast %sub3A_1028 : i32 to f32
      %broadcast_in_dim3A_1030 = vector.broadcast %bitcast_convert_type3A_1029 : f32 to vector<16xf32>
      %broadcast_in_dim3A_1031 = vector.broadcast %add3A_1023 : f32 to vector<16xf32>
      %mul3A_1032 = arith.constant 5.000000e-01 : f32
      %mul3A_1033 = vector.broadcast %mul3A_1032 : f32 to vector<16xf32>
      %mul3A_1034 = arith.mulf %mul3A_1033, %broadcast_in_dim3A_1031 : vector<16xf32>
      %mul3A_1035 = arith.mulf %mul3A_1034, %broadcast_in_dim3A_1030 : vector<16xf32>
      %mul3A_1036 = arith.mulf %mul3A_1035, %broadcast_in_dim3A_1030 : vector<16xf32>
      %sub3A_1037 = arith.constant 1.500000e+00 : f32
      %sub3A_1038 = vector.broadcast %sub3A_1037 : f32 to vector<16xf32>
      %sub3A_1039 = arith.subf %sub3A_1038, %mul3A_1036 : vector<16xf32>
      %mul3A_1040 = arith.mulf %broadcast_in_dim3A_1030, %sub3A_1039 : vector<16xf32>
      %mul3A_1041 = arith.constant 5.000000e-01 : f32
      %mul3A_1042 = vector.broadcast %mul3A_1041 : f32 to vector<16xf32>
      %mul3A_1043 = arith.mulf %mul3A_1042, %broadcast_in_dim3A_1031 : vector<16xf32>
      %mul3A_1044 = arith.mulf %mul3A_1043, %mul3A_1040 : vector<16xf32>
      %mul3A_1045 = arith.mulf %mul3A_1044, %mul3A_1040 : vector<16xf32>
      %sub3A_1046 = arith.constant 1.500000e+00 : f32
      %sub3A_1047 = vector.broadcast %sub3A_1046 : f32 to vector<16xf32>
      %sub3A_1048 = arith.subf %sub3A_1047, %mul3A_1045 : vector<16xf32>
      %mul3A_1049 = arith.mulf %mul3A_1040, %sub3A_1048 : vector<16xf32>
      %mul3A_1050 = arith.mulf %get3A_933, %mul3A_1049 : vector<16xf32>
      %mul3A_1051 = arith.mulf %get3A_937, %mul3A_1049 : vector<16xf32>
      %mul3A_1052 = arith.mulf %get3A_941, %mul3A_1049 : vector<16xf32>
      %mul3A_1053 = arith.mulf %get3A_945, %mul3A_1049 : vector<16xf32>
      %mul3A_1054 = arith.mulf %get3A_949, %mul3A_1049 : vector<16xf32>
      %mul3A_1055 = arith.mulf %get3A_953, %mul3A_1049 : vector<16xf32>
      %mul3A_1056 = arith.mulf %get3A_957, %mul3A_1049 : vector<16xf32>
      %mul3A_1057 = arith.mulf %get3A_961, %mul3A_1049 : vector<16xf32>
      %add3A_1058 = arith.addf %add3A_918, %mul3A_1050 : vector<16xf32>
      %add3A_1059 = arith.addf %add3A_919, %mul3A_1051 : vector<16xf32>
      %add3A_1060 = arith.addf %add3A_920, %mul3A_1052 : vector<16xf32>
      %add3A_1061 = arith.addf %add3A_921, %mul3A_1053 : vector<16xf32>
      %add3A_1062 = arith.addf %add3A_922, %mul3A_1054 : vector<16xf32>
      %add3A_1063 = arith.addf %add3A_923, %mul3A_1055 : vector<16xf32>
      %add3A_1064 = arith.addf %add3A_924, %mul3A_1056 : vector<16xf32>
      %add3A_1065 = arith.addf %add3A_925, %mul3A_1057 : vector<16xf32>
      %mul3A_1066 = arith.constant 20 : i32
      %mul3A_1067 = arith.muli %scan3A_99, %mul3A_1066 : i32
      %add3A_1068 = arith.constant 7 : i32
      %add3A_1069 = arith.addi %mul3A_1067, %add3A_1068 : i32
      %get3A_1070 = arith.index_cast %add3A_1069 : i32 to index
      %get3A_1071 = arith.constant 0 : index
      %get3A_1072 = tpu.vector_load %arg9[%get3A_1070, %get3A_1071] {strides = array<i32>} : memref<640x128xf32, #tpu.memory_space<vmem>>, vector<1x16xf32>,
      %get3A_1073 = vector.shape_cast %get3A_1072 : vector<1x16xf32> to vector<16xf32>
      %get3A_1074 = arith.index_cast %add3A_1069 : i32 to index
      %get3A_1075 = arith.constant 16 : index
      %get3A_1076 = tpu.vector_load %arg9[%get3A_1074, %get3A_1075] {strides = array<i32>} : memref<640x128xf32, #tpu.memory_space<vmem>>, vector<1x16xf32>,
      %get3A_1077 = vector.shape_cast %get3A_1076 : vector<1x16xf32> to vector<16xf32>
      %get3A_1078 = arith.index_cast %add3A_1069 : i32 to index
      %get3A_1079 = arith.constant 32 : index
      %get3A_1080 = tpu.vector_load %arg9[%get3A_1078, %get3A_1079] {strides = array<i32>} : memref<640x128xf32, #tpu.memory_space<vmem>>, vector<1x16xf32>,
      %get3A_1081 = vector.shape_cast %get3A_1080 : vector<1x16xf32> to vector<16xf32>
      %get3A_1082 = arith.index_cast %add3A_1069 : i32 to index
      %get3A_1083 = arith.constant 48 : index
      %get3A_1084 = tpu.vector_load %arg9[%get3A_1082, %get3A_1083] {strides = array<i32>} : memref<640x128xf32, #tpu.memory_space<vmem>>, vector<1x16xf32>,
      %get3A_1085 = vector.shape_cast %get3A_1084 : vector<1x16xf32> to vector<16xf32>
      %get3A_1086 = arith.index_cast %add3A_1069 : i32 to index
      %get3A_1087 = arith.constant 64 : index
      %get3A_1088 = tpu.vector_load %arg9[%get3A_1086, %get3A_1087] {strides = array<i32>} : memref<640x128xf32, #tpu.memory_space<vmem>>, vector<1x16xf32>,
      %get3A_1089 = vector.shape_cast %get3A_1088 : vector<1x16xf32> to vector<16xf32>
      %get3A_1090 = arith.index_cast %add3A_1069 : i32 to index
      %get3A_1091 = arith.constant 80 : index
      %get3A_1092 = tpu.vector_load %arg9[%get3A_1090, %get3A_1091] {strides = array<i32>} : memref<640x128xf32, #tpu.memory_space<vmem>>, vector<1x16xf32>,
      %get3A_1093 = vector.shape_cast %get3A_1092 : vector<1x16xf32> to vector<16xf32>
      %get3A_1094 = arith.index_cast %add3A_1069 : i32 to index
      %get3A_1095 = arith.constant 96 : index
      %get3A_1096 = tpu.vector_load %arg9[%get3A_1094, %get3A_1095] {strides = array<i32>} : memref<640x128xf32, #tpu.memory_space<vmem>>, vector<1x16xf32>,
      %get3A_1097 = vector.shape_cast %get3A_1096 : vector<1x16xf32> to vector<16xf32>
      %get3A_1098 = arith.index_cast %add3A_1069 : i32 to index
      %get3A_1099 = arith.constant 112 : index
      %get3A_1100 = tpu.vector_load %arg9[%get3A_1098, %get3A_1099] {strides = array<i32>} : memref<640x128xf32, #tpu.memory_space<vmem>>, vector<1x16xf32>,
      %get3A_1101 = vector.shape_cast %get3A_1100 : vector<1x16xf32> to vector<16xf32>
      %mul3A_1102 = arith.mulf %get3A_1073, %get3A_1073 : vector<16xf32>
      %mul3A_1103 = arith.mulf %get3A_1077, %get3A_1077 : vector<16xf32>
      %add3A_1104 = arith.addf %mul3A_1102, %mul3A_1103 : vector<16xf32>
      %mul3A_1105 = arith.mulf %get3A_1081, %get3A_1081 : vector<16xf32>
      %add3A_1106 = arith.addf %add3A_1104, %mul3A_1105 : vector<16xf32>
      %mul3A_1107 = arith.mulf %get3A_1085, %get3A_1085 : vector<16xf32>
      %add3A_1108 = arith.addf %add3A_1106, %mul3A_1107 : vector<16xf32>
      %mul3A_1109 = arith.mulf %get3A_1089, %get3A_1089 : vector<16xf32>
      %add3A_1110 = arith.addf %add3A_1108, %mul3A_1109 : vector<16xf32>
      %mul3A_1111 = arith.mulf %get3A_1093, %get3A_1093 : vector<16xf32>
      %add3A_1112 = arith.addf %add3A_1110, %mul3A_1111 : vector<16xf32>
      %mul3A_1113 = arith.mulf %get3A_1097, %get3A_1097 : vector<16xf32>
      %add3A_1114 = arith.addf %add3A_1112, %mul3A_1113 : vector<16xf32>
      %mul3A_1115 = arith.mulf %get3A_1101, %get3A_1101 : vector<16xf32>
      %add3A_1116 = arith.addf %add3A_1114, %mul3A_1115 : vector<16xf32>
      %slice3A_1117 = vector.extract_strided_slice %add3A_1116 {offsets = [0], sizes = [1], strides = [1]} : vector<16xf32> to vector<1xf32>
      %squeeze3A_1118 = vector.extract %slice3A_1117[0] : f32 from vector<1xf32>
      %slice3A_1119 = vector.extract_strided_slice %add3A_1116 {offsets = [1], sizes = [1], strides = [1]} : vector<16xf32> to vector<1xf32>
      %squeeze3A_1120 = vector.extract %slice3A_1119[0] : f32 from vector<1xf32>
      %add3A_1121 = arith.addf %squeeze3A_1118, %squeeze3A_1120 : f32
      %slice3A_1122 = vector.extract_strided_slice %add3A_1116 {offsets = [2], sizes = [1], strides = [1]} : vector<16xf32> to vector<1xf32>
      %squeeze3A_1123 = vector.extract %slice3A_1122[0] : f32 from vector<1xf32>
      %add3A_1124 = arith.addf %add3A_1121, %squeeze3A_1123 : f32
      %slice3A_1125 = vector.extract_strided_slice %add3A_1116 {offsets = [3], sizes = [1], strides = [1]} : vector<16xf32> to vector<1xf32>
      %squeeze3A_1126 = vector.extract %slice3A_1125[0] : f32 from vector<1xf32>
      %add3A_1127 = arith.addf %add3A_1124, %squeeze3A_1126 : f32
      %slice3A_1128 = vector.extract_strided_slice %add3A_1116 {offsets = [4], sizes = [1], strides = [1]} : vector<16xf32> to vector<1xf32>
      %squeeze3A_1129 = vector.extract %slice3A_1128[0] : f32 from vector<1xf32>
      %add3A_1130 = arith.addf %add3A_1127, %squeeze3A_1129 : f32
      %slice3A_1131 = vector.extract_strided_slice %add3A_1116 {offsets = [5], sizes = [1], strides = [1]} : vector<16xf32> to vector<1xf32>
      %squeeze3A_1132 = vector.extract %slice3A_1131[0] : f32 from vector<1xf32>
      %add3A_1133 = arith.addf %add3A_1130, %squeeze3A_1132 : f32
      %slice3A_1134 = vector.extract_strided_slice %add3A_1116 {offsets = [6], sizes = [1], strides = [1]} : vector<16xf32> to vector<1xf32>
      %squeeze3A_1135 = vector.extract %slice3A_1134[0] : f32 from vector<1xf32>
      %add3A_1136 = arith.addf %add3A_1133, %squeeze3A_1135 : f32
      %slice3A_1137 = vector.extract_strided_slice %add3A_1116 {offsets = [7], sizes = [1], strides = [1]} : vector<16xf32> to vector<1xf32>
      %squeeze3A_1138 = vector.extract %slice3A_1137[0] : f32 from vector<1xf32>
      %add3A_1139 = arith.addf %add3A_1136, %squeeze3A_1138 : f32
      %slice3A_1140 = vector.extract_strided_slice %add3A_1116 {offsets = [8], sizes = [1], strides = [1]} : vector<16xf32> to vector<1xf32>
      %squeeze3A_1141 = vector.extract %slice3A_1140[0] : f32 from vector<1xf32>
      %add3A_1142 = arith.addf %add3A_1139, %squeeze3A_1141 : f32
      %slice3A_1143 = vector.extract_strided_slice %add3A_1116 {offsets = [9], sizes = [1], strides = [1]} : vector<16xf32> to vector<1xf32>
      %squeeze3A_1144 = vector.extract %slice3A_1143[0] : f32 from vector<1xf32>
      %add3A_1145 = arith.addf %add3A_1142, %squeeze3A_1144 : f32
      %slice3A_1146 = vector.extract_strided_slice %add3A_1116 {offsets = [10], sizes = [1], strides = [1]} : vector<16xf32> to vector<1xf32>
      %squeeze3A_1147 = vector.extract %slice3A_1146[0] : f32 from vector<1xf32>
      %add3A_1148 = arith.addf %add3A_1145, %squeeze3A_1147 : f32
      %slice3A_1149 = vector.extract_strided_slice %add3A_1116 {offsets = [11], sizes = [1], strides = [1]} : vector<16xf32> to vector<1xf32>
      %squeeze3A_1150 = vector.extract %slice3A_1149[0] : f32 from vector<1xf32>
      %add3A_1151 = arith.addf %add3A_1148, %squeeze3A_1150 : f32
      %slice3A_1152 = vector.extract_strided_slice %add3A_1116 {offsets = [12], sizes = [1], strides = [1]} : vector<16xf32> to vector<1xf32>
      %squeeze3A_1153 = vector.extract %slice3A_1152[0] : f32 from vector<1xf32>
      %add3A_1154 = arith.addf %add3A_1151, %squeeze3A_1153 : f32
      %slice3A_1155 = vector.extract_strided_slice %add3A_1116 {offsets = [13], sizes = [1], strides = [1]} : vector<16xf32> to vector<1xf32>
      %squeeze3A_1156 = vector.extract %slice3A_1155[0] : f32 from vector<1xf32>
      %add3A_1157 = arith.addf %add3A_1154, %squeeze3A_1156 : f32
      %slice3A_1158 = vector.extract_strided_slice %add3A_1116 {offsets = [14], sizes = [1], strides = [1]} : vector<16xf32> to vector<1xf32>
      %squeeze3A_1159 = vector.extract %slice3A_1158[0] : f32 from vector<1xf32>
      %add3A_1160 = arith.addf %add3A_1157, %squeeze3A_1159 : f32
      %slice3A_1161 = vector.extract_strided_slice %add3A_1116 {offsets = [15], sizes = [1], strides = [1]} : vector<16xf32> to vector<1xf32>
      %squeeze3A_1162 = vector.extract %slice3A_1161[0] : f32 from vector<1xf32>
      %add3A_1163 = arith.addf %add3A_1160, %squeeze3A_1162 : f32
      %bitcast_convert_type3A_1164 = arith.bitcast %add3A_1163 : f32 to i32
      %shift_right_logical3A_1165 = arith.constant 1 : i32
      %shift_right_logical3A_1166 = arith.shrui %bitcast_convert_type3A_1164, %shift_right_logical3A_1165 : i32
      %sub3A_1167 = arith.constant 1597463007 : i32
      %sub3A_1168 = arith.subi %sub3A_1167, %shift_right_logical3A_1166 : i32
      %bitcast_convert_type3A_1169 = arith.bitcast %sub3A_1168 : i32 to f32
      %broadcast_in_dim3A_1170 = vector.broadcast %bitcast_convert_type3A_1169 : f32 to vector<16xf32>
      %broadcast_in_dim3A_1171 = vector.broadcast %add3A_1163 : f32 to vector<16xf32>
      %mul3A_1172 = arith.constant 5.000000e-01 : f32
      %mul3A_1173 = vector.broadcast %mul3A_1172 : f32 to vector<16xf32>
      %mul3A_1174 = arith.mulf %mul3A_1173, %broadcast_in_dim3A_1171 : vector<16xf32>
      %mul3A_1175 = arith.mulf %mul3A_1174, %broadcast_in_dim3A_1170 : vector<16xf32>
      %mul3A_1176 = arith.mulf %mul3A_1175, %broadcast_in_dim3A_1170 : vector<16xf32>
      %sub3A_1177 = arith.constant 1.500000e+00 : f32
      %sub3A_1178 = vector.broadcast %sub3A_1177 : f32 to vector<16xf32>
      %sub3A_1179 = arith.subf %sub3A_1178, %mul3A_1176 : vector<16xf32>
      %mul3A_1180 = arith.mulf %broadcast_in_dim3A_1170, %sub3A_1179 : vector<16xf32>
      %mul3A_1181 = arith.constant 5.000000e-01 : f32
      %mul3A_1182 = vector.broadcast %mul3A_1181 : f32 to vector<16xf32>
      %mul3A_1183 = arith.mulf %mul3A_1182, %broadcast_in_dim3A_1171 : vector<16xf32>
      %mul3A_1184 = arith.mulf %mul3A_1183, %mul3A_1180 : vector<16xf32>
      %mul3A_1185 = arith.mulf %mul3A_1184, %mul3A_1180 : vector<16xf32>
      %sub3A_1186 = arith.constant 1.500000e+00 : f32
      %sub3A_1187 = vector.broadcast %sub3A_1186 : f32 to vector<16xf32>
      %sub3A_1188 = arith.subf %sub3A_1187, %mul3A_1185 : vector<16xf32>
      %mul3A_1189 = arith.mulf %mul3A_1180, %sub3A_1188 : vector<16xf32>
      %mul3A_1190 = arith.mulf %get3A_1073, %mul3A_1189 : vector<16xf32>
      %mul3A_1191 = arith.mulf %get3A_1077, %mul3A_1189 : vector<16xf32>
      %mul3A_1192 = arith.mulf %get3A_1081, %mul3A_1189 : vector<16xf32>
      %mul3A_1193 = arith.mulf %get3A_1085, %mul3A_1189 : vector<16xf32>
      %mul3A_1194 = arith.mulf %get3A_1089, %mul3A_1189 : vector<16xf32>
      %mul3A_1195 = arith.mulf %get3A_1093, %mul3A_1189 : vector<16xf32>
      %mul3A_1196 = arith.mulf %get3A_1097, %mul3A_1189 : vector<16xf32>
      %mul3A_1197 = arith.mulf %get3A_1101, %mul3A_1189 : vector<16xf32>
      %add3A_1198 = arith.addf %add3A_1058, %mul3A_1190 : vector<16xf32>
      %add3A_1199 = arith.addf %add3A_1059, %mul3A_1191 : vector<16xf32>
      %add3A_1200 = arith.addf %add3A_1060, %mul3A_1192 : vector<16xf32>
      %add3A_1201 = arith.addf %add3A_1061, %mul3A_1193 : vector<16xf32>
      %add3A_1202 = arith.addf %add3A_1062, %mul3A_1194 : vector<16xf32>
      %add3A_1203 = arith.addf %add3A_1063, %mul3A_1195 : vector<16xf32>
      %add3A_1204 = arith.addf %add3A_1064, %mul3A_1196 : vector<16xf32>
      %add3A_1205 = arith.addf %add3A_1065, %mul3A_1197 : vector<16xf32>
      %mul3A_1206 = arith.constant 20 : i32
      %mul3A_1207 = arith.muli %scan3A_99, %mul3A_1206 : i32
      %add3A_1208 = arith.constant 8 : i32
      %add3A_1209 = arith.addi %mul3A_1207, %add3A_1208 : i32
      %get3A_1210 = arith.index_cast %add3A_1209 : i32 to index
      %get3A_1211 = arith.constant 0 : index
      %get3A_1212 = tpu.vector_load %arg9[%get3A_1210, %get3A_1211] {strides = array<i32>} : memref<640x128xf32, #tpu.memory_space<vmem>>, vector<1x16xf32>,
      %get3A_1213 = vector.shape_cast %get3A_1212 : vector<1x16xf32> to vector<16xf32>
      %get3A_1214 = arith.index_cast %add3A_1209 : i32 to index
      %get3A_1215 = arith.constant 16 : index
      %get3A_1216 = tpu.vector_load %arg9[%get3A_1214, %get3A_1215] {strides = array<i32>} : memref<640x128xf32, #tpu.memory_space<vmem>>, vector<1x16xf32>,
      %get3A_1217 = vector.shape_cast %get3A_1216 : vector<1x16xf32> to vector<16xf32>
      %get3A_1218 = arith.index_cast %add3A_1209 : i32 to index
      %get3A_1219 = arith.constant 32 : index
      %get3A_1220 = tpu.vector_load %arg9[%get3A_1218, %get3A_1219] {strides = array<i32>} : memref<640x128xf32, #tpu.memory_space<vmem>>, vector<1x16xf32>,
      %get3A_1221 = vector.shape_cast %get3A_1220 : vector<1x16xf32> to vector<16xf32>
      %get3A_1222 = arith.index_cast %add3A_1209 : i32 to index
      %get3A_1223 = arith.constant 48 : index
      %get3A_1224 = tpu.vector_load %arg9[%get3A_1222, %get3A_1223] {strides = array<i32>} : memref<640x128xf32, #tpu.memory_space<vmem>>, vector<1x16xf32>,
      %get3A_1225 = vector.shape_cast %get3A_1224 : vector<1x16xf32> to vector<16xf32>
      %get3A_1226 = arith.index_cast %add3A_1209 : i32 to index
      %get3A_1227 = arith.constant 64 : index
      %get3A_1228 = tpu.vector_load %arg9[%get3A_1226, %get3A_1227] {strides = array<i32>} : memref<640x128xf32, #tpu.memory_space<vmem>>, vector<1x16xf32>,
      %get3A_1229 = vector.shape_cast %get3A_1228 : vector<1x16xf32> to vector<16xf32>
      %get3A_1230 = arith.index_cast %add3A_1209 : i32 to index
      %get3A_1231 = arith.constant 80 : index
      %get3A_1232 = tpu.vector_load %arg9[%get3A_1230, %get3A_1231] {strides = array<i32>} : memref<640x128xf32, #tpu.memory_space<vmem>>, vector<1x16xf32>,
      %get3A_1233 = vector.shape_cast %get3A_1232 : vector<1x16xf32> to vector<16xf32>
      %get3A_1234 = arith.index_cast %add3A_1209 : i32 to index
      %get3A_1235 = arith.constant 96 : index
      %get3A_1236 = tpu.vector_load %arg9[%get3A_1234, %get3A_1235] {strides = array<i32>} : memref<640x128xf32, #tpu.memory_space<vmem>>, vector<1x16xf32>,
      %get3A_1237 = vector.shape_cast %get3A_1236 : vector<1x16xf32> to vector<16xf32>
      %get3A_1238 = arith.index_cast %add3A_1209 : i32 to index
      %get3A_1239 = arith.constant 112 : index
      %get3A_1240 = tpu.vector_load %arg9[%get3A_1238, %get3A_1239] {strides = array<i32>} : memref<640x128xf32, #tpu.memory_space<vmem>>, vector<1x16xf32>,
      %get3A_1241 = vector.shape_cast %get3A_1240 : vector<1x16xf32> to vector<16xf32>
      %mul3A_1242 = arith.mulf %get3A_1213, %get3A_1213 : vector<16xf32>
      %mul3A_1243 = arith.mulf %get3A_1217, %get3A_1217 : vector<16xf32>
      %add3A_1244 = arith.addf %mul3A_1242, %mul3A_1243 : vector<16xf32>
      %mul3A_1245 = arith.mulf %get3A_1221, %get3A_1221 : vector<16xf32>
      %add3A_1246 = arith.addf %add3A_1244, %mul3A_1245 : vector<16xf32>
      %mul3A_1247 = arith.mulf %get3A_1225, %get3A_1225 : vector<16xf32>
      %add3A_1248 = arith.addf %add3A_1246, %mul3A_1247 : vector<16xf32>
      %mul3A_1249 = arith.mulf %get3A_1229, %get3A_1229 : vector<16xf32>
      %add3A_1250 = arith.addf %add3A_1248, %mul3A_1249 : vector<16xf32>
      %mul3A_1251 = arith.mulf %get3A_1233, %get3A_1233 : vector<16xf32>
      %add3A_1252 = arith.addf %add3A_1250, %mul3A_1251 : vector<16xf32>
      %mul3A_1253 = arith.mulf %get3A_1237, %get3A_1237 : vector<16xf32>
      %add3A_1254 = arith.addf %add3A_1252, %mul3A_1253 : vector<16xf32>
      %mul3A_1255 = arith.mulf %get3A_1241, %get3A_1241 : vector<16xf32>
      %add3A_1256 = arith.addf %add3A_1254, %mul3A_1255 : vector<16xf32>
      %slice3A_1257 = vector.extract_strided_slice %add3A_1256 {offsets = [0], sizes = [1], strides = [1]} : vector<16xf32> to vector<1xf32>
      %squeeze3A_1258 = vector.extract %slice3A_1257[0] : f32 from vector<1xf32>
      %slice3A_1259 = vector.extract_strided_slice %add3A_1256 {offsets = [1], sizes = [1], strides = [1]} : vector<16xf32> to vector<1xf32>
      %squeeze3A_1260 = vector.extract %slice3A_1259[0] : f32 from vector<1xf32>
      %add3A_1261 = arith.addf %squeeze3A_1258, %squeeze3A_1260 : f32
      %slice3A_1262 = vector.extract_strided_slice %add3A_1256 {offsets = [2], sizes = [1], strides = [1]} : vector<16xf32> to vector<1xf32>
      %squeeze3A_1263 = vector.extract %slice3A_1262[0] : f32 from vector<1xf32>
      %add3A_1264 = arith.addf %add3A_1261, %squeeze3A_1263 : f32
      %slice3A_1265 = vector.extract_strided_slice %add3A_1256 {offsets = [3], sizes = [1], strides = [1]} : vector<16xf32> to vector<1xf32>
      %squeeze3A_1266 = vector.extract %slice3A_1265[0] : f32 from vector<1xf32>
      %add3A_1267 = arith.addf %add3A_1264, %squeeze3A_1266 : f32
      %slice3A_1268 = vector.extract_strided_slice %add3A_1256 {offsets = [4], sizes = [1], strides = [1]} : vector<16xf32> to vector<1xf32>
      %squeeze3A_1269 = vector.extract %slice3A_1268[0] : f32 from vector<1xf32>
      %add3A_1270 = arith.addf %add3A_1267, %squeeze3A_1269 : f32
      %slice3A_1271 = vector.extract_strided_slice %add3A_1256 {offsets = [5], sizes = [1], strides = [1]} : vector<16xf32> to vector<1xf32>
      %squeeze3A_1272 = vector.extract %slice3A_1271[0] : f32 from vector<1xf32>
      %add3A_1273 = arith.addf %add3A_1270, %squeeze3A_1272 : f32
      %slice3A_1274 = vector.extract_strided_slice %add3A_1256 {offsets = [6], sizes = [1], strides = [1]} : vector<16xf32> to vector<1xf32>
      %squeeze3A_1275 = vector.extract %slice3A_1274[0] : f32 from vector<1xf32>
      %add3A_1276 = arith.addf %add3A_1273, %squeeze3A_1275 : f32
      %slice3A_1277 = vector.extract_strided_slice %add3A_1256 {offsets = [7], sizes = [1], strides = [1]} : vector<16xf32> to vector<1xf32>
      %squeeze3A_1278 = vector.extract %slice3A_1277[0] : f32 from vector<1xf32>
      %add3A_1279 = arith.addf %add3A_1276, %squeeze3A_1278 : f32
      %slice3A_1280 = vector.extract_strided_slice %add3A_1256 {offsets = [8], sizes = [1], strides = [1]} : vector<16xf32> to vector<1xf32>
      %squeeze3A_1281 = vector.extract %slice3A_1280[0] : f32 from vector<1xf32>
      %add3A_1282 = arith.addf %add3A_1279, %squeeze3A_1281 : f32
      %slice3A_1283 = vector.extract_strided_slice %add3A_1256 {offsets = [9], sizes = [1], strides = [1]} : vector<16xf32> to vector<1xf32>
      %squeeze3A_1284 = vector.extract %slice3A_1283[0] : f32 from vector<1xf32>
      %add3A_1285 = arith.addf %add3A_1282, %squeeze3A_1284 : f32
      %slice3A_1286 = vector.extract_strided_slice %add3A_1256 {offsets = [10], sizes = [1], strides = [1]} : vector<16xf32> to vector<1xf32>
      %squeeze3A_1287 = vector.extract %slice3A_1286[0] : f32 from vector<1xf32>
      %add3A_1288 = arith.addf %add3A_1285, %squeeze3A_1287 : f32
      %slice3A_1289 = vector.extract_strided_slice %add3A_1256 {offsets = [11], sizes = [1], strides = [1]} : vector<16xf32> to vector<1xf32>
      %squeeze3A_1290 = vector.extract %slice3A_1289[0] : f32 from vector<1xf32>
      %add3A_1291 = arith.addf %add3A_1288, %squeeze3A_1290 : f32
      %slice3A_1292 = vector.extract_strided_slice %add3A_1256 {offsets = [12], sizes = [1], strides = [1]} : vector<16xf32> to vector<1xf32>
      %squeeze3A_1293 = vector.extract %slice3A_1292[0] : f32 from vector<1xf32>
      %add3A_1294 = arith.addf %add3A_1291, %squeeze3A_1293 : f32
      %slice3A_1295 = vector.extract_strided_slice %add3A_1256 {offsets = [13], sizes = [1], strides = [1]} : vector<16xf32> to vector<1xf32>
      %squeeze3A_1296 = vector.extract %slice3A_1295[0] : f32 from vector<1xf32>
      %add3A_1297 = arith.addf %add3A_1294, %squeeze3A_1296 : f32
      %slice3A_1298 = vector.extract_strided_slice %add3A_1256 {offsets = [14], sizes = [1], strides = [1]} : vector<16xf32> to vector<1xf32>
      %squeeze3A_1299 = vector.extract %slice3A_1298[0] : f32 from vector<1xf32>
      %add3A_1300 = arith.addf %add3A_1297, %squeeze3A_1299 : f32
      %slice3A_1301 = vector.extract_strided_slice %add3A_1256 {offsets = [15], sizes = [1], strides = [1]} : vector<16xf32> to vector<1xf32>
      %squeeze3A_1302 = vector.extract %slice3A_1301[0] : f32 from vector<1xf32>
      %add3A_1303 = arith.addf %add3A_1300, %squeeze3A_1302 : f32
      %bitcast_convert_type3A_1304 = arith.bitcast %add3A_1303 : f32 to i32
      %shift_right_logical3A_1305 = arith.constant 1 : i32
      %shift_right_logical3A_1306 = arith.shrui %bitcast_convert_type3A_1304, %shift_right_logical3A_1305 : i32
      %sub3A_1307 = arith.constant 1597463007 : i32
      %sub3A_1308 = arith.subi %sub3A_1307, %shift_right_logical3A_1306 : i32
      %bitcast_convert_type3A_1309 = arith.bitcast %sub3A_1308 : i32 to f32
      %broadcast_in_dim3A_1310 = vector.broadcast %bitcast_convert_type3A_1309 : f32 to vector<16xf32>
      %broadcast_in_dim3A_1311 = vector.broadcast %add3A_1303 : f32 to vector<16xf32>
      %mul3A_1312 = arith.constant 5.000000e-01 : f32
      %mul3A_1313 = vector.broadcast %mul3A_1312 : f32 to vector<16xf32>
      %mul3A_1314 = arith.mulf %mul3A_1313, %broadcast_in_dim3A_1311 : vector<16xf32>
      %mul3A_1315 = arith.mulf %mul3A_1314, %broadcast_in_dim3A_1310 : vector<16xf32>
      %mul3A_1316 = arith.mulf %mul3A_1315, %broadcast_in_dim3A_1310 : vector<16xf32>
      %sub3A_1317 = arith.constant 1.500000e+00 : f32
      %sub3A_1318 = vector.broadcast %sub3A_1317 : f32 to vector<16xf32>
      %sub3A_1319 = arith.subf %sub3A_1318, %mul3A_1316 : vector<16xf32>
      %mul3A_1320 = arith.mulf %broadcast_in_dim3A_1310, %sub3A_1319 : vector<16xf32>
      %mul3A_1321 = arith.constant 5.000000e-01 : f32
      %mul3A_1322 = vector.broadcast %mul3A_1321 : f32 to vector<16xf32>
      %mul3A_1323 = arith.mulf %mul3A_1322, %broadcast_in_dim3A_1311 : vector<16xf32>
      %mul3A_1324 = arith.mulf %mul3A_1323, %mul3A_1320 : vector<16xf32>
      %mul3A_1325 = arith.mulf %mul3A_1324, %mul3A_1320 : vector<16xf32>
      %sub3A_1326 = arith.constant 1.500000e+00 : f32
      %sub3A_1327 = vector.broadcast %sub3A_1326 : f32 to vector<16xf32>
      %sub3A_1328 = arith.subf %sub3A_1327, %mul3A_1325 : vector<16xf32>
      %mul3A_1329 = arith.mulf %mul3A_1320, %sub3A_1328 : vector<16xf32>
      %mul3A_1330 = arith.mulf %get3A_1213, %mul3A_1329 : vector<16xf32>
      %mul3A_1331 = arith.mulf %get3A_1217, %mul3A_1329 : vector<16xf32>
      %mul3A_1332 = arith.mulf %get3A_1221, %mul3A_1329 : vector<16xf32>
      %mul3A_1333 = arith.mulf %get3A_1225, %mul3A_1329 : vector<16xf32>
      %mul3A_1334 = arith.mulf %get3A_1229, %mul3A_1329 : vector<16xf32>
      %mul3A_1335 = arith.mulf %get3A_1233, %mul3A_1329 : vector<16xf32>
      %mul3A_1336 = arith.mulf %get3A_1237, %mul3A_1329 : vector<16xf32>
      %mul3A_1337 = arith.mulf %get3A_1241, %mul3A_1329 : vector<16xf32>
      %add3A_1338 = arith.addf %add3A_1198, %mul3A_1330 : vector<16xf32>
      %add3A_1339 = arith.addf %add3A_1199, %mul3A_1331 : vector<16xf32>
      %add3A_1340 = arith.addf %add3A_1200, %mul3A_1332 : vector<16xf32>
      %add3A_1341 = arith.addf %add3A_1201, %mul3A_1333 : vector<16xf32>
      %add3A_1342 = arith.addf %add3A_1202, %mul3A_1334 : vector<16xf32>
      %add3A_1343 = arith.addf %add3A_1203, %mul3A_1335 : vector<16xf32>
      %add3A_1344 = arith.addf %add3A_1204, %mul3A_1336 : vector<16xf32>
      %add3A_1345 = arith.addf %add3A_1205, %mul3A_1337 : vector<16xf32>
      %mul3A_1346 = arith.constant 20 : i32
      %mul3A_1347 = arith.muli %scan3A_99, %mul3A_1346 : i32
      %add3A_1348 = arith.constant 9 : i32
      %add3A_1349 = arith.addi %mul3A_1347, %add3A_1348 : i32
      %get3A_1350 = arith.index_cast %add3A_1349 : i32 to index
      %get3A_1351 = arith.constant 0 : index
      %get3A_1352 = tpu.vector_load %arg9[%get3A_1350, %get3A_1351] {strides = array<i32>} : memref<640x128xf32, #tpu.memory_space<vmem>>, vector<1x16xf32>,
      %get3A_1353 = vector.shape_cast %get3A_1352 : vector<1x16xf32> to vector<16xf32>
      %get3A_1354 = arith.index_cast %add3A_1349 : i32 to index
      %get3A_1355 = arith.constant 16 : index
      %get3A_1356 = tpu.vector_load %arg9[%get3A_1354, %get3A_1355] {strides = array<i32>} : memref<640x128xf32, #tpu.memory_space<vmem>>, vector<1x16xf32>,
      %get3A_1357 = vector.shape_cast %get3A_1356 : vector<1x16xf32> to vector<16xf32>
      %get3A_1358 = arith.index_cast %add3A_1349 : i32 to index
      %get3A_1359 = arith.constant 32 : index
      %get3A_1360 = tpu.vector_load %arg9[%get3A_1358, %get3A_1359] {strides = array<i32>} : memref<640x128xf32, #tpu.memory_space<vmem>>, vector<1x16xf32>,
      %get3A_1361 = vector.shape_cast %get3A_1360 : vector<1x16xf32> to vector<16xf32>
      %get3A_1362 = arith.index_cast %add3A_1349 : i32 to index
      %get3A_1363 = arith.constant 48 : index
      %get3A_1364 = tpu.vector_load %arg9[%get3A_1362, %get3A_1363] {strides = array<i32>} : memref<640x128xf32, #tpu.memory_space<vmem>>, vector<1x16xf32>,
      %get3A_1365 = vector.shape_cast %get3A_1364 : vector<1x16xf32> to vector<16xf32>
      %get3A_1366 = arith.index_cast %add3A_1349 : i32 to index
      %get3A_1367 = arith.constant 64 : index
      %get3A_1368 = tpu.vector_load %arg9[%get3A_1366, %get3A_1367] {strides = array<i32>} : memref<640x128xf32, #tpu.memory_space<vmem>>, vector<1x16xf32>,
      %get3A_1369 = vector.shape_cast %get3A_1368 : vector<1x16xf32> to vector<16xf32>
      %get3A_1370 = arith.index_cast %add3A_1349 : i32 to index
      %get3A_1371 = arith.constant 80 : index
      %get3A_1372 = tpu.vector_load %arg9[%get3A_1370, %get3A_1371] {strides = array<i32>} : memref<640x128xf32, #tpu.memory_space<vmem>>, vector<1x16xf32>,
      %get3A_1373 = vector.shape_cast %get3A_1372 : vector<1x16xf32> to vector<16xf32>
      %get3A_1374 = arith.index_cast %add3A_1349 : i32 to index
      %get3A_1375 = arith.constant 96 : index
      %get3A_1376 = tpu.vector_load %arg9[%get3A_1374, %get3A_1375] {strides = array<i32>} : memref<640x128xf32, #tpu.memory_space<vmem>>, vector<1x16xf32>,
      %get3A_1377 = vector.shape_cast %get3A_1376 : vector<1x16xf32> to vector<16xf32>
      %get3A_1378 = arith.index_cast %add3A_1349 : i32 to index
      %get3A_1379 = arith.constant 112 : index
      %get3A_1380 = tpu.vector_load %arg9[%get3A_1378, %get3A_1379] {strides = array<i32>} : memref<640x128xf32, #tpu.memory_space<vmem>>, vector<1x16xf32>,
      %get3A_1381 = vector.shape_cast %get3A_1380 : vector<1x16xf32> to vector<16xf32>
      %mul3A_1382 = arith.mulf %get3A_1353, %get3A_1353 : vector<16xf32>
      %mul3A_1383 = arith.mulf %get3A_1357, %get3A_1357 : vector<16xf32>
      %add3A_1384 = arith.addf %mul3A_1382, %mul3A_1383 : vector<16xf32>
      %mul3A_1385 = arith.mulf %get3A_1361, %get3A_1361 : vector<16xf32>
      %add3A_1386 = arith.addf %add3A_1384, %mul3A_1385 : vector<16xf32>
      %mul3A_1387 = arith.mulf %get3A_1365, %get3A_1365 : vector<16xf32>
      %add3A_1388 = arith.addf %add3A_1386, %mul3A_1387 : vector<16xf32>
      %mul3A_1389 = arith.mulf %get3A_1369, %get3A_1369 : vector<16xf32>
      %add3A_1390 = arith.addf %add3A_1388, %mul3A_1389 : vector<16xf32>
      %mul3A_1391 = arith.mulf %get3A_1373, %get3A_1373 : vector<16xf32>
      %add3A_1392 = arith.addf %add3A_1390, %mul3A_1391 : vector<16xf32>
      %mul3A_1393 = arith.mulf %get3A_1377, %get3A_1377 : vector<16xf32>
      %add3A_1394 = arith.addf %add3A_1392, %mul3A_1393 : vector<16xf32>
      %mul3A_1395 = arith.mulf %get3A_1381, %get3A_1381 : vector<16xf32>
      %add3A_1396 = arith.addf %add3A_1394, %mul3A_1395 : vector<16xf32>
      %slice3A_1397 = vector.extract_strided_slice %add3A_1396 {offsets = [0], sizes = [1], strides = [1]} : vector<16xf32> to vector<1xf32>
      %squeeze3A_1398 = vector.extract %slice3A_1397[0] : f32 from vector<1xf32>
      %slice3A_1399 = vector.extract_strided_slice %add3A_1396 {offsets = [1], sizes = [1], strides = [1]} : vector<16xf32> to vector<1xf32>
      %squeeze3A_1400 = vector.extract %slice3A_1399[0] : f32 from vector<1xf32>
      %add3A_1401 = arith.addf %squeeze3A_1398, %squeeze3A_1400 : f32
      %slice3A_1402 = vector.extract_strided_slice %add3A_1396 {offsets = [2], sizes = [1], strides = [1]} : vector<16xf32> to vector<1xf32>
      %squeeze3A_1403 = vector.extract %slice3A_1402[0] : f32 from vector<1xf32>
      %add3A_1404 = arith.addf %add3A_1401, %squeeze3A_1403 : f32
      %slice3A_1405 = vector.extract_strided_slice %add3A_1396 {offsets = [3], sizes = [1], strides = [1]} : vector<16xf32> to vector<1xf32>
      %squeeze3A_1406 = vector.extract %slice3A_1405[0] : f32 from vector<1xf32>
      %add3A_1407 = arith.addf %add3A_1404, %squeeze3A_1406 : f32
      %slice3A_1408 = vector.extract_strided_slice %add3A_1396 {offsets = [4], sizes = [1], strides = [1]} : vector<16xf32> to vector<1xf32>
      %squeeze3A_1409 = vector.extract %slice3A_1408[0] : f32 from vector<1xf32>
      %add3A_1410 = arith.addf %add3A_1407, %squeeze3A_1409 : f32
      %slice3A_1411 = vector.extract_strided_slice %add3A_1396 {offsets = [5], sizes = [1], strides = [1]} : vector<16xf32> to vector<1xf32>
      %squeeze3A_1412 = vector.extract %slice3A_1411[0] : f32 from vector<1xf32>
      %add3A_1413 = arith.addf %add3A_1410, %squeeze3A_1412 : f32
      %slice3A_1414 = vector.extract_strided_slice %add3A_1396 {offsets = [6], sizes = [1], strides = [1]} : vector<16xf32> to vector<1xf32>
      %squeeze3A_1415 = vector.extract %slice3A_1414[0] : f32 from vector<1xf32>
      %add3A_1416 = arith.addf %add3A_1413, %squeeze3A_1415 : f32
      %slice3A_1417 = vector.extract_strided_slice %add3A_1396 {offsets = [7], sizes = [1], strides = [1]} : vector<16xf32> to vector<1xf32>
      %squeeze3A_1418 = vector.extract %slice3A_1417[0] : f32 from vector<1xf32>
      %add3A_1419 = arith.addf %add3A_1416, %squeeze3A_1418 : f32
      %slice3A_1420 = vector.extract_strided_slice %add3A_1396 {offsets = [8], sizes = [1], strides = [1]} : vector<16xf32> to vector<1xf32>
      %squeeze3A_1421 = vector.extract %slice3A_1420[0] : f32 from vector<1xf32>
      %add3A_1422 = arith.addf %add3A_1419, %squeeze3A_1421 : f32
      %slice3A_1423 = vector.extract_strided_slice %add3A_1396 {offsets = [9], sizes = [1], strides = [1]} : vector<16xf32> to vector<1xf32>
      %squeeze3A_1424 = vector.extract %slice3A_1423[0] : f32 from vector<1xf32>
      %add3A_1425 = arith.addf %add3A_1422, %squeeze3A_1424 : f32
      %slice3A_1426 = vector.extract_strided_slice %add3A_1396 {offsets = [10], sizes = [1], strides = [1]} : vector<16xf32> to vector<1xf32>
      %squeeze3A_1427 = vector.extract %slice3A_1426[0] : f32 from vector<1xf32>
      %add3A_1428 = arith.addf %add3A_1425, %squeeze3A_1427 : f32
      %slice3A_1429 = vector.extract_strided_slice %add3A_1396 {offsets = [11], sizes = [1], strides = [1]} : vector<16xf32> to vector<1xf32>
      %squeeze3A_1430 = vector.extract %slice3A_1429[0] : f32 from vector<1xf32>
      %add3A_1431 = arith.addf %add3A_1428, %squeeze3A_1430 : f32
      %slice3A_1432 = vector.extract_strided_slice %add3A_1396 {offsets = [12], sizes = [1], strides = [1]} : vector<16xf32> to vector<1xf32>
      %squeeze3A_1433 = vector.extract %slice3A_1432[0] : f32 from vector<1xf32>
      %add3A_1434 = arith.addf %add3A_1431, %squeeze3A_1433 : f32
      %slice3A_1435 = vector.extract_strided_slice %add3A_1396 {offsets = [13], sizes = [1], strides = [1]} : vector<16xf32> to vector<1xf32>
      %squeeze3A_1436 = vector.extract %slice3A_1435[0] : f32 from vector<1xf32>
      %add3A_1437 = arith.addf %add3A_1434, %squeeze3A_1436 : f32
      %slice3A_1438 = vector.extract_strided_slice %add3A_1396 {offsets = [14], sizes = [1], strides = [1]} : vector<16xf32> to vector<1xf32>
      %squeeze3A_1439 = vector.extract %slice3A_1438[0] : f32 from vector<1xf32>
      %add3A_1440 = arith.addf %add3A_1437, %squeeze3A_1439 : f32
      %slice3A_1441 = vector.extract_strided_slice %add3A_1396 {offsets = [15], sizes = [1], strides = [1]} : vector<16xf32> to vector<1xf32>
      %squeeze3A_1442 = vector.extract %slice3A_1441[0] : f32 from vector<1xf32>
      %add3A_1443 = arith.addf %add3A_1440, %squeeze3A_1442 : f32
      %bitcast_convert_type3A_1444 = arith.bitcast %add3A_1443 : f32 to i32
      %shift_right_logical3A_1445 = arith.constant 1 : i32
      %shift_right_logical3A_1446 = arith.shrui %bitcast_convert_type3A_1444, %shift_right_logical3A_1445 : i32
      %sub3A_1447 = arith.constant 1597463007 : i32
      %sub3A_1448 = arith.subi %sub3A_1447, %shift_right_logical3A_1446 : i32
      %bitcast_convert_type3A_1449 = arith.bitcast %sub3A_1448 : i32 to f32
      %broadcast_in_dim3A_1450 = vector.broadcast %bitcast_convert_type3A_1449 : f32 to vector<16xf32>
      %broadcast_in_dim3A_1451 = vector.broadcast %add3A_1443 : f32 to vector<16xf32>
      %mul3A_1452 = arith.constant 5.000000e-01 : f32
      %mul3A_1453 = vector.broadcast %mul3A_1452 : f32 to vector<16xf32>
      %mul3A_1454 = arith.mulf %mul3A_1453, %broadcast_in_dim3A_1451 : vector<16xf32>
      %mul3A_1455 = arith.mulf %mul3A_1454, %broadcast_in_dim3A_1450 : vector<16xf32>
      %mul3A_1456 = arith.mulf %mul3A_1455, %broadcast_in_dim3A_1450 : vector<16xf32>
      %sub3A_1457 = arith.constant 1.500000e+00 : f32
      %sub3A_1458 = vector.broadcast %sub3A_1457 : f32 to vector<16xf32>
      %sub3A_1459 = arith.subf %sub3A_1458, %mul3A_1456 : vector<16xf32>
      %mul3A_1460 = arith.mulf %broadcast_in_dim3A_1450, %sub3A_1459 : vector<16xf32>
      %mul3A_1461 = arith.constant 5.000000e-01 : f32
      %mul3A_1462 = vector.broadcast %mul3A_1461 : f32 to vector<16xf32>
      %mul3A_1463 = arith.mulf %mul3A_1462, %broadcast_in_dim3A_1451 : vector<16xf32>
      %mul3A_1464 = arith.mulf %mul3A_1463, %mul3A_1460 : vector<16xf32>
      %mul3A_1465 = arith.mulf %mul3A_1464, %mul3A_1460 : vector<16xf32>
      %sub3A_1466 = arith.constant 1.500000e+00 : f32
      %sub3A_1467 = vector.broadcast %sub3A_1466 : f32 to vector<16xf32>
      %sub3A_1468 = arith.subf %sub3A_1467, %mul3A_1465 : vector<16xf32>
      %mul3A_1469 = arith.mulf %mul3A_1460, %sub3A_1468 : vector<16xf32>
      %mul3A_1470 = arith.mulf %get3A_1353, %mul3A_1469 : vector<16xf32>
      %mul3A_1471 = arith.mulf %get3A_1357, %mul3A_1469 : vector<16xf32>
      %mul3A_1472 = arith.mulf %get3A_1361, %mul3A_1469 : vector<16xf32>
      %mul3A_1473 = arith.mulf %get3A_1365, %mul3A_1469 : vector<16xf32>
      %mul3A_1474 = arith.mulf %get3A_1369, %mul3A_1469 : vector<16xf32>
      %mul3A_1475 = arith.mulf %get3A_1373, %mul3A_1469 : vector<16xf32>
      %mul3A_1476 = arith.mulf %get3A_1377, %mul3A_1469 : vector<16xf32>
      %mul3A_1477 = arith.mulf %get3A_1381, %mul3A_1469 : vector<16xf32>
      %add3A_1478 = arith.addf %add3A_1338, %mul3A_1470 : vector<16xf32>
      %add3A_1479 = arith.addf %add3A_1339, %mul3A_1471 : vector<16xf32>
      %add3A_1480 = arith.addf %add3A_1340, %mul3A_1472 : vector<16xf32>
      %add3A_1481 = arith.addf %add3A_1341, %mul3A_1473 : vector<16xf32>
      %add3A_1482 = arith.addf %add3A_1342, %mul3A_1474 : vector<16xf32>
      %add3A_1483 = arith.addf %add3A_1343, %mul3A_1475 : vector<16xf32>
      %add3A_1484 = arith.addf %add3A_1344, %mul3A_1476 : vector<16xf32>
      %add3A_1485 = arith.addf %add3A_1345, %mul3A_1477 : vector<16xf32>
      %mul3A_1486 = arith.constant 20 : i32
      %mul3A_1487 = arith.muli %scan3A_99, %mul3A_1486 : i32
      %add3A_1488 = arith.constant 10 : i32
      %add3A_1489 = arith.addi %mul3A_1487, %add3A_1488 : i32
      %get3A_1490 = arith.index_cast %add3A_1489 : i32 to index
      %get3A_1491 = arith.constant 0 : index
      %get3A_1492 = tpu.vector_load %arg9[%get3A_1490, %get3A_1491] {strides = array<i32>} : memref<640x128xf32, #tpu.memory_space<vmem>>, vector<1x16xf32>,
      %get3A_1493 = vector.shape_cast %get3A_1492 : vector<1x16xf32> to vector<16xf32>
      %get3A_1494 = arith.index_cast %add3A_1489 : i32 to index
      %get3A_1495 = arith.constant 16 : index
      %get3A_1496 = tpu.vector_load %arg9[%get3A_1494, %get3A_1495] {strides = array<i32>} : memref<640x128xf32, #tpu.memory_space<vmem>>, vector<1x16xf32>,
      %get3A_1497 = vector.shape_cast %get3A_1496 : vector<1x16xf32> to vector<16xf32>
      %get3A_1498 = arith.index_cast %add3A_1489 : i32 to index
      %get3A_1499 = arith.constant 32 : index
      %get3A_1500 = tpu.vector_load %arg9[%get3A_1498, %get3A_1499] {strides = array<i32>} : memref<640x128xf32, #tpu.memory_space<vmem>>, vector<1x16xf32>,
      %get3A_1501 = vector.shape_cast %get3A_1500 : vector<1x16xf32> to vector<16xf32>
      %get3A_1502 = arith.index_cast %add3A_1489 : i32 to index
      %get3A_1503 = arith.constant 48 : index
      %get3A_1504 = tpu.vector_load %arg9[%get3A_1502, %get3A_1503] {strides = array<i32>} : memref<640x128xf32, #tpu.memory_space<vmem>>, vector<1x16xf32>,
      %get3A_1505 = vector.shape_cast %get3A_1504 : vector<1x16xf32> to vector<16xf32>
      %get3A_1506 = arith.index_cast %add3A_1489 : i32 to index
      %get3A_1507 = arith.constant 64 : index
      %get3A_1508 = tpu.vector_load %arg9[%get3A_1506, %get3A_1507] {strides = array<i32>} : memref<640x128xf32, #tpu.memory_space<vmem>>, vector<1x16xf32>,
      %get3A_1509 = vector.shape_cast %get3A_1508 : vector<1x16xf32> to vector<16xf32>
      %get3A_1510 = arith.index_cast %add3A_1489 : i32 to index
      %get3A_1511 = arith.constant 80 : index
      %get3A_1512 = tpu.vector_load %arg9[%get3A_1510, %get3A_1511] {strides = array<i32>} : memref<640x128xf32, #tpu.memory_space<vmem>>, vector<1x16xf32>,
      %get3A_1513 = vector.shape_cast %get3A_1512 : vector<1x16xf32> to vector<16xf32>
      %get3A_1514 = arith.index_cast %add3A_1489 : i32 to index
      %get3A_1515 = arith.constant 96 : index
      %get3A_1516 = tpu.vector_load %arg9[%get3A_1514, %get3A_1515] {strides = array<i32>} : memref<640x128xf32, #tpu.memory_space<vmem>>, vector<1x16xf32>,
      %get3A_1517 = vector.shape_cast %get3A_1516 : vector<1x16xf32> to vector<16xf32>
      %get3A_1518 = arith.index_cast %add3A_1489 : i32 to index
      %get3A_1519 = arith.constant 112 : index
      %get3A_1520 = tpu.vector_load %arg9[%get3A_1518, %get3A_1519] {strides = array<i32>} : memref<640x128xf32, #tpu.memory_space<vmem>>, vector<1x16xf32>,
      %get3A_1521 = vector.shape_cast %get3A_1520 : vector<1x16xf32> to vector<16xf32>
      %mul3A_1522 = arith.mulf %get3A_1493, %get3A_1493 : vector<16xf32>
      %mul3A_1523 = arith.mulf %get3A_1497, %get3A_1497 : vector<16xf32>
      %add3A_1524 = arith.addf %mul3A_1522, %mul3A_1523 : vector<16xf32>
      %mul3A_1525 = arith.mulf %get3A_1501, %get3A_1501 : vector<16xf32>
      %add3A_1526 = arith.addf %add3A_1524, %mul3A_1525 : vector<16xf32>
      %mul3A_1527 = arith.mulf %get3A_1505, %get3A_1505 : vector<16xf32>
      %add3A_1528 = arith.addf %add3A_1526, %mul3A_1527 : vector<16xf32>
      %mul3A_1529 = arith.mulf %get3A_1509, %get3A_1509 : vector<16xf32>
      %add3A_1530 = arith.addf %add3A_1528, %mul3A_1529 : vector<16xf32>
      %mul3A_1531 = arith.mulf %get3A_1513, %get3A_1513 : vector<16xf32>
      %add3A_1532 = arith.addf %add3A_1530, %mul3A_1531 : vector<16xf32>
      %mul3A_1533 = arith.mulf %get3A_1517, %get3A_1517 : vector<16xf32>
      %add3A_1534 = arith.addf %add3A_1532, %mul3A_1533 : vector<16xf32>
      %mul3A_1535 = arith.mulf %get3A_1521, %get3A_1521 : vector<16xf32>
      %add3A_1536 = arith.addf %add3A_1534, %mul3A_1535 : vector<16xf32>
      %slice3A_1537 = vector.extract_strided_slice %add3A_1536 {offsets = [0], sizes = [1], strides = [1]} : vector<16xf32> to vector<1xf32>
      %squeeze3A_1538 = vector.extract %slice3A_1537[0] : f32 from vector<1xf32>
      %slice3A_1539 = vector.extract_strided_slice %add3A_1536 {offsets = [1], sizes = [1], strides = [1]} : vector<16xf32> to vector<1xf32>
      %squeeze3A_1540 = vector.extract %slice3A_1539[0] : f32 from vector<1xf32>
      %add3A_1541 = arith.addf %squeeze3A_1538, %squeeze3A_1540 : f32
      %slice3A_1542 = vector.extract_strided_slice %add3A_1536 {offsets = [2], sizes = [1], strides = [1]} : vector<16xf32> to vector<1xf32>
      %squeeze3A_1543 = vector.extract %slice3A_1542[0] : f32 from vector<1xf32>
      %add3A_1544 = arith.addf %add3A_1541, %squeeze3A_1543 : f32
      %slice3A_1545 = vector.extract_strided_slice %add3A_1536 {offsets = [3], sizes = [1], strides = [1]} : vector<16xf32> to vector<1xf32>
      %squeeze3A_1546 = vector.extract %slice3A_1545[0] : f32 from vector<1xf32>
      %add3A_1547 = arith.addf %add3A_1544, %squeeze3A_1546 : f32
      %slice3A_1548 = vector.extract_strided_slice %add3A_1536 {offsets = [4], sizes = [1], strides = [1]} : vector<16xf32> to vector<1xf32>
      %squeeze3A_1549 = vector.extract %slice3A_1548[0] : f32 from vector<1xf32>
      %add3A_1550 = arith.addf %add3A_1547, %squeeze3A_1549 : f32
      %slice3A_1551 = vector.extract_strided_slice %add3A_1536 {offsets = [5], sizes = [1], strides = [1]} : vector<16xf32> to vector<1xf32>
      %squeeze3A_1552 = vector.extract %slice3A_1551[0] : f32 from vector<1xf32>
      %add3A_1553 = arith.addf %add3A_1550, %squeeze3A_1552 : f32
      %slice3A_1554 = vector.extract_strided_slice %add3A_1536 {offsets = [6], sizes = [1], strides = [1]} : vector<16xf32> to vector<1xf32>
      %squeeze3A_1555 = vector.extract %slice3A_1554[0] : f32 from vector<1xf32>
      %add3A_1556 = arith.addf %add3A_1553, %squeeze3A_1555 : f32
      %slice3A_1557 = vector.extract_strided_slice %add3A_1536 {offsets = [7], sizes = [1], strides = [1]} : vector<16xf32> to vector<1xf32>
      %squeeze3A_1558 = vector.extract %slice3A_1557[0] : f32 from vector<1xf32>
      %add3A_1559 = arith.addf %add3A_1556, %squeeze3A_1558 : f32
      %slice3A_1560 = vector.extract_strided_slice %add3A_1536 {offsets = [8], sizes = [1], strides = [1]} : vector<16xf32> to vector<1xf32>
      %squeeze3A_1561 = vector.extract %slice3A_1560[0] : f32 from vector<1xf32>
      %add3A_1562 = arith.addf %add3A_1559, %squeeze3A_1561 : f32
      %slice3A_1563 = vector.extract_strided_slice %add3A_1536 {offsets = [9], sizes = [1], strides = [1]} : vector<16xf32> to vector<1xf32>
      %squeeze3A_1564 = vector.extract %slice3A_1563[0] : f32 from vector<1xf32>
      %add3A_1565 = arith.addf %add3A_1562, %squeeze3A_1564 : f32
      %slice3A_1566 = vector.extract_strided_slice %add3A_1536 {offsets = [10], sizes = [1], strides = [1]} : vector<16xf32> to vector<1xf32>
      %squeeze3A_1567 = vector.extract %slice3A_1566[0] : f32 from vector<1xf32>
      %add3A_1568 = arith.addf %add3A_1565, %squeeze3A_1567 : f32
      %slice3A_1569 = vector.extract_strided_slice %add3A_1536 {offsets = [11], sizes = [1], strides = [1]} : vector<16xf32> to vector<1xf32>
      %squeeze3A_1570 = vector.extract %slice3A_1569[0] : f32 from vector<1xf32>
      %add3A_1571 = arith.addf %add3A_1568, %squeeze3A_1570 : f32
      %slice3A_1572 = vector.extract_strided_slice %add3A_1536 {offsets = [12], sizes = [1], strides = [1]} : vector<16xf32> to vector<1xf32>
      %squeeze3A_1573 = vector.extract %slice3A_1572[0] : f32 from vector<1xf32>
      %add3A_1574 = arith.addf %add3A_1571, %squeeze3A_1573 : f32
      %slice3A_1575 = vector.extract_strided_slice %add3A_1536 {offsets = [13], sizes = [1], strides = [1]} : vector<16xf32> to vector<1xf32>
      %squeeze3A_1576 = vector.extract %slice3A_1575[0] : f32 from vector<1xf32>
      %add3A_1577 = arith.addf %add3A_1574, %squeeze3A_1576 : f32
      %slice3A_1578 = vector.extract_strided_slice %add3A_1536 {offsets = [14], sizes = [1], strides = [1]} : vector<16xf32> to vector<1xf32>
      %squeeze3A_1579 = vector.extract %slice3A_1578[0] : f32 from vector<1xf32>
      %add3A_1580 = arith.addf %add3A_1577, %squeeze3A_1579 : f32
      %slice3A_1581 = vector.extract_strided_slice %add3A_1536 {offsets = [15], sizes = [1], strides = [1]} : vector<16xf32> to vector<1xf32>
      %squeeze3A_1582 = vector.extract %slice3A_1581[0] : f32 from vector<1xf32>
      %add3A_1583 = arith.addf %add3A_1580, %squeeze3A_1582 : f32
      %bitcast_convert_type3A_1584 = arith.bitcast %add3A_1583 : f32 to i32
      %shift_right_logical3A_1585 = arith.constant 1 : i32
      %shift_right_logical3A_1586 = arith.shrui %bitcast_convert_type3A_1584, %shift_right_logical3A_1585 : i32
      %sub3A_1587 = arith.constant 1597463007 : i32
      %sub3A_1588 = arith.subi %sub3A_1587, %shift_right_logical3A_1586 : i32
      %bitcast_convert_type3A_1589 = arith.bitcast %sub3A_1588 : i32 to f32
      %broadcast_in_dim3A_1590 = vector.broadcast %bitcast_convert_type3A_1589 : f32 to vector<16xf32>
      %broadcast_in_dim3A_1591 = vector.broadcast %add3A_1583 : f32 to vector<16xf32>
      %mul3A_1592 = arith.constant 5.000000e-01 : f32
      %mul3A_1593 = vector.broadcast %mul3A_1592 : f32 to vector<16xf32>
      %mul3A_1594 = arith.mulf %mul3A_1593, %broadcast_in_dim3A_1591 : vector<16xf32>
      %mul3A_1595 = arith.mulf %mul3A_1594, %broadcast_in_dim3A_1590 : vector<16xf32>
      %mul3A_1596 = arith.mulf %mul3A_1595, %broadcast_in_dim3A_1590 : vector<16xf32>
      %sub3A_1597 = arith.constant 1.500000e+00 : f32
      %sub3A_1598 = vector.broadcast %sub3A_1597 : f32 to vector<16xf32>
      %sub3A_1599 = arith.subf %sub3A_1598, %mul3A_1596 : vector<16xf32>
      %mul3A_1600 = arith.mulf %broadcast_in_dim3A_1590, %sub3A_1599 : vector<16xf32>
      %mul3A_1601 = arith.constant 5.000000e-01 : f32
      %mul3A_1602 = vector.broadcast %mul3A_1601 : f32 to vector<16xf32>
      %mul3A_1603 = arith.mulf %mul3A_1602, %broadcast_in_dim3A_1591 : vector<16xf32>
      %mul3A_1604 = arith.mulf %mul3A_1603, %mul3A_1600 : vector<16xf32>
      %mul3A_1605 = arith.mulf %mul3A_1604, %mul3A_1600 : vector<16xf32>
      %sub3A_1606 = arith.constant 1.500000e+00 : f32
      %sub3A_1607 = vector.broadcast %sub3A_1606 : f32 to vector<16xf32>
      %sub3A_1608 = arith.subf %sub3A_1607, %mul3A_1605 : vector<16xf32>
      %mul3A_1609 = arith.mulf %mul3A_1600, %sub3A_1608 : vector<16xf32>
      %mul3A_1610 = arith.mulf %get3A_1493, %mul3A_1609 : vector<16xf32>
      %mul3A_1611 = arith.mulf %get3A_1497, %mul3A_1609 : vector<16xf32>
      %mul3A_1612 = arith.mulf %get3A_1501, %mul3A_1609 : vector<16xf32>
      %mul3A_1613 = arith.mulf %get3A_1505, %mul3A_1609 : vector<16xf32>
      %mul3A_1614 = arith.mulf %get3A_1509, %mul3A_1609 : vector<16xf32>
      %mul3A_1615 = arith.mulf %get3A_1513, %mul3A_1609 : vector<16xf32>
      %mul3A_1616 = arith.mulf %get3A_1517, %mul3A_1609 : vector<16xf32>
      %mul3A_1617 = arith.mulf %get3A_1521, %mul3A_1609 : vector<16xf32>
      %add3A_1618 = arith.addf %add3A_1478, %mul3A_1610 : vector<16xf32>
      %add3A_1619 = arith.addf %add3A_1479, %mul3A_1611 : vector<16xf32>
      %add3A_1620 = arith.addf %add3A_1480, %mul3A_1612 : vector<16xf32>
      %add3A_1621 = arith.addf %add3A_1481, %mul3A_1613 : vector<16xf32>
      %add3A_1622 = arith.addf %add3A_1482, %mul3A_1614 : vector<16xf32>
      %add3A_1623 = arith.addf %add3A_1483, %mul3A_1615 : vector<16xf32>
      %add3A_1624 = arith.addf %add3A_1484, %mul3A_1616 : vector<16xf32>
      %add3A_1625 = arith.addf %add3A_1485, %mul3A_1617 : vector<16xf32>
      %mul3A_1626 = arith.constant 20 : i32
      %mul3A_1627 = arith.muli %scan3A_99, %mul3A_1626 : i32
      %add3A_1628 = arith.constant 11 : i32
      %add3A_1629 = arith.addi %mul3A_1627, %add3A_1628 : i32
      %get3A_1630 = arith.index_cast %add3A_1629 : i32 to index
      %get3A_1631 = arith.constant 0 : index
      %get3A_1632 = tpu.vector_load %arg9[%get3A_1630, %get3A_1631] {strides = array<i32>} : memref<640x128xf32, #tpu.memory_space<vmem>>, vector<1x16xf32>,
      %get3A_1633 = vector.shape_cast %get3A_1632 : vector<1x16xf32> to vector<16xf32>
      %get3A_1634 = arith.index_cast %add3A_1629 : i32 to index
      %get3A_1635 = arith.constant 16 : index
      %get3A_1636 = tpu.vector_load %arg9[%get3A_1634, %get3A_1635] {strides = array<i32>} : memref<640x128xf32, #tpu.memory_space<vmem>>, vector<1x16xf32>,
      %get3A_1637 = vector.shape_cast %get3A_1636 : vector<1x16xf32> to vector<16xf32>
      %get3A_1638 = arith.index_cast %add3A_1629 : i32 to index
      %get3A_1639 = arith.constant 32 : index
      %get3A_1640 = tpu.vector_load %arg9[%get3A_1638, %get3A_1639] {strides = array<i32>} : memref<640x128xf32, #tpu.memory_space<vmem>>, vector<1x16xf32>,
      %get3A_1641 = vector.shape_cast %get3A_1640 : vector<1x16xf32> to vector<16xf32>
      %get3A_1642 = arith.index_cast %add3A_1629 : i32 to index
      %get3A_1643 = arith.constant 48 : index
      %get3A_1644 = tpu.vector_load %arg9[%get3A_1642, %get3A_1643] {strides = array<i32>} : memref<640x128xf32, #tpu.memory_space<vmem>>, vector<1x16xf32>,
      %get3A_1645 = vector.shape_cast %get3A_1644 : vector<1x16xf32> to vector<16xf32>
      %get3A_1646 = arith.index_cast %add3A_1629 : i32 to index
      %get3A_1647 = arith.constant 64 : index
      %get3A_1648 = tpu.vector_load %arg9[%get3A_1646, %get3A_1647] {strides = array<i32>} : memref<640x128xf32, #tpu.memory_space<vmem>>, vector<1x16xf32>,
      %get3A_1649 = vector.shape_cast %get3A_1648 : vector<1x16xf32> to vector<16xf32>
      %get3A_1650 = arith.index_cast %add3A_1629 : i32 to index
      %get3A_1651 = arith.constant 80 : index
      %get3A_1652 = tpu.vector_load %arg9[%get3A_1650, %get3A_1651] {strides = array<i32>} : memref<640x128xf32, #tpu.memory_space<vmem>>, vector<1x16xf32>,
      %get3A_1653 = vector.shape_cast %get3A_1652 : vector<1x16xf32> to vector<16xf32>
      %get3A_1654 = arith.index_cast %add3A_1629 : i32 to index
      %get3A_1655 = arith.constant 96 : index
      %get3A_1656 = tpu.vector_load %arg9[%get3A_1654, %get3A_1655] {strides = array<i32>} : memref<640x128xf32, #tpu.memory_space<vmem>>, vector<1x16xf32>,
      %get3A_1657 = vector.shape_cast %get3A_1656 : vector<1x16xf32> to vector<16xf32>
      %get3A_1658 = arith.index_cast %add3A_1629 : i32 to index
      %get3A_1659 = arith.constant 112 : index
      %get3A_1660 = tpu.vector_load %arg9[%get3A_1658, %get3A_1659] {strides = array<i32>} : memref<640x128xf32, #tpu.memory_space<vmem>>, vector<1x16xf32>,
      %get3A_1661 = vector.shape_cast %get3A_1660 : vector<1x16xf32> to vector<16xf32>
      %mul3A_1662 = arith.mulf %get3A_1633, %get3A_1633 : vector<16xf32>
      %mul3A_1663 = arith.mulf %get3A_1637, %get3A_1637 : vector<16xf32>
      %add3A_1664 = arith.addf %mul3A_1662, %mul3A_1663 : vector<16xf32>
      %mul3A_1665 = arith.mulf %get3A_1641, %get3A_1641 : vector<16xf32>
      %add3A_1666 = arith.addf %add3A_1664, %mul3A_1665 : vector<16xf32>
      %mul3A_1667 = arith.mulf %get3A_1645, %get3A_1645 : vector<16xf32>
      %add3A_1668 = arith.addf %add3A_1666, %mul3A_1667 : vector<16xf32>
      %mul3A_1669 = arith.mulf %get3A_1649, %get3A_1649 : vector<16xf32>
      %add3A_1670 = arith.addf %add3A_1668, %mul3A_1669 : vector<16xf32>
      %mul3A_1671 = arith.mulf %get3A_1653, %get3A_1653 : vector<16xf32>
      %add3A_1672 = arith.addf %add3A_1670, %mul3A_1671 : vector<16xf32>
      %mul3A_1673 = arith.mulf %get3A_1657, %get3A_1657 : vector<16xf32>
      %add3A_1674 = arith.addf %add3A_1672, %mul3A_1673 : vector<16xf32>
      %mul3A_1675 = arith.mulf %get3A_1661, %get3A_1661 : vector<16xf32>
      %add3A_1676 = arith.addf %add3A_1674, %mul3A_1675 : vector<16xf32>
      %slice3A_1677 = vector.extract_strided_slice %add3A_1676 {offsets = [0], sizes = [1], strides = [1]} : vector<16xf32> to vector<1xf32>
      %squeeze3A_1678 = vector.extract %slice3A_1677[0] : f32 from vector<1xf32>
      %slice3A_1679 = vector.extract_strided_slice %add3A_1676 {offsets = [1], sizes = [1], strides = [1]} : vector<16xf32> to vector<1xf32>
      %squeeze3A_1680 = vector.extract %slice3A_1679[0] : f32 from vector<1xf32>
      %add3A_1681 = arith.addf %squeeze3A_1678, %squeeze3A_1680 : f32
      %slice3A_1682 = vector.extract_strided_slice %add3A_1676 {offsets = [2], sizes = [1], strides = [1]} : vector<16xf32> to vector<1xf32>
      %squeeze3A_1683 = vector.extract %slice3A_1682[0] : f32 from vector<1xf32>
      %add3A_1684 = arith.addf %add3A_1681, %squeeze3A_1683 : f32
      %slice3A_1685 = vector.extract_strided_slice %add3A_1676 {offsets = [3], sizes = [1], strides = [1]} : vector<16xf32> to vector<1xf32>
      %squeeze3A_1686 = vector.extract %slice3A_1685[0] : f32 from vector<1xf32>
      %add3A_1687 = arith.addf %add3A_1684, %squeeze3A_1686 : f32
      %slice3A_1688 = vector.extract_strided_slice %add3A_1676 {offsets = [4], sizes = [1], strides = [1]} : vector<16xf32> to vector<1xf32>
      %squeeze3A_1689 = vector.extract %slice3A_1688[0] : f32 from vector<1xf32>
      %add3A_1690 = arith.addf %add3A_1687, %squeeze3A_1689 : f32
      %slice3A_1691 = vector.extract_strided_slice %add3A_1676 {offsets = [5], sizes = [1], strides = [1]} : vector<16xf32> to vector<1xf32>
      %squeeze3A_1692 = vector.extract %slice3A_1691[0] : f32 from vector<1xf32>
      %add3A_1693 = arith.addf %add3A_1690, %squeeze3A_1692 : f32
      %slice3A_1694 = vector.extract_strided_slice %add3A_1676 {offsets = [6], sizes = [1], strides = [1]} : vector<16xf32> to vector<1xf32>
      %squeeze3A_1695 = vector.extract %slice3A_1694[0] : f32 from vector<1xf32>
      %add3A_1696 = arith.addf %add3A_1693, %squeeze3A_1695 : f32
      %slice3A_1697 = vector.extract_strided_slice %add3A_1676 {offsets = [7], sizes = [1], strides = [1]} : vector<16xf32> to vector<1xf32>
      %squeeze3A_1698 = vector.extract %slice3A_1697[0] : f32 from vector<1xf32>
      %add3A_1699 = arith.addf %add3A_1696, %squeeze3A_1698 : f32
      %slice3A_1700 = vector.extract_strided_slice %add3A_1676 {offsets = [8], sizes = [1], strides = [1]} : vector<16xf32> to vector<1xf32>
      %squeeze3A_1701 = vector.extract %slice3A_1700[0] : f32 from vector<1xf32>
      %add3A_1702 = arith.addf %add3A_1699, %squeeze3A_1701 : f32
      %slice3A_1703 = vector.extract_strided_slice %add3A_1676 {offsets = [9], sizes = [1], strides = [1]} : vector<16xf32> to vector<1xf32>
      %squeeze3A_1704 = vector.extract %slice3A_1703[0] : f32 from vector<1xf32>
      %add3A_1705 = arith.addf %add3A_1702, %squeeze3A_1704 : f32
      %slice3A_1706 = vector.extract_strided_slice %add3A_1676 {offsets = [10], sizes = [1], strides = [1]} : vector<16xf32> to vector<1xf32>
      %squeeze3A_1707 = vector.extract %slice3A_1706[0] : f32 from vector<1xf32>
      %add3A_1708 = arith.addf %add3A_1705, %squeeze3A_1707 : f32
      %slice3A_1709 = vector.extract_strided_slice %add3A_1676 {offsets = [11], sizes = [1], strides = [1]} : vector<16xf32> to vector<1xf32>
      %squeeze3A_1710 = vector.extract %slice3A_1709[0] : f32 from vector<1xf32>
      %add3A_1711 = arith.addf %add3A_1708, %squeeze3A_1710 : f32
      %slice3A_1712 = vector.extract_strided_slice %add3A_1676 {offsets = [12], sizes = [1], strides = [1]} : vector<16xf32> to vector<1xf32>
      %squeeze3A_1713 = vector.extract %slice3A_1712[0] : f32 from vector<1xf32>
      %add3A_1714 = arith.addf %add3A_1711, %squeeze3A_1713 : f32
      %slice3A_1715 = vector.extract_strided_slice %add3A_1676 {offsets = [13], sizes = [1], strides = [1]} : vector<16xf32> to vector<1xf32>
      %squeeze3A_1716 = vector.extract %slice3A_1715[0] : f32 from vector<1xf32>
      %add3A_1717 = arith.addf %add3A_1714, %squeeze3A_1716 : f32
      %slice3A_1718 = vector.extract_strided_slice %add3A_1676 {offsets = [14], sizes = [1], strides = [1]} : vector<16xf32> to vector<1xf32>
      %squeeze3A_1719 = vector.extract %slice3A_1718[0] : f32 from vector<1xf32>
      %add3A_1720 = arith.addf %add3A_1717, %squeeze3A_1719 : f32
      %slice3A_1721 = vector.extract_strided_slice %add3A_1676 {offsets = [15], sizes = [1], strides = [1]} : vector<16xf32> to vector<1xf32>
      %squeeze3A_1722 = vector.extract %slice3A_1721[0] : f32 from vector<1xf32>
      %add3A_1723 = arith.addf %add3A_1720, %squeeze3A_1722 : f32
      %bitcast_convert_type3A_1724 = arith.bitcast %add3A_1723 : f32 to i32
      %shift_right_logical3A_1725 = arith.constant 1 : i32
      %shift_right_logical3A_1726 = arith.shrui %bitcast_convert_type3A_1724, %shift_right_logical3A_1725 : i32
      %sub3A_1727 = arith.constant 1597463007 : i32
      %sub3A_1728 = arith.subi %sub3A_1727, %shift_right_logical3A_1726 : i32
      %bitcast_convert_type3A_1729 = arith.bitcast %sub3A_1728 : i32 to f32
      %broadcast_in_dim3A_1730 = vector.broadcast %bitcast_convert_type3A_1729 : f32 to vector<16xf32>
      %broadcast_in_dim3A_1731 = vector.broadcast %add3A_1723 : f32 to vector<16xf32>
      %mul3A_1732 = arith.constant 5.000000e-01 : f32
      %mul3A_1733 = vector.broadcast %mul3A_1732 : f32 to vector<16xf32>
      %mul3A_1734 = arith.mulf %mul3A_1733, %broadcast_in_dim3A_1731 : vector<16xf32>
      %mul3A_1735 = arith.mulf %mul3A_1734, %broadcast_in_dim3A_1730 : vector<16xf32>
      %mul3A_1736 = arith.mulf %mul3A_1735, %broadcast_in_dim3A_1730 : vector<16xf32>
      %sub3A_1737 = arith.constant 1.500000e+00 : f32
      %sub3A_1738 = vector.broadcast %sub3A_1737 : f32 to vector<16xf32>
      %sub3A_1739 = arith.subf %sub3A_1738, %mul3A_1736 : vector<16xf32>
      %mul3A_1740 = arith.mulf %broadcast_in_dim3A_1730, %sub3A_1739 : vector<16xf32>
      %mul3A_1741 = arith.constant 5.000000e-01 : f32
      %mul3A_1742 = vector.broadcast %mul3A_1741 : f32 to vector<16xf32>
      %mul3A_1743 = arith.mulf %mul3A_1742, %broadcast_in_dim3A_1731 : vector<16xf32>
      %mul3A_1744 = arith.mulf %mul3A_1743, %mul3A_1740 : vector<16xf32>
      %mul3A_1745 = arith.mulf %mul3A_1744, %mul3A_1740 : vector<16xf32>
      %sub3A_1746 = arith.constant 1.500000e+00 : f32
      %sub3A_1747 = vector.broadcast %sub3A_1746 : f32 to vector<16xf32>
      %sub3A_1748 = arith.subf %sub3A_1747, %mul3A_1745 : vector<16xf32>
      %mul3A_1749 = arith.mulf %mul3A_1740, %sub3A_1748 : vector<16xf32>
      %mul3A_1750 = arith.mulf %get3A_1633, %mul3A_1749 : vector<16xf32>
      %mul3A_1751 = arith.mulf %get3A_1637, %mul3A_1749 : vector<16xf32>
      %mul3A_1752 = arith.mulf %get3A_1641, %mul3A_1749 : vector<16xf32>
      %mul3A_1753 = arith.mulf %get3A_1645, %mul3A_1749 : vector<16xf32>
      %mul3A_1754 = arith.mulf %get3A_1649, %mul3A_1749 : vector<16xf32>
      %mul3A_1755 = arith.mulf %get3A_1653, %mul3A_1749 : vector<16xf32>
      %mul3A_1756 = arith.mulf %get3A_1657, %mul3A_1749 : vector<16xf32>
      %mul3A_1757 = arith.mulf %get3A_1661, %mul3A_1749 : vector<16xf32>
      %add3A_1758 = arith.addf %add3A_1618, %mul3A_1750 : vector<16xf32>
      %add3A_1759 = arith.addf %add3A_1619, %mul3A_1751 : vector<16xf32>
      %add3A_1760 = arith.addf %add3A_1620, %mul3A_1752 : vector<16xf32>
      %add3A_1761 = arith.addf %add3A_1621, %mul3A_1753 : vector<16xf32>
      %add3A_1762 = arith.addf %add3A_1622, %mul3A_1754 : vector<16xf32>
      %add3A_1763 = arith.addf %add3A_1623, %mul3A_1755 : vector<16xf32>
      %add3A_1764 = arith.addf %add3A_1624, %mul3A_1756 : vector<16xf32>
      %add3A_1765 = arith.addf %add3A_1625, %mul3A_1757 : vector<16xf32>
      %mul3A_1766 = arith.constant 20 : i32
      %mul3A_1767 = arith.muli %scan3A_99, %mul3A_1766 : i32
      %add3A_1768 = arith.constant 12 : i32
      %add3A_1769 = arith.addi %mul3A_1767, %add3A_1768 : i32
      %get3A_1770 = arith.index_cast %add3A_1769 : i32 to index
      %get3A_1771 = arith.constant 0 : index
      %get3A_1772 = tpu.vector_load %arg9[%get3A_1770, %get3A_1771] {strides = array<i32>} : memref<640x128xf32, #tpu.memory_space<vmem>>, vector<1x16xf32>,
      %get3A_1773 = vector.shape_cast %get3A_1772 : vector<1x16xf32> to vector<16xf32>
      %get3A_1774 = arith.index_cast %add3A_1769 : i32 to index
      %get3A_1775 = arith.constant 16 : index
      %get3A_1776 = tpu.vector_load %arg9[%get3A_1774, %get3A_1775] {strides = array<i32>} : memref<640x128xf32, #tpu.memory_space<vmem>>, vector<1x16xf32>,
      %get3A_1777 = vector.shape_cast %get3A_1776 : vector<1x16xf32> to vector<16xf32>
      %get3A_1778 = arith.index_cast %add3A_1769 : i32 to index
      %get3A_1779 = arith.constant 32 : index
      %get3A_1780 = tpu.vector_load %arg9[%get3A_1778, %get3A_1779] {strides = array<i32>} : memref<640x128xf32, #tpu.memory_space<vmem>>, vector<1x16xf32>,
      %get3A_1781 = vector.shape_cast %get3A_1780 : vector<1x16xf32> to vector<16xf32>
      %get3A_1782 = arith.index_cast %add3A_1769 : i32 to index
      %get3A_1783 = arith.constant 48 : index
      %get3A_1784 = tpu.vector_load %arg9[%get3A_1782, %get3A_1783] {strides = array<i32>} : memref<640x128xf32, #tpu.memory_space<vmem>>, vector<1x16xf32>,
      %get3A_1785 = vector.shape_cast %get3A_1784 : vector<1x16xf32> to vector<16xf32>
      %get3A_1786 = arith.index_cast %add3A_1769 : i32 to index
      %get3A_1787 = arith.constant 64 : index
      %get3A_1788 = tpu.vector_load %arg9[%get3A_1786, %get3A_1787] {strides = array<i32>} : memref<640x128xf32, #tpu.memory_space<vmem>>, vector<1x16xf32>,
      %get3A_1789 = vector.shape_cast %get3A_1788 : vector<1x16xf32> to vector<16xf32>
      %get3A_1790 = arith.index_cast %add3A_1769 : i32 to index
      %get3A_1791 = arith.constant 80 : index
      %get3A_1792 = tpu.vector_load %arg9[%get3A_1790, %get3A_1791] {strides = array<i32>} : memref<640x128xf32, #tpu.memory_space<vmem>>, vector<1x16xf32>,
      %get3A_1793 = vector.shape_cast %get3A_1792 : vector<1x16xf32> to vector<16xf32>
      %get3A_1794 = arith.index_cast %add3A_1769 : i32 to index
      %get3A_1795 = arith.constant 96 : index
      %get3A_1796 = tpu.vector_load %arg9[%get3A_1794, %get3A_1795] {strides = array<i32>} : memref<640x128xf32, #tpu.memory_space<vmem>>, vector<1x16xf32>,
      %get3A_1797 = vector.shape_cast %get3A_1796 : vector<1x16xf32> to vector<16xf32>
      %get3A_1798 = arith.index_cast %add3A_1769 : i32 to index
      %get3A_1799 = arith.constant 112 : index
      %get3A_1800 = tpu.vector_load %arg9[%get3A_1798, %get3A_1799] {strides = array<i32>} : memref<640x128xf32, #tpu.memory_space<vmem>>, vector<1x16xf32>,
      %get3A_1801 = vector.shape_cast %get3A_1800 : vector<1x16xf32> to vector<16xf32>
      %mul3A_1802 = arith.mulf %get3A_1773, %get3A_1773 : vector<16xf32>
      %mul3A_1803 = arith.mulf %get3A_1777, %get3A_1777 : vector<16xf32>
      %add3A_1804 = arith.addf %mul3A_1802, %mul3A_1803 : vector<16xf32>
      %mul3A_1805 = arith.mulf %get3A_1781, %get3A_1781 : vector<16xf32>
      %add3A_1806 = arith.addf %add3A_1804, %mul3A_1805 : vector<16xf32>
      %mul3A_1807 = arith.mulf %get3A_1785, %get3A_1785 : vector<16xf32>
      %add3A_1808 = arith.addf %add3A_1806, %mul3A_1807 : vector<16xf32>
      %mul3A_1809 = arith.mulf %get3A_1789, %get3A_1789 : vector<16xf32>
      %add3A_1810 = arith.addf %add3A_1808, %mul3A_1809 : vector<16xf32>
      %mul3A_1811 = arith.mulf %get3A_1793, %get3A_1793 : vector<16xf32>
      %add3A_1812 = arith.addf %add3A_1810, %mul3A_1811 : vector<16xf32>
      %mul3A_1813 = arith.mulf %get3A_1797, %get3A_1797 : vector<16xf32>
      %add3A_1814 = arith.addf %add3A_1812, %mul3A_1813 : vector<16xf32>
      %mul3A_1815 = arith.mulf %get3A_1801, %get3A_1801 : vector<16xf32>
      %add3A_1816 = arith.addf %add3A_1814, %mul3A_1815 : vector<16xf32>
      %slice3A_1817 = vector.extract_strided_slice %add3A_1816 {offsets = [0], sizes = [1], strides = [1]} : vector<16xf32> to vector<1xf32>
      %squeeze3A_1818 = vector.extract %slice3A_1817[0] : f32 from vector<1xf32>
      %slice3A_1819 = vector.extract_strided_slice %add3A_1816 {offsets = [1], sizes = [1], strides = [1]} : vector<16xf32> to vector<1xf32>
      %squeeze3A_1820 = vector.extract %slice3A_1819[0] : f32 from vector<1xf32>
      %add3A_1821 = arith.addf %squeeze3A_1818, %squeeze3A_1820 : f32
      %slice3A_1822 = vector.extract_strided_slice %add3A_1816 {offsets = [2], sizes = [1], strides = [1]} : vector<16xf32> to vector<1xf32>
      %squeeze3A_1823 = vector.extract %slice3A_1822[0] : f32 from vector<1xf32>
      %add3A_1824 = arith.addf %add3A_1821, %squeeze3A_1823 : f32
      %slice3A_1825 = vector.extract_strided_slice %add3A_1816 {offsets = [3], sizes = [1], strides = [1]} : vector<16xf32> to vector<1xf32>
      %squeeze3A_1826 = vector.extract %slice3A_1825[0] : f32 from vector<1xf32>
      %add3A_1827 = arith.addf %add3A_1824, %squeeze3A_1826 : f32
      %slice3A_1828 = vector.extract_strided_slice %add3A_1816 {offsets = [4], sizes = [1], strides = [1]} : vector<16xf32> to vector<1xf32>
      %squeeze3A_1829 = vector.extract %slice3A_1828[0] : f32 from vector<1xf32>
      %add3A_1830 = arith.addf %add3A_1827, %squeeze3A_1829 : f32
      %slice3A_1831 = vector.extract_strided_slice %add3A_1816 {offsets = [5], sizes = [1], strides = [1]} : vector<16xf32> to vector<1xf32>
      %squeeze3A_1832 = vector.extract %slice3A_1831[0] : f32 from vector<1xf32>
      %add3A_1833 = arith.addf %add3A_1830, %squeeze3A_1832 : f32
      %slice3A_1834 = vector.extract_strided_slice %add3A_1816 {offsets = [6], sizes = [1], strides = [1]} : vector<16xf32> to vector<1xf32>
      %squeeze3A_1835 = vector.extract %slice3A_1834[0] : f32 from vector<1xf32>
      %add3A_1836 = arith.addf %add3A_1833, %squeeze3A_1835 : f32
      %slice3A_1837 = vector.extract_strided_slice %add3A_1816 {offsets = [7], sizes = [1], strides = [1]} : vector<16xf32> to vector<1xf32>
      %squeeze3A_1838 = vector.extract %slice3A_1837[0] : f32 from vector<1xf32>
      %add3A_1839 = arith.addf %add3A_1836, %squeeze3A_1838 : f32
      %slice3A_1840 = vector.extract_strided_slice %add3A_1816 {offsets = [8], sizes = [1], strides = [1]} : vector<16xf32> to vector<1xf32>
      %squeeze3A_1841 = vector.extract %slice3A_1840[0] : f32 from vector<1xf32>
      %add3A_1842 = arith.addf %add3A_1839, %squeeze3A_1841 : f32
      %slice3A_1843 = vector.extract_strided_slice %add3A_1816 {offsets = [9], sizes = [1], strides = [1]} : vector<16xf32> to vector<1xf32>
      %squeeze3A_1844 = vector.extract %slice3A_1843[0] : f32 from vector<1xf32>
      %add3A_1845 = arith.addf %add3A_1842, %squeeze3A_1844 : f32
      %slice3A_1846 = vector.extract_strided_slice %add3A_1816 {offsets = [10], sizes = [1], strides = [1]} : vector<16xf32> to vector<1xf32>
      %squeeze3A_1847 = vector.extract %slice3A_1846[0] : f32 from vector<1xf32>
      %add3A_1848 = arith.addf %add3A_1845, %squeeze3A_1847 : f32
      %slice3A_1849 = vector.extract_strided_slice %add3A_1816 {offsets = [11], sizes = [1], strides = [1]} : vector<16xf32> to vector<1xf32>
      %squeeze3A_1850 = vector.extract %slice3A_1849[0] : f32 from vector<1xf32>
      %add3A_1851 = arith.addf %add3A_1848, %squeeze3A_1850 : f32
      %slice3A_1852 = vector.extract_strided_slice %add3A_1816 {offsets = [12], sizes = [1], strides = [1]} : vector<16xf32> to vector<1xf32>
      %squeeze3A_1853 = vector.extract %slice3A_1852[0] : f32 from vector<1xf32>
      %add3A_1854 = arith.addf %add3A_1851, %squeeze3A_1853 : f32
      %slice3A_1855 = vector.extract_strided_slice %add3A_1816 {offsets = [13], sizes = [1], strides = [1]} : vector<16xf32> to vector<1xf32>
      %squeeze3A_1856 = vector.extract %slice3A_1855[0] : f32 from vector<1xf32>
      %add3A_1857 = arith.addf %add3A_1854, %squeeze3A_1856 : f32
      %slice3A_1858 = vector.extract_strided_slice %add3A_1816 {offsets = [14], sizes = [1], strides = [1]} : vector<16xf32> to vector<1xf32>
      %squeeze3A_1859 = vector.extract %slice3A_1858[0] : f32 from vector<1xf32>
      %add3A_1860 = arith.addf %add3A_1857, %squeeze3A_1859 : f32
      %slice3A_1861 = vector.extract_strided_slice %add3A_1816 {offsets = [15], sizes = [1], strides = [1]} : vector<16xf32> to vector<1xf32>
      %squeeze3A_1862 = vector.extract %slice3A_1861[0] : f32 from vector<1xf32>
      %add3A_1863 = arith.addf %add3A_1860, %squeeze3A_1862 : f32
      %bitcast_convert_type3A_1864 = arith.bitcast %add3A_1863 : f32 to i32
      %shift_right_logical3A_1865 = arith.constant 1 : i32
      %shift_right_logical3A_1866 = arith.shrui %bitcast_convert_type3A_1864, %shift_right_logical3A_1865 : i32
      %sub3A_1867 = arith.constant 1597463007 : i32
      %sub3A_1868 = arith.subi %sub3A_1867, %shift_right_logical3A_1866 : i32
      %bitcast_convert_type3A_1869 = arith.bitcast %sub3A_1868 : i32 to f32
      %broadcast_in_dim3A_1870 = vector.broadcast %bitcast_convert_type3A_1869 : f32 to vector<16xf32>
      %broadcast_in_dim3A_1871 = vector.broadcast %add3A_1863 : f32 to vector<16xf32>
      %mul3A_1872 = arith.constant 5.000000e-01 : f32
      %mul3A_1873 = vector.broadcast %mul3A_1872 : f32 to vector<16xf32>
      %mul3A_1874 = arith.mulf %mul3A_1873, %broadcast_in_dim3A_1871 : vector<16xf32>
      %mul3A_1875 = arith.mulf %mul3A_1874, %broadcast_in_dim3A_1870 : vector<16xf32>
      %mul3A_1876 = arith.mulf %mul3A_1875, %broadcast_in_dim3A_1870 : vector<16xf32>
      %sub3A_1877 = arith.constant 1.500000e+00 : f32
      %sub3A_1878 = vector.broadcast %sub3A_1877 : f32 to vector<16xf32>
      %sub3A_1879 = arith.subf %sub3A_1878, %mul3A_1876 : vector<16xf32>
      %mul3A_1880 = arith.mulf %broadcast_in_dim3A_1870, %sub3A_1879 : vector<16xf32>
      %mul3A_1881 = arith.constant 5.000000e-01 : f32
      %mul3A_1882 = vector.broadcast %mul3A_1881 : f32 to vector<16xf32>
      %mul3A_1883 = arith.mulf %mul3A_1882, %broadcast_in_dim3A_1871 : vector<16xf32>
      %mul3A_1884 = arith.mulf %mul3A_1883, %mul3A_1880 : vector<16xf32>
      %mul3A_1885 = arith.mulf %mul3A_1884, %mul3A_1880 : vector<16xf32>
      %sub3A_1886 = arith.constant 1.500000e+00 : f32
      %sub3A_1887 = vector.broadcast %sub3A_1886 : f32 to vector<16xf32>
      %sub3A_1888 = arith.subf %sub3A_1887, %mul3A_1885 : vector<16xf32>
      %mul3A_1889 = arith.mulf %mul3A_1880, %sub3A_1888 : vector<16xf32>
      %mul3A_1890 = arith.mulf %get3A_1773, %mul3A_1889 : vector<16xf32>
      %mul3A_1891 = arith.mulf %get3A_1777, %mul3A_1889 : vector<16xf32>
      %mul3A_1892 = arith.mulf %get3A_1781, %mul3A_1889 : vector<16xf32>
      %mul3A_1893 = arith.mulf %get3A_1785, %mul3A_1889 : vector<16xf32>
      %mul3A_1894 = arith.mulf %get3A_1789, %mul3A_1889 : vector<16xf32>
      %mul3A_1895 = arith.mulf %get3A_1793, %mul3A_1889 : vector<16xf32>
      %mul3A_1896 = arith.mulf %get3A_1797, %mul3A_1889 : vector<16xf32>
      %mul3A_1897 = arith.mulf %get3A_1801, %mul3A_1889 : vector<16xf32>
      %add3A_1898 = arith.addf %add3A_1758, %mul3A_1890 : vector<16xf32>
      %add3A_1899 = arith.addf %add3A_1759, %mul3A_1891 : vector<16xf32>
      %add3A_1900 = arith.addf %add3A_1760, %mul3A_1892 : vector<16xf32>
      %add3A_1901 = arith.addf %add3A_1761, %mul3A_1893 : vector<16xf32>
      %add3A_1902 = arith.addf %add3A_1762, %mul3A_1894 : vector<16xf32>
      %add3A_1903 = arith.addf %add3A_1763, %mul3A_1895 : vector<16xf32>
      %add3A_1904 = arith.addf %add3A_1764, %mul3A_1896 : vector<16xf32>
      %add3A_1905 = arith.addf %add3A_1765, %mul3A_1897 : vector<16xf32>
      %mul3A_1906 = arith.constant 20 : i32
      %mul3A_1907 = arith.muli %scan3A_99, %mul3A_1906 : i32
      %add3A_1908 = arith.constant 13 : i32
      %add3A_1909 = arith.addi %mul3A_1907, %add3A_1908 : i32
      %get3A_1910 = arith.index_cast %add3A_1909 : i32 to index
      %get3A_1911 = arith.constant 0 : index
      %get3A_1912 = tpu.vector_load %arg9[%get3A_1910, %get3A_1911] {strides = array<i32>} : memref<640x128xf32, #tpu.memory_space<vmem>>, vector<1x16xf32>,
      %get3A_1913 = vector.shape_cast %get3A_1912 : vector<1x16xf32> to vector<16xf32>
      %get3A_1914 = arith.index_cast %add3A_1909 : i32 to index
      %get3A_1915 = arith.constant 16 : index
      %get3A_1916 = tpu.vector_load %arg9[%get3A_1914, %get3A_1915] {strides = array<i32>} : memref<640x128xf32, #tpu.memory_space<vmem>>, vector<1x16xf32>,
      %get3A_1917 = vector.shape_cast %get3A_1916 : vector<1x16xf32> to vector<16xf32>
      %get3A_1918 = arith.index_cast %add3A_1909 : i32 to index
      %get3A_1919 = arith.constant 32 : index
      %get3A_1920 = tpu.vector_load %arg9[%get3A_1918, %get3A_1919] {strides = array<i32>} : memref<640x128xf32, #tpu.memory_space<vmem>>, vector<1x16xf32>,
      %get3A_1921 = vector.shape_cast %get3A_1920 : vector<1x16xf32> to vector<16xf32>
      %get3A_1922 = arith.index_cast %add3A_1909 : i32 to index
      %get3A_1923 = arith.constant 48 : index
      %get3A_1924 = tpu.vector_load %arg9[%get3A_1922, %get3A_1923] {strides = array<i32>} : memref<640x128xf32, #tpu.memory_space<vmem>>, vector<1x16xf32>,
      %get3A_1925 = vector.shape_cast %get3A_1924 : vector<1x16xf32> to vector<16xf32>
      %get3A_1926 = arith.index_cast %add3A_1909 : i32 to index
      %get3A_1927 = arith.constant 64 : index
      %get3A_1928 = tpu.vector_load %arg9[%get3A_1926, %get3A_1927] {strides = array<i32>} : memref<640x128xf32, #tpu.memory_space<vmem>>, vector<1x16xf32>,
      %get3A_1929 = vector.shape_cast %get3A_1928 : vector<1x16xf32> to vector<16xf32>
      %get3A_1930 = arith.index_cast %add3A_1909 : i32 to index
      %get3A_1931 = arith.constant 80 : index
      %get3A_1932 = tpu.vector_load %arg9[%get3A_1930, %get3A_1931] {strides = array<i32>} : memref<640x128xf32, #tpu.memory_space<vmem>>, vector<1x16xf32>,
      %get3A_1933 = vector.shape_cast %get3A_1932 : vector<1x16xf32> to vector<16xf32>
      %get3A_1934 = arith.index_cast %add3A_1909 : i32 to index
      %get3A_1935 = arith.constant 96 : index
      %get3A_1936 = tpu.vector_load %arg9[%get3A_1934, %get3A_1935] {strides = array<i32>} : memref<640x128xf32, #tpu.memory_space<vmem>>, vector<1x16xf32>,
      %get3A_1937 = vector.shape_cast %get3A_1936 : vector<1x16xf32> to vector<16xf32>
      %get3A_1938 = arith.index_cast %add3A_1909 : i32 to index
      %get3A_1939 = arith.constant 112 : index
      %get3A_1940 = tpu.vector_load %arg9[%get3A_1938, %get3A_1939] {strides = array<i32>} : memref<640x128xf32, #tpu.memory_space<vmem>>, vector<1x16xf32>,
      %get3A_1941 = vector.shape_cast %get3A_1940 : vector<1x16xf32> to vector<16xf32>
      %mul3A_1942 = arith.mulf %get3A_1913, %get3A_1913 : vector<16xf32>
      %mul3A_1943 = arith.mulf %get3A_1917, %get3A_1917 : vector<16xf32>
      %add3A_1944 = arith.addf %mul3A_1942, %mul3A_1943 : vector<16xf32>
      %mul3A_1945 = arith.mulf %get3A_1921, %get3A_1921 : vector<16xf32>
      %add3A_1946 = arith.addf %add3A_1944, %mul3A_1945 : vector<16xf32>
      %mul3A_1947 = arith.mulf %get3A_1925, %get3A_1925 : vector<16xf32>
      %add3A_1948 = arith.addf %add3A_1946, %mul3A_1947 : vector<16xf32>
      %mul3A_1949 = arith.mulf %get3A_1929, %get3A_1929 : vector<16xf32>
      %add3A_1950 = arith.addf %add3A_1948, %mul3A_1949 : vector<16xf32>
      %mul3A_1951 = arith.mulf %get3A_1933, %get3A_1933 : vector<16xf32>
      %add3A_1952 = arith.addf %add3A_1950, %mul3A_1951 : vector<16xf32>
      %mul3A_1953 = arith.mulf %get3A_1937, %get3A_1937 : vector<16xf32>
      %add3A_1954 = arith.addf %add3A_1952, %mul3A_1953 : vector<16xf32>
      %mul3A_1955 = arith.mulf %get3A_1941, %get3A_1941 : vector<16xf32>
      %add3A_1956 = arith.addf %add3A_1954, %mul3A_1955 : vector<16xf32>
      %slice3A_1957 = vector.extract_strided_slice %add3A_1956 {offsets = [0], sizes = [1], strides = [1]} : vector<16xf32> to vector<1xf32>
      %squeeze3A_1958 = vector.extract %slice3A_1957[0] : f32 from vector<1xf32>
      %slice3A_1959 = vector.extract_strided_slice %add3A_1956 {offsets = [1], sizes = [1], strides = [1]} : vector<16xf32> to vector<1xf32>
      %squeeze3A_1960 = vector.extract %slice3A_1959[0] : f32 from vector<1xf32>
      %add3A_1961 = arith.addf %squeeze3A_1958, %squeeze3A_1960 : f32
      %slice3A_1962 = vector.extract_strided_slice %add3A_1956 {offsets = [2], sizes = [1], strides = [1]} : vector<16xf32> to vector<1xf32>
      %squeeze3A_1963 = vector.extract %slice3A_1962[0] : f32 from vector<1xf32>
      %add3A_1964 = arith.addf %add3A_1961, %squeeze3A_1963 : f32
      %slice3A_1965 = vector.extract_strided_slice %add3A_1956 {offsets = [3], sizes = [1], strides = [1]} : vector<16xf32> to vector<1xf32>
      %squeeze3A_1966 = vector.extract %slice3A_1965[0] : f32 from vector<1xf32>
      %add3A_1967 = arith.addf %add3A_1964, %squeeze3A_1966 : f32
      %slice3A_1968 = vector.extract_strided_slice %add3A_1956 {offsets = [4], sizes = [1], strides = [1]} : vector<16xf32> to vector<1xf32>
      %squeeze3A_1969 = vector.extract %slice3A_1968[0] : f32 from vector<1xf32>
      %add3A_1970 = arith.addf %add3A_1967, %squeeze3A_1969 : f32
      %slice3A_1971 = vector.extract_strided_slice %add3A_1956 {offsets = [5], sizes = [1], strides = [1]} : vector<16xf32> to vector<1xf32>
      %squeeze3A_1972 = vector.extract %slice3A_1971[0] : f32 from vector<1xf32>
      %add3A_1973 = arith.addf %add3A_1970, %squeeze3A_1972 : f32
      %slice3A_1974 = vector.extract_strided_slice %add3A_1956 {offsets = [6], sizes = [1], strides = [1]} : vector<16xf32> to vector<1xf32>
      %squeeze3A_1975 = vector.extract %slice3A_1974[0] : f32 from vector<1xf32>
      %add3A_1976 = arith.addf %add3A_1973, %squeeze3A_1975 : f32
      %slice3A_1977 = vector.extract_strided_slice %add3A_1956 {offsets = [7], sizes = [1], strides = [1]} : vector<16xf32> to vector<1xf32>
      %squeeze3A_1978 = vector.extract %slice3A_1977[0] : f32 from vector<1xf32>
      %add3A_1979 = arith.addf %add3A_1976, %squeeze3A_1978 : f32
      %slice3A_1980 = vector.extract_strided_slice %add3A_1956 {offsets = [8], sizes = [1], strides = [1]} : vector<16xf32> to vector<1xf32>
      %squeeze3A_1981 = vector.extract %slice3A_1980[0] : f32 from vector<1xf32>
      %add3A_1982 = arith.addf %add3A_1979, %squeeze3A_1981 : f32
      %slice3A_1983 = vector.extract_strided_slice %add3A_1956 {offsets = [9], sizes = [1], strides = [1]} : vector<16xf32> to vector<1xf32>
      %squeeze3A_1984 = vector.extract %slice3A_1983[0] : f32 from vector<1xf32>
      %add3A_1985 = arith.addf %add3A_1982, %squeeze3A_1984 : f32
      %slice3A_1986 = vector.extract_strided_slice %add3A_1956 {offsets = [10], sizes = [1], strides = [1]} : vector<16xf32> to vector<1xf32>
      %squeeze3A_1987 = vector.extract %slice3A_1986[0] : f32 from vector<1xf32>
      %add3A_1988 = arith.addf %add3A_1985, %squeeze3A_1987 : f32
      %slice3A_1989 = vector.extract_strided_slice %add3A_1956 {offsets = [11], sizes = [1], strides = [1]} : vector<16xf32> to vector<1xf32>
      %squeeze3A_1990 = vector.extract %slice3A_1989[0] : f32 from vector<1xf32>
      %add3A_1991 = arith.addf %add3A_1988, %squeeze3A_1990 : f32
      %slice3A_1992 = vector.extract_strided_slice %add3A_1956 {offsets = [12], sizes = [1], strides = [1]} : vector<16xf32> to vector<1xf32>
      %squeeze3A_1993 = vector.extract %slice3A_1992[0] : f32 from vector<1xf32>
      %add3A_1994 = arith.addf %add3A_1991, %squeeze3A_1993 : f32
      %slice3A_1995 = vector.extract_strided_slice %add3A_1956 {offsets = [13], sizes = [1], strides = [1]} : vector<16xf32> to vector<1xf32>
      %squeeze3A_1996 = vector.extract %slice3A_1995[0] : f32 from vector<1xf32>
      %add3A_1997 = arith.addf %add3A_1994, %squeeze3A_1996 : f32
      %slice3A_1998 = vector.extract_strided_slice %add3A_1956 {offsets = [14], sizes = [1], strides = [1]} : vector<16xf32> to vector<1xf32>
      %squeeze3A_1999 = vector.extract %slice3A_1998[0] : f32 from vector<1xf32>
      %add3A_2000 = arith.addf %add3A_1997, %squeeze3A_1999 : f32
      %slice3A_2001 = vector.extract_strided_slice %add3A_1956 {offsets = [15], sizes = [1], strides = [1]} : vector<16xf32> to vector<1xf32>
      %squeeze3A_2002 = vector.extract %slice3A_2001[0] : f32 from vector<1xf32>
      %add3A_2003 = arith.addf %add3A_2000, %squeeze3A_2002 : f32
      %bitcast_convert_type3A_2004 = arith.bitcast %add3A_2003 : f32 to i32
      %shift_right_logical3A_2005 = arith.constant 1 : i32
      %shift_right_logical3A_2006 = arith.shrui %bitcast_convert_type3A_2004, %shift_right_logical3A_2005 : i32
      %sub3A_2007 = arith.constant 1597463007 : i32
      %sub3A_2008 = arith.subi %sub3A_2007, %shift_right_logical3A_2006 : i32
      %bitcast_convert_type3A_2009 = arith.bitcast %sub3A_2008 : i32 to f32
      %broadcast_in_dim3A_2010 = vector.broadcast %bitcast_convert_type3A_2009 : f32 to vector<16xf32>
      %broadcast_in_dim3A_2011 = vector.broadcast %add3A_2003 : f32 to vector<16xf32>
      %mul3A_2012 = arith.constant 5.000000e-01 : f32
      %mul3A_2013 = vector.broadcast %mul3A_2012 : f32 to vector<16xf32>
      %mul3A_2014 = arith.mulf %mul3A_2013, %broadcast_in_dim3A_2011 : vector<16xf32>
      %mul3A_2015 = arith.mulf %mul3A_2014, %broadcast_in_dim3A_2010 : vector<16xf32>
      %mul3A_2016 = arith.mulf %mul3A_2015, %broadcast_in_dim3A_2010 : vector<16xf32>
      %sub3A_2017 = arith.constant 1.500000e+00 : f32
      %sub3A_2018 = vector.broadcast %sub3A_2017 : f32 to vector<16xf32>
      %sub3A_2019 = arith.subf %sub3A_2018, %mul3A_2016 : vector<16xf32>
      %mul3A_2020 = arith.mulf %broadcast_in_dim3A_2010, %sub3A_2019 : vector<16xf32>
      %mul3A_2021 = arith.constant 5.000000e-01 : f32
      %mul3A_2022 = vector.broadcast %mul3A_2021 : f32 to vector<16xf32>
      %mul3A_2023 = arith.mulf %mul3A_2022, %broadcast_in_dim3A_2011 : vector<16xf32>
      %mul3A_2024 = arith.mulf %mul3A_2023, %mul3A_2020 : vector<16xf32>
      %mul3A_2025 = arith.mulf %mul3A_2024, %mul3A_2020 : vector<16xf32>
      %sub3A_2026 = arith.constant 1.500000e+00 : f32
      %sub3A_2027 = vector.broadcast %sub3A_2026 : f32 to vector<16xf32>
      %sub3A_2028 = arith.subf %sub3A_2027, %mul3A_2025 : vector<16xf32>
      %mul3A_2029 = arith.mulf %mul3A_2020, %sub3A_2028 : vector<16xf32>
      %mul3A_2030 = arith.mulf %get3A_1913, %mul3A_2029 : vector<16xf32>
      %mul3A_2031 = arith.mulf %get3A_1917, %mul3A_2029 : vector<16xf32>
      %mul3A_2032 = arith.mulf %get3A_1921, %mul3A_2029 : vector<16xf32>
      %mul3A_2033 = arith.mulf %get3A_1925, %mul3A_2029 : vector<16xf32>
      %mul3A_2034 = arith.mulf %get3A_1929, %mul3A_2029 : vector<16xf32>
      %mul3A_2035 = arith.mulf %get3A_1933, %mul3A_2029 : vector<16xf32>
      %mul3A_2036 = arith.mulf %get3A_1937, %mul3A_2029 : vector<16xf32>
      %mul3A_2037 = arith.mulf %get3A_1941, %mul3A_2029 : vector<16xf32>
      %add3A_2038 = arith.addf %add3A_1898, %mul3A_2030 : vector<16xf32>
      %add3A_2039 = arith.addf %add3A_1899, %mul3A_2031 : vector<16xf32>
      %add3A_2040 = arith.addf %add3A_1900, %mul3A_2032 : vector<16xf32>
      %add3A_2041 = arith.addf %add3A_1901, %mul3A_2033 : vector<16xf32>
      %add3A_2042 = arith.addf %add3A_1902, %mul3A_2034 : vector<16xf32>
      %add3A_2043 = arith.addf %add3A_1903, %mul3A_2035 : vector<16xf32>
      %add3A_2044 = arith.addf %add3A_1904, %mul3A_2036 : vector<16xf32>
      %add3A_2045 = arith.addf %add3A_1905, %mul3A_2037 : vector<16xf32>
      %mul3A_2046 = arith.constant 20 : i32
      %mul3A_2047 = arith.muli %scan3A_99, %mul3A_2046 : i32
      %add3A_2048 = arith.constant 14 : i32
      %add3A_2049 = arith.addi %mul3A_2047, %add3A_2048 : i32
      %get3A_2050 = arith.index_cast %add3A_2049 : i32 to index
      %get3A_2051 = arith.constant 0 : index
      %get3A_2052 = tpu.vector_load %arg9[%get3A_2050, %get3A_2051] {strides = array<i32>} : memref<640x128xf32, #tpu.memory_space<vmem>>, vector<1x16xf32>,
      %get3A_2053 = vector.shape_cast %get3A_2052 : vector<1x16xf32> to vector<16xf32>
      %get3A_2054 = arith.index_cast %add3A_2049 : i32 to index
      %get3A_2055 = arith.constant 16 : index
      %get3A_2056 = tpu.vector_load %arg9[%get3A_2054, %get3A_2055] {strides = array<i32>} : memref<640x128xf32, #tpu.memory_space<vmem>>, vector<1x16xf32>,
      %get3A_2057 = vector.shape_cast %get3A_2056 : vector<1x16xf32> to vector<16xf32>
      %get3A_2058 = arith.index_cast %add3A_2049 : i32 to index
      %get3A_2059 = arith.constant 32 : index
      %get3A_2060 = tpu.vector_load %arg9[%get3A_2058, %get3A_2059] {strides = array<i32>} : memref<640x128xf32, #tpu.memory_space<vmem>>, vector<1x16xf32>,
      %get3A_2061 = vector.shape_cast %get3A_2060 : vector<1x16xf32> to vector<16xf32>
      %get3A_2062 = arith.index_cast %add3A_2049 : i32 to index
      %get3A_2063 = arith.constant 48 : index
      %get3A_2064 = tpu.vector_load %arg9[%get3A_2062, %get3A_2063] {strides = array<i32>} : memref<640x128xf32, #tpu.memory_space<vmem>>, vector<1x16xf32>,
      %get3A_2065 = vector.shape_cast %get3A_2064 : vector<1x16xf32> to vector<16xf32>
      %get3A_2066 = arith.index_cast %add3A_2049 : i32 to index
      %get3A_2067 = arith.constant 64 : index
      %get3A_2068 = tpu.vector_load %arg9[%get3A_2066, %get3A_2067] {strides = array<i32>} : memref<640x128xf32, #tpu.memory_space<vmem>>, vector<1x16xf32>,
      %get3A_2069 = vector.shape_cast %get3A_2068 : vector<1x16xf32> to vector<16xf32>
      %get3A_2070 = arith.index_cast %add3A_2049 : i32 to index
      %get3A_2071 = arith.constant 80 : index
      %get3A_2072 = tpu.vector_load %arg9[%get3A_2070, %get3A_2071] {strides = array<i32>} : memref<640x128xf32, #tpu.memory_space<vmem>>, vector<1x16xf32>,
      %get3A_2073 = vector.shape_cast %get3A_2072 : vector<1x16xf32> to vector<16xf32>
      %get3A_2074 = arith.index_cast %add3A_2049 : i32 to index
      %get3A_2075 = arith.constant 96 : index
      %get3A_2076 = tpu.vector_load %arg9[%get3A_2074, %get3A_2075] {strides = array<i32>} : memref<640x128xf32, #tpu.memory_space<vmem>>, vector<1x16xf32>,
      %get3A_2077 = vector.shape_cast %get3A_2076 : vector<1x16xf32> to vector<16xf32>
      %get3A_2078 = arith.index_cast %add3A_2049 : i32 to index
      %get3A_2079 = arith.constant 112 : index
      %get3A_2080 = tpu.vector_load %arg9[%get3A_2078, %get3A_2079] {strides = array<i32>} : memref<640x128xf32, #tpu.memory_space<vmem>>, vector<1x16xf32>,
      %get3A_2081 = vector.shape_cast %get3A_2080 : vector<1x16xf32> to vector<16xf32>
      %mul3A_2082 = arith.mulf %get3A_2053, %get3A_2053 : vector<16xf32>
      %mul3A_2083 = arith.mulf %get3A_2057, %get3A_2057 : vector<16xf32>
      %add3A_2084 = arith.addf %mul3A_2082, %mul3A_2083 : vector<16xf32>
      %mul3A_2085 = arith.mulf %get3A_2061, %get3A_2061 : vector<16xf32>
      %add3A_2086 = arith.addf %add3A_2084, %mul3A_2085 : vector<16xf32>
      %mul3A_2087 = arith.mulf %get3A_2065, %get3A_2065 : vector<16xf32>
      %add3A_2088 = arith.addf %add3A_2086, %mul3A_2087 : vector<16xf32>
      %mul3A_2089 = arith.mulf %get3A_2069, %get3A_2069 : vector<16xf32>
      %add3A_2090 = arith.addf %add3A_2088, %mul3A_2089 : vector<16xf32>
      %mul3A_2091 = arith.mulf %get3A_2073, %get3A_2073 : vector<16xf32>
      %add3A_2092 = arith.addf %add3A_2090, %mul3A_2091 : vector<16xf32>
      %mul3A_2093 = arith.mulf %get3A_2077, %get3A_2077 : vector<16xf32>
      %add3A_2094 = arith.addf %add3A_2092, %mul3A_2093 : vector<16xf32>
      %mul3A_2095 = arith.mulf %get3A_2081, %get3A_2081 : vector<16xf32>
      %add3A_2096 = arith.addf %add3A_2094, %mul3A_2095 : vector<16xf32>
      %slice3A_2097 = vector.extract_strided_slice %add3A_2096 {offsets = [0], sizes = [1], strides = [1]} : vector<16xf32> to vector<1xf32>
      %squeeze3A_2098 = vector.extract %slice3A_2097[0] : f32 from vector<1xf32>
      %slice3A_2099 = vector.extract_strided_slice %add3A_2096 {offsets = [1], sizes = [1], strides = [1]} : vector<16xf32> to vector<1xf32>
      %squeeze3A_2100 = vector.extract %slice3A_2099[0] : f32 from vector<1xf32>
      %add3A_2101 = arith.addf %squeeze3A_2098, %squeeze3A_2100 : f32
      %slice3A_2102 = vector.extract_strided_slice %add3A_2096 {offsets = [2], sizes = [1], strides = [1]} : vector<16xf32> to vector<1xf32>
      %squeeze3A_2103 = vector.extract %slice3A_2102[0] : f32 from vector<1xf32>
      %add3A_2104 = arith.addf %add3A_2101, %squeeze3A_2103 : f32
      %slice3A_2105 = vector.extract_strided_slice %add3A_2096 {offsets = [3], sizes = [1], strides = [1]} : vector<16xf32> to vector<1xf32>
      %squeeze3A_2106 = vector.extract %slice3A_2105[0] : f32 from vector<1xf32>
      %add3A_2107 = arith.addf %add3A_2104, %squeeze3A_2106 : f32
      %slice3A_2108 = vector.extract_strided_slice %add3A_2096 {offsets = [4], sizes = [1], strides = [1]} : vector<16xf32> to vector<1xf32>
      %squeeze3A_2109 = vector.extract %slice3A_2108[0] : f32 from vector<1xf32>
      %add3A_2110 = arith.addf %add3A_2107, %squeeze3A_2109 : f32
      %slice3A_2111 = vector.extract_strided_slice %add3A_2096 {offsets = [5], sizes = [1], strides = [1]} : vector<16xf32> to vector<1xf32>
      %squeeze3A_2112 = vector.extract %slice3A_2111[0] : f32 from vector<1xf32>
      %add3A_2113 = arith.addf %add3A_2110, %squeeze3A_2112 : f32
      %slice3A_2114 = vector.extract_strided_slice %add3A_2096 {offsets = [6], sizes = [1], strides = [1]} : vector<16xf32> to vector<1xf32>
      %squeeze3A_2115 = vector.extract %slice3A_2114[0] : f32 from vector<1xf32>
      %add3A_2116 = arith.addf %add3A_2113, %squeeze3A_2115 : f32
      %slice3A_2117 = vector.extract_strided_slice %add3A_2096 {offsets = [7], sizes = [1], strides = [1]} : vector<16xf32> to vector<1xf32>
      %squeeze3A_2118 = vector.extract %slice3A_2117[0] : f32 from vector<1xf32>
      %add3A_2119 = arith.addf %add3A_2116, %squeeze3A_2118 : f32
      %slice3A_2120 = vector.extract_strided_slice %add3A_2096 {offsets = [8], sizes = [1], strides = [1]} : vector<16xf32> to vector<1xf32>
      %squeeze3A_2121 = vector.extract %slice3A_2120[0] : f32 from vector<1xf32>
      %add3A_2122 = arith.addf %add3A_2119, %squeeze3A_2121 : f32
      %slice3A_2123 = vector.extract_strided_slice %add3A_2096 {offsets = [9], sizes = [1], strides = [1]} : vector<16xf32> to vector<1xf32>
      %squeeze3A_2124 = vector.extract %slice3A_2123[0] : f32 from vector<1xf32>
      %add3A_2125 = arith.addf %add3A_2122, %squeeze3A_2124 : f32
      %slice3A_2126 = vector.extract_strided_slice %add3A_2096 {offsets = [10], sizes = [1], strides = [1]} : vector<16xf32> to vector<1xf32>
      %squeeze3A_2127 = vector.extract %slice3A_2126[0] : f32 from vector<1xf32>
      %add3A_2128 = arith.addf %add3A_2125, %squeeze3A_2127 : f32
      %slice3A_2129 = vector.extract_strided_slice %add3A_2096 {offsets = [11], sizes = [1], strides = [1]} : vector<16xf32> to vector<1xf32>
      %squeeze3A_2130 = vector.extract %slice3A_2129[0] : f32 from vector<1xf32>
      %add3A_2131 = arith.addf %add3A_2128, %squeeze3A_2130 : f32
      %slice3A_2132 = vector.extract_strided_slice %add3A_2096 {offsets = [12], sizes = [1], strides = [1]} : vector<16xf32> to vector<1xf32>
      %squeeze3A_2133 = vector.extract %slice3A_2132[0] : f32 from vector<1xf32>
      %add3A_2134 = arith.addf %add3A_2131, %squeeze3A_2133 : f32
      %slice3A_2135 = vector.extract_strided_slice %add3A_2096 {offsets = [13], sizes = [1], strides = [1]} : vector<16xf32> to vector<1xf32>
      %squeeze3A_2136 = vector.extract %slice3A_2135[0] : f32 from vector<1xf32>
      %add3A_2137 = arith.addf %add3A_2134, %squeeze3A_2136 : f32
      %slice3A_2138 = vector.extract_strided_slice %add3A_2096 {offsets = [14], sizes = [1], strides = [1]} : vector<16xf32> to vector<1xf32>
      %squeeze3A_2139 = vector.extract %slice3A_2138[0] : f32 from vector<1xf32>
      %add3A_2140 = arith.addf %add3A_2137, %squeeze3A_2139 : f32
      %slice3A_2141 = vector.extract_strided_slice %add3A_2096 {offsets = [15], sizes = [1], strides = [1]} : vector<16xf32> to vector<1xf32>
      %squeeze3A_2142 = vector.extract %slice3A_2141[0] : f32 from vector<1xf32>
      %add3A_2143 = arith.addf %add3A_2140, %squeeze3A_2142 : f32
      %bitcast_convert_type3A_2144 = arith.bitcast %add3A_2143 : f32 to i32
      %shift_right_logical3A_2145 = arith.constant 1 : i32
      %shift_right_logical3A_2146 = arith.shrui %bitcast_convert_type3A_2144, %shift_right_logical3A_2145 : i32
      %sub3A_2147 = arith.constant 1597463007 : i32
      %sub3A_2148 = arith.subi %sub3A_2147, %shift_right_logical3A_2146 : i32
      %bitcast_convert_type3A_2149 = arith.bitcast %sub3A_2148 : i32 to f32
      %broadcast_in_dim3A_2150 = vector.broadcast %bitcast_convert_type3A_2149 : f32 to vector<16xf32>
      %broadcast_in_dim3A_2151 = vector.broadcast %add3A_2143 : f32 to vector<16xf32>
      %mul3A_2152 = arith.constant 5.000000e-01 : f32
      %mul3A_2153 = vector.broadcast %mul3A_2152 : f32 to vector<16xf32>
      %mul3A_2154 = arith.mulf %mul3A_2153, %broadcast_in_dim3A_2151 : vector<16xf32>
      %mul3A_2155 = arith.mulf %mul3A_2154, %broadcast_in_dim3A_2150 : vector<16xf32>
      %mul3A_2156 = arith.mulf %mul3A_2155, %broadcast_in_dim3A_2150 : vector<16xf32>
      %sub3A_2157 = arith.constant 1.500000e+00 : f32
      %sub3A_2158 = vector.broadcast %sub3A_2157 : f32 to vector<16xf32>
      %sub3A_2159 = arith.subf %sub3A_2158, %mul3A_2156 : vector<16xf32>
      %mul3A_2160 = arith.mulf %broadcast_in_dim3A_2150, %sub3A_2159 : vector<16xf32>
      %mul3A_2161 = arith.constant 5.000000e-01 : f32
      %mul3A_2162 = vector.broadcast %mul3A_2161 : f32 to vector<16xf32>
      %mul3A_2163 = arith.mulf %mul3A_2162, %broadcast_in_dim3A_2151 : vector<16xf32>
      %mul3A_2164 = arith.mulf %mul3A_2163, %mul3A_2160 : vector<16xf32>
      %mul3A_2165 = arith.mulf %mul3A_2164, %mul3A_2160 : vector<16xf32>
      %sub3A_2166 = arith.constant 1.500000e+00 : f32
      %sub3A_2167 = vector.broadcast %sub3A_2166 : f32 to vector<16xf32>
      %sub3A_2168 = arith.subf %sub3A_2167, %mul3A_2165 : vector<16xf32>
      %mul3A_2169 = arith.mulf %mul3A_2160, %sub3A_2168 : vector<16xf32>
      %mul3A_2170 = arith.mulf %get3A_2053, %mul3A_2169 : vector<16xf32>
      %mul3A_2171 = arith.mulf %get3A_2057, %mul3A_2169 : vector<16xf32>
      %mul3A_2172 = arith.mulf %get3A_2061, %mul3A_2169 : vector<16xf32>
      %mul3A_2173 = arith.mulf %get3A_2065, %mul3A_2169 : vector<16xf32>
      %mul3A_2174 = arith.mulf %get3A_2069, %mul3A_2169 : vector<16xf32>
      %mul3A_2175 = arith.mulf %get3A_2073, %mul3A_2169 : vector<16xf32>
      %mul3A_2176 = arith.mulf %get3A_2077, %mul3A_2169 : vector<16xf32>
      %mul3A_2177 = arith.mulf %get3A_2081, %mul3A_2169 : vector<16xf32>
      %add3A_2178 = arith.addf %add3A_2038, %mul3A_2170 : vector<16xf32>
      %add3A_2179 = arith.addf %add3A_2039, %mul3A_2171 : vector<16xf32>
      %add3A_2180 = arith.addf %add3A_2040, %mul3A_2172 : vector<16xf32>
      %add3A_2181 = arith.addf %add3A_2041, %mul3A_2173 : vector<16xf32>
      %add3A_2182 = arith.addf %add3A_2042, %mul3A_2174 : vector<16xf32>
      %add3A_2183 = arith.addf %add3A_2043, %mul3A_2175 : vector<16xf32>
      %add3A_2184 = arith.addf %add3A_2044, %mul3A_2176 : vector<16xf32>
      %add3A_2185 = arith.addf %add3A_2045, %mul3A_2177 : vector<16xf32>
      %mul3A_2186 = arith.constant 20 : i32
      %mul3A_2187 = arith.muli %scan3A_99, %mul3A_2186 : i32
      %add3A_2188 = arith.constant 15 : i32
      %add3A_2189 = arith.addi %mul3A_2187, %add3A_2188 : i32
      %get3A_2190 = arith.index_cast %add3A_2189 : i32 to index
      %get3A_2191 = arith.constant 0 : index
      %get3A_2192 = tpu.vector_load %arg9[%get3A_2190, %get3A_2191] {strides = array<i32>} : memref<640x128xf32, #tpu.memory_space<vmem>>, vector<1x16xf32>,
      %get3A_2193 = vector.shape_cast %get3A_2192 : vector<1x16xf32> to vector<16xf32>
      %get3A_2194 = arith.index_cast %add3A_2189 : i32 to index
      %get3A_2195 = arith.constant 16 : index
      %get3A_2196 = tpu.vector_load %arg9[%get3A_2194, %get3A_2195] {strides = array<i32>} : memref<640x128xf32, #tpu.memory_space<vmem>>, vector<1x16xf32>,
      %get3A_2197 = vector.shape_cast %get3A_2196 : vector<1x16xf32> to vector<16xf32>
      %get3A_2198 = arith.index_cast %add3A_2189 : i32 to index
      %get3A_2199 = arith.constant 32 : index
      %get3A_2200 = tpu.vector_load %arg9[%get3A_2198, %get3A_2199] {strides = array<i32>} : memref<640x128xf32, #tpu.memory_space<vmem>>, vector<1x16xf32>,
      %get3A_2201 = vector.shape_cast %get3A_2200 : vector<1x16xf32> to vector<16xf32>
      %get3A_2202 = arith.index_cast %add3A_2189 : i32 to index
      %get3A_2203 = arith.constant 48 : index
      %get3A_2204 = tpu.vector_load %arg9[%get3A_2202, %get3A_2203] {strides = array<i32>} : memref<640x128xf32, #tpu.memory_space<vmem>>, vector<1x16xf32>,
      %get3A_2205 = vector.shape_cast %get3A_2204 : vector<1x16xf32> to vector<16xf32>
      %get3A_2206 = arith.index_cast %add3A_2189 : i32 to index
      %get3A_2207 = arith.constant 64 : index
      %get3A_2208 = tpu.vector_load %arg9[%get3A_2206, %get3A_2207] {strides = array<i32>} : memref<640x128xf32, #tpu.memory_space<vmem>>, vector<1x16xf32>,
      %get3A_2209 = vector.shape_cast %get3A_2208 : vector<1x16xf32> to vector<16xf32>
      %get3A_2210 = arith.index_cast %add3A_2189 : i32 to index
      %get3A_2211 = arith.constant 80 : index
      %get3A_2212 = tpu.vector_load %arg9[%get3A_2210, %get3A_2211] {strides = array<i32>} : memref<640x128xf32, #tpu.memory_space<vmem>>, vector<1x16xf32>,
      %get3A_2213 = vector.shape_cast %get3A_2212 : vector<1x16xf32> to vector<16xf32>
      %get3A_2214 = arith.index_cast %add3A_2189 : i32 to index
      %get3A_2215 = arith.constant 96 : index
      %get3A_2216 = tpu.vector_load %arg9[%get3A_2214, %get3A_2215] {strides = array<i32>} : memref<640x128xf32, #tpu.memory_space<vmem>>, vector<1x16xf32>,
      %get3A_2217 = vector.shape_cast %get3A_2216 : vector<1x16xf32> to vector<16xf32>
      %get3A_2218 = arith.index_cast %add3A_2189 : i32 to index
      %get3A_2219 = arith.constant 112 : index
      %get3A_2220 = tpu.vector_load %arg9[%get3A_2218, %get3A_2219] {strides = array<i32>} : memref<640x128xf32, #tpu.memory_space<vmem>>, vector<1x16xf32>,
      %get3A_2221 = vector.shape_cast %get3A_2220 : vector<1x16xf32> to vector<16xf32>
      %mul3A_2222 = arith.mulf %get3A_2193, %get3A_2193 : vector<16xf32>
      %mul3A_2223 = arith.mulf %get3A_2197, %get3A_2197 : vector<16xf32>
      %add3A_2224 = arith.addf %mul3A_2222, %mul3A_2223 : vector<16xf32>
      %mul3A_2225 = arith.mulf %get3A_2201, %get3A_2201 : vector<16xf32>
      %add3A_2226 = arith.addf %add3A_2224, %mul3A_2225 : vector<16xf32>
      %mul3A_2227 = arith.mulf %get3A_2205, %get3A_2205 : vector<16xf32>
      %add3A_2228 = arith.addf %add3A_2226, %mul3A_2227 : vector<16xf32>
      %mul3A_2229 = arith.mulf %get3A_2209, %get3A_2209 : vector<16xf32>
      %add3A_2230 = arith.addf %add3A_2228, %mul3A_2229 : vector<16xf32>
      %mul3A_2231 = arith.mulf %get3A_2213, %get3A_2213 : vector<16xf32>
      %add3A_2232 = arith.addf %add3A_2230, %mul3A_2231 : vector<16xf32>
      %mul3A_2233 = arith.mulf %get3A_2217, %get3A_2217 : vector<16xf32>
      %add3A_2234 = arith.addf %add3A_2232, %mul3A_2233 : vector<16xf32>
      %mul3A_2235 = arith.mulf %get3A_2221, %get3A_2221 : vector<16xf32>
      %add3A_2236 = arith.addf %add3A_2234, %mul3A_2235 : vector<16xf32>
      %slice3A_2237 = vector.extract_strided_slice %add3A_2236 {offsets = [0], sizes = [1], strides = [1]} : vector<16xf32> to vector<1xf32>
      %squeeze3A_2238 = vector.extract %slice3A_2237[0] : f32 from vector<1xf32>
      %slice3A_2239 = vector.extract_strided_slice %add3A_2236 {offsets = [1], sizes = [1], strides = [1]} : vector<16xf32> to vector<1xf32>
      %squeeze3A_2240 = vector.extract %slice3A_2239[0] : f32 from vector<1xf32>
      %add3A_2241 = arith.addf %squeeze3A_2238, %squeeze3A_2240 : f32
      %slice3A_2242 = vector.extract_strided_slice %add3A_2236 {offsets = [2], sizes = [1], strides = [1]} : vector<16xf32> to vector<1xf32>
      %squeeze3A_2243 = vector.extract %slice3A_2242[0] : f32 from vector<1xf32>
      %add3A_2244 = arith.addf %add3A_2241, %squeeze3A_2243 : f32
      %slice3A_2245 = vector.extract_strided_slice %add3A_2236 {offsets = [3], sizes = [1], strides = [1]} : vector<16xf32> to vector<1xf32>
      %squeeze3A_2246 = vector.extract %slice3A_2245[0] : f32 from vector<1xf32>
      %add3A_2247 = arith.addf %add3A_2244, %squeeze3A_2246 : f32
      %slice3A_2248 = vector.extract_strided_slice %add3A_2236 {offsets = [4], sizes = [1], strides = [1]} : vector<16xf32> to vector<1xf32>
      %squeeze3A_2249 = vector.extract %slice3A_2248[0] : f32 from vector<1xf32>
      %add3A_2250 = arith.addf %add3A_2247, %squeeze3A_2249 : f32
      %slice3A_2251 = vector.extract_strided_slice %add3A_2236 {offsets = [5], sizes = [1], strides = [1]} : vector<16xf32> to vector<1xf32>
      %squeeze3A_2252 = vector.extract %slice3A_2251[0] : f32 from vector<1xf32>
      %add3A_2253 = arith.addf %add3A_2250, %squeeze3A_2252 : f32
      %slice3A_2254 = vector.extract_strided_slice %add3A_2236 {offsets = [6], sizes = [1], strides = [1]} : vector<16xf32> to vector<1xf32>
      %squeeze3A_2255 = vector.extract %slice3A_2254[0] : f32 from vector<1xf32>
      %add3A_2256 = arith.addf %add3A_2253, %squeeze3A_2255 : f32
      %slice3A_2257 = vector.extract_strided_slice %add3A_2236 {offsets = [7], sizes = [1], strides = [1]} : vector<16xf32> to vector<1xf32>
      %squeeze3A_2258 = vector.extract %slice3A_2257[0] : f32 from vector<1xf32>
      %add3A_2259 = arith.addf %add3A_2256, %squeeze3A_2258 : f32
      %slice3A_2260 = vector.extract_strided_slice %add3A_2236 {offsets = [8], sizes = [1], strides = [1]} : vector<16xf32> to vector<1xf32>
      %squeeze3A_2261 = vector.extract %slice3A_2260[0] : f32 from vector<1xf32>
      %add3A_2262 = arith.addf %add3A_2259, %squeeze3A_2261 : f32
      %slice3A_2263 = vector.extract_strided_slice %add3A_2236 {offsets = [9], sizes = [1], strides = [1]} : vector<16xf32> to vector<1xf32>
      %squeeze3A_2264 = vector.extract %slice3A_2263[0] : f32 from vector<1xf32>
      %add3A_2265 = arith.addf %add3A_2262, %squeeze3A_2264 : f32
      %slice3A_2266 = vector.extract_strided_slice %add3A_2236 {offsets = [10], sizes = [1], strides = [1]} : vector<16xf32> to vector<1xf32>
      %squeeze3A_2267 = vector.extract %slice3A_2266[0] : f32 from vector<1xf32>
      %add3A_2268 = arith.addf %add3A_2265, %squeeze3A_2267 : f32
      %slice3A_2269 = vector.extract_strided_slice %add3A_2236 {offsets = [11], sizes = [1], strides = [1]} : vector<16xf32> to vector<1xf32>
      %squeeze3A_2270 = vector.extract %slice3A_2269[0] : f32 from vector<1xf32>
      %add3A_2271 = arith.addf %add3A_2268, %squeeze3A_2270 : f32
      %slice3A_2272 = vector.extract_strided_slice %add3A_2236 {offsets = [12], sizes = [1], strides = [1]} : vector<16xf32> to vector<1xf32>
      %squeeze3A_2273 = vector.extract %slice3A_2272[0] : f32 from vector<1xf32>
      %add3A_2274 = arith.addf %add3A_2271, %squeeze3A_2273 : f32
      %slice3A_2275 = vector.extract_strided_slice %add3A_2236 {offsets = [13], sizes = [1], strides = [1]} : vector<16xf32> to vector<1xf32>
      %squeeze3A_2276 = vector.extract %slice3A_2275[0] : f32 from vector<1xf32>
      %add3A_2277 = arith.addf %add3A_2274, %squeeze3A_2276 : f32
      %slice3A_2278 = vector.extract_strided_slice %add3A_2236 {offsets = [14], sizes = [1], strides = [1]} : vector<16xf32> to vector<1xf32>
      %squeeze3A_2279 = vector.extract %slice3A_2278[0] : f32 from vector<1xf32>
      %add3A_2280 = arith.addf %add3A_2277, %squeeze3A_2279 : f32
      %slice3A_2281 = vector.extract_strided_slice %add3A_2236 {offsets = [15], sizes = [1], strides = [1]} : vector<16xf32> to vector<1xf32>
      %squeeze3A_2282 = vector.extract %slice3A_2281[0] : f32 from vector<1xf32>
      %add3A_2283 = arith.addf %add3A_2280, %squeeze3A_2282 : f32
      %bitcast_convert_type3A_2284 = arith.bitcast %add3A_2283 : f32 to i32
      %shift_right_logical3A_2285 = arith.constant 1 : i32
      %shift_right_logical3A_2286 = arith.shrui %bitcast_convert_type3A_2284, %shift_right_logical3A_2285 : i32
      %sub3A_2287 = arith.constant 1597463007 : i32
      %sub3A_2288 = arith.subi %sub3A_2287, %shift_right_logical3A_2286 : i32
      %bitcast_convert_type3A_2289 = arith.bitcast %sub3A_2288 : i32 to f32
      %broadcast_in_dim3A_2290 = vector.broadcast %bitcast_convert_type3A_2289 : f32 to vector<16xf32>
      %broadcast_in_dim3A_2291 = vector.broadcast %add3A_2283 : f32 to vector<16xf32>
      %mul3A_2292 = arith.constant 5.000000e-01 : f32
      %mul3A_2293 = vector.broadcast %mul3A_2292 : f32 to vector<16xf32>
      %mul3A_2294 = arith.mulf %mul3A_2293, %broadcast_in_dim3A_2291 : vector<16xf32>
      %mul3A_2295 = arith.mulf %mul3A_2294, %broadcast_in_dim3A_2290 : vector<16xf32>
      %mul3A_2296 = arith.mulf %mul3A_2295, %broadcast_in_dim3A_2290 : vector<16xf32>
      %sub3A_2297 = arith.constant 1.500000e+00 : f32
      %sub3A_2298 = vector.broadcast %sub3A_2297 : f32 to vector<16xf32>
      %sub3A_2299 = arith.subf %sub3A_2298, %mul3A_2296 : vector<16xf32>
      %mul3A_2300 = arith.mulf %broadcast_in_dim3A_2290, %sub3A_2299 : vector<16xf32>
      %mul3A_2301 = arith.constant 5.000000e-01 : f32
      %mul3A_2302 = vector.broadcast %mul3A_2301 : f32 to vector<16xf32>
      %mul3A_2303 = arith.mulf %mul3A_2302, %broadcast_in_dim3A_2291 : vector<16xf32>
      %mul3A_2304 = arith.mulf %mul3A_2303, %mul3A_2300 : vector<16xf32>
      %mul3A_2305 = arith.mulf %mul3A_2304, %mul3A_2300 : vector<16xf32>
      %sub3A_2306 = arith.constant 1.500000e+00 : f32
      %sub3A_2307 = vector.broadcast %sub3A_2306 : f32 to vector<16xf32>
      %sub3A_2308 = arith.subf %sub3A_2307, %mul3A_2305 : vector<16xf32>
      %mul3A_2309 = arith.mulf %mul3A_2300, %sub3A_2308 : vector<16xf32>
      %mul3A_2310 = arith.mulf %get3A_2193, %mul3A_2309 : vector<16xf32>
      %mul3A_2311 = arith.mulf %get3A_2197, %mul3A_2309 : vector<16xf32>
      %mul3A_2312 = arith.mulf %get3A_2201, %mul3A_2309 : vector<16xf32>
      %mul3A_2313 = arith.mulf %get3A_2205, %mul3A_2309 : vector<16xf32>
      %mul3A_2314 = arith.mulf %get3A_2209, %mul3A_2309 : vector<16xf32>
      %mul3A_2315 = arith.mulf %get3A_2213, %mul3A_2309 : vector<16xf32>
      %mul3A_2316 = arith.mulf %get3A_2217, %mul3A_2309 : vector<16xf32>
      %mul3A_2317 = arith.mulf %get3A_2221, %mul3A_2309 : vector<16xf32>
      %add3A_2318 = arith.addf %add3A_2178, %mul3A_2310 : vector<16xf32>
      %add3A_2319 = arith.addf %add3A_2179, %mul3A_2311 : vector<16xf32>
      %add3A_2320 = arith.addf %add3A_2180, %mul3A_2312 : vector<16xf32>
      %add3A_2321 = arith.addf %add3A_2181, %mul3A_2313 : vector<16xf32>
      %add3A_2322 = arith.addf %add3A_2182, %mul3A_2314 : vector<16xf32>
      %add3A_2323 = arith.addf %add3A_2183, %mul3A_2315 : vector<16xf32>
      %add3A_2324 = arith.addf %add3A_2184, %mul3A_2316 : vector<16xf32>
      %add3A_2325 = arith.addf %add3A_2185, %mul3A_2317 : vector<16xf32>
      %mul3A_2326 = arith.constant 20 : i32
      %mul3A_2327 = arith.muli %scan3A_99, %mul3A_2326 : i32
      %add3A_2328 = arith.constant 16 : i32
      %add3A_2329 = arith.addi %mul3A_2327, %add3A_2328 : i32
      %get3A_2330 = arith.index_cast %add3A_2329 : i32 to index
      %get3A_2331 = arith.constant 0 : index
      %get3A_2332 = tpu.vector_load %arg9[%get3A_2330, %get3A_2331] {strides = array<i32>} : memref<640x128xf32, #tpu.memory_space<vmem>>, vector<1x16xf32>,
      %get3A_2333 = vector.shape_cast %get3A_2332 : vector<1x16xf32> to vector<16xf32>
      %get3A_2334 = arith.index_cast %add3A_2329 : i32 to index
      %get3A_2335 = arith.constant 16 : index
      %get3A_2336 = tpu.vector_load %arg9[%get3A_2334, %get3A_2335] {strides = array<i32>} : memref<640x128xf32, #tpu.memory_space<vmem>>, vector<1x16xf32>,
      %get3A_2337 = vector.shape_cast %get3A_2336 : vector<1x16xf32> to vector<16xf32>
      %get3A_2338 = arith.index_cast %add3A_2329 : i32 to index
      %get3A_2339 = arith.constant 32 : index
      %get3A_2340 = tpu.vector_load %arg9[%get3A_2338, %get3A_2339] {strides = array<i32>} : memref<640x128xf32, #tpu.memory_space<vmem>>, vector<1x16xf32>,
      %get3A_2341 = vector.shape_cast %get3A_2340 : vector<1x16xf32> to vector<16xf32>
      %get3A_2342 = arith.index_cast %add3A_2329 : i32 to index
      %get3A_2343 = arith.constant 48 : index
      %get3A_2344 = tpu.vector_load %arg9[%get3A_2342, %get3A_2343] {strides = array<i32>} : memref<640x128xf32, #tpu.memory_space<vmem>>, vector<1x16xf32>,
      %get3A_2345 = vector.shape_cast %get3A_2344 : vector<1x16xf32> to vector<16xf32>
      %get3A_2346 = arith.index_cast %add3A_2329 : i32 to index
      %get3A_2347 = arith.constant 64 : index
      %get3A_2348 = tpu.vector_load %arg9[%get3A_2346, %get3A_2347] {strides = array<i32>} : memref<640x128xf32, #tpu.memory_space<vmem>>, vector<1x16xf32>,
      %get3A_2349 = vector.shape_cast %get3A_2348 : vector<1x16xf32> to vector<16xf32>
      %get3A_2350 = arith.index_cast %add3A_2329 : i32 to index
      %get3A_2351 = arith.constant 80 : index
      %get3A_2352 = tpu.vector_load %arg9[%get3A_2350, %get3A_2351] {strides = array<i32>} : memref<640x128xf32, #tpu.memory_space<vmem>>, vector<1x16xf32>,
      %get3A_2353 = vector.shape_cast %get3A_2352 : vector<1x16xf32> to vector<16xf32>
      %get3A_2354 = arith.index_cast %add3A_2329 : i32 to index
      %get3A_2355 = arith.constant 96 : index
      %get3A_2356 = tpu.vector_load %arg9[%get3A_2354, %get3A_2355] {strides = array<i32>} : memref<640x128xf32, #tpu.memory_space<vmem>>, vector<1x16xf32>,
      %get3A_2357 = vector.shape_cast %get3A_2356 : vector<1x16xf32> to vector<16xf32>
      %get3A_2358 = arith.index_cast %add3A_2329 : i32 to index
      %get3A_2359 = arith.constant 112 : index
      %get3A_2360 = tpu.vector_load %arg9[%get3A_2358, %get3A_2359] {strides = array<i32>} : memref<640x128xf32, #tpu.memory_space<vmem>>, vector<1x16xf32>,
      %get3A_2361 = vector.shape_cast %get3A_2360 : vector<1x16xf32> to vector<16xf32>
      %mul3A_2362 = arith.mulf %get3A_2333, %get3A_2333 : vector<16xf32>
      %mul3A_2363 = arith.mulf %get3A_2337, %get3A_2337 : vector<16xf32>
      %add3A_2364 = arith.addf %mul3A_2362, %mul3A_2363 : vector<16xf32>
      %mul3A_2365 = arith.mulf %get3A_2341, %get3A_2341 : vector<16xf32>
      %add3A_2366 = arith.addf %add3A_2364, %mul3A_2365 : vector<16xf32>
      %mul3A_2367 = arith.mulf %get3A_2345, %get3A_2345 : vector<16xf32>
      %add3A_2368 = arith.addf %add3A_2366, %mul3A_2367 : vector<16xf32>
      %mul3A_2369 = arith.mulf %get3A_2349, %get3A_2349 : vector<16xf32>
      %add3A_2370 = arith.addf %add3A_2368, %mul3A_2369 : vector<16xf32>
      %mul3A_2371 = arith.mulf %get3A_2353, %get3A_2353 : vector<16xf32>
      %add3A_2372 = arith.addf %add3A_2370, %mul3A_2371 : vector<16xf32>
      %mul3A_2373 = arith.mulf %get3A_2357, %get3A_2357 : vector<16xf32>
      %add3A_2374 = arith.addf %add3A_2372, %mul3A_2373 : vector<16xf32>
      %mul3A_2375 = arith.mulf %get3A_2361, %get3A_2361 : vector<16xf32>
      %add3A_2376 = arith.addf %add3A_2374, %mul3A_2375 : vector<16xf32>
      %slice3A_2377 = vector.extract_strided_slice %add3A_2376 {offsets = [0], sizes = [1], strides = [1]} : vector<16xf32> to vector<1xf32>
      %squeeze3A_2378 = vector.extract %slice3A_2377[0] : f32 from vector<1xf32>
      %slice3A_2379 = vector.extract_strided_slice %add3A_2376 {offsets = [1], sizes = [1], strides = [1]} : vector<16xf32> to vector<1xf32>
      %squeeze3A_2380 = vector.extract %slice3A_2379[0] : f32 from vector<1xf32>
      %add3A_2381 = arith.addf %squeeze3A_2378, %squeeze3A_2380 : f32
      %slice3A_2382 = vector.extract_strided_slice %add3A_2376 {offsets = [2], sizes = [1], strides = [1]} : vector<16xf32> to vector<1xf32>
      %squeeze3A_2383 = vector.extract %slice3A_2382[0] : f32 from vector<1xf32>
      %add3A_2384 = arith.addf %add3A_2381, %squeeze3A_2383 : f32
      %slice3A_2385 = vector.extract_strided_slice %add3A_2376 {offsets = [3], sizes = [1], strides = [1]} : vector<16xf32> to vector<1xf32>
      %squeeze3A_2386 = vector.extract %slice3A_2385[0] : f32 from vector<1xf32>
      %add3A_2387 = arith.addf %add3A_2384, %squeeze3A_2386 : f32
      %slice3A_2388 = vector.extract_strided_slice %add3A_2376 {offsets = [4], sizes = [1], strides = [1]} : vector<16xf32> to vector<1xf32>
      %squeeze3A_2389 = vector.extract %slice3A_2388[0] : f32 from vector<1xf32>
      %add3A_2390 = arith.addf %add3A_2387, %squeeze3A_2389 : f32
      %slice3A_2391 = vector.extract_strided_slice %add3A_2376 {offsets = [5], sizes = [1], strides = [1]} : vector<16xf32> to vector<1xf32>
      %squeeze3A_2392 = vector.extract %slice3A_2391[0] : f32 from vector<1xf32>
      %add3A_2393 = arith.addf %add3A_2390, %squeeze3A_2392 : f32
      %slice3A_2394 = vector.extract_strided_slice %add3A_2376 {offsets = [6], sizes = [1], strides = [1]} : vector<16xf32> to vector<1xf32>
      %squeeze3A_2395 = vector.extract %slice3A_2394[0] : f32 from vector<1xf32>
      %add3A_2396 = arith.addf %add3A_2393, %squeeze3A_2395 : f32
      %slice3A_2397 = vector.extract_strided_slice %add3A_2376 {offsets = [7], sizes = [1], strides = [1]} : vector<16xf32> to vector<1xf32>
      %squeeze3A_2398 = vector.extract %slice3A_2397[0] : f32 from vector<1xf32>
      %add3A_2399 = arith.addf %add3A_2396, %squeeze3A_2398 : f32
      %slice3A_2400 = vector.extract_strided_slice %add3A_2376 {offsets = [8], sizes = [1], strides = [1]} : vector<16xf32> to vector<1xf32>
      %squeeze3A_2401 = vector.extract %slice3A_2400[0] : f32 from vector<1xf32>
      %add3A_2402 = arith.addf %add3A_2399, %squeeze3A_2401 : f32
      %slice3A_2403 = vector.extract_strided_slice %add3A_2376 {offsets = [9], sizes = [1], strides = [1]} : vector<16xf32> to vector<1xf32>
      %squeeze3A_2404 = vector.extract %slice3A_2403[0] : f32 from vector<1xf32>
      %add3A_2405 = arith.addf %add3A_2402, %squeeze3A_2404 : f32
      %slice3A_2406 = vector.extract_strided_slice %add3A_2376 {offsets = [10], sizes = [1], strides = [1]} : vector<16xf32> to vector<1xf32>
      %squeeze3A_2407 = vector.extract %slice3A_2406[0] : f32 from vector<1xf32>
      %add3A_2408 = arith.addf %add3A_2405, %squeeze3A_2407 : f32
      %slice3A_2409 = vector.extract_strided_slice %add3A_2376 {offsets = [11], sizes = [1], strides = [1]} : vector<16xf32> to vector<1xf32>
      %squeeze3A_2410 = vector.extract %slice3A_2409[0] : f32 from vector<1xf32>
      %add3A_2411 = arith.addf %add3A_2408, %squeeze3A_2410 : f32
      %slice3A_2412 = vector.extract_strided_slice %add3A_2376 {offsets = [12], sizes = [1], strides = [1]} : vector<16xf32> to vector<1xf32>
      %squeeze3A_2413 = vector.extract %slice3A_2412[0] : f32 from vector<1xf32>
      %add3A_2414 = arith.addf %add3A_2411, %squeeze3A_2413 : f32
      %slice3A_2415 = vector.extract_strided_slice %add3A_2376 {offsets = [13], sizes = [1], strides = [1]} : vector<16xf32> to vector<1xf32>
      %squeeze3A_2416 = vector.extract %slice3A_2415[0] : f32 from vector<1xf32>
      %add3A_2417 = arith.addf %add3A_2414, %squeeze3A_2416 : f32
      %slice3A_2418 = vector.extract_strided_slice %add3A_2376 {offsets = [14], sizes = [1], strides = [1]} : vector<16xf32> to vector<1xf32>
      %squeeze3A_2419 = vector.extract %slice3A_2418[0] : f32 from vector<1xf32>
      %add3A_2420 = arith.addf %add3A_2417, %squeeze3A_2419 : f32
      %slice3A_2421 = vector.extract_strided_slice %add3A_2376 {offsets = [15], sizes = [1], strides = [1]} : vector<16xf32> to vector<1xf32>
      %squeeze3A_2422 = vector.extract %slice3A_2421[0] : f32 from vector<1xf32>
      %add3A_2423 = arith.addf %add3A_2420, %squeeze3A_2422 : f32
      %bitcast_convert_type3A_2424 = arith.bitcast %add3A_2423 : f32 to i32
      %shift_right_logical3A_2425 = arith.constant 1 : i32
      %shift_right_logical3A_2426 = arith.shrui %bitcast_convert_type3A_2424, %shift_right_logical3A_2425 : i32
      %sub3A_2427 = arith.constant 1597463007 : i32
      %sub3A_2428 = arith.subi %sub3A_2427, %shift_right_logical3A_2426 : i32
      %bitcast_convert_type3A_2429 = arith.bitcast %sub3A_2428 : i32 to f32
      %broadcast_in_dim3A_2430 = vector.broadcast %bitcast_convert_type3A_2429 : f32 to vector<16xf32>
      %broadcast_in_dim3A_2431 = vector.broadcast %add3A_2423 : f32 to vector<16xf32>
      %mul3A_2432 = arith.constant 5.000000e-01 : f32
      %mul3A_2433 = vector.broadcast %mul3A_2432 : f32 to vector<16xf32>
      %mul3A_2434 = arith.mulf %mul3A_2433, %broadcast_in_dim3A_2431 : vector<16xf32>
      %mul3A_2435 = arith.mulf %mul3A_2434, %broadcast_in_dim3A_2430 : vector<16xf32>
      %mul3A_2436 = arith.mulf %mul3A_2435, %broadcast_in_dim3A_2430 : vector<16xf32>
      %sub3A_2437 = arith.constant 1.500000e+00 : f32
      %sub3A_2438 = vector.broadcast %sub3A_2437 : f32 to vector<16xf32>
      %sub3A_2439 = arith.subf %sub3A_2438, %mul3A_2436 : vector<16xf32>
      %mul3A_2440 = arith.mulf %broadcast_in_dim3A_2430, %sub3A_2439 : vector<16xf32>
      %mul3A_2441 = arith.constant 5.000000e-01 : f32
      %mul3A_2442 = vector.broadcast %mul3A_2441 : f32 to vector<16xf32>
      %mul3A_2443 = arith.mulf %mul3A_2442, %broadcast_in_dim3A_2431 : vector<16xf32>
      %mul3A_2444 = arith.mulf %mul3A_2443, %mul3A_2440 : vector<16xf32>
      %mul3A_2445 = arith.mulf %mul3A_2444, %mul3A_2440 : vector<16xf32>
      %sub3A_2446 = arith.constant 1.500000e+00 : f32
      %sub3A_2447 = vector.broadcast %sub3A_2446 : f32 to vector<16xf32>
      %sub3A_2448 = arith.subf %sub3A_2447, %mul3A_2445 : vector<16xf32>
      %mul3A_2449 = arith.mulf %mul3A_2440, %sub3A_2448 : vector<16xf32>
      %mul3A_2450 = arith.mulf %get3A_2333, %mul3A_2449 : vector<16xf32>
      %mul3A_2451 = arith.mulf %get3A_2337, %mul3A_2449 : vector<16xf32>
      %mul3A_2452 = arith.mulf %get3A_2341, %mul3A_2449 : vector<16xf32>
      %mul3A_2453 = arith.mulf %get3A_2345, %mul3A_2449 : vector<16xf32>
      %mul3A_2454 = arith.mulf %get3A_2349, %mul3A_2449 : vector<16xf32>
      %mul3A_2455 = arith.mulf %get3A_2353, %mul3A_2449 : vector<16xf32>
      %mul3A_2456 = arith.mulf %get3A_2357, %mul3A_2449 : vector<16xf32>
      %mul3A_2457 = arith.mulf %get3A_2361, %mul3A_2449 : vector<16xf32>
      %add3A_2458 = arith.addf %add3A_2318, %mul3A_2450 : vector<16xf32>
      %add3A_2459 = arith.addf %add3A_2319, %mul3A_2451 : vector<16xf32>
      %add3A_2460 = arith.addf %add3A_2320, %mul3A_2452 : vector<16xf32>
      %add3A_2461 = arith.addf %add3A_2321, %mul3A_2453 : vector<16xf32>
      %add3A_2462 = arith.addf %add3A_2322, %mul3A_2454 : vector<16xf32>
      %add3A_2463 = arith.addf %add3A_2323, %mul3A_2455 : vector<16xf32>
      %add3A_2464 = arith.addf %add3A_2324, %mul3A_2456 : vector<16xf32>
      %add3A_2465 = arith.addf %add3A_2325, %mul3A_2457 : vector<16xf32>
      %mul3A_2466 = arith.constant 20 : i32
      %mul3A_2467 = arith.muli %scan3A_99, %mul3A_2466 : i32
      %add3A_2468 = arith.constant 17 : i32
      %add3A_2469 = arith.addi %mul3A_2467, %add3A_2468 : i32
      %get3A_2470 = arith.index_cast %add3A_2469 : i32 to index
      %get3A_2471 = arith.constant 0 : index
      %get3A_2472 = tpu.vector_load %arg9[%get3A_2470, %get3A_2471] {strides = array<i32>} : memref<640x128xf32, #tpu.memory_space<vmem>>, vector<1x16xf32>,
      %get3A_2473 = vector.shape_cast %get3A_2472 : vector<1x16xf32> to vector<16xf32>
      %get3A_2474 = arith.index_cast %add3A_2469 : i32 to index
      %get3A_2475 = arith.constant 16 : index
      %get3A_2476 = tpu.vector_load %arg9[%get3A_2474, %get3A_2475] {strides = array<i32>} : memref<640x128xf32, #tpu.memory_space<vmem>>, vector<1x16xf32>,
      %get3A_2477 = vector.shape_cast %get3A_2476 : vector<1x16xf32> to vector<16xf32>
      %get3A_2478 = arith.index_cast %add3A_2469 : i32 to index
      %get3A_2479 = arith.constant 32 : index
      %get3A_2480 = tpu.vector_load %arg9[%get3A_2478, %get3A_2479] {strides = array<i32>} : memref<640x128xf32, #tpu.memory_space<vmem>>, vector<1x16xf32>,
      %get3A_2481 = vector.shape_cast %get3A_2480 : vector<1x16xf32> to vector<16xf32>
      %get3A_2482 = arith.index_cast %add3A_2469 : i32 to index
      %get3A_2483 = arith.constant 48 : index
      %get3A_2484 = tpu.vector_load %arg9[%get3A_2482, %get3A_2483] {strides = array<i32>} : memref<640x128xf32, #tpu.memory_space<vmem>>, vector<1x16xf32>,
      %get3A_2485 = vector.shape_cast %get3A_2484 : vector<1x16xf32> to vector<16xf32>
      %get3A_2486 = arith.index_cast %add3A_2469 : i32 to index
      %get3A_2487 = arith.constant 64 : index
      %get3A_2488 = tpu.vector_load %arg9[%get3A_2486, %get3A_2487] {strides = array<i32>} : memref<640x128xf32, #tpu.memory_space<vmem>>, vector<1x16xf32>,
      %get3A_2489 = vector.shape_cast %get3A_2488 : vector<1x16xf32> to vector<16xf32>
      %get3A_2490 = arith.index_cast %add3A_2469 : i32 to index
      %get3A_2491 = arith.constant 80 : index
      %get3A_2492 = tpu.vector_load %arg9[%get3A_2490, %get3A_2491] {strides = array<i32>} : memref<640x128xf32, #tpu.memory_space<vmem>>, vector<1x16xf32>,
      %get3A_2493 = vector.shape_cast %get3A_2492 : vector<1x16xf32> to vector<16xf32>
      %get3A_2494 = arith.index_cast %add3A_2469 : i32 to index
      %get3A_2495 = arith.constant 96 : index
      %get3A_2496 = tpu.vector_load %arg9[%get3A_2494, %get3A_2495] {strides = array<i32>} : memref<640x128xf32, #tpu.memory_space<vmem>>, vector<1x16xf32>,
      %get3A_2497 = vector.shape_cast %get3A_2496 : vector<1x16xf32> to vector<16xf32>
      %get3A_2498 = arith.index_cast %add3A_2469 : i32 to index
      %get3A_2499 = arith.constant 112 : index
      %get3A_2500 = tpu.vector_load %arg9[%get3A_2498, %get3A_2499] {strides = array<i32>} : memref<640x128xf32, #tpu.memory_space<vmem>>, vector<1x16xf32>,
      %get3A_2501 = vector.shape_cast %get3A_2500 : vector<1x16xf32> to vector<16xf32>
      %mul3A_2502 = arith.mulf %get3A_2473, %get3A_2473 : vector<16xf32>
      %mul3A_2503 = arith.mulf %get3A_2477, %get3A_2477 : vector<16xf32>
      %add3A_2504 = arith.addf %mul3A_2502, %mul3A_2503 : vector<16xf32>
      %mul3A_2505 = arith.mulf %get3A_2481, %get3A_2481 : vector<16xf32>
      %add3A_2506 = arith.addf %add3A_2504, %mul3A_2505 : vector<16xf32>
      %mul3A_2507 = arith.mulf %get3A_2485, %get3A_2485 : vector<16xf32>
      %add3A_2508 = arith.addf %add3A_2506, %mul3A_2507 : vector<16xf32>
      %mul3A_2509 = arith.mulf %get3A_2489, %get3A_2489 : vector<16xf32>
      %add3A_2510 = arith.addf %add3A_2508, %mul3A_2509 : vector<16xf32>
      %mul3A_2511 = arith.mulf %get3A_2493, %get3A_2493 : vector<16xf32>
      %add3A_2512 = arith.addf %add3A_2510, %mul3A_2511 : vector<16xf32>
      %mul3A_2513 = arith.mulf %get3A_2497, %get3A_2497 : vector<16xf32>
      %add3A_2514 = arith.addf %add3A_2512, %mul3A_2513 : vector<16xf32>
      %mul3A_2515 = arith.mulf %get3A_2501, %get3A_2501 : vector<16xf32>
      %add3A_2516 = arith.addf %add3A_2514, %mul3A_2515 : vector<16xf32>
      %slice3A_2517 = vector.extract_strided_slice %add3A_2516 {offsets = [0], sizes = [1], strides = [1]} : vector<16xf32> to vector<1xf32>
      %squeeze3A_2518 = vector.extract %slice3A_2517[0] : f32 from vector<1xf32>
      %slice3A_2519 = vector.extract_strided_slice %add3A_2516 {offsets = [1], sizes = [1], strides = [1]} : vector<16xf32> to vector<1xf32>
      %squeeze3A_2520 = vector.extract %slice3A_2519[0] : f32 from vector<1xf32>
      %add3A_2521 = arith.addf %squeeze3A_2518, %squeeze3A_2520 : f32
      %slice3A_2522 = vector.extract_strided_slice %add3A_2516 {offsets = [2], sizes = [1], strides = [1]} : vector<16xf32> to vector<1xf32>
      %squeeze3A_2523 = vector.extract %slice3A_2522[0] : f32 from vector<1xf32>
      %add3A_2524 = arith.addf %add3A_2521, %squeeze3A_2523 : f32
      %slice3A_2525 = vector.extract_strided_slice %add3A_2516 {offsets = [3], sizes = [1], strides = [1]} : vector<16xf32> to vector<1xf32>
      %squeeze3A_2526 = vector.extract %slice3A_2525[0] : f32 from vector<1xf32>
      %add3A_2527 = arith.addf %add3A_2524, %squeeze3A_2526 : f32
      %slice3A_2528 = vector.extract_strided_slice %add3A_2516 {offsets = [4], sizes = [1], strides = [1]} : vector<16xf32> to vector<1xf32>
      %squeeze3A_2529 = vector.extract %slice3A_2528[0] : f32 from vector<1xf32>
      %add3A_2530 = arith.addf %add3A_2527, %squeeze3A_2529 : f32
      %slice3A_2531 = vector.extract_strided_slice %add3A_2516 {offsets = [5], sizes = [1], strides = [1]} : vector<16xf32> to vector<1xf32>
      %squeeze3A_2532 = vector.extract %slice3A_2531[0] : f32 from vector<1xf32>
      %add3A_2533 = arith.addf %add3A_2530, %squeeze3A_2532 : f32
      %slice3A_2534 = vector.extract_strided_slice %add3A_2516 {offsets = [6], sizes = [1], strides = [1]} : vector<16xf32> to vector<1xf32>
      %squeeze3A_2535 = vector.extract %slice3A_2534[0] : f32 from vector<1xf32>
      %add3A_2536 = arith.addf %add3A_2533, %squeeze3A_2535 : f32
      %slice3A_2537 = vector.extract_strided_slice %add3A_2516 {offsets = [7], sizes = [1], strides = [1]} : vector<16xf32> to vector<1xf32>
      %squeeze3A_2538 = vector.extract %slice3A_2537[0] : f32 from vector<1xf32>
      %add3A_2539 = arith.addf %add3A_2536, %squeeze3A_2538 : f32
      %slice3A_2540 = vector.extract_strided_slice %add3A_2516 {offsets = [8], sizes = [1], strides = [1]} : vector<16xf32> to vector<1xf32>
      %squeeze3A_2541 = vector.extract %slice3A_2540[0] : f32 from vector<1xf32>
      %add3A_2542 = arith.addf %add3A_2539, %squeeze3A_2541 : f32
      %slice3A_2543 = vector.extract_strided_slice %add3A_2516 {offsets = [9], sizes = [1], strides = [1]} : vector<16xf32> to vector<1xf32>
      %squeeze3A_2544 = vector.extract %slice3A_2543[0] : f32 from vector<1xf32>
      %add3A_2545 = arith.addf %add3A_2542, %squeeze3A_2544 : f32
      %slice3A_2546 = vector.extract_strided_slice %add3A_2516 {offsets = [10], sizes = [1], strides = [1]} : vector<16xf32> to vector<1xf32>
      %squeeze3A_2547 = vector.extract %slice3A_2546[0] : f32 from vector<1xf32>
      %add3A_2548 = arith.addf %add3A_2545, %squeeze3A_2547 : f32
      %slice3A_2549 = vector.extract_strided_slice %add3A_2516 {offsets = [11], sizes = [1], strides = [1]} : vector<16xf32> to vector<1xf32>
      %squeeze3A_2550 = vector.extract %slice3A_2549[0] : f32 from vector<1xf32>
      %add3A_2551 = arith.addf %add3A_2548, %squeeze3A_2550 : f32
      %slice3A_2552 = vector.extract_strided_slice %add3A_2516 {offsets = [12], sizes = [1], strides = [1]} : vector<16xf32> to vector<1xf32>
      %squeeze3A_2553 = vector.extract %slice3A_2552[0] : f32 from vector<1xf32>
      %add3A_2554 = arith.addf %add3A_2551, %squeeze3A_2553 : f32
      %slice3A_2555 = vector.extract_strided_slice %add3A_2516 {offsets = [13], sizes = [1], strides = [1]} : vector<16xf32> to vector<1xf32>
      %squeeze3A_2556 = vector.extract %slice3A_2555[0] : f32 from vector<1xf32>
      %add3A_2557 = arith.addf %add3A_2554, %squeeze3A_2556 : f32
      %slice3A_2558 = vector.extract_strided_slice %add3A_2516 {offsets = [14], sizes = [1], strides = [1]} : vector<16xf32> to vector<1xf32>
      %squeeze3A_2559 = vector.extract %slice3A_2558[0] : f32 from vector<1xf32>
      %add3A_2560 = arith.addf %add3A_2557, %squeeze3A_2559 : f32
      %slice3A_2561 = vector.extract_strided_slice %add3A_2516 {offsets = [15], sizes = [1], strides = [1]} : vector<16xf32> to vector<1xf32>
      %squeeze3A_2562 = vector.extract %slice3A_2561[0] : f32 from vector<1xf32>
      %add3A_2563 = arith.addf %add3A_2560, %squeeze3A_2562 : f32
      %bitcast_convert_type3A_2564 = arith.bitcast %add3A_2563 : f32 to i32
      %shift_right_logical3A_2565 = arith.constant 1 : i32
      %shift_right_logical3A_2566 = arith.shrui %bitcast_convert_type3A_2564, %shift_right_logical3A_2565 : i32
      %sub3A_2567 = arith.constant 1597463007 : i32
      %sub3A_2568 = arith.subi %sub3A_2567, %shift_right_logical3A_2566 : i32
      %bitcast_convert_type3A_2569 = arith.bitcast %sub3A_2568 : i32 to f32
      %broadcast_in_dim3A_2570 = vector.broadcast %bitcast_convert_type3A_2569 : f32 to vector<16xf32>
      %broadcast_in_dim3A_2571 = vector.broadcast %add3A_2563 : f32 to vector<16xf32>
      %mul3A_2572 = arith.constant 5.000000e-01 : f32
      %mul3A_2573 = vector.broadcast %mul3A_2572 : f32 to vector<16xf32>
      %mul3A_2574 = arith.mulf %mul3A_2573, %broadcast_in_dim3A_2571 : vector<16xf32>
      %mul3A_2575 = arith.mulf %mul3A_2574, %broadcast_in_dim3A_2570 : vector<16xf32>
      %mul3A_2576 = arith.mulf %mul3A_2575, %broadcast_in_dim3A_2570 : vector<16xf32>
      %sub3A_2577 = arith.constant 1.500000e+00 : f32
      %sub3A_2578 = vector.broadcast %sub3A_2577 : f32 to vector<16xf32>
      %sub3A_2579 = arith.subf %sub3A_2578, %mul3A_2576 : vector<16xf32>
      %mul3A_2580 = arith.mulf %broadcast_in_dim3A_2570, %sub3A_2579 : vector<16xf32>
      %mul3A_2581 = arith.constant 5.000000e-01 : f32
      %mul3A_2582 = vector.broadcast %mul3A_2581 : f32 to vector<16xf32>
      %mul3A_2583 = arith.mulf %mul3A_2582, %broadcast_in_dim3A_2571 : vector<16xf32>
      %mul3A_2584 = arith.mulf %mul3A_2583, %mul3A_2580 : vector<16xf32>
      %mul3A_2585 = arith.mulf %mul3A_2584, %mul3A_2580 : vector<16xf32>
      %sub3A_2586 = arith.constant 1.500000e+00 : f32
      %sub3A_2587 = vector.broadcast %sub3A_2586 : f32 to vector<16xf32>
      %sub3A_2588 = arith.subf %sub3A_2587, %mul3A_2585 : vector<16xf32>
      %mul3A_2589 = arith.mulf %mul3A_2580, %sub3A_2588 : vector<16xf32>
      %mul3A_2590 = arith.mulf %get3A_2473, %mul3A_2589 : vector<16xf32>
      %mul3A_2591 = arith.mulf %get3A_2477, %mul3A_2589 : vector<16xf32>
      %mul3A_2592 = arith.mulf %get3A_2481, %mul3A_2589 : vector<16xf32>
      %mul3A_2593 = arith.mulf %get3A_2485, %mul3A_2589 : vector<16xf32>
      %mul3A_2594 = arith.mulf %get3A_2489, %mul3A_2589 : vector<16xf32>
      %mul3A_2595 = arith.mulf %get3A_2493, %mul3A_2589 : vector<16xf32>
      %mul3A_2596 = arith.mulf %get3A_2497, %mul3A_2589 : vector<16xf32>
      %mul3A_2597 = arith.mulf %get3A_2501, %mul3A_2589 : vector<16xf32>
      %add3A_2598 = arith.addf %add3A_2458, %mul3A_2590 : vector<16xf32>
      %add3A_2599 = arith.addf %add3A_2459, %mul3A_2591 : vector<16xf32>
      %add3A_2600 = arith.addf %add3A_2460, %mul3A_2592 : vector<16xf32>
      %add3A_2601 = arith.addf %add3A_2461, %mul3A_2593 : vector<16xf32>
      %add3A_2602 = arith.addf %add3A_2462, %mul3A_2594 : vector<16xf32>
      %add3A_2603 = arith.addf %add3A_2463, %mul3A_2595 : vector<16xf32>
      %add3A_2604 = arith.addf %add3A_2464, %mul3A_2596 : vector<16xf32>
      %add3A_2605 = arith.addf %add3A_2465, %mul3A_2597 : vector<16xf32>
      %mul3A_2606 = arith.constant 20 : i32
      %mul3A_2607 = arith.muli %scan3A_99, %mul3A_2606 : i32
      %add3A_2608 = arith.constant 18 : i32
      %add3A_2609 = arith.addi %mul3A_2607, %add3A_2608 : i32
      %get3A_2610 = arith.index_cast %add3A_2609 : i32 to index
      %get3A_2611 = arith.constant 0 : index
      %get3A_2612 = tpu.vector_load %arg9[%get3A_2610, %get3A_2611] {strides = array<i32>} : memref<640x128xf32, #tpu.memory_space<vmem>>, vector<1x16xf32>,
      %get3A_2613 = vector.shape_cast %get3A_2612 : vector<1x16xf32> to vector<16xf32>
      %get3A_2614 = arith.index_cast %add3A_2609 : i32 to index
      %get3A_2615 = arith.constant 16 : index
      %get3A_2616 = tpu.vector_load %arg9[%get3A_2614, %get3A_2615] {strides = array<i32>} : memref<640x128xf32, #tpu.memory_space<vmem>>, vector<1x16xf32>,
      %get3A_2617 = vector.shape_cast %get3A_2616 : vector<1x16xf32> to vector<16xf32>
      %get3A_2618 = arith.index_cast %add3A_2609 : i32 to index
      %get3A_2619 = arith.constant 32 : index
      %get3A_2620 = tpu.vector_load %arg9[%get3A_2618, %get3A_2619] {strides = array<i32>} : memref<640x128xf32, #tpu.memory_space<vmem>>, vector<1x16xf32>,
      %get3A_2621 = vector.shape_cast %get3A_2620 : vector<1x16xf32> to vector<16xf32>
      %get3A_2622 = arith.index_cast %add3A_2609 : i32 to index
      %get3A_2623 = arith.constant 48 : index
      %get3A_2624 = tpu.vector_load %arg9[%get3A_2622, %get3A_2623] {strides = array<i32>} : memref<640x128xf32, #tpu.memory_space<vmem>>, vector<1x16xf32>,
      %get3A_2625 = vector.shape_cast %get3A_2624 : vector<1x16xf32> to vector<16xf32>
      %get3A_2626 = arith.index_cast %add3A_2609 : i32 to index
      %get3A_2627 = arith.constant 64 : index
      %get3A_2628 = tpu.vector_load %arg9[%get3A_2626, %get3A_2627] {strides = array<i32>} : memref<640x128xf32, #tpu.memory_space<vmem>>, vector<1x16xf32>,
      %get3A_2629 = vector.shape_cast %get3A_2628 : vector<1x16xf32> to vector<16xf32>
      %get3A_2630 = arith.index_cast %add3A_2609 : i32 to index
      %get3A_2631 = arith.constant 80 : index
      %get3A_2632 = tpu.vector_load %arg9[%get3A_2630, %get3A_2631] {strides = array<i32>} : memref<640x128xf32, #tpu.memory_space<vmem>>, vector<1x16xf32>,
      %get3A_2633 = vector.shape_cast %get3A_2632 : vector<1x16xf32> to vector<16xf32>
      %get3A_2634 = arith.index_cast %add3A_2609 : i32 to index
      %get3A_2635 = arith.constant 96 : index
      %get3A_2636 = tpu.vector_load %arg9[%get3A_2634, %get3A_2635] {strides = array<i32>} : memref<640x128xf32, #tpu.memory_space<vmem>>, vector<1x16xf32>,
      %get3A_2637 = vector.shape_cast %get3A_2636 : vector<1x16xf32> to vector<16xf32>
      %get3A_2638 = arith.index_cast %add3A_2609 : i32 to index
      %get3A_2639 = arith.constant 112 : index
      %get3A_2640 = tpu.vector_load %arg9[%get3A_2638, %get3A_2639] {strides = array<i32>} : memref<640x128xf32, #tpu.memory_space<vmem>>, vector<1x16xf32>,
      %get3A_2641 = vector.shape_cast %get3A_2640 : vector<1x16xf32> to vector<16xf32>
      %mul3A_2642 = arith.mulf %get3A_2613, %get3A_2613 : vector<16xf32>
      %mul3A_2643 = arith.mulf %get3A_2617, %get3A_2617 : vector<16xf32>
      %add3A_2644 = arith.addf %mul3A_2642, %mul3A_2643 : vector<16xf32>
      %mul3A_2645 = arith.mulf %get3A_2621, %get3A_2621 : vector<16xf32>
      %add3A_2646 = arith.addf %add3A_2644, %mul3A_2645 : vector<16xf32>
      %mul3A_2647 = arith.mulf %get3A_2625, %get3A_2625 : vector<16xf32>
      %add3A_2648 = arith.addf %add3A_2646, %mul3A_2647 : vector<16xf32>
      %mul3A_2649 = arith.mulf %get3A_2629, %get3A_2629 : vector<16xf32>
      %add3A_2650 = arith.addf %add3A_2648, %mul3A_2649 : vector<16xf32>
      %mul3A_2651 = arith.mulf %get3A_2633, %get3A_2633 : vector<16xf32>
      %add3A_2652 = arith.addf %add3A_2650, %mul3A_2651 : vector<16xf32>
      %mul3A_2653 = arith.mulf %get3A_2637, %get3A_2637 : vector<16xf32>
      %add3A_2654 = arith.addf %add3A_2652, %mul3A_2653 : vector<16xf32>
      %mul3A_2655 = arith.mulf %get3A_2641, %get3A_2641 : vector<16xf32>
      %add3A_2656 = arith.addf %add3A_2654, %mul3A_2655 : vector<16xf32>
      %slice3A_2657 = vector.extract_strided_slice %add3A_2656 {offsets = [0], sizes = [1], strides = [1]} : vector<16xf32> to vector<1xf32>
      %squeeze3A_2658 = vector.extract %slice3A_2657[0] : f32 from vector<1xf32>
      %slice3A_2659 = vector.extract_strided_slice %add3A_2656 {offsets = [1], sizes = [1], strides = [1]} : vector<16xf32> to vector<1xf32>
      %squeeze3A_2660 = vector.extract %slice3A_2659[0] : f32 from vector<1xf32>
      %add3A_2661 = arith.addf %squeeze3A_2658, %squeeze3A_2660 : f32
      %slice3A_2662 = vector.extract_strided_slice %add3A_2656 {offsets = [2], sizes = [1], strides = [1]} : vector<16xf32> to vector<1xf32>
      %squeeze3A_2663 = vector.extract %slice3A_2662[0] : f32 from vector<1xf32>
      %add3A_2664 = arith.addf %add3A_2661, %squeeze3A_2663 : f32
      %slice3A_2665 = vector.extract_strided_slice %add3A_2656 {offsets = [3], sizes = [1], strides = [1]} : vector<16xf32> to vector<1xf32>
      %squeeze3A_2666 = vector.extract %slice3A_2665[0] : f32 from vector<1xf32>
      %add3A_2667 = arith.addf %add3A_2664, %squeeze3A_2666 : f32
      %slice3A_2668 = vector.extract_strided_slice %add3A_2656 {offsets = [4], sizes = [1], strides = [1]} : vector<16xf32> to vector<1xf32>
      %squeeze3A_2669 = vector.extract %slice3A_2668[0] : f32 from vector<1xf32>
      %add3A_2670 = arith.addf %add3A_2667, %squeeze3A_2669 : f32
      %slice3A_2671 = vector.extract_strided_slice %add3A_2656 {offsets = [5], sizes = [1], strides = [1]} : vector<16xf32> to vector<1xf32>
      %squeeze3A_2672 = vector.extract %slice3A_2671[0] : f32 from vector<1xf32>
      %add3A_2673 = arith.addf %add3A_2670, %squeeze3A_2672 : f32
      %slice3A_2674 = vector.extract_strided_slice %add3A_2656 {offsets = [6], sizes = [1], strides = [1]} : vector<16xf32> to vector<1xf32>
      %squeeze3A_2675 = vector.extract %slice3A_2674[0] : f32 from vector<1xf32>
      %add3A_2676 = arith.addf %add3A_2673, %squeeze3A_2675 : f32
      %slice3A_2677 = vector.extract_strided_slice %add3A_2656 {offsets = [7], sizes = [1], strides = [1]} : vector<16xf32> to vector<1xf32>
      %squeeze3A_2678 = vector.extract %slice3A_2677[0] : f32 from vector<1xf32>
      %add3A_2679 = arith.addf %add3A_2676, %squeeze3A_2678 : f32
      %slice3A_2680 = vector.extract_strided_slice %add3A_2656 {offsets = [8], sizes = [1], strides = [1]} : vector<16xf32> to vector<1xf32>
      %squeeze3A_2681 = vector.extract %slice3A_2680[0] : f32 from vector<1xf32>
      %add3A_2682 = arith.addf %add3A_2679, %squeeze3A_2681 : f32
      %slice3A_2683 = vector.extract_strided_slice %add3A_2656 {offsets = [9], sizes = [1], strides = [1]} : vector<16xf32> to vector<1xf32>
      %squeeze3A_2684 = vector.extract %slice3A_2683[0] : f32 from vector<1xf32>
      %add3A_2685 = arith.addf %add3A_2682, %squeeze3A_2684 : f32
      %slice3A_2686 = vector.extract_strided_slice %add3A_2656 {offsets = [10], sizes = [1], strides = [1]} : vector<16xf32> to vector<1xf32>
      %squeeze3A_2687 = vector.extract %slice3A_2686[0] : f32 from vector<1xf32>
      %add3A_2688 = arith.addf %add3A_2685, %squeeze3A_2687 : f32
      %slice3A_2689 = vector.extract_strided_slice %add3A_2656 {offsets = [11], sizes = [1], strides = [1]} : vector<16xf32> to vector<1xf32>
      %squeeze3A_2690 = vector.extract %slice3A_2689[0] : f32 from vector<1xf32>
      %add3A_2691 = arith.addf %add3A_2688, %squeeze3A_2690 : f32
      %slice3A_2692 = vector.extract_strided_slice %add3A_2656 {offsets = [12], sizes = [1], strides = [1]} : vector<16xf32> to vector<1xf32>
      %squeeze3A_2693 = vector.extract %slice3A_2692[0] : f32 from vector<1xf32>
      %add3A_2694 = arith.addf %add3A_2691, %squeeze3A_2693 : f32
      %slice3A_2695 = vector.extract_strided_slice %add3A_2656 {offsets = [13], sizes = [1], strides = [1]} : vector<16xf32> to vector<1xf32>
      %squeeze3A_2696 = vector.extract %slice3A_2695[0] : f32 from vector<1xf32>
      %add3A_2697 = arith.addf %add3A_2694, %squeeze3A_2696 : f32
      %slice3A_2698 = vector.extract_strided_slice %add3A_2656 {offsets = [14], sizes = [1], strides = [1]} : vector<16xf32> to vector<1xf32>
      %squeeze3A_2699 = vector.extract %slice3A_2698[0] : f32 from vector<1xf32>
      %add3A_2700 = arith.addf %add3A_2697, %squeeze3A_2699 : f32
      %slice3A_2701 = vector.extract_strided_slice %add3A_2656 {offsets = [15], sizes = [1], strides = [1]} : vector<16xf32> to vector<1xf32>
      %squeeze3A_2702 = vector.extract %slice3A_2701[0] : f32 from vector<1xf32>
      %add3A_2703 = arith.addf %add3A_2700, %squeeze3A_2702 : f32
      %bitcast_convert_type3A_2704 = arith.bitcast %add3A_2703 : f32 to i32
      %shift_right_logical3A_2705 = arith.constant 1 : i32
      %shift_right_logical3A_2706 = arith.shrui %bitcast_convert_type3A_2704, %shift_right_logical3A_2705 : i32
      %sub3A_2707 = arith.constant 1597463007 : i32
      %sub3A_2708 = arith.subi %sub3A_2707, %shift_right_logical3A_2706 : i32
      %bitcast_convert_type3A_2709 = arith.bitcast %sub3A_2708 : i32 to f32
      %broadcast_in_dim3A_2710 = vector.broadcast %bitcast_convert_type3A_2709 : f32 to vector<16xf32>
      %broadcast_in_dim3A_2711 = vector.broadcast %add3A_2703 : f32 to vector<16xf32>
      %mul3A_2712 = arith.constant 5.000000e-01 : f32
      %mul3A_2713 = vector.broadcast %mul3A_2712 : f32 to vector<16xf32>
      %mul3A_2714 = arith.mulf %mul3A_2713, %broadcast_in_dim3A_2711 : vector<16xf32>
      %mul3A_2715 = arith.mulf %mul3A_2714, %broadcast_in_dim3A_2710 : vector<16xf32>
      %mul3A_2716 = arith.mulf %mul3A_2715, %broadcast_in_dim3A_2710 : vector<16xf32>
      %sub3A_2717 = arith.constant 1.500000e+00 : f32
      %sub3A_2718 = vector.broadcast %sub3A_2717 : f32 to vector<16xf32>
      %sub3A_2719 = arith.subf %sub3A_2718, %mul3A_2716 : vector<16xf32>
      %mul3A_2720 = arith.mulf %broadcast_in_dim3A_2710, %sub3A_2719 : vector<16xf32>
      %mul3A_2721 = arith.constant 5.000000e-01 : f32
      %mul3A_2722 = vector.broadcast %mul3A_2721 : f32 to vector<16xf32>
      %mul3A_2723 = arith.mulf %mul3A_2722, %broadcast_in_dim3A_2711 : vector<16xf32>
      %mul3A_2724 = arith.mulf %mul3A_2723, %mul3A_2720 : vector<16xf32>
      %mul3A_2725 = arith.mulf %mul3A_2724, %mul3A_2720 : vector<16xf32>
      %sub3A_2726 = arith.constant 1.500000e+00 : f32
      %sub3A_2727 = vector.broadcast %sub3A_2726 : f32 to vector<16xf32>
      %sub3A_2728 = arith.subf %sub3A_2727, %mul3A_2725 : vector<16xf32>
      %mul3A_2729 = arith.mulf %mul3A_2720, %sub3A_2728 : vector<16xf32>
      %mul3A_2730 = arith.mulf %get3A_2613, %mul3A_2729 : vector<16xf32>
      %mul3A_2731 = arith.mulf %get3A_2617, %mul3A_2729 : vector<16xf32>
      %mul3A_2732 = arith.mulf %get3A_2621, %mul3A_2729 : vector<16xf32>
      %mul3A_2733 = arith.mulf %get3A_2625, %mul3A_2729 : vector<16xf32>
      %mul3A_2734 = arith.mulf %get3A_2629, %mul3A_2729 : vector<16xf32>
      %mul3A_2735 = arith.mulf %get3A_2633, %mul3A_2729 : vector<16xf32>
      %mul3A_2736 = arith.mulf %get3A_2637, %mul3A_2729 : vector<16xf32>
      %mul3A_2737 = arith.mulf %get3A_2641, %mul3A_2729 : vector<16xf32>
      %add3A_2738 = arith.addf %add3A_2598, %mul3A_2730 : vector<16xf32>
      %add3A_2739 = arith.addf %add3A_2599, %mul3A_2731 : vector<16xf32>
      %add3A_2740 = arith.addf %add3A_2600, %mul3A_2732 : vector<16xf32>
      %add3A_2741 = arith.addf %add3A_2601, %mul3A_2733 : vector<16xf32>
      %add3A_2742 = arith.addf %add3A_2602, %mul3A_2734 : vector<16xf32>
      %add3A_2743 = arith.addf %add3A_2603, %mul3A_2735 : vector<16xf32>
      %add3A_2744 = arith.addf %add3A_2604, %mul3A_2736 : vector<16xf32>
      %add3A_2745 = arith.addf %add3A_2605, %mul3A_2737 : vector<16xf32>
      %mul3A_2746 = arith.constant 20 : i32
      %mul3A_2747 = arith.muli %scan3A_99, %mul3A_2746 : i32
      %add3A_2748 = arith.constant 19 : i32
      %add3A_2749 = arith.addi %mul3A_2747, %add3A_2748 : i32
      %get3A_2750 = arith.index_cast %add3A_2749 : i32 to index
      %get3A_2751 = arith.constant 0 : index
      %get3A_2752 = tpu.vector_load %arg9[%get3A_2750, %get3A_2751] {strides = array<i32>} : memref<640x128xf32, #tpu.memory_space<vmem>>, vector<1x16xf32>,
      %get3A_2753 = vector.shape_cast %get3A_2752 : vector<1x16xf32> to vector<16xf32>
      %get3A_2754 = arith.index_cast %add3A_2749 : i32 to index
      %get3A_2755 = arith.constant 16 : index
      %get3A_2756 = tpu.vector_load %arg9[%get3A_2754, %get3A_2755] {strides = array<i32>} : memref<640x128xf32, #tpu.memory_space<vmem>>, vector<1x16xf32>,
      %get3A_2757 = vector.shape_cast %get3A_2756 : vector<1x16xf32> to vector<16xf32>
      %get3A_2758 = arith.index_cast %add3A_2749 : i32 to index
      %get3A_2759 = arith.constant 32 : index
      %get3A_2760 = tpu.vector_load %arg9[%get3A_2758, %get3A_2759] {strides = array<i32>} : memref<640x128xf32, #tpu.memory_space<vmem>>, vector<1x16xf32>,
      %get3A_2761 = vector.shape_cast %get3A_2760 : vector<1x16xf32> to vector<16xf32>
      %get3A_2762 = arith.index_cast %add3A_2749 : i32 to index
      %get3A_2763 = arith.constant 48 : index
      %get3A_2764 = tpu.vector_load %arg9[%get3A_2762, %get3A_2763] {strides = array<i32>} : memref<640x128xf32, #tpu.memory_space<vmem>>, vector<1x16xf32>,
      %get3A_2765 = vector.shape_cast %get3A_2764 : vector<1x16xf32> to vector<16xf32>
      %get3A_2766 = arith.index_cast %add3A_2749 : i32 to index
      %get3A_2767 = arith.constant 64 : index
      %get3A_2768 = tpu.vector_load %arg9[%get3A_2766, %get3A_2767] {strides = array<i32>} : memref<640x128xf32, #tpu.memory_space<vmem>>, vector<1x16xf32>,
      %get3A_2769 = vector.shape_cast %get3A_2768 : vector<1x16xf32> to vector<16xf32>
      %get3A_2770 = arith.index_cast %add3A_2749 : i32 to index
      %get3A_2771 = arith.constant 80 : index
      %get3A_2772 = tpu.vector_load %arg9[%get3A_2770, %get3A_2771] {strides = array<i32>} : memref<640x128xf32, #tpu.memory_space<vmem>>, vector<1x16xf32>,
      %get3A_2773 = vector.shape_cast %get3A_2772 : vector<1x16xf32> to vector<16xf32>
      %get3A_2774 = arith.index_cast %add3A_2749 : i32 to index
      %get3A_2775 = arith.constant 96 : index
      %get3A_2776 = tpu.vector_load %arg9[%get3A_2774, %get3A_2775] {strides = array<i32>} : memref<640x128xf32, #tpu.memory_space<vmem>>, vector<1x16xf32>,
      %get3A_2777 = vector.shape_cast %get3A_2776 : vector<1x16xf32> to vector<16xf32>
      %get3A_2778 = arith.index_cast %add3A_2749 : i32 to index
      %get3A_2779 = arith.constant 112 : index
      %get3A_2780 = tpu.vector_load %arg9[%get3A_2778, %get3A_2779] {strides = array<i32>} : memref<640x128xf32, #tpu.memory_space<vmem>>, vector<1x16xf32>,
      %get3A_2781 = vector.shape_cast %get3A_2780 : vector<1x16xf32> to vector<16xf32>
      %mul3A_2782 = arith.mulf %get3A_2753, %get3A_2753 : vector<16xf32>
      %mul3A_2783 = arith.mulf %get3A_2757, %get3A_2757 : vector<16xf32>
      %add3A_2784 = arith.addf %mul3A_2782, %mul3A_2783 : vector<16xf32>
      %mul3A_2785 = arith.mulf %get3A_2761, %get3A_2761 : vector<16xf32>
      %add3A_2786 = arith.addf %add3A_2784, %mul3A_2785 : vector<16xf32>
      %mul3A_2787 = arith.mulf %get3A_2765, %get3A_2765 : vector<16xf32>
      %add3A_2788 = arith.addf %add3A_2786, %mul3A_2787 : vector<16xf32>
      %mul3A_2789 = arith.mulf %get3A_2769, %get3A_2769 : vector<16xf32>
      %add3A_2790 = arith.addf %add3A_2788, %mul3A_2789 : vector<16xf32>
      %mul3A_2791 = arith.mulf %get3A_2773, %get3A_2773 : vector<16xf32>
      %add3A_2792 = arith.addf %add3A_2790, %mul3A_2791 : vector<16xf32>
      %mul3A_2793 = arith.mulf %get3A_2777, %get3A_2777 : vector<16xf32>
      %add3A_2794 = arith.addf %add3A_2792, %mul3A_2793 : vector<16xf32>
      %mul3A_2795 = arith.mulf %get3A_2781, %get3A_2781 : vector<16xf32>
      %add3A_2796 = arith.addf %add3A_2794, %mul3A_2795 : vector<16xf32>
      %slice3A_2797 = vector.extract_strided_slice %add3A_2796 {offsets = [0], sizes = [1], strides = [1]} : vector<16xf32> to vector<1xf32>
      %squeeze3A_2798 = vector.extract %slice3A_2797[0] : f32 from vector<1xf32>
      %slice3A_2799 = vector.extract_strided_slice %add3A_2796 {offsets = [1], sizes = [1], strides = [1]} : vector<16xf32> to vector<1xf32>
      %squeeze3A_2800 = vector.extract %slice3A_2799[0] : f32 from vector<1xf32>
      %add3A_2801 = arith.addf %squeeze3A_2798, %squeeze3A_2800 : f32
      %slice3A_2802 = vector.extract_strided_slice %add3A_2796 {offsets = [2], sizes = [1], strides = [1]} : vector<16xf32> to vector<1xf32>
      %squeeze3A_2803 = vector.extract %slice3A_2802[0] : f32 from vector<1xf32>
      %add3A_2804 = arith.addf %add3A_2801, %squeeze3A_2803 : f32
      %slice3A_2805 = vector.extract_strided_slice %add3A_2796 {offsets = [3], sizes = [1], strides = [1]} : vector<16xf32> to vector<1xf32>
      %squeeze3A_2806 = vector.extract %slice3A_2805[0] : f32 from vector<1xf32>
      %add3A_2807 = arith.addf %add3A_2804, %squeeze3A_2806 : f32
      %slice3A_2808 = vector.extract_strided_slice %add3A_2796 {offsets = [4], sizes = [1], strides = [1]} : vector<16xf32> to vector<1xf32>
      %squeeze3A_2809 = vector.extract %slice3A_2808[0] : f32 from vector<1xf32>
      %add3A_2810 = arith.addf %add3A_2807, %squeeze3A_2809 : f32
      %slice3A_2811 = vector.extract_strided_slice %add3A_2796 {offsets = [5], sizes = [1], strides = [1]} : vector<16xf32> to vector<1xf32>
      %squeeze3A_2812 = vector.extract %slice3A_2811[0] : f32 from vector<1xf32>
      %add3A_2813 = arith.addf %add3A_2810, %squeeze3A_2812 : f32
      %slice3A_2814 = vector.extract_strided_slice %add3A_2796 {offsets = [6], sizes = [1], strides = [1]} : vector<16xf32> to vector<1xf32>
      %squeeze3A_2815 = vector.extract %slice3A_2814[0] : f32 from vector<1xf32>
      %add3A_2816 = arith.addf %add3A_2813, %squeeze3A_2815 : f32
      %slice3A_2817 = vector.extract_strided_slice %add3A_2796 {offsets = [7], sizes = [1], strides = [1]} : vector<16xf32> to vector<1xf32>
      %squeeze3A_2818 = vector.extract %slice3A_2817[0] : f32 from vector<1xf32>
      %add3A_2819 = arith.addf %add3A_2816, %squeeze3A_2818 : f32
      %slice3A_2820 = vector.extract_strided_slice %add3A_2796 {offsets = [8], sizes = [1], strides = [1]} : vector<16xf32> to vector<1xf32>
      %squeeze3A_2821 = vector.extract %slice3A_2820[0] : f32 from vector<1xf32>
      %add3A_2822 = arith.addf %add3A_2819, %squeeze3A_2821 : f32
      %slice3A_2823 = vector.extract_strided_slice %add3A_2796 {offsets = [9], sizes = [1], strides = [1]} : vector<16xf32> to vector<1xf32>
      %squeeze3A_2824 = vector.extract %slice3A_2823[0] : f32 from vector<1xf32>
      %add3A_2825 = arith.addf %add3A_2822, %squeeze3A_2824 : f32
      %slice3A_2826 = vector.extract_strided_slice %add3A_2796 {offsets = [10], sizes = [1], strides = [1]} : vector<16xf32> to vector<1xf32>
      %squeeze3A_2827 = vector.extract %slice3A_2826[0] : f32 from vector<1xf32>
      %add3A_2828 = arith.addf %add3A_2825, %squeeze3A_2827 : f32
      %slice3A_2829 = vector.extract_strided_slice %add3A_2796 {offsets = [11], sizes = [1], strides = [1]} : vector<16xf32> to vector<1xf32>
      %squeeze3A_2830 = vector.extract %slice3A_2829[0] : f32 from vector<1xf32>
      %add3A_2831 = arith.addf %add3A_2828, %squeeze3A_2830 : f32
      %slice3A_2832 = vector.extract_strided_slice %add3A_2796 {offsets = [12], sizes = [1], strides = [1]} : vector<16xf32> to vector<1xf32>
      %squeeze3A_2833 = vector.extract %slice3A_2832[0] : f32 from vector<1xf32>
      %add3A_2834 = arith.addf %add3A_2831, %squeeze3A_2833 : f32
      %slice3A_2835 = vector.extract_strided_slice %add3A_2796 {offsets = [13], sizes = [1], strides = [1]} : vector<16xf32> to vector<1xf32>
      %squeeze3A_2836 = vector.extract %slice3A_2835[0] : f32 from vector<1xf32>
      %add3A_2837 = arith.addf %add3A_2834, %squeeze3A_2836 : f32
      %slice3A_2838 = vector.extract_strided_slice %add3A_2796 {offsets = [14], sizes = [1], strides = [1]} : vector<16xf32> to vector<1xf32>
      %squeeze3A_2839 = vector.extract %slice3A_2838[0] : f32 from vector<1xf32>
      %add3A_2840 = arith.addf %add3A_2837, %squeeze3A_2839 : f32
      %slice3A_2841 = vector.extract_strided_slice %add3A_2796 {offsets = [15], sizes = [1], strides = [1]} : vector<16xf32> to vector<1xf32>
      %squeeze3A_2842 = vector.extract %slice3A_2841[0] : f32 from vector<1xf32>
      %add3A_2843 = arith.addf %add3A_2840, %squeeze3A_2842 : f32
      %bitcast_convert_type3A_2844 = arith.bitcast %add3A_2843 : f32 to i32
      %shift_right_logical3A_2845 = arith.constant 1 : i32
      %shift_right_logical3A_2846 = arith.shrui %bitcast_convert_type3A_2844, %shift_right_logical3A_2845 : i32
      %sub3A_2847 = arith.constant 1597463007 : i32
      %sub3A_2848 = arith.subi %sub3A_2847, %shift_right_logical3A_2846 : i32
      %bitcast_convert_type3A_2849 = arith.bitcast %sub3A_2848 : i32 to f32
      %broadcast_in_dim3A_2850 = vector.broadcast %bitcast_convert_type3A_2849 : f32 to vector<16xf32>
      %broadcast_in_dim3A_2851 = vector.broadcast %add3A_2843 : f32 to vector<16xf32>
      %mul3A_2852 = arith.constant 5.000000e-01 : f32
      %mul3A_2853 = vector.broadcast %mul3A_2852 : f32 to vector<16xf32>
      %mul3A_2854 = arith.mulf %mul3A_2853, %broadcast_in_dim3A_2851 : vector<16xf32>
      %mul3A_2855 = arith.mulf %mul3A_2854, %broadcast_in_dim3A_2850 : vector<16xf32>
      %mul3A_2856 = arith.mulf %mul3A_2855, %broadcast_in_dim3A_2850 : vector<16xf32>
      %sub3A_2857 = arith.constant 1.500000e+00 : f32
      %sub3A_2858 = vector.broadcast %sub3A_2857 : f32 to vector<16xf32>
      %sub3A_2859 = arith.subf %sub3A_2858, %mul3A_2856 : vector<16xf32>
      %mul3A_2860 = arith.mulf %broadcast_in_dim3A_2850, %sub3A_2859 : vector<16xf32>
      %mul3A_2861 = arith.constant 5.000000e-01 : f32
      %mul3A_2862 = vector.broadcast %mul3A_2861 : f32 to vector<16xf32>
      %mul3A_2863 = arith.mulf %mul3A_2862, %broadcast_in_dim3A_2851 : vector<16xf32>
      %mul3A_2864 = arith.mulf %mul3A_2863, %mul3A_2860 : vector<16xf32>
      %mul3A_2865 = arith.mulf %mul3A_2864, %mul3A_2860 : vector<16xf32>
      %sub3A_2866 = arith.constant 1.500000e+00 : f32
      %sub3A_2867 = vector.broadcast %sub3A_2866 : f32 to vector<16xf32>
      %sub3A_2868 = arith.subf %sub3A_2867, %mul3A_2865 : vector<16xf32>
      %mul3A_2869 = arith.mulf %mul3A_2860, %sub3A_2868 : vector<16xf32>
      %mul3A_2870 = arith.mulf %get3A_2753, %mul3A_2869 : vector<16xf32>
      %mul3A_2871 = arith.mulf %get3A_2757, %mul3A_2869 : vector<16xf32>
      %mul3A_2872 = arith.mulf %get3A_2761, %mul3A_2869 : vector<16xf32>
      %mul3A_2873 = arith.mulf %get3A_2765, %mul3A_2869 : vector<16xf32>
      %mul3A_2874 = arith.mulf %get3A_2769, %mul3A_2869 : vector<16xf32>
      %mul3A_2875 = arith.mulf %get3A_2773, %mul3A_2869 : vector<16xf32>
      %mul3A_2876 = arith.mulf %get3A_2777, %mul3A_2869 : vector<16xf32>
      %mul3A_2877 = arith.mulf %get3A_2781, %mul3A_2869 : vector<16xf32>
      %add3A_2878 = arith.addf %add3A_2738, %mul3A_2870 : vector<16xf32>
      %add3A_2879 = arith.addf %add3A_2739, %mul3A_2871 : vector<16xf32>
      %add3A_2880 = arith.addf %add3A_2740, %mul3A_2872 : vector<16xf32>
      %add3A_2881 = arith.addf %add3A_2741, %mul3A_2873 : vector<16xf32>
      %add3A_2882 = arith.addf %add3A_2742, %mul3A_2874 : vector<16xf32>
      %add3A_2883 = arith.addf %add3A_2743, %mul3A_2875 : vector<16xf32>
      %add3A_2884 = arith.addf %add3A_2744, %mul3A_2876 : vector<16xf32>
      %add3A_2885 = arith.addf %add3A_2745, %mul3A_2877 : vector<16xf32>
      %swap3A = arith.index_cast %scan3A_99 : i32 to index
      %swap3A_2886 = arith.constant 0 : index
      %swap3A_2887 = tpu.vector_load %arg11[%swap3A, %swap3A_2886] {strides = array<i32>} : memref<32x128xf32, #tpu.memory_space<vmem>>, vector<1x16xf32>,
      %swap3A_2888 = vector.shape_cast %swap3A_2887 : vector<1x16xf32> to vector<16xf32>
      %swap3A_2889 = vector.shape_cast %add3A_2878 : vector<16xf32> to vector<1x16xf32>
      tpu.vector_store %arg11[%swap3A, %swap3A_2886], %swap3A_2889 {strides = array<i32>} : memref<32x128xf32, #tpu.memory_space<vmem>>, vector<1x16xf32>,
      %swap3A_2890 = arith.index_cast %scan3A_99 : i32 to index
      %swap3A_2891 = arith.constant 16 : index
      %swap3A_2892 = tpu.vector_load %arg11[%swap3A_2890, %swap3A_2891] {strides = array<i32>} : memref<32x128xf32, #tpu.memory_space<vmem>>, vector<1x16xf32>,
      %swap3A_2893 = vector.shape_cast %swap3A_2892 : vector<1x16xf32> to vector<16xf32>
      %swap3A_2894 = vector.shape_cast %add3A_2879 : vector<16xf32> to vector<1x16xf32>
      tpu.vector_store %arg11[%swap3A_2890, %swap3A_2891], %swap3A_2894 {strides = array<i32>} : memref<32x128xf32, #tpu.memory_space<vmem>>, vector<1x16xf32>,
      %swap3A_2895 = arith.index_cast %scan3A_99 : i32 to index
      %swap3A_2896 = arith.constant 32 : index
      %swap3A_2897 = tpu.vector_load %arg11[%swap3A_2895, %swap3A_2896] {strides = array<i32>} : memref<32x128xf32, #tpu.memory_space<vmem>>, vector<1x16xf32>,
      %swap3A_2898 = vector.shape_cast %swap3A_2897 : vector<1x16xf32> to vector<16xf32>
      %swap3A_2899 = vector.shape_cast %add3A_2880 : vector<16xf32> to vector<1x16xf32>
      tpu.vector_store %arg11[%swap3A_2895, %swap3A_2896], %swap3A_2899 {strides = array<i32>} : memref<32x128xf32, #tpu.memory_space<vmem>>, vector<1x16xf32>,
      %swap3A_2900 = arith.index_cast %scan3A_99 : i32 to index
      %swap3A_2901 = arith.constant 48 : index
      %swap3A_2902 = tpu.vector_load %arg11[%swap3A_2900, %swap3A_2901] {strides = array<i32>} : memref<32x128xf32, #tpu.memory_space<vmem>>, vector<1x16xf32>,
      %swap3A_2903 = vector.shape_cast %swap3A_2902 : vector<1x16xf32> to vector<16xf32>
      %swap3A_2904 = vector.shape_cast %add3A_2881 : vector<16xf32> to vector<1x16xf32>
      tpu.vector_store %arg11[%swap3A_2900, %swap3A_2901], %swap3A_2904 {strides = array<i32>} : memref<32x128xf32, #tpu.memory_space<vmem>>, vector<1x16xf32>,
      %swap3A_2905 = arith.index_cast %scan3A_99 : i32 to index
      %swap3A_2906 = arith.constant 64 : index
      %swap3A_2907 = tpu.vector_load %arg11[%swap3A_2905, %swap3A_2906] {strides = array<i32>} : memref<32x128xf32, #tpu.memory_space<vmem>>, vector<1x16xf32>,
      %swap3A_2908 = vector.shape_cast %swap3A_2907 : vector<1x16xf32> to vector<16xf32>
      %swap3A_2909 = vector.shape_cast %add3A_2882 : vector<16xf32> to vector<1x16xf32>
      tpu.vector_store %arg11[%swap3A_2905, %swap3A_2906], %swap3A_2909 {strides = array<i32>} : memref<32x128xf32, #tpu.memory_space<vmem>>, vector<1x16xf32>,
      %swap3A_2910 = arith.index_cast %scan3A_99 : i32 to index
      %swap3A_2911 = arith.constant 80 : index
      %swap3A_2912 = tpu.vector_load %arg11[%swap3A_2910, %swap3A_2911] {strides = array<i32>} : memref<32x128xf32, #tpu.memory_space<vmem>>, vector<1x16xf32>,
      %swap3A_2913 = vector.shape_cast %swap3A_2912 : vector<1x16xf32> to vector<16xf32>
      %swap3A_2914 = vector.shape_cast %add3A_2883 : vector<16xf32> to vector<1x16xf32>
      tpu.vector_store %arg11[%swap3A_2910, %swap3A_2911], %swap3A_2914 {strides = array<i32>} : memref<32x128xf32, #tpu.memory_space<vmem>>, vector<1x16xf32>,
      %swap3A_2915 = arith.index_cast %scan3A_99 : i32 to index
      %swap3A_2916 = arith.constant 96 : index
      %swap3A_2917 = tpu.vector_load %arg11[%swap3A_2915, %swap3A_2916] {strides = array<i32>} : memref<32x128xf32, #tpu.memory_space<vmem>>, vector<1x16xf32>,
      %swap3A_2918 = vector.shape_cast %swap3A_2917 : vector<1x16xf32> to vector<16xf32>
      %swap3A_2919 = vector.shape_cast %add3A_2884 : vector<16xf32> to vector<1x16xf32>
      tpu.vector_store %arg11[%swap3A_2915, %swap3A_2916], %swap3A_2919 {strides = array<i32>} : memref<32x128xf32, #tpu.memory_space<vmem>>, vector<1x16xf32>,
      %swap3A_2920 = arith.index_cast %scan3A_99 : i32 to index
      %swap3A_2921 = arith.constant 112 : index
      %swap3A_2922 = tpu.vector_load %arg11[%swap3A_2920, %swap3A_2921] {strides = array<i32>} : memref<32x128xf32, #tpu.memory_space<vmem>>, vector<1x16xf32>,
      %swap3A_2923 = vector.shape_cast %swap3A_2922 : vector<1x16xf32> to vector<16xf32>
      %swap3A_2924 = vector.shape_cast %add3A_2885 : vector<16xf32> to vector<1x16xf32>
      tpu.vector_store %arg11[%swap3A_2920, %swap3A_2921], %swap3A_2924 {strides = array<i32>} : memref<32x128xf32, #tpu.memory_space<vmem>>, vector<1x16xf32>,
      %get3A_2925 = arith.index_cast %scan3A_99 : i32 to index
      %get3A_2926 = arith.constant 0 : index
      %get3A_2927 = tpu.vector_load %arg10[%get3A_2925, %get3A_2926] {strides = array<i32>} : memref<32x128xf32, #tpu.memory_space<vmem>>, vector<1x16xf32>,
      %get3A_2928 = vector.shape_cast %get3A_2927 : vector<1x16xf32> to vector<16xf32>
      %get3A_2929 = arith.index_cast %scan3A_99 : i32 to index
      %get3A_2930 = arith.constant 16 : index
      %get3A_2931 = tpu.vector_load %arg10[%get3A_2929, %get3A_2930] {strides = array<i32>} : memref<32x128xf32, #tpu.memory_space<vmem>>, vector<1x16xf32>,
      %get3A_2932 = vector.shape_cast %get3A_2931 : vector<1x16xf32> to vector<16xf32>
      %get3A_2933 = arith.index_cast %scan3A_99 : i32 to index
      %get3A_2934 = arith.constant 32 : index
      %get3A_2935 = tpu.vector_load %arg10[%get3A_2933, %get3A_2934] {strides = array<i32>} : memref<32x128xf32, #tpu.memory_space<vmem>>, vector<1x16xf32>,
      %get3A_2936 = vector.shape_cast %get3A_2935 : vector<1x16xf32> to vector<16xf32>
      %get3A_2937 = arith.index_cast %scan3A_99 : i32 to index
      %get3A_2938 = arith.constant 48 : index
      %get3A_2939 = tpu.vector_load %arg10[%get3A_2937, %get3A_2938] {strides = array<i32>} : memref<32x128xf32, #tpu.memory_space<vmem>>, vector<1x16xf32>,
      %get3A_2940 = vector.shape_cast %get3A_2939 : vector<1x16xf32> to vector<16xf32>
      %get3A_2941 = arith.index_cast %scan3A_99 : i32 to index
      %get3A_2942 = arith.constant 64 : index
      %get3A_2943 = tpu.vector_load %arg10[%get3A_2941, %get3A_2942] {strides = array<i32>} : memref<32x128xf32, #tpu.memory_space<vmem>>, vector<1x16xf32>,
      %get3A_2944 = vector.shape_cast %get3A_2943 : vector<1x16xf32> to vector<16xf32>
      %get3A_2945 = arith.index_cast %scan3A_99 : i32 to index
      %get3A_2946 = arith.constant 80 : index
      %get3A_2947 = tpu.vector_load %arg10[%get3A_2945, %get3A_2946] {strides = array<i32>} : memref<32x128xf32, #tpu.memory_space<vmem>>, vector<1x16xf32>,
      %get3A_2948 = vector.shape_cast %get3A_2947 : vector<1x16xf32> to vector<16xf32>
      %get3A_2949 = arith.index_cast %scan3A_99 : i32 to index
      %get3A_2950 = arith.constant 96 : index
      %get3A_2951 = tpu.vector_load %arg10[%get3A_2949, %get3A_2950] {strides = array<i32>} : memref<32x128xf32, #tpu.memory_space<vmem>>, vector<1x16xf32>,
      %get3A_2952 = vector.shape_cast %get3A_2951 : vector<1x16xf32> to vector<16xf32>
      %get3A_2953 = arith.index_cast %scan3A_99 : i32 to index
      %get3A_2954 = arith.constant 112 : index
      %get3A_2955 = tpu.vector_load %arg10[%get3A_2953, %get3A_2954] {strides = array<i32>} : memref<32x128xf32, #tpu.memory_space<vmem>>, vector<1x16xf32>,
      %get3A_2956 = vector.shape_cast %get3A_2955 : vector<1x16xf32> to vector<16xf32>
      %mul3A_2957 = arith.mulf %get3A_2928, %get3A_2928 : vector<16xf32>
      %mul3A_2958 = arith.mulf %get3A_2932, %get3A_2932 : vector<16xf32>
      %add3A_2959 = arith.addf %mul3A_2957, %mul3A_2958 : vector<16xf32>
      %mul3A_2960 = arith.mulf %get3A_2936, %get3A_2936 : vector<16xf32>
      %add3A_2961 = arith.addf %add3A_2959, %mul3A_2960 : vector<16xf32>
      %mul3A_2962 = arith.mulf %get3A_2940, %get3A_2940 : vector<16xf32>
      %add3A_2963 = arith.addf %add3A_2961, %mul3A_2962 : vector<16xf32>
      %mul3A_2964 = arith.mulf %get3A_2944, %get3A_2944 : vector<16xf32>
      %add3A_2965 = arith.addf %add3A_2963, %mul3A_2964 : vector<16xf32>
      %mul3A_2966 = arith.mulf %get3A_2948, %get3A_2948 : vector<16xf32>
      %add3A_2967 = arith.addf %add3A_2965, %mul3A_2966 : vector<16xf32>
      %mul3A_2968 = arith.mulf %get3A_2952, %get3A_2952 : vector<16xf32>
      %add3A_2969 = arith.addf %add3A_2967, %mul3A_2968 : vector<16xf32>
      %mul3A_2970 = arith.mulf %get3A_2956, %get3A_2956 : vector<16xf32>
      %add3A_2971 = arith.addf %add3A_2969, %mul3A_2970 : vector<16xf32>
      %slice3A_2972 = vector.extract_strided_slice %add3A_2971 {offsets = [0], sizes = [1], strides = [1]} : vector<16xf32> to vector<1xf32>
      %squeeze3A_2973 = vector.extract %slice3A_2972[0] : f32 from vector<1xf32>
      %slice3A_2974 = vector.extract_strided_slice %add3A_2971 {offsets = [1], sizes = [1], strides = [1]} : vector<16xf32> to vector<1xf32>
      %squeeze3A_2975 = vector.extract %slice3A_2974[0] : f32 from vector<1xf32>
      %add3A_2976 = arith.addf %squeeze3A_2973, %squeeze3A_2975 : f32
      %slice3A_2977 = vector.extract_strided_slice %add3A_2971 {offsets = [2], sizes = [1], strides = [1]} : vector<16xf32> to vector<1xf32>
      %squeeze3A_2978 = vector.extract %slice3A_2977[0] : f32 from vector<1xf32>
      %add3A_2979 = arith.addf %add3A_2976, %squeeze3A_2978 : f32
      %slice3A_2980 = vector.extract_strided_slice %add3A_2971 {offsets = [3], sizes = [1], strides = [1]} : vector<16xf32> to vector<1xf32>
      %squeeze3A_2981 = vector.extract %slice3A_2980[0] : f32 from vector<1xf32>
      %add3A_2982 = arith.addf %add3A_2979, %squeeze3A_2981 : f32
      %slice3A_2983 = vector.extract_strided_slice %add3A_2971 {offsets = [4], sizes = [1], strides = [1]} : vector<16xf32> to vector<1xf32>
      %squeeze3A_2984 = vector.extract %slice3A_2983[0] : f32 from vector<1xf32>
      %add3A_2985 = arith.addf %add3A_2982, %squeeze3A_2984 : f32
      %slice3A_2986 = vector.extract_strided_slice %add3A_2971 {offsets = [5], sizes = [1], strides = [1]} : vector<16xf32> to vector<1xf32>
      %squeeze3A_2987 = vector.extract %slice3A_2986[0] : f32 from vector<1xf32>
      %add3A_2988 = arith.addf %add3A_2985, %squeeze3A_2987 : f32
      %slice3A_2989 = vector.extract_strided_slice %add3A_2971 {offsets = [6], sizes = [1], strides = [1]} : vector<16xf32> to vector<1xf32>
      %squeeze3A_2990 = vector.extract %slice3A_2989[0] : f32 from vector<1xf32>
      %add3A_2991 = arith.addf %add3A_2988, %squeeze3A_2990 : f32
      %slice3A_2992 = vector.extract_strided_slice %add3A_2971 {offsets = [7], sizes = [1], strides = [1]} : vector<16xf32> to vector<1xf32>
      %squeeze3A_2993 = vector.extract %slice3A_2992[0] : f32 from vector<1xf32>
      %add3A_2994 = arith.addf %add3A_2991, %squeeze3A_2993 : f32
      %slice3A_2995 = vector.extract_strided_slice %add3A_2971 {offsets = [8], sizes = [1], strides = [1]} : vector<16xf32> to vector<1xf32>
      %squeeze3A_2996 = vector.extract %slice3A_2995[0] : f32 from vector<1xf32>
      %add3A_2997 = arith.addf %add3A_2994, %squeeze3A_2996 : f32
      %slice3A_2998 = vector.extract_strided_slice %add3A_2971 {offsets = [9], sizes = [1], strides = [1]} : vector<16xf32> to vector<1xf32>
      %squeeze3A_2999 = vector.extract %slice3A_2998[0] : f32 from vector<1xf32>
      %add3A_3000 = arith.addf %add3A_2997, %squeeze3A_2999 : f32
      %slice3A_3001 = vector.extract_strided_slice %add3A_2971 {offsets = [10], sizes = [1], strides = [1]} : vector<16xf32> to vector<1xf32>
      %squeeze3A_3002 = vector.extract %slice3A_3001[0] : f32 from vector<1xf32>
      %add3A_3003 = arith.addf %add3A_3000, %squeeze3A_3002 : f32
      %slice3A_3004 = vector.extract_strided_slice %add3A_2971 {offsets = [11], sizes = [1], strides = [1]} : vector<16xf32> to vector<1xf32>
      %squeeze3A_3005 = vector.extract %slice3A_3004[0] : f32 from vector<1xf32>
      %add3A_3006 = arith.addf %add3A_3003, %squeeze3A_3005 : f32
      %slice3A_3007 = vector.extract_strided_slice %add3A_2971 {offsets = [12], sizes = [1], strides = [1]} : vector<16xf32> to vector<1xf32>
      %squeeze3A_3008 = vector.extract %slice3A_3007[0] : f32 from vector<1xf32>
      %add3A_3009 = arith.addf %add3A_3006, %squeeze3A_3008 : f32
      %slice3A_3010 = vector.extract_strided_slice %add3A_2971 {offsets = [13], sizes = [1], strides = [1]} : vector<16xf32> to vector<1xf32>
      %squeeze3A_3011 = vector.extract %slice3A_3010[0] : f32 from vector<1xf32>
      %add3A_3012 = arith.addf %add3A_3009, %squeeze3A_3011 : f32
      %slice3A_3013 = vector.extract_strided_slice %add3A_2971 {offsets = [14], sizes = [1], strides = [1]} : vector<16xf32> to vector<1xf32>
      %squeeze3A_3014 = vector.extract %slice3A_3013[0] : f32 from vector<1xf32>
      %add3A_3015 = arith.addf %add3A_3012, %squeeze3A_3014 : f32
      %slice3A_3016 = vector.extract_strided_slice %add3A_2971 {offsets = [15], sizes = [1], strides = [1]} : vector<16xf32> to vector<1xf32>
      %squeeze3A_3017 = vector.extract %slice3A_3016[0] : f32 from vector<1xf32>
      %add3A_3018 = arith.addf %add3A_3015, %squeeze3A_3017 : f32
      %bitcast_convert_type3A_3019 = arith.bitcast %add3A_3018 : f32 to i32
      %shift_right_logical3A_3020 = arith.constant 1 : i32
      %shift_right_logical3A_3021 = arith.shrui %bitcast_convert_type3A_3019, %shift_right_logical3A_3020 : i32
      %sub3A_3022 = arith.constant 1597463007 : i32
      %sub3A_3023 = arith.subi %sub3A_3022, %shift_right_logical3A_3021 : i32
      %bitcast_convert_type3A_3024 = arith.bitcast %sub3A_3023 : i32 to f32
      %broadcast_in_dim3A_3025 = vector.broadcast %bitcast_convert_type3A_3024 : f32 to vector<16xf32>
      %broadcast_in_dim3A_3026 = vector.broadcast %add3A_3018 : f32 to vector<16xf32>
      %mul3A_3027 = arith.constant 5.000000e-01 : f32
      %mul3A_3028 = vector.broadcast %mul3A_3027 : f32 to vector<16xf32>
      %mul3A_3029 = arith.mulf %mul3A_3028, %broadcast_in_dim3A_3026 : vector<16xf32>
      %mul3A_3030 = arith.mulf %mul3A_3029, %broadcast_in_dim3A_3025 : vector<16xf32>
      %mul3A_3031 = arith.mulf %mul3A_3030, %broadcast_in_dim3A_3025 : vector<16xf32>
      %sub3A_3032 = arith.constant 1.500000e+00 : f32
      %sub3A_3033 = vector.broadcast %sub3A_3032 : f32 to vector<16xf32>
      %sub3A_3034 = arith.subf %sub3A_3033, %mul3A_3031 : vector<16xf32>
      %mul3A_3035 = arith.mulf %broadcast_in_dim3A_3025, %sub3A_3034 : vector<16xf32>
      %mul3A_3036 = arith.constant 5.000000e-01 : f32
      %mul3A_3037 = vector.broadcast %mul3A_3036 : f32 to vector<16xf32>
      %mul3A_3038 = arith.mulf %mul3A_3037, %broadcast_in_dim3A_3026 : vector<16xf32>
      %mul3A_3039 = arith.mulf %mul3A_3038, %mul3A_3035 : vector<16xf32>
      %mul3A_3040 = arith.mulf %mul3A_3039, %mul3A_3035 : vector<16xf32>
      %sub3A_3041 = arith.constant 1.500000e+00 : f32
      %sub3A_3042 = vector.broadcast %sub3A_3041 : f32 to vector<16xf32>
      %sub3A_3043 = arith.subf %sub3A_3042, %mul3A_3040 : vector<16xf32>
      %mul3A_3044 = arith.mulf %mul3A_3035, %sub3A_3043 : vector<16xf32>
      %mul3A_3045 = arith.mulf %get3A_2928, %mul3A_3044 : vector<16xf32>
      %mul3A_3046 = arith.mulf %get3A_2932, %mul3A_3044 : vector<16xf32>
      %mul3A_3047 = arith.mulf %get3A_2936, %mul3A_3044 : vector<16xf32>
      %mul3A_3048 = arith.mulf %get3A_2940, %mul3A_3044 : vector<16xf32>
      %mul3A_3049 = arith.mulf %get3A_2944, %mul3A_3044 : vector<16xf32>
      %mul3A_3050 = arith.mulf %get3A_2948, %mul3A_3044 : vector<16xf32>
      %mul3A_3051 = arith.mulf %get3A_2952, %mul3A_3044 : vector<16xf32>
      %mul3A_3052 = arith.mulf %get3A_2956, %mul3A_3044 : vector<16xf32>
      %swap3A_3053 = arith.index_cast %scan3A_99 : i32 to index
      %swap3A_3054 = arith.constant 0 : index
      %swap3A_3055 = tpu.vector_load %arg12[%swap3A_3053, %swap3A_3054] {strides = array<i32>} : memref<32x128xf32, #tpu.memory_space<vmem>>, vector<1x16xf32>,
      %swap3A_3056 = vector.shape_cast %swap3A_3055 : vector<1x16xf32> to vector<16xf32>
      %swap3A_3057 = vector.shape_cast %mul3A_3045 : vector<16xf32> to vector<1x16xf32>
      tpu.vector_store %arg12[%swap3A_3053, %swap3A_3054], %swap3A_3057 {strides = array<i32>} : memref<32x128xf32, #tpu.memory_space<vmem>>, vector<1x16xf32>,
      %swap3A_3058 = arith.index_cast %scan3A_99 : i32 to index
      %swap3A_3059 = arith.constant 16 : index
      %swap3A_3060 = tpu.vector_load %arg12[%swap3A_3058, %swap3A_3059] {strides = array<i32>} : memref<32x128xf32, #tpu.memory_space<vmem>>, vector<1x16xf32>,
      %swap3A_3061 = vector.shape_cast %swap3A_3060 : vector<1x16xf32> to vector<16xf32>
      %swap3A_3062 = vector.shape_cast %mul3A_3046 : vector<16xf32> to vector<1x16xf32>
      tpu.vector_store %arg12[%swap3A_3058, %swap3A_3059], %swap3A_3062 {strides = array<i32>} : memref<32x128xf32, #tpu.memory_space<vmem>>, vector<1x16xf32>,
      %swap3A_3063 = arith.index_cast %scan3A_99 : i32 to index
      %swap3A_3064 = arith.constant 32 : index
      %swap3A_3065 = tpu.vector_load %arg12[%swap3A_3063, %swap3A_3064] {strides = array<i32>} : memref<32x128xf32, #tpu.memory_space<vmem>>, vector<1x16xf32>,
      %swap3A_3066 = vector.shape_cast %swap3A_3065 : vector<1x16xf32> to vector<16xf32>
      %swap3A_3067 = vector.shape_cast %mul3A_3047 : vector<16xf32> to vector<1x16xf32>
      tpu.vector_store %arg12[%swap3A_3063, %swap3A_3064], %swap3A_3067 {strides = array<i32>} : memref<32x128xf32, #tpu.memory_space<vmem>>, vector<1x16xf32>,
      %swap3A_3068 = arith.index_cast %scan3A_99 : i32 to index
      %swap3A_3069 = arith.constant 48 : index
      %swap3A_3070 = tpu.vector_load %arg12[%swap3A_3068, %swap3A_3069] {strides = array<i32>} : memref<32x128xf32, #tpu.memory_space<vmem>>, vector<1x16xf32>,
      %swap3A_3071 = vector.shape_cast %swap3A_3070 : vector<1x16xf32> to vector<16xf32>
      %swap3A_3072 = vector.shape_cast %mul3A_3048 : vector<16xf32> to vector<1x16xf32>
      tpu.vector_store %arg12[%swap3A_3068, %swap3A_3069], %swap3A_3072 {strides = array<i32>} : memref<32x128xf32, #tpu.memory_space<vmem>>, vector<1x16xf32>,
      %swap3A_3073 = arith.index_cast %scan3A_99 : i32 to index
      %swap3A_3074 = arith.constant 64 : index
      %swap3A_3075 = tpu.vector_load %arg12[%swap3A_3073, %swap3A_3074] {strides = array<i32>} : memref<32x128xf32, #tpu.memory_space<vmem>>, vector<1x16xf32>,
      %swap3A_3076 = vector.shape_cast %swap3A_3075 : vector<1x16xf32> to vector<16xf32>
      %swap3A_3077 = vector.shape_cast %mul3A_3049 : vector<16xf32> to vector<1x16xf32>
      tpu.vector_store %arg12[%swap3A_3073, %swap3A_3074], %swap3A_3077 {strides = array<i32>} : memref<32x128xf32, #tpu.memory_space<vmem>>, vector<1x16xf32>,
      %swap3A_3078 = arith.index_cast %scan3A_99 : i32 to index
      %swap3A_3079 = arith.constant 80 : index
      %swap3A_3080 = tpu.vector_load %arg12[%swap3A_3078, %swap3A_3079] {strides = array<i32>} : memref<32x128xf32, #tpu.memory_space<vmem>>, vector<1x16xf32>,
      %swap3A_3081 = vector.shape_cast %swap3A_3080 : vector<1x16xf32> to vector<16xf32>
      %swap3A_3082 = vector.shape_cast %mul3A_3050 : vector<16xf32> to vector<1x16xf32>
      tpu.vector_store %arg12[%swap3A_3078, %swap3A_3079], %swap3A_3082 {strides = array<i32>} : memref<32x128xf32, #tpu.memory_space<vmem>>, vector<1x16xf32>,
      %swap3A_3083 = arith.index_cast %scan3A_99 : i32 to index
      %swap3A_3084 = arith.constant 96 : index
      %swap3A_3085 = tpu.vector_load %arg12[%swap3A_3083, %swap3A_3084] {strides = array<i32>} : memref<32x128xf32, #tpu.memory_space<vmem>>, vector<1x16xf32>,
      %swap3A_3086 = vector.shape_cast %swap3A_3085 : vector<1x16xf32> to vector<16xf32>
      %swap3A_3087 = vector.shape_cast %mul3A_3051 : vector<16xf32> to vector<1x16xf32>
      tpu.vector_store %arg12[%swap3A_3083, %swap3A_3084], %swap3A_3087 {strides = array<i32>} : memref<32x128xf32, #tpu.memory_space<vmem>>, vector<1x16xf32>,
      %swap3A_3088 = arith.index_cast %scan3A_99 : i32 to index
      %swap3A_3089 = arith.constant 112 : index
      %swap3A_3090 = tpu.vector_load %arg12[%swap3A_3088, %swap3A_3089] {strides = array<i32>} : memref<32x128xf32, #tpu.memory_space<vmem>>, vector<1x16xf32>,
      %swap3A_3091 = vector.shape_cast %swap3A_3090 : vector<1x16xf32> to vector<16xf32>
      %swap3A_3092 = vector.shape_cast %mul3A_3052 : vector<16xf32> to vector<1x16xf32>
      tpu.vector_store %arg12[%swap3A_3088, %swap3A_3089], %swap3A_3092 {strides = array<i32>} : memref<32x128xf32, #tpu.memory_space<vmem>>, vector<1x16xf32>,
      %scan3A_3093 = arith.constant 0 : i32
      scf.yield %scan3A_3093 : i32
    }
    %scan3A_94 = arith.constant 32 : i32
    %mul3A_95 = arith.constant 32 : i32
    %mul3A_96 = arith.muli %add3A, %mul3A_95 : i32
    "tpu.region"() ({
      %run_scoped3A = tpu.sem_alloc : memref<!tpu.dma_semaphore, #tpu.memory_space<semaphore_mem>>
      %dma_start3A_99 = arith.constant 0 : i32
      %dma_start3A_100 = tpu.memref_slice %arg5[%mul3A_96, %dma_start3A_99] : memref<1024x128xf32, #tpu.memory_space<hbm>> -> memref<32x128xf32, #tpu.memory_space<hbm>>
      %dma_start3A_101 = arith.constant 0 : i32
      %dma_start3A_102 = tpu.memref_slice %arg5[%mul3A_96, %dma_start3A_101] : memref<1024x128xf32, #tpu.memory_space<hbm>> -> memref<32x128xf32, #tpu.memory_space<hbm>>
      tpu.enqueue_dma source(%arg11 : memref<32x128xf32, #tpu.memory_space<vmem>>) target(%dma_start3A_102 : memref<32x128xf32, #tpu.memory_space<hbm>>) target_semaphore(%run_scoped3A : memref<!tpu.dma_semaphore, #tpu.memory_space<semaphore_mem>>)
      %dma_wait3A_103 = arith.constant 0 : i32
      %dma_wait3A_104 = tpu.memref_slice %arg5[%mul3A_96, %dma_wait3A_103] : memref<1024x128xf32, #tpu.memory_space<hbm>> -> memref<32x128xf32, #tpu.memory_space<hbm>>
      %dma_wait3A_105 = arith.constant 0 : i32
      %dma_wait3A_106 = tpu.memref_slice %arg5[%mul3A_96, %dma_wait3A_105] : memref<1024x128xf32, #tpu.memory_space<hbm>> -> memref<32x128xf32, #tpu.memory_space<hbm>>
      tpu.wait_dma2 semaphore(%run_scoped3A : memref<!tpu.dma_semaphore, #tpu.memory_space<semaphore_mem>>) src(%arg11 : memref<32x128xf32, #tpu.memory_space<vmem>>) dst(%dma_wait3A_106 : memref<32x128xf32, #tpu.memory_space<hbm>>)
      tpu.yield
    }) : () -> ()
    %mul3A_97 = arith.constant 32 : i32
    %mul3A_98 = arith.muli %add3A, %mul3A_97 : i32
    "tpu.region"() ({
      %run_scoped3A = tpu.sem_alloc : memref<!tpu.dma_semaphore, #tpu.memory_space<semaphore_mem>>
      %dma_start3A_99 = arith.constant 0 : i32
      %dma_start3A_100 = tpu.memref_slice %arg6[%mul3A_98, %dma_start3A_99] : memref<1024x128xf32, #tpu.memory_space<hbm>> -> memref<32x128xf32, #tpu.memory_space<hbm>>
      %dma_start3A_101 = arith.constant 0 : i32
      %dma_start3A_102 = tpu.memref_slice %arg6[%mul3A_98, %dma_start3A_101] : memref<1024x128xf32, #tpu.memory_space<hbm>> -> memref<32x128xf32, #tpu.memory_space<hbm>>
      tpu.enqueue_dma source(%arg12 : memref<32x128xf32, #tpu.memory_space<vmem>>) target(%dma_start3A_102 : memref<32x128xf32, #tpu.memory_space<hbm>>) target_semaphore(%run_scoped3A : memref<!tpu.dma_semaphore, #tpu.memory_space<semaphore_mem>>)
      %dma_wait3A_103 = arith.constant 0 : i32
      %dma_wait3A_104 = tpu.memref_slice %arg6[%mul3A_98, %dma_wait3A_103] : memref<1024x128xf32, #tpu.memory_space<hbm>> -> memref<32x128xf32, #tpu.memory_space<hbm>>
      %dma_wait3A_105 = arith.constant 0 : i32
      %dma_wait3A_106 = tpu.memref_slice %arg6[%mul3A_98, %dma_wait3A_105] : memref<1024x128xf32, #tpu.memory_space<hbm>> -> memref<32x128xf32, #tpu.memory_space<hbm>>
      tpu.wait_dma2 semaphore(%run_scoped3A : memref<!tpu.dma_semaphore, #tpu.memory_space<semaphore_mem>>) src(%arg12 : memref<32x128xf32, #tpu.memory_space<vmem>>) dst(%dma_wait3A_106 : memref<32x128xf32, #tpu.memory_space<hbm>>)
      tpu.yield
    }) : () -> ()
    return
  }
}

module attributes {stable_mosaic.version = 14 : i64} {
  func.func @_fused_body(%arg0: i32, %arg1: memref<1024x128xf32, #tpu.memory_space<vmem>>, %arg2: memref<1024x128xf32, #tpu.memory_space<vmem>>, %arg3: memref<4096x128xf32, #tpu.memory_space<vmem>>, %arg4: memref<1x1xf32, #tpu.memory_space<vmem>>, %arg5: memref<1024x128xbf16, #tpu.memory_space<vmem>>, %arg6: memref<1024x128xf32, #tpu.memory_space<vmem>>) attributes {dimension_semantics = [#tpu.dimension_semantics<arbitrary>], iteration_bounds = array<i64: 25>, scalar_prefetch = 0 : i64, scratch_operands = 2 : i64, tpu.core_type = #tpu.core_type<tc>, window_params = [{pipeline_mode = #tpu.pipeline_mode<synchronous>, transform_indices = @transform_0, window_bounds = array<i64: 1024, 128>}, {pipeline_mode = #tpu.pipeline_mode<synchronous>, transform_indices = @transform_1, window_bounds = array<i64: 1024, 128>}, {transform_indices = @transform_2, window_bounds = array<i64: 4096, 128>}, {pipeline_mode = #tpu.pipeline_mode<synchronous>, transform_indices = @transform_3, window_bounds = array<i64: 1, 1>}]} {
    %eq3A = arith.constant 0 : i32
    %eq3A_0 = arith.cmpi eq, %arg0, %eq3A : i32
    %convert_element_type3A = arith.extui %eq3A_0 : i1 to i32
    %cond3A = arith.constant 0 : i32
    %cond3A_1 = arith.cmpi ne, %convert_element_type3A, %cond3A : i32
    scf.if %cond3A_1 {
      %get3A = arith.constant 0 : index
      %get3A_16 = arith.constant 0 : index
      %get3A_17 = vector.load %arg1[%get3A, %get3A_16] : memref<1024x128xf32, #tpu.memory_space<vmem>>, vector<1024x128xf32>
      %convert_element_type3A_18 = arith.truncf %get3A_17 : vector<1024x128xf32> to vector<1024x128xbf16>
      %swap3A = arith.constant 0 : index
      %swap3A_19 = arith.constant 0 : index
      %swap3A_20 = vector.load %arg5[%swap3A, %swap3A_19] : memref<1024x128xbf16, #tpu.memory_space<vmem>>, vector<1024x128xbf16>
      tpu.vector_store %arg5[%swap3A, %swap3A_19], %convert_element_type3A_18 {strides = array<i32>} : memref<1024x128xbf16, #tpu.memory_space<vmem>>, vector<1024x128xbf16>,
      %broadcast_in_dim3A = arith.constant 0.000000e+00 : f32
      %broadcast_in_dim3A_21 = vector.broadcast %broadcast_in_dim3A : f32 to vector<1024x128xf32>
      %swap3A_22 = arith.constant 0 : index
      %swap3A_23 = arith.constant 0 : index
      %swap3A_24 = vector.load %arg6[%swap3A_22, %swap3A_23] : memref<1024x128xf32, #tpu.memory_space<vmem>>, vector<1024x128xf32>
      tpu.vector_store %arg6[%swap3A_22, %swap3A_23], %broadcast_in_dim3A_21 {strides = array<i32>} : memref<1024x128xf32, #tpu.memory_space<vmem>>, vector<1024x128xf32>,
    } else {
    }
    %lt3A = arith.constant 24 : i32
    %lt3A_2 = arith.cmpi slt, %arg0, %lt3A : i32
    %convert_element_type3A_3 = arith.extui %lt3A_2 : i1 to i32
    %cond3A_4 = arith.constant 0 : i32
    %cond3A_5 = arith.cmpi ne, %convert_element_type3A_3, %cond3A_4 : i32
    scf.if %cond3A_5 {
      %get3A = arith.constant 0 : index
      %get3A_16 = arith.constant 0 : index
      %get3A_17 = vector.load %arg3[%get3A, %get3A_16] : memref<4096x128xf32, #tpu.memory_space<vmem>>, vector<4096x128xf32>
      %mul3A = arith.mulf %get3A_17, %get3A_17 : vector<4096x128xf32>
      %reduce_sum3A = arith.constant dense<0.000000e+00> : vector<4096xf32>
      %reduce_sum3A_18 = vector.multi_reduction <add>, %mul3A, %reduce_sum3A [1] : vector<4096x128xf32> to vector<4096xf32>
      %broadcast_in_dim3A = vector.shape_cast %reduce_sum3A_18 : vector<4096xf32> to vector<4096x1xf32>
      %rsqrt3A = math.rsqrt %broadcast_in_dim3A : vector<4096x1xf32>
      %mul3A_19 = arith.constant 1.44269502 : f32
      %mul3A_20 = vector.broadcast %mul3A_19 : f32 to vector<4096x1xf32>
      %mul3A_21 = arith.mulf %rsqrt3A, %mul3A_20 : vector<4096x1xf32>
      %mul3A_22 = vector.broadcast %mul3A_21 : vector<4096x1xf32> to vector<4096x128xf32>
      %mul3A_23 = arith.mulf %get3A_17, %mul3A_22 : vector<4096x128xf32>
      %convert_element_type3A_24 = arith.truncf %mul3A_23 : vector<4096x128xf32> to vector<4096x128xbf16>
      %get3A_25 = arith.constant 0 : index
      %get3A_26 = arith.constant 0 : index
      %get3A_27 = vector.load %arg5[%get3A_25, %get3A_26] : memref<1024x128xbf16, #tpu.memory_space<vmem>>, vector<1024x128xbf16>
      %slice3A = vector.extract_strided_slice %convert_element_type3A_24 {offsets = [0, 0], sizes = [512, 128], strides = [1, 1]} : vector<4096x128xbf16> to vector<512x128xbf16>
      %dot_general3A = arith.constant dense<0.000000e+00> : vector<1024x512xf32>
      %dot_general3A_28 = tpu.matmul %get3A_27, %slice3A, %dot_general3A {dimension_numbers = #tpu.dot_dimension_numbers<[1], [1], [0], [0], [0, 0, 1, 0], [], []>, transpose_lhs_hint = false} : vector<1024x128xbf16>, vector<512x128xbf16>, vector<1024x512xf32> -> vector<1024x512xf32>
      %slice3A_29 = vector.extract_strided_slice %convert_element_type3A_24 {offsets = [512, 0], sizes = [512, 128], strides = [1, 1]} : vector<4096x128xbf16> to vector<512x128xbf16>
      %dot_general3A_30 = arith.constant dense<0.000000e+00> : vector<1024x512xf32>
      %dot_general3A_31 = tpu.matmul %get3A_27, %slice3A_29, %dot_general3A_30 {dimension_numbers = #tpu.dot_dimension_numbers<[1], [1], [0], [0], [0, 0, 1, 0], [], []>, transpose_lhs_hint = false} : vector<1024x128xbf16>, vector<512x128xbf16>, vector<1024x512xf32> -> vector<1024x512xf32>
      %exp23A = math.exp2 %dot_general3A_28 : vector<1024x512xf32>
      %slice3A_32 = vector.extract_strided_slice %exp23A {offsets = [0, 0], sizes = [1024, 128], strides = [1, 1]} : vector<1024x512xf32> to vector<1024x128xf32>
      %slice3A_33 = vector.extract_strided_slice %exp23A {offsets = [0, 128], sizes = [1024, 128], strides = [1, 1]} : vector<1024x512xf32> to vector<1024x128xf32>
      %add3A = arith.addf %slice3A_32, %slice3A_33 : vector<1024x128xf32>
      %slice3A_34 = vector.extract_strided_slice %exp23A {offsets = [0, 256], sizes = [1024, 128], strides = [1, 1]} : vector<1024x512xf32> to vector<1024x128xf32>
      %add3A_35 = arith.addf %add3A, %slice3A_34 : vector<1024x128xf32>
      %slice3A_36 = vector.extract_strided_slice %exp23A {offsets = [0, 384], sizes = [1024, 128], strides = [1, 1]} : vector<1024x512xf32> to vector<1024x128xf32>
      %add3A_37 = arith.addf %add3A_35, %slice3A_36 : vector<1024x128xf32>
      %slice3A_38 = vector.extract_strided_slice %convert_element_type3A_24 {offsets = [1024, 0], sizes = [512, 128], strides = [1, 1]} : vector<4096x128xbf16> to vector<512x128xbf16>
      %dot_general3A_39 = arith.constant dense<0.000000e+00> : vector<1024x512xf32>
      %dot_general3A_40 = tpu.matmul %get3A_27, %slice3A_38, %dot_general3A_39 {dimension_numbers = #tpu.dot_dimension_numbers<[1], [1], [0], [0], [0, 0, 1, 0], [], []>, transpose_lhs_hint = false} : vector<1024x128xbf16>, vector<512x128xbf16>, vector<1024x512xf32> -> vector<1024x512xf32>
      %exp23A_41 = math.exp2 %dot_general3A_31 : vector<1024x512xf32>
      %slice3A_42 = vector.extract_strided_slice %exp23A_41 {offsets = [0, 0], sizes = [1024, 128], strides = [1, 1]} : vector<1024x512xf32> to vector<1024x128xf32>
      %slice3A_43 = vector.extract_strided_slice %exp23A_41 {offsets = [0, 128], sizes = [1024, 128], strides = [1, 1]} : vector<1024x512xf32> to vector<1024x128xf32>
      %add3A_44 = arith.addf %slice3A_42, %slice3A_43 : vector<1024x128xf32>
      %slice3A_45 = vector.extract_strided_slice %exp23A_41 {offsets = [0, 256], sizes = [1024, 128], strides = [1, 1]} : vector<1024x512xf32> to vector<1024x128xf32>
      %add3A_46 = arith.addf %add3A_44, %slice3A_45 : vector<1024x128xf32>
      %slice3A_47 = vector.extract_strided_slice %exp23A_41 {offsets = [0, 384], sizes = [1024, 128], strides = [1, 1]} : vector<1024x512xf32> to vector<1024x128xf32>
      %add3A_48 = arith.addf %add3A_46, %slice3A_47 : vector<1024x128xf32>
      %add3A_49 = arith.addf %add3A_37, %add3A_48 : vector<1024x128xf32>
      %slice3A_50 = vector.extract_strided_slice %convert_element_type3A_24 {offsets = [1536, 0], sizes = [512, 128], strides = [1, 1]} : vector<4096x128xbf16> to vector<512x128xbf16>
      %dot_general3A_51 = arith.constant dense<0.000000e+00> : vector<1024x512xf32>
      %dot_general3A_52 = tpu.matmul %get3A_27, %slice3A_50, %dot_general3A_51 {dimension_numbers = #tpu.dot_dimension_numbers<[1], [1], [0], [0], [0, 0, 1, 0], [], []>, transpose_lhs_hint = false} : vector<1024x128xbf16>, vector<512x128xbf16>, vector<1024x512xf32> -> vector<1024x512xf32>
      %exp23A_53 = math.exp2 %dot_general3A_40 : vector<1024x512xf32>
      %slice3A_54 = vector.extract_strided_slice %exp23A_53 {offsets = [0, 0], sizes = [1024, 128], strides = [1, 1]} : vector<1024x512xf32> to vector<1024x128xf32>
      %slice3A_55 = vector.extract_strided_slice %exp23A_53 {offsets = [0, 128], sizes = [1024, 128], strides = [1, 1]} : vector<1024x512xf32> to vector<1024x128xf32>
      %add3A_56 = arith.addf %slice3A_54, %slice3A_55 : vector<1024x128xf32>
      %slice3A_57 = vector.extract_strided_slice %exp23A_53 {offsets = [0, 256], sizes = [1024, 128], strides = [1, 1]} : vector<1024x512xf32> to vector<1024x128xf32>
      %add3A_58 = arith.addf %add3A_56, %slice3A_57 : vector<1024x128xf32>
      %slice3A_59 = vector.extract_strided_slice %exp23A_53 {offsets = [0, 384], sizes = [1024, 128], strides = [1, 1]} : vector<1024x512xf32> to vector<1024x128xf32>
      %add3A_60 = arith.addf %add3A_58, %slice3A_59 : vector<1024x128xf32>
      %add3A_61 = arith.addf %add3A_49, %add3A_60 : vector<1024x128xf32>
      %slice3A_62 = vector.extract_strided_slice %convert_element_type3A_24 {offsets = [2048, 0], sizes = [512, 128], strides = [1, 1]} : vector<4096x128xbf16> to vector<512x128xbf16>
      %dot_general3A_63 = arith.constant dense<0.000000e+00> : vector<1024x512xf32>
      %dot_general3A_64 = tpu.matmul %get3A_27, %slice3A_62, %dot_general3A_63 {dimension_numbers = #tpu.dot_dimension_numbers<[1], [1], [0], [0], [0, 0, 1, 0], [], []>, transpose_lhs_hint = false} : vector<1024x128xbf16>, vector<512x128xbf16>, vector<1024x512xf32> -> vector<1024x512xf32>
      %exp23A_65 = math.exp2 %dot_general3A_52 : vector<1024x512xf32>
      %slice3A_66 = vector.extract_strided_slice %exp23A_65 {offsets = [0, 0], sizes = [1024, 128], strides = [1, 1]} : vector<1024x512xf32> to vector<1024x128xf32>
      %slice3A_67 = vector.extract_strided_slice %exp23A_65 {offsets = [0, 128], sizes = [1024, 128], strides = [1, 1]} : vector<1024x512xf32> to vector<1024x128xf32>
      %add3A_68 = arith.addf %slice3A_66, %slice3A_67 : vector<1024x128xf32>
      %slice3A_69 = vector.extract_strided_slice %exp23A_65 {offsets = [0, 256], sizes = [1024, 128], strides = [1, 1]} : vector<1024x512xf32> to vector<1024x128xf32>
      %add3A_70 = arith.addf %add3A_68, %slice3A_69 : vector<1024x128xf32>
      %slice3A_71 = vector.extract_strided_slice %exp23A_65 {offsets = [0, 384], sizes = [1024, 128], strides = [1, 1]} : vector<1024x512xf32> to vector<1024x128xf32>
      %add3A_72 = arith.addf %add3A_70, %slice3A_71 : vector<1024x128xf32>
      %add3A_73 = arith.addf %add3A_61, %add3A_72 : vector<1024x128xf32>
      %slice3A_74 = vector.extract_strided_slice %convert_element_type3A_24 {offsets = [2560, 0], sizes = [512, 128], strides = [1, 1]} : vector<4096x128xbf16> to vector<512x128xbf16>
      %dot_general3A_75 = arith.constant dense<0.000000e+00> : vector<1024x512xf32>
      %dot_general3A_76 = tpu.matmul %get3A_27, %slice3A_74, %dot_general3A_75 {dimension_numbers = #tpu.dot_dimension_numbers<[1], [1], [0], [0], [0, 0, 1, 0], [], []>, transpose_lhs_hint = false} : vector<1024x128xbf16>, vector<512x128xbf16>, vector<1024x512xf32> -> vector<1024x512xf32>
      %exp23A_77 = math.exp2 %dot_general3A_64 : vector<1024x512xf32>
      %slice3A_78 = vector.extract_strided_slice %exp23A_77 {offsets = [0, 0], sizes = [1024, 128], strides = [1, 1]} : vector<1024x512xf32> to vector<1024x128xf32>
      %slice3A_79 = vector.extract_strided_slice %exp23A_77 {offsets = [0, 128], sizes = [1024, 128], strides = [1, 1]} : vector<1024x512xf32> to vector<1024x128xf32>
      %add3A_80 = arith.addf %slice3A_78, %slice3A_79 : vector<1024x128xf32>
      %slice3A_81 = vector.extract_strided_slice %exp23A_77 {offsets = [0, 256], sizes = [1024, 128], strides = [1, 1]} : vector<1024x512xf32> to vector<1024x128xf32>
      %add3A_82 = arith.addf %add3A_80, %slice3A_81 : vector<1024x128xf32>
      %slice3A_83 = vector.extract_strided_slice %exp23A_77 {offsets = [0, 384], sizes = [1024, 128], strides = [1, 1]} : vector<1024x512xf32> to vector<1024x128xf32>
      %add3A_84 = arith.addf %add3A_82, %slice3A_83 : vector<1024x128xf32>
      %add3A_85 = arith.addf %add3A_73, %add3A_84 : vector<1024x128xf32>
      %slice3A_86 = vector.extract_strided_slice %convert_element_type3A_24 {offsets = [3072, 0], sizes = [512, 128], strides = [1, 1]} : vector<4096x128xbf16> to vector<512x128xbf16>
      %dot_general3A_87 = arith.constant dense<0.000000e+00> : vector<1024x512xf32>
      %dot_general3A_88 = tpu.matmul %get3A_27, %slice3A_86, %dot_general3A_87 {dimension_numbers = #tpu.dot_dimension_numbers<[1], [1], [0], [0], [0, 0, 1, 0], [], []>, transpose_lhs_hint = false} : vector<1024x128xbf16>, vector<512x128xbf16>, vector<1024x512xf32> -> vector<1024x512xf32>
      %exp23A_89 = math.exp2 %dot_general3A_76 : vector<1024x512xf32>
      %slice3A_90 = vector.extract_strided_slice %exp23A_89 {offsets = [0, 0], sizes = [1024, 128], strides = [1, 1]} : vector<1024x512xf32> to vector<1024x128xf32>
      %slice3A_91 = vector.extract_strided_slice %exp23A_89 {offsets = [0, 128], sizes = [1024, 128], strides = [1, 1]} : vector<1024x512xf32> to vector<1024x128xf32>
      %add3A_92 = arith.addf %slice3A_90, %slice3A_91 : vector<1024x128xf32>
      %slice3A_93 = vector.extract_strided_slice %exp23A_89 {offsets = [0, 256], sizes = [1024, 128], strides = [1, 1]} : vector<1024x512xf32> to vector<1024x128xf32>
      %add3A_94 = arith.addf %add3A_92, %slice3A_93 : vector<1024x128xf32>
      %slice3A_95 = vector.extract_strided_slice %exp23A_89 {offsets = [0, 384], sizes = [1024, 128], strides = [1, 1]} : vector<1024x512xf32> to vector<1024x128xf32>
      %add3A_96 = arith.addf %add3A_94, %slice3A_95 : vector<1024x128xf32>
      %add3A_97 = arith.addf %add3A_85, %add3A_96 : vector<1024x128xf32>
      %slice3A_98 = vector.extract_strided_slice %convert_element_type3A_24 {offsets = [3584, 0], sizes = [512, 128], strides = [1, 1]} : vector<4096x128xbf16> to vector<512x128xbf16>
      %dot_general3A_99 = arith.constant dense<0.000000e+00> : vector<1024x512xf32>
      %dot_general3A_100 = tpu.matmul %get3A_27, %slice3A_98, %dot_general3A_99 {dimension_numbers = #tpu.dot_dimension_numbers<[1], [1], [0], [0], [0, 0, 1, 0], [], []>, transpose_lhs_hint = false} : vector<1024x128xbf16>, vector<512x128xbf16>, vector<1024x512xf32> -> vector<1024x512xf32>
      %exp23A_101 = math.exp2 %dot_general3A_88 : vector<1024x512xf32>
      %slice3A_102 = vector.extract_strided_slice %exp23A_101 {offsets = [0, 0], sizes = [1024, 128], strides = [1, 1]} : vector<1024x512xf32> to vector<1024x128xf32>
      %slice3A_103 = vector.extract_strided_slice %exp23A_101 {offsets = [0, 128], sizes = [1024, 128], strides = [1, 1]} : vector<1024x512xf32> to vector<1024x128xf32>
      %add3A_104 = arith.addf %slice3A_102, %slice3A_103 : vector<1024x128xf32>
      %slice3A_105 = vector.extract_strided_slice %exp23A_101 {offsets = [0, 256], sizes = [1024, 128], strides = [1, 1]} : vector<1024x512xf32> to vector<1024x128xf32>
      %add3A_106 = arith.addf %add3A_104, %slice3A_105 : vector<1024x128xf32>
      %slice3A_107 = vector.extract_strided_slice %exp23A_101 {offsets = [0, 384], sizes = [1024, 128], strides = [1, 1]} : vector<1024x512xf32> to vector<1024x128xf32>
      %add3A_108 = arith.addf %add3A_106, %slice3A_107 : vector<1024x128xf32>
      %add3A_109 = arith.addf %add3A_97, %add3A_108 : vector<1024x128xf32>
      %exp23A_110 = math.exp2 %dot_general3A_100 : vector<1024x512xf32>
      %slice3A_111 = vector.extract_strided_slice %exp23A_110 {offsets = [0, 0], sizes = [1024, 128], strides = [1, 1]} : vector<1024x512xf32> to vector<1024x128xf32>
      %slice3A_112 = vector.extract_strided_slice %exp23A_110 {offsets = [0, 128], sizes = [1024, 128], strides = [1, 1]} : vector<1024x512xf32> to vector<1024x128xf32>
      %add3A_113 = arith.addf %slice3A_111, %slice3A_112 : vector<1024x128xf32>
      %slice3A_114 = vector.extract_strided_slice %exp23A_110 {offsets = [0, 256], sizes = [1024, 128], strides = [1, 1]} : vector<1024x512xf32> to vector<1024x128xf32>
      %add3A_115 = arith.addf %add3A_113, %slice3A_114 : vector<1024x128xf32>
      %slice3A_116 = vector.extract_strided_slice %exp23A_110 {offsets = [0, 384], sizes = [1024, 128], strides = [1, 1]} : vector<1024x512xf32> to vector<1024x128xf32>
      %add3A_117 = arith.addf %add3A_115, %slice3A_116 : vector<1024x128xf32>
      %add3A_118 = arith.addf %add3A_109, %add3A_117 : vector<1024x128xf32>
      %get3A_119 = arith.constant 0 : index
      %get3A_120 = arith.constant 0 : index
      %get3A_121 = vector.load %arg6[%get3A_119, %get3A_120] : memref<1024x128xf32, #tpu.memory_space<vmem>>, vector<1024x128xf32>
      %add3A_122 = arith.addf %get3A_121, %add3A_118 : vector<1024x128xf32>
      %swap3A = arith.constant 0 : index
      %swap3A_123 = arith.constant 0 : index
      %swap3A_124 = vector.load %arg6[%swap3A, %swap3A_123] : memref<1024x128xf32, #tpu.memory_space<vmem>>, vector<1024x128xf32>
      tpu.vector_store %arg6[%swap3A, %swap3A_123], %add3A_122 {strides = array<i32>} : memref<1024x128xf32, #tpu.memory_space<vmem>>, vector<1024x128xf32>,
    } else {
    }
    %eq3A_6 = arith.constant 24 : i32
    %eq3A_7 = arith.cmpi eq, %arg0, %eq3A_6 : i32
    %convert_element_type3A_8 = arith.extui %eq3A_7 : i1 to i32
    %cond3A_9 = arith.constant 0 : i32
    %cond3A_10 = arith.cmpi ne, %convert_element_type3A_8, %cond3A_9 : i32
    scf.if %cond3A_10 {
      %get3A = arith.constant 0 : index
      %get3A_16 = arith.constant 0 : index
      %get3A_17 = vector.load %arg3[%get3A, %get3A_16] : memref<4096x128xf32, #tpu.memory_space<vmem>>, vector<4096x128xf32>
      %mul3A = arith.mulf %get3A_17, %get3A_17 : vector<4096x128xf32>
      %reduce_sum3A = arith.constant dense<0.000000e+00> : vector<4096xf32>
      %reduce_sum3A_18 = vector.multi_reduction <add>, %mul3A, %reduce_sum3A [1] : vector<4096x128xf32> to vector<4096xf32>
      %broadcast_in_dim3A = vector.shape_cast %reduce_sum3A_18 : vector<4096xf32> to vector<4096x1xf32>
      %mul3A_19 = arith.constant 4096 : i32
      %mul3A_20 = arith.muli %arg0, %mul3A_19 : i32
      %iota3A = tpu.iota {dimensions = array<i32: 0>} : vector<4096x1xi32>
      %add3A = vector.broadcast %mul3A_20 : i32 to vector<4096x1xi32>
      %add3A_21 = arith.addi %add3A, %iota3A : vector<4096x1xi32>
      %lt3A_22 = arith.constant 100000 : i32
      %lt3A_23 = vector.broadcast %lt3A_22 : i32 to vector<4096x1xi32>
      %lt3A_24 = arith.cmpi slt, %add3A_21, %lt3A_23 : vector<4096x1xi32>
      %jit3A = arith.constant 1.000000e+30 : f32
      %broadcast_in_dim3A_25 = vector.broadcast %jit3A : f32 to vector<4096x1xf32>
      %select_n3A = arith.select %lt3A_24, %broadcast_in_dim3A, %broadcast_in_dim3A_25 : vector<4096x1xi1>, vector<4096x1xf32>
      %rsqrt3A = math.rsqrt %select_n3A : vector<4096x1xf32>
      %mul3A_26 = arith.constant 1.44269502 : f32
      %mul3A_27 = vector.broadcast %mul3A_26 : f32 to vector<4096x1xf32>
      %mul3A_28 = arith.mulf %rsqrt3A, %mul3A_27 : vector<4096x1xf32>
      %mul3A_29 = vector.broadcast %mul3A_28 : vector<4096x1xf32> to vector<4096x128xf32>
      %mul3A_30 = arith.mulf %get3A_17, %mul3A_29 : vector<4096x128xf32>
      %convert_element_type3A_31 = arith.truncf %mul3A_30 : vector<4096x128xf32> to vector<4096x128xbf16>
      %get3A_32 = arith.constant 0 : index
      %get3A_33 = arith.constant 0 : index
      %get3A_34 = vector.load %arg5[%get3A_32, %get3A_33] : memref<1024x128xbf16, #tpu.memory_space<vmem>>, vector<1024x128xbf16>
      %slice3A = vector.extract_strided_slice %convert_element_type3A_31 {offsets = [0, 0], sizes = [512, 128], strides = [1, 1]} : vector<4096x128xbf16> to vector<512x128xbf16>
      %dot_general3A = arith.constant dense<0.000000e+00> : vector<1024x512xf32>
      %dot_general3A_35 = tpu.matmul %get3A_34, %slice3A, %dot_general3A {dimension_numbers = #tpu.dot_dimension_numbers<[1], [1], [0], [0], [0, 0, 1, 0], [], []>, transpose_lhs_hint = false} : vector<1024x128xbf16>, vector<512x128xbf16>, vector<1024x512xf32> -> vector<1024x512xf32>
      %slice3A_36 = vector.extract_strided_slice %convert_element_type3A_31 {offsets = [512, 0], sizes = [512, 128], strides = [1, 1]} : vector<4096x128xbf16> to vector<512x128xbf16>
      %dot_general3A_37 = arith.constant dense<0.000000e+00> : vector<1024x512xf32>
      %dot_general3A_38 = tpu.matmul %get3A_34, %slice3A_36, %dot_general3A_37 {dimension_numbers = #tpu.dot_dimension_numbers<[1], [1], [0], [0], [0, 0, 1, 0], [], []>, transpose_lhs_hint = false} : vector<1024x128xbf16>, vector<512x128xbf16>, vector<1024x512xf32> -> vector<1024x512xf32>
      %exp23A = math.exp2 %dot_general3A_35 : vector<1024x512xf32>
      %slice3A_39 = vector.extract_strided_slice %exp23A {offsets = [0, 0], sizes = [1024, 128], strides = [1, 1]} : vector<1024x512xf32> to vector<1024x128xf32>
      %slice3A_40 = vector.extract_strided_slice %exp23A {offsets = [0, 128], sizes = [1024, 128], strides = [1, 1]} : vector<1024x512xf32> to vector<1024x128xf32>
      %add3A_41 = arith.addf %slice3A_39, %slice3A_40 : vector<1024x128xf32>
      %slice3A_42 = vector.extract_strided_slice %exp23A {offsets = [0, 256], sizes = [1024, 128], strides = [1, 1]} : vector<1024x512xf32> to vector<1024x128xf32>
      %add3A_43 = arith.addf %add3A_41, %slice3A_42 : vector<1024x128xf32>
      %slice3A_44 = vector.extract_strided_slice %exp23A {offsets = [0, 384], sizes = [1024, 128], strides = [1, 1]} : vector<1024x512xf32> to vector<1024x128xf32>
      %add3A_45 = arith.addf %add3A_43, %slice3A_44 : vector<1024x128xf32>
      %slice3A_46 = vector.extract_strided_slice %convert_element_type3A_31 {offsets = [1024, 0], sizes = [512, 128], strides = [1, 1]} : vector<4096x128xbf16> to vector<512x128xbf16>
      %dot_general3A_47 = arith.constant dense<0.000000e+00> : vector<1024x512xf32>
      %dot_general3A_48 = tpu.matmul %get3A_34, %slice3A_46, %dot_general3A_47 {dimension_numbers = #tpu.dot_dimension_numbers<[1], [1], [0], [0], [0, 0, 1, 0], [], []>, transpose_lhs_hint = false} : vector<1024x128xbf16>, vector<512x128xbf16>, vector<1024x512xf32> -> vector<1024x512xf32>
      %exp23A_49 = math.exp2 %dot_general3A_38 : vector<1024x512xf32>
      %slice3A_50 = vector.extract_strided_slice %exp23A_49 {offsets = [0, 0], sizes = [1024, 128], strides = [1, 1]} : vector<1024x512xf32> to vector<1024x128xf32>
      %slice3A_51 = vector.extract_strided_slice %exp23A_49 {offsets = [0, 128], sizes = [1024, 128], strides = [1, 1]} : vector<1024x512xf32> to vector<1024x128xf32>
      %add3A_52 = arith.addf %slice3A_50, %slice3A_51 : vector<1024x128xf32>
      %slice3A_53 = vector.extract_strided_slice %exp23A_49 {offsets = [0, 256], sizes = [1024, 128], strides = [1, 1]} : vector<1024x512xf32> to vector<1024x128xf32>
      %add3A_54 = arith.addf %add3A_52, %slice3A_53 : vector<1024x128xf32>
      %slice3A_55 = vector.extract_strided_slice %exp23A_49 {offsets = [0, 384], sizes = [1024, 128], strides = [1, 1]} : vector<1024x512xf32> to vector<1024x128xf32>
      %add3A_56 = arith.addf %add3A_54, %slice3A_55 : vector<1024x128xf32>
      %add3A_57 = arith.addf %add3A_45, %add3A_56 : vector<1024x128xf32>
      %slice3A_58 = vector.extract_strided_slice %convert_element_type3A_31 {offsets = [1536, 0], sizes = [512, 128], strides = [1, 1]} : vector<4096x128xbf16> to vector<512x128xbf16>
      %dot_general3A_59 = arith.constant dense<0.000000e+00> : vector<1024x512xf32>
      %dot_general3A_60 = tpu.matmul %get3A_34, %slice3A_58, %dot_general3A_59 {dimension_numbers = #tpu.dot_dimension_numbers<[1], [1], [0], [0], [0, 0, 1, 0], [], []>, transpose_lhs_hint = false} : vector<1024x128xbf16>, vector<512x128xbf16>, vector<1024x512xf32> -> vector<1024x512xf32>
      %exp23A_61 = math.exp2 %dot_general3A_48 : vector<1024x512xf32>
      %slice3A_62 = vector.extract_strided_slice %exp23A_61 {offsets = [0, 0], sizes = [1024, 128], strides = [1, 1]} : vector<1024x512xf32> to vector<1024x128xf32>
      %slice3A_63 = vector.extract_strided_slice %exp23A_61 {offsets = [0, 128], sizes = [1024, 128], strides = [1, 1]} : vector<1024x512xf32> to vector<1024x128xf32>
      %add3A_64 = arith.addf %slice3A_62, %slice3A_63 : vector<1024x128xf32>
      %slice3A_65 = vector.extract_strided_slice %exp23A_61 {offsets = [0, 256], sizes = [1024, 128], strides = [1, 1]} : vector<1024x512xf32> to vector<1024x128xf32>
      %add3A_66 = arith.addf %add3A_64, %slice3A_65 : vector<1024x128xf32>
      %slice3A_67 = vector.extract_strided_slice %exp23A_61 {offsets = [0, 384], sizes = [1024, 128], strides = [1, 1]} : vector<1024x512xf32> to vector<1024x128xf32>
      %add3A_68 = arith.addf %add3A_66, %slice3A_67 : vector<1024x128xf32>
      %add3A_69 = arith.addf %add3A_57, %add3A_68 : vector<1024x128xf32>
      %slice3A_70 = vector.extract_strided_slice %convert_element_type3A_31 {offsets = [2048, 0], sizes = [512, 128], strides = [1, 1]} : vector<4096x128xbf16> to vector<512x128xbf16>
      %dot_general3A_71 = arith.constant dense<0.000000e+00> : vector<1024x512xf32>
      %dot_general3A_72 = tpu.matmul %get3A_34, %slice3A_70, %dot_general3A_71 {dimension_numbers = #tpu.dot_dimension_numbers<[1], [1], [0], [0], [0, 0, 1, 0], [], []>, transpose_lhs_hint = false} : vector<1024x128xbf16>, vector<512x128xbf16>, vector<1024x512xf32> -> vector<1024x512xf32>
      %exp23A_73 = math.exp2 %dot_general3A_60 : vector<1024x512xf32>
      %slice3A_74 = vector.extract_strided_slice %exp23A_73 {offsets = [0, 0], sizes = [1024, 128], strides = [1, 1]} : vector<1024x512xf32> to vector<1024x128xf32>
      %slice3A_75 = vector.extract_strided_slice %exp23A_73 {offsets = [0, 128], sizes = [1024, 128], strides = [1, 1]} : vector<1024x512xf32> to vector<1024x128xf32>
      %add3A_76 = arith.addf %slice3A_74, %slice3A_75 : vector<1024x128xf32>
      %slice3A_77 = vector.extract_strided_slice %exp23A_73 {offsets = [0, 256], sizes = [1024, 128], strides = [1, 1]} : vector<1024x512xf32> to vector<1024x128xf32>
      %add3A_78 = arith.addf %add3A_76, %slice3A_77 : vector<1024x128xf32>
      %slice3A_79 = vector.extract_strided_slice %exp23A_73 {offsets = [0, 384], sizes = [1024, 128], strides = [1, 1]} : vector<1024x512xf32> to vector<1024x128xf32>
      %add3A_80 = arith.addf %add3A_78, %slice3A_79 : vector<1024x128xf32>
      %add3A_81 = arith.addf %add3A_69, %add3A_80 : vector<1024x128xf32>
      %slice3A_82 = vector.extract_strided_slice %convert_element_type3A_31 {offsets = [2560, 0], sizes = [512, 128], strides = [1, 1]} : vector<4096x128xbf16> to vector<512x128xbf16>
      %dot_general3A_83 = arith.constant dense<0.000000e+00> : vector<1024x512xf32>
      %dot_general3A_84 = tpu.matmul %get3A_34, %slice3A_82, %dot_general3A_83 {dimension_numbers = #tpu.dot_dimension_numbers<[1], [1], [0], [0], [0, 0, 1, 0], [], []>, transpose_lhs_hint = false} : vector<1024x128xbf16>, vector<512x128xbf16>, vector<1024x512xf32> -> vector<1024x512xf32>
      %exp23A_85 = math.exp2 %dot_general3A_72 : vector<1024x512xf32>
      %slice3A_86 = vector.extract_strided_slice %exp23A_85 {offsets = [0, 0], sizes = [1024, 128], strides = [1, 1]} : vector<1024x512xf32> to vector<1024x128xf32>
      %slice3A_87 = vector.extract_strided_slice %exp23A_85 {offsets = [0, 128], sizes = [1024, 128], strides = [1, 1]} : vector<1024x512xf32> to vector<1024x128xf32>
      %add3A_88 = arith.addf %slice3A_86, %slice3A_87 : vector<1024x128xf32>
      %slice3A_89 = vector.extract_strided_slice %exp23A_85 {offsets = [0, 256], sizes = [1024, 128], strides = [1, 1]} : vector<1024x512xf32> to vector<1024x128xf32>
      %add3A_90 = arith.addf %add3A_88, %slice3A_89 : vector<1024x128xf32>
      %slice3A_91 = vector.extract_strided_slice %exp23A_85 {offsets = [0, 384], sizes = [1024, 128], strides = [1, 1]} : vector<1024x512xf32> to vector<1024x128xf32>
      %add3A_92 = arith.addf %add3A_90, %slice3A_91 : vector<1024x128xf32>
      %add3A_93 = arith.addf %add3A_81, %add3A_92 : vector<1024x128xf32>
      %slice3A_94 = vector.extract_strided_slice %convert_element_type3A_31 {offsets = [3072, 0], sizes = [512, 128], strides = [1, 1]} : vector<4096x128xbf16> to vector<512x128xbf16>
      %dot_general3A_95 = arith.constant dense<0.000000e+00> : vector<1024x512xf32>
      %dot_general3A_96 = tpu.matmul %get3A_34, %slice3A_94, %dot_general3A_95 {dimension_numbers = #tpu.dot_dimension_numbers<[1], [1], [0], [0], [0, 0, 1, 0], [], []>, transpose_lhs_hint = false} : vector<1024x128xbf16>, vector<512x128xbf16>, vector<1024x512xf32> -> vector<1024x512xf32>
      %exp23A_97 = math.exp2 %dot_general3A_84 : vector<1024x512xf32>
      %slice3A_98 = vector.extract_strided_slice %exp23A_97 {offsets = [0, 0], sizes = [1024, 128], strides = [1, 1]} : vector<1024x512xf32> to vector<1024x128xf32>
      %slice3A_99 = vector.extract_strided_slice %exp23A_97 {offsets = [0, 128], sizes = [1024, 128], strides = [1, 1]} : vector<1024x512xf32> to vector<1024x128xf32>
      %add3A_100 = arith.addf %slice3A_98, %slice3A_99 : vector<1024x128xf32>
      %slice3A_101 = vector.extract_strided_slice %exp23A_97 {offsets = [0, 256], sizes = [1024, 128], strides = [1, 1]} : vector<1024x512xf32> to vector<1024x128xf32>
      %add3A_102 = arith.addf %add3A_100, %slice3A_101 : vector<1024x128xf32>
      %slice3A_103 = vector.extract_strided_slice %exp23A_97 {offsets = [0, 384], sizes = [1024, 128], strides = [1, 1]} : vector<1024x512xf32> to vector<1024x128xf32>
      %add3A_104 = arith.addf %add3A_102, %slice3A_103 : vector<1024x128xf32>
      %add3A_105 = arith.addf %add3A_93, %add3A_104 : vector<1024x128xf32>
      %slice3A_106 = vector.extract_strided_slice %convert_element_type3A_31 {offsets = [3584, 0], sizes = [512, 128], strides = [1, 1]} : vector<4096x128xbf16> to vector<512x128xbf16>
      %dot_general3A_107 = arith.constant dense<0.000000e+00> : vector<1024x512xf32>
      %dot_general3A_108 = tpu.matmul %get3A_34, %slice3A_106, %dot_general3A_107 {dimension_numbers = #tpu.dot_dimension_numbers<[1], [1], [0], [0], [0, 0, 1, 0], [], []>, transpose_lhs_hint = false} : vector<1024x128xbf16>, vector<512x128xbf16>, vector<1024x512xf32> -> vector<1024x512xf32>
      %exp23A_109 = math.exp2 %dot_general3A_96 : vector<1024x512xf32>
      %slice3A_110 = vector.extract_strided_slice %exp23A_109 {offsets = [0, 0], sizes = [1024, 128], strides = [1, 1]} : vector<1024x512xf32> to vector<1024x128xf32>
      %slice3A_111 = vector.extract_strided_slice %exp23A_109 {offsets = [0, 128], sizes = [1024, 128], strides = [1, 1]} : vector<1024x512xf32> to vector<1024x128xf32>
      %add3A_112 = arith.addf %slice3A_110, %slice3A_111 : vector<1024x128xf32>
      %slice3A_113 = vector.extract_strided_slice %exp23A_109 {offsets = [0, 256], sizes = [1024, 128], strides = [1, 1]} : vector<1024x512xf32> to vector<1024x128xf32>
      %add3A_114 = arith.addf %add3A_112, %slice3A_113 : vector<1024x128xf32>
      %slice3A_115 = vector.extract_strided_slice %exp23A_109 {offsets = [0, 384], sizes = [1024, 128], strides = [1, 1]} : vector<1024x512xf32> to vector<1024x128xf32>
      %add3A_116 = arith.addf %add3A_114, %slice3A_115 : vector<1024x128xf32>
      %add3A_117 = arith.addf %add3A_105, %add3A_116 : vector<1024x128xf32>
      %exp23A_118 = math.exp2 %dot_general3A_108 : vector<1024x512xf32>
      %slice3A_119 = vector.extract_strided_slice %exp23A_118 {offsets = [0, 0], sizes = [1024, 128], strides = [1, 1]} : vector<1024x512xf32> to vector<1024x128xf32>
      %slice3A_120 = vector.extract_strided_slice %exp23A_118 {offsets = [0, 128], sizes = [1024, 128], strides = [1, 1]} : vector<1024x512xf32> to vector<1024x128xf32>
      %add3A_121 = arith.addf %slice3A_119, %slice3A_120 : vector<1024x128xf32>
      %slice3A_122 = vector.extract_strided_slice %exp23A_118 {offsets = [0, 256], sizes = [1024, 128], strides = [1, 1]} : vector<1024x512xf32> to vector<1024x128xf32>
      %add3A_123 = arith.addf %add3A_121, %slice3A_122 : vector<1024x128xf32>
      %slice3A_124 = vector.extract_strided_slice %exp23A_118 {offsets = [0, 384], sizes = [1024, 128], strides = [1, 1]} : vector<1024x512xf32> to vector<1024x128xf32>
      %add3A_125 = arith.addf %add3A_123, %slice3A_124 : vector<1024x128xf32>
      %add3A_126 = arith.addf %add3A_117, %add3A_125 : vector<1024x128xf32>
      %get3A_127 = arith.constant 0 : index
      %get3A_128 = arith.constant 0 : index
      %get3A_129 = vector.load %arg6[%get3A_127, %get3A_128] : memref<1024x128xf32, #tpu.memory_space<vmem>>, vector<1024x128xf32>
      %add3A_130 = arith.addf %get3A_129, %add3A_126 : vector<1024x128xf32>
      %swap3A = arith.constant 0 : index
      %swap3A_131 = arith.constant 0 : index
      %swap3A_132 = vector.load %arg6[%swap3A, %swap3A_131] : memref<1024x128xf32, #tpu.memory_space<vmem>>, vector<1024x128xf32>
      tpu.vector_store %arg6[%swap3A, %swap3A_131], %add3A_130 {strides = array<i32>} : memref<1024x128xf32, #tpu.memory_space<vmem>>, vector<1024x128xf32>,
    } else {
    }
    %eq3A_11 = arith.constant 24 : i32
    %eq3A_12 = arith.cmpi eq, %arg0, %eq3A_11 : i32
    %convert_element_type3A_13 = arith.extui %eq3A_12 : i1 to i32
    %cond3A_14 = arith.constant 0 : i32
    %cond3A_15 = arith.cmpi ne, %convert_element_type3A_13, %cond3A_14 : i32
    scf.if %cond3A_15 {
      %get3A = arith.constant 0 : index
      %get3A_16 = arith.constant 0 : index
      %get3A_17 = vector.load %arg1[%get3A, %get3A_16] : memref<1024x128xf32, #tpu.memory_space<vmem>>, vector<1024x128xf32>
      %get3A_18 = arith.constant 0 : index
      %get3A_19 = arith.constant 0 : index
      %get3A_20 = vector.load %arg2[%get3A_18, %get3A_19] : memref<1024x128xf32, #tpu.memory_space<vmem>>, vector<1024x128xf32>
      %mul3A = arith.mulf %get3A_17, %get3A_20 : vector<1024x128xf32>
      %reduce_sum3A = arith.constant dense<0.000000e+00> : vector<1024xf32>
      %reduce_sum3A_21 = vector.multi_reduction <add>, %mul3A, %reduce_sum3A [1] : vector<1024x128xf32> to vector<1024xf32>
      %broadcast_in_dim3A = vector.shape_cast %reduce_sum3A_21 : vector<1024xf32> to vector<1024x1xf32>
      %get3A_22 = arith.constant 0 : index
      %get3A_23 = arith.constant 0 : index
      %get3A_24 = vector.load %arg6[%get3A_22, %get3A_23] : memref<1024x128xf32, #tpu.memory_space<vmem>>, vector<1024x128xf32>
      %reduce_sum3A_25 = arith.constant dense<0.000000e+00> : vector<1024xf32>
      %reduce_sum3A_26 = vector.multi_reduction <add>, %get3A_24, %reduce_sum3A_25 [1] : vector<1024x128xf32> to vector<1024xf32>
      %broadcast_in_dim3A_27 = vector.shape_cast %reduce_sum3A_26 : vector<1024xf32> to vector<1024x1xf32>
      %sub3A = arith.constant 2.400000e+03 : f32
      %sub3A_28 = vector.broadcast %sub3A : f32 to vector<1024x1xf32>
      %sub3A_29 = arith.subf %broadcast_in_dim3A_27, %sub3A_28 : vector<1024x1xf32>
      %log3A = math.log %sub3A_29 : vector<1024x1xf32>
      %sub3A_30 = arith.subf %log3A, %broadcast_in_dim3A : vector<1024x1xf32>
      %reduce_sum3A_31 = arith.constant dense<0.000000e+00> : vector<1xf32>
      %reduce_sum3A_32 = vector.multi_reduction <add>, %sub3A_30, %reduce_sum3A_31 [0] : vector<1024x1xf32> to vector<1xf32>
      %broadcast_in_dim3A_33 = vector.shape_cast %reduce_sum3A_32 : vector<1xf32> to vector<1x1xf32>
      %div3A = arith.constant 1.024000e+03 : f32
      %div3A_34 = vector.broadcast %div3A : f32 to vector<1x1xf32>
      %div3A_35 = arith.divf %broadcast_in_dim3A_33, %div3A_34 : vector<1x1xf32>
      %swap3A = arith.constant 0 : index
      %swap3A_36 = arith.constant 0 : index
      %swap3A_37 = vector.load %arg4[%swap3A, %swap3A_36] : memref<1x1xf32, #tpu.memory_space<vmem>>, vector<1x1xf32>
      tpu.vector_store %arg4[%swap3A, %swap3A_36], %div3A_35 {strides = array<i32>} : memref<1x1xf32, #tpu.memory_space<vmem>>, vector<1x1xf32>,
    } else {
    }
    return
  }
  func.func @transform_0(%arg0: i32) -> (i32, i32) {
    %c0_i32 = arith.constant 0 : i32
    %c0_i32_0 = arith.constant 0 : i32
    %c0_i32_1 = arith.constant 0 : i32
    return %c0_i32, %c0_i32_0 : i32, i32
  }
  func.func @transform_1(%arg0: i32) -> (i32, i32) {
    %c0_i32 = arith.constant 0 : i32
    %c0_i32_0 = arith.constant 0 : i32
    %c0_i32_1 = arith.constant 0 : i32
    return %c0_i32, %c0_i32_0 : i32, i32
  }
  func.func @transform_2(%arg0: i32) -> (i32, i32) {
    %c0_i32 = arith.constant 0 : i32
    %c0_i32_0 = arith.constant 0 : i32
    return %arg0, %c0_i32 : i32, i32
  }
  func.func @transform_3(%arg0: i32) -> (i32, i32) {
    %c0_i32 = arith.constant 0 : i32
    %c0_i32_0 = arith.constant 0 : i32
    %c0_i32_1 = arith.constant 0 : i32
    return %c0_i32, %c0_i32_0 : i32, i32
  }
}

</mosaic_0001>

<sc_bundles>
// kernel: kernel.4.cloned.1.call-start
scs
__scs_entry_jumppad:
0x0: {  	(pc) =	sbr.rel $0x88, $3  }
0x1: {  	(tag) =	ssettag $0x0;
	lr =	simm.s32 $0x1  }
0x2: {  	[smem:$0x3F9E] =	sst lr;
	_ =	strace $0xD0000000  }
0x3: {  	_ = 	snop  }
0x4: {  	_ = 	snop  }
0x5: {  	_ = 	snop  }
0x6: {  	_ = 	snop  }
0x7: {  	_ = 	snop  }
__scs_overlays_trampoline_lowered:
0x8: {  	[smem:$0x3FAD] =	sst s0  }
0x9: {  	[smem:$0x3FAE] =	sst s1  }
0xa: {  	[smem:$0x3FAF] =	sst s2  }
0xb: {  	[smem:$0x3FB0] =	sst s3  }
0xc: {  	[smem:$0x3FB1] =	sst s4  }
0xd: {  	[smem:$0x3FB2] =	sst s5  }
0xe: {  	[smem:$0x3FB3] =	sst s6  }
0xf: {  	[smem:$0x3FB4] =	sst s7  }
0x10: {  	[smem:$0x3FB5] =	sst s8  }
0x11: {  	[smem:$0x3FB6] =	sst s9;
	s0 =	simm.s32 @!p0 $0x0  }
0x12: {  	s1 =	sld [smem:$0x3F9C];
	s0 =	simm.s32 @p0 $0x1  }
0x13: {  	[smem:$0x3FB7] =	sst s0;
	s0 =	simm.s32 @!p1 $0x0  }
0x14: {  	s2 =	sld [smem:$0x3F9B];
	s0 =	simm.s32 @p1 $0x1  }
0x15: {  	[smem:$0x3FB8] =	sst s0;
	s0 =	simm.s32 @!p2 $0x0  }
0x16: {  	s3 =	sld [smem:$0x3FDB];
	s0 =	simm.s32 @p2 $0x1  }
0x17: {  	s4 =	simm.s32 $0x1BF5;
	[smem:$0x3FBA] =	sst s0  }
0x18: {  	s0 =	sld [smem:$0x3F9D];
	_ =	swait.ge [sflag:s4], $0x0  }
0x19: {  	s7 =	sld [smem:$0x3F9E]  }
0x1a: {  	s8 =	sadd.s32 $0xFFFFE003, lr  }
0x1b: {  	s9 =	sadd.s32 $0xFFFFFEF7, lr;
	s5 =	simm.s32 $0xFFFFFFFF;
	p2 =	slt.u32 s8, $0xFFFFF086  }
0x1c: {  	p1 =	slt.u32 s9, $0xF7A;
	s5 =	simm.s32 @!p2 $0x0  }
0x1d: {  	s5 =	simm.s32 @p1 $0x1;
	p0 =	seq.s32 s7, s2  }
0x1e: {  	s7 =	smul.u32 @!p0 $0xF7A, s2;
	p2 =	seq.s32 @!p0 s5, $0x0  }
0x1f: {  	s9 =	smul.u32 $0xF7A, s1;
	s8 =	simm.s32 @!p0 $0x1BF5;
	p2 =	por !p2, p0  }
0x20: {  	[sflag:s8] =	ssyncset.s32 @!p0 $0xFFFFF086;
	s6 =	sadd.s32 @!p0 s3, s7;
	s7 =	simm.s32 @!p0 $0x108  }
0x21: {  	s3 =	sadd.s32 s3, s9;
	s6 =	sadd.s32 @!p0 $0x88, s6;
	s7 =	simm.s32 @p2 $0x1082  }
0x22: {  	[simem:s7], [sflag:s8] =	dma.local @!p0 [hbm:s6], $0xF7A  }
0x23: {  	s9 =	sor.u32 $0xD0000000, s2;
	s6 =	simm.s32 $0x108;
	_ =	swait.ge @!p0 [sflag:s8], $0x0  }
0x24: {  	s3 =	sadd.s32 $0x88, s3;
	s6 =	simm.s32 @!p1 $0x1082;
	[sflag:s4] =	ssyncset.s32 $0xFFFFF086  }
0x25: {  	[simem:s6], [sflag:s4] =	dma.local [hbm:s3], $0xF7A  }
0x26: {  	[smem:$0x3F9E] =	sst s1;
	(tag) =	ssettag s2;
	_ =	strace s9  }
0x27: {  	s1 =	sld [smem:$0x3FAE]  }
0x28: {  	s2 =	sld [smem:$0x3FAF]  }
0x29: {  	s4 =	sld [smem:$0x3FB1]  }
0x2a: {  	p0 =	seq.s32 s5, $0x0;
	s5 =	sld [smem:$0x3FB2]  }
0x2b: {  	s6 =	sld [smem:$0x3FB3]  }
0x2c: {  	s7 =	sld [smem:$0x3FB4]  }
0x2d: {  	s3 =	simm.s32 $0x108;
	s8 =	sld [smem:$0x3FB5]  }
0x2e: {  	s3 =	simm.s32 @!p0 $0x1082;
	s9 =	sld [smem:$0x3FB6]  }
0x2f: {  	lr =	sadd.s32 s0, s3;
	s0 =	sld [smem:$0x3FAD]  }
0x30: {  	s3 =	sld [smem:$0x3FB0]  }
0x31: {  	[smem:$0x3FB9] =	sst s10  }
0x32: {  	s10 =	sld [smem:$0x3FB7];
	_ =	sdelay $0x3  }
0x33: {  	p0 =	seq.s32 s10, $0x1;
	s10 =	sld [smem:$0x3FB9];
	_ =	sdelay $0x3  }
0x34: {  	[smem:$0x3FB9] =	sst s10  }
0x35: {  	s10 =	sld [smem:$0x3FB8];
	_ =	sdelay $0x3  }
0x36: {  	p1 =	seq.s32 s10, $0x1;
	s10 =	sld [smem:$0x3FB9];
	_ =	sdelay $0x3  }
0x37: {  	[smem:$0x3FB9] =	sst s10  }
0x38: {  	s10 =	sld [smem:$0x3FBA]  }
0x39: {  	_ = 	snop;
	(pc) =	sbr.ind lr, $3  }
0x3a: {  	_ = 	snop  }
0x3b: {  	_ = 	snop  }
0x3c: {  	p2 =	seq.s32 s10, $0x1;
	s10 =	sld [smem:$0x3FB9]  }
0x3d: {  	_ =	shalt  }
0x3e: {  	_ =	shalt  }
0x3f: {  	_ =	shalt  }
0x40: {  	_ =	shalt  }
0x41: {  	_ =	shalt  }
0x42: {  	_ =	shalt  }
0x43: {  	_ =	shalt  }
0x44: {  	_ =	shalt  }
0x45: {  	_ =	shalt  }
0x46: {  	_ =	shalt  }
0x47: {  	_ =	shalt  }
0x48: {  	_ =	shalt  }
0x49: {  	_ =	shalt  }
0x4a: {  	_ =	shalt  }
0x4b: {  	_ =	shalt  }
0x4c: {  	_ =	shalt  }
0x4d: {  	_ =	shalt  }
0x4e: {  	_ =	shalt  }
0x4f: {  	_ =	shalt  }
0x50: {  	_ =	shalt  }
0x51: {  	_ =	shalt  }
0x52: {  	_ =	shalt  }
0x53: {  	_ =	shalt  }
0x54: {  	_ =	shalt  }
0x55: {  	_ =	shalt  }
0x56: {  	_ =	shalt  }
0x57: {  	_ =	shalt  }
0x58: {  	_ =	shalt  }
0x59: {  	_ =	shalt  }
0x5a: {  	_ =	shalt  }
0x5b: {  	_ =	shalt  }
0x5c: {  	_ =	shalt  }
0x5d: {  	_ =	shalt  }
0x5e: {  	_ =	shalt  }
0x5f: {  	_ =	shalt  }
0x60: {  	_ =	shalt  }
0x61: {  	_ =	shalt  }
0x62: {  	_ =	shalt  }
0x63: {  	_ =	shalt  }
0x64: {  	_ =	shalt  }
0x65: {  	_ =	shalt  }
0x66: {  	_ =	shalt  }
0x67: {  	_ =	shalt  }
0x68: {  	_ =	shalt  }
0x69: {  	_ =	shalt  }
0x6a: {  	_ =	shalt  }
0x6b: {  	_ =	shalt  }
0x6c: {  	_ =	shalt  }
0x6d: {  	_ =	shalt  }
0x6e: {  	_ =	shalt  }
0x6f: {  	_ =	shalt  }
0x70: {  	_ =	shalt  }
0x71: {  	_ =	shalt  }
0x72: {  	_ =	shalt  }
0x73: {  	_ =	shalt  }
0x74: {  	_ =	shalt  }
0x75: {  	_ =	shalt  }
0x76: {  	_ =	shalt  }
0x77: {  	_ =	shalt  }
0x78: {  	_ =	shalt  }
0x79: {  	_ =	shalt  }
0x7a: {  	_ =	shalt  }
0x7b: {  	_ =	shalt  }
0x7c: {  	_ =	shalt  }
0x7d: {  	_ =	shalt  }
0x7e: {  	_ =	shalt  }
0x7f: {  	_ =	shalt  }
0x80: {  	_ =	shalt  }
0x81: {  	_ =	shalt  }
0x82: {  	_ =	shalt  }
0x83: {  	_ =	shalt  }
0x84: {  	_ =	shalt  }
0x85: {  	_ =	shalt  }
0x86: {  	_ =	shalt  }
0x87: {  	_ =	shalt  }
.Lfunc_end0:
.L_simem_size_0:
called_computation_lowered:
.L_overlay_start_0:
0x88: {  	s2 =	sld [smem:$0x3FD9]  }
0x89: {  	s3 =	sld [smem:$0x3FFE];
	_ =	sdelay $0x1  }
0x8a: {  	s1 =	srdreg.scid  }
0x8b: {  	s0 =	sand.u32 $0x1, s1  }
0x8c: {  	s17 =	sshll.u32 s0, $0xA;
	s2 =	sadd.s32 s3, s2  }
0x8d: {  	s2 =	sadd.s32 s2, s17  }
0x8e: {  	[smem:$0x3FC5] =	sst s2  }
0x8f: {  	_ = 	snop  }
0x90: {  	s2 =	sld [smem:$0x3FC8]  }
0x91: {  	s18 =	sld [smem:$0x3FC7];
	(tm) =	ssettm $0x1  }
0x92: {  	s4 =	sld [smem:$0x3FFB];
	_ =	sdelay $0x3  }
0x93: {  	_ =	strace s4  }
0x94: {  	s4 =	sld [smem:$0x3FFC];
	_ =	sdelay $0x3  }
0x95: {  	_ =	strace s4  }
0x96: {  	s4 =	sld [smem:$0x3FFD];
	_ =	sdelay $0x3  }
0x97: {  	_ =	strace s4  }
0x98: {  	_ =	strace $0x8FFFFFFF  }
0x99: {  	s19 =	sld [smem:$0x3FDB];
	_ =	sdelay $0x1  }
0x9a: {  	s5 =	simm.s32 $_scs_section_size  }
0x9b: {  	s6 =	simm.s32 $_size__tile_overlayer_lowered;
	s7 =	simm.s32 $_tile_overlayer_lowered  }
0x9c: {  	s22 =	simm.s32 $0x1BFF;
	s21 =	sshll.u32 s7, $0x1;
	s4 =	sadd.s32 s5, s19  }
0x9d: {  	s8 =	simm.s32 $0x0;
	s20 =	sshll.u32 s6, $0x1;
	s6 =	sadd.s32 s21, s4  }
0x9e: {  	[timem:s8], [sflag:s22] =	dma.local [hbm:s6], s20  }
0x9f: {  	_ =	swait.ge [sflag:s22], s20  }
0xa0: {  	s5 =	ssub.s32 $0x0, s20;
	[sflag:s22] =	ssyncset.done $0x0  }
0xa1: {  	[sflag:s22] =	ssyncadd.s32 s5;
	_ =	sdelay $0x1  }
0xa2: {  	s23 =	simm.s32 $0x1B8B  }
0xa3: {  	_ =	swait.ge [sflag:s23], $0x1  }
0xa4: {  	[sflag:s23] =	ssyncset.done $0x0  }
0xa5: {  	s25 =	simm.s32 $0x1B8E;
	s24 =	sld [smem:$0x3FFE];
	[sflag:s23] =	ssyncadd.s32 $0xFFFFFFFF  }
0xa6: {  	s26 =	simm.s32 $execute0_lowered;
	[smem:$0x3FD2] =	sst s25  }
0xa7: {  	s6 =	sshll.u32 s26, $0x1;
	_ =	strace $0x80000046;
	[dreg:$0x1] =	wrdreg $0xFFFFFFFF  }
0xa8: {  	s28 =	simm.s32 $_size_execute0_lowered;
	s4 =	sadd.s32 s4, s6;
	[dreg:$0x0] =	wrdreg $0x0  }
0xa9: {  	s6 =	sshll.u32 s28, $0x1;
	[dreg:$0x2] =	wrdreg s4  }
0xaa: {  	[dreg:$0x3] =	wrdreg s6  }
0xab: {  	[dreg:$0x4] =	wrdreg $0xC0  }
0xac: {  	_ =	task [dreg:s8], $0x5FFFF  }
0xad: {  	[dreg:$0x1] =	wrdreg $0xFFFFFFFF  }
0xae: {  	[dreg:$0x0] =	wrdreg $0x60  }
0xaf: {  	[dreg:$0x2] =	wrdreg s18  }
0xb0: {  	[dreg:$0x3] =	wrdreg s24  }
0xb1: {  	[dreg:$0x4] =	wrdreg s2  }
0xb2: {  	[dreg:$0x5] =	wrdreg $0x9  }
0xb3: {  	_ =	task.clear_ibuf [dreg:s8], $0x6FFFF;
	_ =	strace $0x90000046  }
0xb4: {  	s29 =	simm.s32 $0x9;
	_ =	strace $0x80000048  }
0xb5: {  	_ =	swait.ge [sflag:s29], $0x1  }
0xb6: {  	[sflag:s29] =	ssyncadd.s32 $0xFFFFFFFF  }
0xb7: {  	_ =	strace $0x90000048  }
0xb8: {  	_ =	sfence  }
0xb9: {  	s30 =	sld [smem:$0x0];
	_ =	sdelay $0x2  }
0xba: {  	s31 =	sshll.u32 s1, $0xD;
	s1 =	sshrl.u32 s1, $0x2  }
0xbb: {  	s3 =	sand.u32 $0x4000, s31;
	s1 =	sadd.s32 s1, s30  }
0xbc: {  	s0 =	sor.u32 s3, s0;
	s1 =	sshll.u32 s1, $0x11  }
0xbd: {  	s0 =	sor.u32 s1, s0  }
0xbe: {  	s0 =	sadd.s32 $0x8F2B, s0  }
0xbf: {  	[sflag:s0] =	ssyncadd.remote.s32 $0x1  }
0xc0: {  	_ =	sfence.sel $0xFFFF  }
0xc1: {  	[dreg:$0x0] =	wrdreg $0xFFFFFFFF;
	(pc) =	sbr.abs _section_cstart, $3  }
0xc2: {  	[dreg:$0x1] =	wrdreg $0xFFFFFFFF  }
0xc3: {  	_ =	task.clear_ibuf [dreg:s8], $0x2FFFF;
	_ =	strace $0x9FFFFFFF  }
0xc4: {  	(tm) =	ssettm $0x7FFFFFFF  }
0xc5: {  	_ =	shalt  }
tec
execute0_lowered:
.L_overlay_start_1:
0x0: {  	(tag) =	ssettag $0x1  }
0x1: {  	s1 =	srdreg.scid;
	s3 =	stileid.u32  }
0x2: {  	s0 =	rddreg [dreg:$0x1];
	s1 =	sand.u32 $0x1, s1;
	s3 =	sshll.u32 s3, $0x1  }
0x3: {  	s2 =	rddreg [dreg:$0x2];
	s7 =	simm.s32 $0x0;
	s3 =	sor.u32 s1, s3  }
0x4: {  	[smem:$0x7FF] =	sst s7;
	s1 =	ssub.s32 $0x2, s1;
	s4 =	smul.u32 $0x50, s3  }
0x5: {  	s5 =	sshll.u32 s3, $0x9;
	s6 =	sshrl.u32 s1, $0x1;
	s3 =	sshll.u32 s3, $0x2  }
0x6: {  	_ =	strace $0x80000047;
	s1 =	ssub.s32 s1, s6;
	s2 =	sadd.s32 s2, s3  }
0x7: {  	s4 =	sadd.s32 s4, s0;
	[dreg:$0x5] =	wrdreg s2;
	s31 =	smax.u32 s1, $0x1  }
0x8: {  	s0 =	sadd.s32 s5, s0;
	s4 =	sadd.s32 $0xC00, s4;
	[dreg:$0x8] =	wrdreg s31  }
0x9: {  	s30 =	sadd.s32 $0x1600, s0;
	[dreg:$0x4] =	wrdreg s4  }
0xa: {  	s0 =	sadd.s32 $0x5600, s0;
	[dreg:$0x6] =	wrdreg s30  }
0xb: {  	s1 =	simm.s32 $0x7;
	s2 =	simm.s32 $0x0;
	[dreg:$0x7] =	wrdreg s0  }
.LBB2_1:
0xc: {  	[dreg:$0x9] =	wrdreg s2  }
0xd: {  	s0 =	rddreg [dreg:$0x4]  }
0xe: {  	[tilespmem:s7], [sflag:$0x7] =	stream.linear.gather [hbm4b:s0+s7], $0x280, $0x38;
	[tilespmem:$0x17300] =	vst v63  }
0xf: {  	_ =	swait.ge [sflag:s1], $0x280  }
0x10: {  	[sflag:s1] =	ssyncset.done $0x0  }
0x11: {  	s14 =	simm.s32 $0x280;
	s13 =	rddreg [dreg:$0x5];
	[sflag:s1] =	ssyncadd.s32 $0xFFFFFD80  }
0x12: {  	[tilespmem:s14], [sflag:$0x7] =	stream.linear.gather [hbm4b:s13+s7], $0x20, $0x38;
	[tilespmem:$0x17300] =	vst v63  }
0x13: {  	_ =	swait.ge [sflag:s1], $0x20  }
0x14: {  	[sflag:s1] =	ssyncset.done $0x0  }
0x15: {  	[sflag:s1] =	ssyncadd.s32 $0xFFFFFFE0  }
0x16: {  	s16 =	simm.s32 $0x80;
	s3 =	simm.s32 $0x300;
	s15 =	rddreg [dreg:$0x0]  }
0x17: {  	[tilespmem:s3], [sflag:$0x1] =	stream.indirect.gather [hbm4b:s15+s16], $0x80, s7, s16, $0xb8;
	[tilespmem:$0x17300] =	vst v63  }
0x18: {  	s17 =	simm.s32 $0x4300  }
0x19: {  	[tilespmem:s17], [sflag:$0x2] =	stream.indirect.gather [hbm4b:s15+s16], $0x80, s16, s16, $0xb8;
	[tilespmem:$0x17300] =	vst v63  }
0x1a: {  	s18 =	simm.s32 $0x100;
	s4 =	simm.s32 $0x8300  }
0x1b: {  	[tilespmem:s4], [sflag:$0x3] =	stream.indirect.gather [hbm4b:s15+s16], $0x80, s18, s16, $0xb8;
	[tilespmem:$0x17300] =	vst v63  }
0x1c: {  	s19 =	simm.s32 $0x180;
	s20 =	simm.s32 $0xC300  }
0x1d: {  	[tilespmem:s20], [sflag:$0x4] =	stream.indirect.gather [hbm4b:s15+s16], $0x80, s19, s16, $0xb8;
	[tilespmem:$0x17300] =	vst v63  }
0x1e: {  	s21 =	simm.s32 $0x200;
	s22 =	simm.s32 $0x10300  }
0x1f: {  	[tilespmem:s22], [sflag:$0x5] =	stream.indirect.gather [hbm4b:s15+s16], $0x80, s21, s16, $0xb8;
	[tilespmem:$0x17300] =	vst v63  }
0x20: {  	s23 =	simm.s32 $0x20;
	s24 =	simm.s32 $0x14300;
	s25 =	simm.s32 $0x6  }
0x21: {  	[tilespmem:s24], [sflag:$0x6] =	stream.indirect.gather [hbm4b:s15+s23], $0x80, s14, s23, $0xb8;
	[tilespmem:$0x17300] =	vst v63  }
0x22: {  	_ =	swait.ge [sflag:s25], $0x1000  }
0x23: {  	[sflag:s25] =	ssyncset.done $0x0  }
0x24: {  	s26 =	simm.s32 $0x1;
	[sflag:s25] =	ssyncadd.s32 $0xFFFFF000  }
0x25: {  	_ =	swait.ge [sflag:s26], $0x4000  }
0x26: {  	[sflag:s26] =	ssyncset.done $0x0  }
0x27: {  	s28 =	simm.s32 $0x2;
	[sflag:s26] =	ssyncadd.s32 $0xFFFFC000  }
0x28: {  	_ =	swait.ge [sflag:s28], $0x4000  }
0x29: {  	[sflag:s28] =	ssyncset.done $0x0  }
0x2a: {  	s29 =	simm.s32 $0x3;
	[sflag:s28] =	ssyncadd.s32 $0xFFFFC000  }
0x2b: {  	_ =	swait.ge [sflag:s29], $0x4000  }
0x2c: {  	[sflag:s29] =	ssyncset.done $0x0  }
0x2d: {  	s30 =	simm.s32 $0x4;
	[sflag:s29] =	ssyncadd.s32 $0xFFFFC000  }
0x2e: {  	_ =	swait.ge [sflag:s30], $0x4000  }
0x2f: {  	[sflag:s30] =	ssyncset.done $0x0  }
0x30: {  	s31 =	simm.s32 $0x5;
	[sflag:s30] =	ssyncadd.s32 $0xFFFFC000  }
0x31: {  	_ =	swait.ge [sflag:s31], $0x4000  }
0x32: {  	[sflag:s31] =	ssyncset.done $0x0  }
0x33: {  	s2 =	simm.s32 $0x800;
	s19 =	simm.s32 $0x0;
	[sflag:s31] =	ssyncadd.s32 $0xFFFFC000  }
.LBB2_2:
0x34: {  	v59 =	vld [tilespmem:s2+$0xFFFFFB00]  }
0x35: {  	v50 =	vld [tilespmem:s2+$0xFFFFFB10];
	_ =	sdelay $0x1  }
0x36: {  	v49 =	vld [tilespmem:s2+$0xFFFFFB20];
	_ =	sdelay $0x1  }
0x37: {  	v46 =	vld [tilespmem:s2+$0xFFFFFB30]  }
0x38: {  	v0 =	vmul.f32 v59, v59;
	v1 =	vmul.f32 v50, v50  }
0x39: {  	v45 =	vld [tilespmem:s2+$0xFFFFFB40]  }
0x3a: {  	v22 =	vmul.f32 v49, v49;
	v0 =	vadd.f32 v1, v0  }
0x3b: {  	v44 =	vld [tilespmem:s2+$0xFFFFFB50]  }
0x3c: {  	v23 =	vmul.f32 v46, v46;
	v0 =	vadd.f32 v22, v0  }
0x3d: {  	v40 =	vld [tilespmem:s2+$0xFFFFFB60]  }
0x3e: {  	v24 =	vmul.f32 v45, v45;
	v0 =	vadd.f32 v23, v0  }
0x3f: {  	v36 =	vld [tilespmem:s2+$0xFFFFFB70]  }
0x40: {  	v25 =	vmul.f32 v44, v44;
	v0 =	vadd.f32 v24, v0;
	_ =	sdelay $0x1  }
0x41: {  	v18 =	vld [tilespmem:s2+$0xFFFFFB80];
	v26 =	vmul.f32 v40, v40;
	v0 =	vadd.f32 v25, v0  }
0x42: {  	v19 =	vld [tilespmem:s2+$0xFFFFFB90]  }
0x43: {  	v27 =	vmul.f32 v36, v36;
	v0 =	vadd.f32 v26, v0  }
0x44: {  	v4 =	vld [tilespmem:s2+$0xFFFFFBA0]  }
0x45: {  	v0 =	vadd.f32 v27, v0  }
0x46: {  	v3 =	vld [tilespmem:s2+$0xFFFFFBB0]  }
0x47: {  	v28 =	vmul.f32 v18, v18;
	v2 =	vmul.f32 v19, v19;
	(v2sf) =	vpush v0, $0x0  }
0x48: {  	v20 =	vld [tilespmem:s2+$0xFFFFFBC0];
	(v2sf) =	vpush v0, $0x1  }
0x49: {  	v29 =	vmul.f32 v4, v4;
	v1 =	vadd.f32 v2, v28;
	(v2sf) =	vpush v0, $0x2  }
0x4a: {  	v16 =	vld [tilespmem:s2+$0xFFFFFBD0];
	(v2sf) =	vpush v0, $0x3  }
0x4b: {  	v30 =	vmul.f32 v3, v3;
	v1 =	vadd.f32 v29, v1;
	(v2sf) =	vpush v0, $0x4  }
0x4c: {  	v23 =	vld [tilespmem:s2+$0xFFFFFBE0];
	(v2sf) =	vpush v0, $0x5  }
0x4d: {  	v31 =	vmul.f32 v20, v20;
	v1 =	vadd.f32 v30, v1;
	(v2sf) =	vpush v0, $0x6  }
0x4e: {  	v32 =	vld [tilespmem:s2+$0xFFFFFBF0];
	(v2sf) =	vpush v0, $0x7  }
0x4f: {  	v33 =	vmul.f32 v16, v16;
	v1 =	vadd.f32 v31, v1;
	(v2sf) =	vpush v0, $0x8  }
0x50: {  	(v2sf) =	vpush v0, $0x9  }
0x51: {  	v1 =	vadd.f32 v33, v1;
	v34 =	vmul.f32 v23, v23;
	(v2sf) =	vpush v0, $0xA  }
0x52: {  	(v2sf) =	vpush v0, $0xB  }
0x53: {  	v6 =	vld [tilespmem:s2+$0xFFFFFC00];
	v37 =	vmul.f32 v32, v32;
	v1 =	vadd.f32 v34, v1;
	(v2sf) =	vpush v0, $0xC  }
0x54: {  	v35 =	vld [tilespmem:s2+$0xFFFFFC10];
	(v2sf) =	vpush v0, $0xD  }
0x55: {  	v1 =	vadd.f32 v37, v1;
	(v2sf) =	vpush v0, $0xE  }
0x56: {  	v5 =	vld [tilespmem:s2+$0xFFFFFC20];
	(v2sf) =	vpush v0, $0xF;
	s5 =	spop (v2sf)  }
0x57: {  	(v2sf) =	vpush v1, $0x0;
	s9 =	spop (v2sf)  }
0x58: {  	v38 =	vld [tilespmem:s2+$0xFFFFFC30];
	(v2sf) =	vpush v1, $0x1;
	s28 =	spop (v2sf)  }
0x59: {  	v39 =	vmul.f32 v6, v6;
	v41 =	vmul.f32 v35, v35;
	s11 =	spop (v2sf)  }
0x5a: {  	v42 =	vld [tilespmem:s2+$0xFFFFFC40];
	(v2sf) =	vpush v1, $0x2;
	s17 =	spop (v2sf)  }
0x5b: {  	v43 =	vmul.f32 v5, v5;
	v0 =	vadd.f32 v41, v39;
	s7 =	spop (v2sf)  }
0x5c: {  	v47 =	vld [tilespmem:s2+$0xFFFFFC50];
	s5 =	sadd.f32 s9, s5;
	(v2sf) =	vpush v1, $0x3;
	s14 =	spop (v2sf)  }
0x5d: {  	v48 =	vmul.f32 v38, v38;
	v0 =	vadd.f32 v43, v0;
	(v2sf) =	vpush v1, $0x4;
	s4 =	spop (v2sf)  }
0x5e: {  	v51 =	vld [tilespmem:s2+$0xFFFFFC60];
	s5 =	sadd.f32 s5, s28;
	(v2sf) =	vpush v1, $0x5;
	s8 =	spop (v2sf)  }
0x5f: {  	v52 =	vmul.f32 v42, v42;
	v0 =	vadd.f32 v48, v0;
	(v2sf) =	vpush v1, $0x6;
	s31 =	spop (v2sf)  }
0x60: {  	v53 =	vld [tilespmem:s2+$0xFFFFFC70];
	s5 =	sadd.f32 s5, s11;
	(v2sf) =	vpush v1, $0x7;
	s3 =	spop (v2sf)  }
0x61: {  	v54 =	vmul.f32 v47, v47;
	v0 =	vadd.f32 v52, v0;
	(v2sf) =	vpush v1, $0x8;
	s13 =	spop (v2sf)  }
0x62: {  	s5 =	sadd.f32 s5, s17;
	(v2sf) =	vpush v1, $0x9;
	s0 =	spop (v2sf)  }
0x63: {  	v55 =	vmul.f32 v51, v51;
	v0 =	vadd.f32 v54, v0;
	(v2sf) =	vpush v1, $0xA;
	s30 =	spop (v2sf)  }
0x64: {  	s5 =	sadd.f32 s5, s7;
	(v2sf) =	vpush v1, $0xB;
	s1 =	spop (v2sf)  }
0x65: {  	[dreg:$0xa] =	wrdreg s19;
	v58 =	vmul.f32 v53, v53;
	v0 =	vadd.f32 v55, v0;
	(v2sf) =	vpush v1, $0xC;
	s6 =	spop (v2sf)  }
0x66: {  	s5 =	sadd.f32 s5, s14;
	(v2sf) =	vpush v1, $0xD;
	s24 =	spop (v2sf)  }
0x67: {  	v56 =	vld [tilespmem:s2+$0xFFFFFC80];
	v0 =	vadd.f32 v58, v0;
	[dreg:$0x1c] =	wrdreg s0;
	(v2sf) =	vpush v1, $0xE;
	s25 =	spop (v2sf)  }
0x68: {  	v57 =	vld [tilespmem:s2+$0xFFFFFC90];
	(v2sf) =	vpush v1, $0xF;
	s9 =	sadd.f32 s25, s24  }
0x69: {  	[dreg:$0x1a] =	wrdreg s30;
	(v2sf) =	vpush v0, $0x0;
	s20 =	spop (v2sf)  }
0x6a: {  	v60 =	vld [tilespmem:s2+$0xFFFFFCA0];
	(v2sf) =	vpush v0, $0x1;
	s19 =	sadd.f32 s9, s20  }
0x6b: {  	s5 =	sadd.f32 s5, s4;
	s12 =	spop (v2sf)  }
0x6c: {  	v61 =	vld [tilespmem:s2+$0xFFFFFCB0];
	s15 =	spop (v2sf);
	s12 =	sadd.f32 s19, s12  }
0x6d: {  	v62 =	vmul.f32 v56, v56;
	v63 =	vmul.f32 v57, v57;
	[dreg:$0x18] =	wrdreg s1;
	s10 =	spop (v2sf)  }
0x6e: {  	v13 =	vld [tilespmem:s2+$0xFFFFFCC0];
	(v2sf) =	vpush v0, $0x2;
	s30 =	spop (v2sf);
	s7 =	sadd.f32 s12, s15  }
0x6f: {  	[tilespmem:$0x1FDD0] =	vst v5;
	v5 =	vmul.f32 v60, v60;
	[dreg:$0x15] =	wrdreg s6;
	v1 =	vadd.f32 v63, v62;
	(v2sf) =	vpush v0, $0x3;
	s0 =	spop (v2sf)  }
0x70: {  	v25 =	vld [tilespmem:s2+$0xFFFFFCD0];
	(v2sf) =	vpush v0, $0x4;
	s1 =	spop (v2sf);
	s7 =	sadd.f32 s7, s10  }
0x71: {  	v7 =	vmul.f32 v61, v61;
	v1 =	vadd.f32 v5, v1;
	s9 =	sadd.f32 s5, s8;
	(v2sf) =	vpush v0, $0x5;
	s6 =	spop (v2sf)  }
0x72: {  	v29 =	vld [tilespmem:s2+$0xFFFFFCE0];
	(v2sf) =	vpush v0, $0x6;
	s16 =	spop (v2sf);
	s7 =	sadd.f32 s7, s30  }
0x73: {  	v8 =	vmul.f32 v13, v13;
	v1 =	vadd.f32 v7, v1;
	s4 =	sadd.f32 s9, s31;
	(v2sf) =	vpush v0, $0x7;
	s29 =	spop (v2sf)  }
0x74: {  	v12 =	vld [tilespmem:s2+$0xFFFFFCF0];
	(v2sf) =	vpush v0, $0x8;
	s26 =	spop (v2sf);
	s0 =	sadd.f32 s7, s0  }
0x75: {  	v9 =	vmul.f32 v25, v25;
	v1 =	vadd.f32 v8, v1;
	(v2sf) =	vpush v0, $0x9;
	s23 =	spop (v2sf);
	s7 =	sadd.f32 s4, s3  }
0x76: {  	s22 =	spop (v2sf);
	s0 =	sadd.f32 s0, s1  }
0x77: {  	v10 =	vmul.f32 v29, v29;
	v1 =	vadd.f32 v9, v1;
	(v2sf) =	vpush v0, $0xA;
	s21 =	spop (v2sf);
	s9 =	sadd.f32 s7, s13  }
0x78: {  	v14 =	vld [tilespmem:s2+$0xFFFFFD10];
	(v2sf) =	vpush v0, $0xB;
	s18 =	spop (v2sf);
	s13 =	rddreg [dreg:$0x1c]  }
0x79: {  	v11 =	vmul.f32 v12, v12;
	v34 =	vld [tilespmem:s2+$0xFFFFFD00];
	v1 =	vadd.f32 v10, v1;
	(v2sf) =	vpush v0, $0xC;
	s28 =	spop (v2sf);
	s8 =	sadd.f32 s0, s6  }
0x7a: {  	(v2sf) =	vpush v0, $0xD;
	s28 =	sadd.f32 s28, s18  }
0x7b: {  	v30 =	vld [tilespmem:s2+$0xFFFFFD20];
	v1 =	vadd.f32 v11, v1;
	(v2sf) =	vpush v0, $0xE;
	s6 =	sadd.f32 s8, s16  }
0x7c: {  	(v2sf) =	vpush v0, $0xF;
	s16 =	sadd.f32 s9, s13  }
0x7d: {  	v37 =	vld [tilespmem:s2+$0xFFFFFD30];
	(v2sf) =	vpush v1, $0x0;
	s24 =	spop (v2sf);
	s9 =	rddreg [dreg:$0x1a]  }
0x7e: {  	v17 =	vmul.f32 v14, v14;
	v15 =	vmul.f32 v34, v34;
	(v2sf) =	vpush v1, $0x1;
	s25 =	spop (v2sf);
	s28 =	sadd.f32 s28, s24  }
0x7f: {  	v41 =	vld [tilespmem:s2+$0xFFFFFD40];
	s11 =	spop (v2sf);
	s29 =	sadd.f32 s6, s29  }
0x80: {  	v21 =	vmul.f32 v30, v30;
	v0 =	vadd.f32 v17, v15;
	(v2sf) =	vpush v1, $0x2;
	s20 =	spop (v2sf);
	s13 =	sadd.f32 s16, s9  }
0x81: {  	[tilespmem:$0x1FDE0] =	vst v38;
	v38 =	vld [tilespmem:s2+$0xFFFFFD50];
	(v2sf) =	vpush v1, $0x3;
	s19 =	spop (v2sf);
	s16 =	rddreg [dreg:$0x18]  }
0x82: {  	v22 =	vmul.f32 v37, v37;
	v0 =	vadd.f32 v21, v0;
	(v2sf) =	vpush v1, $0x4;
	s17 =	spop (v2sf);
	s29 =	sadd.f32 s29, s26  }
0x83: {  	v24 =	vld [tilespmem:s2+$0xFFFFFD60];
	(v2sf) =	vpush v1, $0x5;
	s15 =	spop (v2sf);
	s9 =	sadd.f32 s13, s16  }
0x84: {  	v26 =	vmul.f32 v41, v41;
	v0 =	vadd.f32 v22, v0;
	(v2sf) =	vpush v1, $0x6;
	s26 =	rddreg [dreg:$0x15];
	s12 =	spop (v2sf)  }
0x85: {  	v27 =	vld [tilespmem:s2+$0xFFFFFD70];
	(v2sf) =	vpush v1, $0x7;
	[dreg:$0x1d] =	wrdreg s12  }
0x86: {  	[tilespmem:$0x1FDA0] =	vst v32;
	v32 =	vld [tilespmem:s2+$0xFFFFFD90];
	v28 =	vmul.f32 v38, v38;
	v0 =	vadd.f32 v26, v0;
	(v2sf) =	vpush v1, $0x8;
	s10 =	spop (v2sf);
	s23 =	sadd.f32 s29, s23  }
0x87: {  	v17 =	vld [tilespmem:s2+$0xFFFFFD80];
	(v2sf) =	vpush v1, $0x9;
	s26 =	sadd.f32 s9, s26;
	s14 =	spop (v2sf)  }
0x88: {  	v31 =	vmul.f32 v24, v24;
	v0 =	vadd.f32 v28, v0;
	(v2sf) =	vpush v1, $0xA;
	[dreg:$0x1b] =	wrdreg s14;
	s30 =	spop (v2sf)  }
0x89: {  	v15 =	vld [tilespmem:s2+$0xFFFFFDA0];
	(v2sf) =	vpush v1, $0xB;
	s22 =	sadd.f32 s23, s22;
	s12 =	spop (v2sf)  }
0x8a: {  	v33 =	vmul.f32 v27, v27;
	v0 =	vadd.f32 v31, v0;
	(v2sf) =	vpush v1, $0xC;
	[dreg:$0x17] =	wrdreg s12;
	s14 =	spop (v2sf)  }
0x8b: {  	[tilespmem:$0x1FDF0] =	vst v42;
	v42 =	vld [tilespmem:s2+$0xFFFFFDB0];
	v39 =	vmul.f32 v32, v32;
	(v2sf) =	vpush v1, $0xD;
	s29 =	sadd.f32 s22, s21;
	s31 =	spop (v2sf)  }
0x8c: {  	[tilespmem:$0x1FDC0] =	vst v35;
	v35 =	vmul.f32 v17, v17;
	v0 =	vadd.f32 v33, v0;
	s22 =	sadd.f32 s28, s25;
	(v2sf) =	vpush v1, $0xE;
	s12 =	spop (v2sf)  }
0x8d: {  	[tilespmem:$0x1FE00] =	vst v47;
	v47 =	vld [tilespmem:s2+$0xFFFFFDC0];
	[dreg:$0x10] =	wrdreg s14;
	(v2sf) =	vpush v1, $0xF;
	s3 =	spop (v2sf)  }
0x8e: {  	v43 =	vmul.f32 v15, v15;
	v1 =	vadd.f32 v39, v35;
	(v2sf) =	vpush v0, $0x0;
	s3 =	sadd.f32 s3, s12  }
0x8f: {  	[tilespmem:$0x1FE10] =	vst v51;
	v51 =	vld [tilespmem:s2+$0xFFFFFDD0];
	s28 =	sadd.f32 s22, s11;
	(v2sf) =	vpush v0, $0x1;
	s0 =	spop (v2sf)  }
0x90: {  	v48 =	vmul.f32 v42, v42;
	v1 =	vadd.f32 v43, v1;
	(v2sf) =	vpush v0, $0x2;
	s14 =	spop (v2sf);
	s0 =	sadd.f32 s3, s0  }
0x91: {  	[tilespmem:$0x1FE40] =	vst v57;
	v57 =	vld [tilespmem:s2+$0xFFFFFDE0];
	(v2sf) =	vpush v0, $0x3;
	s1 =	spop (v2sf);
	s3 =	sadd.f32 s28, s20  }
0x92: {  	v52 =	vmul.f32 v47, v47;
	v1 =	vadd.f32 v48, v1;
	(v2sf) =	vpush v0, $0x4;
	s4 =	spop (v2sf);
	s0 =	sadd.f32 s0, s14  }
0x93: {  	(v2sf) =	vpush v0, $0x5;
	s5 =	spop (v2sf);
	s20 =	sadd.f32 s3, s19  }
0x94: {  	[tilespmem:$0x1FE20] =	vst v53;
	v53 =	vmul.f32 v51, v51;
	v1 =	vadd.f32 v52, v1;
	(v2sf) =	vpush v0, $0x6;
	s6 =	spop (v2sf);
	s0 =	sadd.f32 s0, s1  }
0x95: {  	v58 =	vld [tilespmem:s2+$0xFFFFFE10];
	(v2sf) =	vpush v0, $0x7;
	s7 =	spop (v2sf);
	s1 =	sadd.f32 s20, s17  }
0x96: {  	v54 =	vmul.f32 v57, v57;
	v63 =	vld [tilespmem:s2+$0xFFFFFE00];
	v1 =	vadd.f32 v53, v1;
	(v2sf) =	vpush v0, $0x8;
	s8 =	spop (v2sf);
	s0 =	sadd.f32 s0, s4  }
0x97: {  	[tilespmem:$0x1FE50] =	vst v60;
	v60 =	vld [tilespmem:s2+$0xFFFFFDF0];
	s20 =	rddreg [dreg:$0x1d];
	(v2sf) =	vpush v0, $0x9;
	s16 =	spop (v2sf)  }
0x98: {  	v1 =	vadd.f32 v54, v1;
	v54 =	vld [tilespmem:s2+$0xFFFFFE20];
	(v2sf) =	vpush v0, $0xA;
	s13 =	spop (v2sf);
	s0 =	sadd.f32 s0, s5  }
0x99: {  	s1 =	sadd.f32 s1, s15;
	(v2sf) =	vpush v0, $0xB;
	s9 =	spop (v2sf)  }
0x9a: {  	[tilespmem:$0x1FD80] =	vst v4;
	v53 =	vld [tilespmem:s2+$0xFFFFFE30];
	(v2sf) =	vpush v0, $0xC;
	s18 =	spop (v2sf);
	s0 =	sadd.f32 s0, s6  }
0x9b: {  	[tilespmem:$0x1FE30] =	vst v56;
	v4 =	vmul.f32 v58, v58;
	v56 =	vmul.f32 v63, v63;
	s1 =	sadd.f32 s1, s20;
	(v2sf) =	vpush v0, $0xD;
	s23 =	spop (v2sf)  }
0x9c: {  	[tilespmem:$0x1FE60] =	vst v61;
	v61 =	vld [tilespmem:s2+$0xFFFFFE40];
	v55 =	vmul.f32 v60, v60;
	(v2sf) =	vpush v0, $0xE;
	s21 =	spop (v2sf);
	s0 =	sadd.f32 s0, s7  }
0x9d: {  	s20 =	rddreg [dreg:$0x17];
	v5 =	vmul.f32 v54, v54;
	(v2sf) =	vpush v0, $0xF;
	s24 =	spop (v2sf);
	v0 =	vadd.f32 v4, v56  }
0x9e: {  	v62 =	vld [tilespmem:s2+$0xFFFFFE50];
	s25 =	spop (v2sf);
	s7 =	sadd.f32 s0, s8  }
0x9f: {  	[tilespmem:$0x1FDB0] =	vst v6;
	v1 =	vadd.f32 v55, v1;
	v6 =	vmul.f32 v53, v53;
	s1 =	sadd.f32 s1, s10;
	s12 =	spop (v2sf);
	v0 =	vadd.f32 v5, v0  }
0xa0: {  	s11 =	spop (v2sf);
	s3 =	sadd.f32 s7, s16  }
0xa1: {  	v7 =	vmul.f32 v61, v61;
	(v2sf) =	vpush v1, $0x0;
	s8 =	rddreg [dreg:$0x1b];
	s22 =	spop (v2sf);
	v0 =	vadd.f32 v6, v0  }
0xa2: {  	(v2sf) =	vpush v1, $0x1;
	s28 =	spop (v2sf);
	s3 =	sadd.f32 s3, s13  }
0xa3: {  	v9 =	vmul.f32 v62, v62;
	(v2sf) =	vpush v1, $0x2;
	s10 =	sadd.f32 s1, s8;
	s14 =	spop (v2sf);
	v0 =	vadd.f32 v7, v0  }
0xa4: {  	(v2sf) =	vpush v1, $0x3;
	s16 =	sshrl.u32 s26, $0x1;
	s19 =	spop (v2sf);
	s3 =	sadd.f32 s3, s9  }
0xa5: {  	v7 =	vmov s29;
	s4 =	spop (v2sf);
	v0 =	vadd.f32 v9, v0;
	v9 =	vmov s26;
	s26 =	sshrl.u32 s29, $0x1;
	s29 =	sadd.f32 s25, s24  }
0xa6: {  	(v2sf) =	vpush v1, $0x4;
	[dreg:$0x19] =	wrdreg s4  }
0xa7: {  	v10 =	vld [tilespmem:s2+$0xFFFFFE90];
	(v2sf) =	vpush v1, $0x5;
	s17 =	spop (v2sf);
	s3 =	sadd.f32 s3, s18  }
0xa8: {  	v39 =	vld [tilespmem:s2+$0xFFFFFE60];
	(v2sf) =	vpush v1, $0x6;
	s5 =	spop (v2sf);
	s29 =	sadd.f32 s29, s12  }
0xa9: {  	v35 =	vld [tilespmem:s2+$0xFFFFFE80];
	[dreg:$0x11] =	wrdreg s5;
	s15 =	spop (v2sf)  }
0xaa: {  	v8 =	vld [tilespmem:s2+$0xFFFFFE70];
	(v2sf) =	vpush v1, $0x7;
	s6 =	spop (v2sf);
	s3 =	sadd.f32 s3, s23  }
0xab: {  	v43 =	vld [tilespmem:s2+$0xFFFFFEA0];
	(v2sf) =	vpush v1, $0x8;
	[dreg:$0xe] =	wrdreg s6;
	s4 =	spop (v2sf)  }
0xac: {  	(v2sf) =	vpush v1, $0x9;
	[dreg:$0xd] =	wrdreg s4;
	s5 =	spop (v2sf)  }
0xad: {  	v48 =	vld [tilespmem:s2+$0xFFFFFEB0];
	v11 =	vmul.f32 v39, v39;
	(v2sf) =	vpush v1, $0xA;
	[dreg:$0xc] =	wrdreg s5  }
0xae: {  	[tilespmem:$0x1FE70] =	vst v24;
	v24 =	vmul.f32 v10, v10;
	v22 =	vmul.f32 v35, v35;
	(v2sf) =	vpush v1, $0xB;
	s5 =	sadd.f32 s10, s30  }
0xaf: {  	v21 =	vmul.f32 v8, v8;
	v52 =	vld [tilespmem:s2+$0xFFFFFEC0];
	v0 =	vadd.f32 v11, v0;
	(v2sf) =	vpush v1, $0xC;
	s24 =	sadd.f32 s3, s21  }
0xb0: {  	[tilespmem:$0x1FE80] =	vst v27;
	v26 =	vadd.f32 v24, v22;
	v27 =	vmul.f32 v43, v43;
	v55 =	vld [tilespmem:s2+$0xFFFFFED0];
	(v2sf) =	vpush v1, $0xD;
	s6 =	spop (v2sf);
	s5 =	sadd.f32 s5, s20  }
0xb1: {  	v0 =	vadd.f32 v21, v0;
	(v2sf) =	vpush v1, $0xE;
	s30 =	rddreg [dreg:$0x10];
	s0 =	spop (v2sf)  }
0xb2: {  	v28 =	vmul.f32 v48, v48;
	(v2sf) =	vpush v1, $0xF;
	v1 =	vadd.f32 v27, v26;
	s4 =	spop (v2sf);
	s5 =	sadd.f32 s5, s30  }
0xb3: {  	[tilespmem:$0x1FE90] =	vst v32;
	v32 =	vld [tilespmem:s2+$0xFFFFFEE0];
	[dreg:$0xb] =	wrdreg s6;
	(v2sf) =	vpush v0, $0x0;
	s1 =	spop (v2sf)  }
0xb4: {  	[tilespmem:$0x1FEA0] =	vst v8;
	v56 =	vmul.f32 v52, v52;
	s7 =	ssub.s32 $0x5F3759DF, s16;
	(v2sf) =	vpush v0, $0x1;
	v1 =	vadd.f32 v28, v1;
	s6 =	spop (v2sf);
	s9 =	sadd.f32 s5, s31  }
0xb5: {  	[tilespmem:$0x1FEB0] =	vst v10;
	v10 =	vmul.f32 v55, v55;
	v8 =	vmov s7;
	s4 =	sadd.f32 s4, s0;
	s13 =	spop (v2sf)  }
0xb6: {  	v1 =	vadd.f32 v56, v1;
	v56 =	vbroadcast v8, $0x0;
	s10 =	spop (v2sf);
	s31 =	sshrl.u32 s9, $0x1;
	v8 =	vmov s9;
	s9 =	sadd.f32 s29, s11  }
0xb7: {  	s8 =	ssub.s32 $0x5F3759DF, s26;
	(v2sf) =	vpush v0, $0x2;
	s12 =	sadd.f32 s4, s1;
	s7 =	spop (v2sf)  }
0xb8: {  	v11 =	vmul.f32 v32, v32;
	v1 =	vadd.f32 v10, v1;
	s25 =	ssub.s32 $0x5F3759DF, s31;
	s31 =	sshrl.u32 s24, $0x1;
	s11 =	sadd.f32 s9, s22  }
0xb9: {  	v28 =	vmov s8;
	s20 =	spop (v2sf);
	s8 =	ssub.s32 $0x5F3759DF, s31;
	s9 =	sadd.f32 s12, s6  }
0xba: {  	(v2sf) =	vpush v0, $0x3;
	s16 =	spop (v2sf);
	v1 =	vadd.f32 v11, v1;
	v11 =	vmov s8;
	s8 =	sadd.f32 s11, s28  }
0xbb: {  	s5 =	spop (v2sf);
	s9 =	sadd.f32 s9, s13  }
0xbc: {  	(v2sf) =	vpush v0, $0x4;
	s26 =	spop (v2sf);
	s13 =	rddreg [dreg:$0x19]  }
0xbd: {  	(v2sf) =	vpush v0, $0x5;
	s23 =	spop (v2sf);
	s8 =	sadd.f32 s8, s14  }
0xbe: {  	v31 =	vld [tilespmem:s2+$0xFFFFFF10];
	(v2sf) =	vpush v0, $0x6;
	s30 =	spop (v2sf);
	s9 =	sadd.f32 s9, s10  }
0xbf: {  	v4 =	vmul.f32 $5.000000000e-01, v9;
	v27 =	vld [tilespmem:s2+$0xFFFFFEF0];
	(v2sf) =	vpush v0, $0x7;
	s21 =	spop (v2sf);
	s14 =	rddreg [dreg:$0x11]  }
0xc0: {  	(v2sf) =	vpush v0, $0x8;
	s18 =	spop (v2sf);
	s8 =	sadd.f32 s8, s19  }
0xc1: {  	v33 =	vld [tilespmem:s2+$0xFFFFFF00];
	v6 =	vbroadcast v4, $0x0;
	v9 =	vmov s25;
	(v2sf) =	vpush v0, $0x9;
	s25 =	spop (v2sf);
	s7 =	sadd.f32 s9, s7  }
0xc2: {  	(v2sf) =	vpush v0, $0xA;
	s3 =	spop (v2sf);
	s8 =	sadd.f32 s8, s13  }
0xc3: {  	v26 =	vld [tilespmem:s2+$0xFFFFFF20];
	v21 =	vmul.f32 v56, v6;
	(v2sf) =	vpush v0, $0xB;
	s0 =	spop (v2sf);
	s7 =	sadd.f32 s7, s20  }
0xc4: {  	v5 =	vmul.f32 v31, v31;
	v22 =	vmul.f32 v27, v27;
	(v2sf) =	vpush v0, $0xC;
	s0 =	sadd.f32 s0, s3  }
0xc5: {  	v24 =	vld [tilespmem:s2+$0xFFFFFF30];
	v7 =	vmul.f32 $5.000000000e-01, v7;
	v21 =	vmul.f32 v21, v56;
	(v2sf) =	vpush v0, $0xD;
	s8 =	sadd.f32 s8, s17  }
0xc6: {  	v1 =	vadd.f32 v22, v1;
	v22 =	vmul.f32 v33, v33;
	(v2sf) =	vpush v0, $0xE;
	s1 =	spop (v2sf);
	s7 =	sadd.f32 s7, s16  }
0xc7: {  	v28 =	vbroadcast v28, $0x0;
	(v2sf) =	vpush v0, $0xF;
	v0 =	vsub.f32 $1.500000000e+00, v21;
	s0 =	sadd.f32 s0, s1  }
0xc8: {  	[tilespmem:$0x1FD90] =	vst v3;
	v10 =	vmov s24;
	v3 =	vadd.f32 v5, v22;
	v22 =	vld [tilespmem:s2+$0xFFFFFF40];
	v21 =	vmul.f32 v26, v26;
	s8 =	sadd.f32 s8, s14  }
0xc9: {  	v10 =	vmul.f32 $5.000000000e-01, v10;
	(v2sf) =	vpush v1, $0x0;
	v5 =	vmul.f32 v0, v56;
	s4 =	spop (v2sf);
	s5 =	sadd.f32 s7, s5  }
0xca: {  	(v2sf) =	vpush v1, $0x1;
	v4 =	vadd.f32 v21, v3;
	v56 =	vmul.f32 v24, v24;
	s0 =	sadd.f32 s0, s4  }
0xcb: {  	v8 =	vmul.f32 $5.000000000e-01, v8;
	v21 =	vld [tilespmem:s2+$0xFFFFFF50];
	v3 =	vbroadcast v7, $0x0;
	(v2sf) =	vpush v1, $0x2;
	s31 =	spop (v2sf);
	s15 =	sadd.f32 s8, s15  }
0xcc: {  	v6 =	vmul.f32 v5, v6;
	(v2sf) =	vpush v1, $0x3;
	v4 =	vadd.f32 v56, v4;
	s11 =	spop (v2sf);
	s8 =	rddreg [dreg:$0xe]  }
0xcd: {  	v7 =	vld [tilespmem:s2+$0xFFFFFF60];
	v56 =	vmul.f32 v22, v22;
	v0 =	vmul.f32 v28, v3;
	(v2sf) =	vpush v1, $0x4;
	s28 =	spop (v2sf);
	s5 =	sadd.f32 s5, s26  }
0xce: {  	v10 =	vbroadcast v10, $0x0;
	(v2sf) =	vpush v1, $0x5;
	v2 =	vmul.f32 v6, v5;
	s24 =	spop (v2sf);
	s0 =	sadd.f32 s0, s31  }
0xcf: {  	v6 =	vld [tilespmem:s2+$0xFFFFFF70];
	v4 =	vadd.f32 v56, v4;
	v0 =	vmul.f32 v0, v28;
	(v2sf) =	vpush v1, $0x6;
	s22 =	spop (v2sf);
	s14 =	sadd.f32 s15, s8  }
0xd0: {  	v56 =	vmul.f32 v21, v21;
	(v2sf) =	vpush v1, $0x7;
	v2 =	vsub.f32 $1.500000000e+00, v2;
	s10 =	spop (v2sf);
	s5 =	sadd.f32 s5, s23  }
0xd1: {  	v8 =	vbroadcast v8, $0x0;
	v0 =	vsub.f32 $1.500000000e+00, v0;
	(v2sf) =	vpush v1, $0x8;
	s15 =	rddreg [dreg:$0xd];
	s13 =	spop (v2sf)  }
0xd2: {  	v4 =	vadd.f32 v56, v4;
	v56 =	vmul.f32 v7, v7;
	(v2sf) =	vpush v1, $0x9;
	s17 =	spop (v2sf);
	s5 =	sadd.f32 s5, s30  }
0xd3: {  	v2 =	vmul.f32 v2, v5;
	v28 =	vmul.f32 v0, v28;
	(v2sf) =	vpush v1, $0xA;
	s7 =	sadd.f32 s14, s15;
	s29 =	spop (v2sf)  }
0xd4: {  	v4 =	vadd.f32 v56, v4;
	v56 =	vmul.f32 v6, v6;
	(v2sf) =	vpush v1, $0xB;
	s20 =	spop (v2sf);
	s5 =	sadd.f32 s5, s21  }
0xd5: {  	v11 =	vbroadcast v11, $0x0;
	s30 =	rddreg [dreg:$0xb];
	v3 =	vmul.f32 v28, v3;
	s19 =	spop (v2sf)  }
0xd6: {  	v46 =	vmul.f32 v2, v46;
	v0 =	vadd.f32 v56, v4;
	v56 =	vbroadcast v9, $0x0;
	s16 =	spop (v2sf);
	s5 =	sadd.f32 s5, s18  }
0xd7: {  	v45 =	vmul.f32 v2, v45;
	(v2sf) =	vpush v1, $0xC;
	v3 =	vmul.f32 v3, v28;
	[dreg:$0x14] =	wrdreg s16  }
0xd8: {  	v4 =	vmul.f32 v2, v59;
	(v2sf) =	vpush v1, $0xD;
	v59 =	vmul.f32 v56, v8;
	s12 =	spop (v2sf);
	s16 =	rddreg [dreg:$0xc]  }
0xd9: {  	v9 =	vmul.f32 v2, v49;
	(v2sf) =	vpush v1, $0xE;
	v3 =	vsub.f32 $1.500000000e+00, v3;
	s9 =	spop (v2sf);
	s7 =	sadd.f32 s7, s16  }
0xda: {  	(v2sf) =	vpush v1, $0xF;
	v1 =	vmul.f32 v2, v50;
	v50 =	vld [tilespmem:$0x1FD80];
	v49 =	vmul.f32 v59, v56;
	s8 =	spop (v2sf);
	s9 =	sadd.f32 s9, s12  }
0xdb: {  	v44 =	vmul.f32 v2, v44;
	(v2sf) =	vpush v0, $0x0;
	v3 =	vmul.f32 v3, v28;
	s26 =	spop (v2sf);
	s7 =	sadd.f32 s7, s30  }
0xdc: {  	v40 =	vmul.f32 v2, v40;
	v59 =	vld [tilespmem:$0x1FD90];
	s3 =	sadd.f32 s5, s25;
	(v2sf) =	vpush v0, $0x1;
	v49 =	vsub.f32 $1.500000000e+00, v49;
	s23 =	spop (v2sf)  }
0xdd: {  	v2 =	vmul.f32 v2, v36;
	(v2sf) =	vpush v0, $0x2;
	v18 =	vmul.f32 v3, v18;
	s8 =	sadd.f32 s9, s8;
	s14 =	spop (v2sf);
	s5 =	sshrl.u32 s7, $0x1  }
0xde: {  	(v2sf) =	vpush v0, $0x3;
	v19 =	vmul.f32 v3, v19;
	v5 =	vmul.f32 v49, v56;
	s15 =	spop (v2sf);
	s1 =	ssub.s32 $0x5F3759DF, s5;
	s5 =	sadd.f32 s0, s11  }
0xdf: {  	v28 =	vmul.f32 v3, v50;
	v56 =	vmul.f32 v11, v10;
	v50 =	vmov s7;
	s7 =	sshrl.u32 s3, $0x1;
	s8 =	sadd.f32 s8, s26;
	s16 =	spop (v2sf)  }
0xe0: {  	v20 =	vmul.f32 v3, v20;
	v16 =	vmul.f32 v3, v16;
	(v2sf) =	vpush v0, $0x4;
	s4 =	ssub.s32 $0x5F3759DF, s7;
	s30 =	spop (v2sf);
	s7 =	sadd.f32 s5, s28  }
0xe1: {  	(v2sf) =	vpush v0, $0x5;
	v49 =	vmul.f32 v3, v59;
	v36 =	vmul.f32 v56, v11;
	s8 =	sadd.f32 s8, s23;
	s21 =	spop (v2sf)  }
0xe2: {  	v50 =	vmul.f32 $5.000000000e-01, v50;
	v4 =	vadd.f32 v18, v4;
	v8 =	vmul.f32 v5, v8;
	s18 =	spop (v2sf);
	s24 =	sadd.f32 s7, s24  }
0xe3: {  	v59 =	vld [tilespmem:$0x1FDA0];
	v1 =	vadd.f32 v19, v1;
	v56 =	vmov s1;
	v36 =	vsub.f32 $1.500000000e+00, v36;
	s8 =	sadd.f32 s8, s14;
	s6 =	spop (v2sf)  }
0xe4: {  	(v2sf) =	vpush v0, $0x6;
	v56 =	vbroadcast v56, $0x0;
	v8 =	vmul.f32 v8, v5;
	[dreg:$0x16] =	wrdreg s6  }
0xe5: {  	v50 =	vbroadcast v50, $0x0;
	v19 =	vadd.f32 v49, v46;
	v46 =	vld [tilespmem:$0x1FDB0];
	v11 =	vmul.f32 v36, v11;
	s22 =	sadd.f32 s24, s22  }
0xe6: {  	v23 =	vmul.f32 v3, v23;
	(v2sf) =	vpush v0, $0x7;
	v49 =	vld [tilespmem:$0x1FDC0];
	v8 =	vsub.f32 $1.500000000e+00, v8;
	s25 =	spop (v2sf);
	s8 =	sadd.f32 s8, s15  }
0xe7: {  	(v2sf) =	vpush v0, $0x8;
	v18 =	vmul.f32 v56, v50;
	[dreg:$0x13] =	wrdreg s25;
	v10 =	vmul.f32 v11, v10  }
0xe8: {  	v16 =	vadd.f32 v16, v44;
	v3 =	vmul.f32 v3, v59;
	s6 =	spop (v2sf);
	v5 =	vmul.f32 v8, v5;
	s23 =	rddreg [dreg:$0x16]  }
0xe9: {  	v9 =	vadd.f32 v28, v9;
	v18 =	vmul.f32 v18, v56;
	[dreg:$0x12] =	wrdreg s6;
	v28 =	vmul.f32 v10, v11  }
0xea: {  	s22 =	sadd.f32 s22, s10;
	v10 =	vadd.f32 v20, v45;
	v20 =	vadd.f32 v23, v40;
	v23 =	vmul.f32 v5, v46  }
0xeb: {  	v44 =	vld [tilespmem:$0x1FE00];
	v2 =	vadd.f32 v3, v2;
	s25 =	spop (v2sf);
	v18 =	vsub.f32 $1.500000000e+00, v18;
	s26 =	rddreg [dreg:$0x13];
	v3 =	vmul.f32 v5, v49  }
0xec: {  	v36 =	vmov s3;
	s31 =	spop (v2sf);
	s0 =	sadd.f32 s22, s13;
	v4 =	vadd.f32 v23, v4;
	v23 =	vld [tilespmem:$0x1FDD0]  }
0xed: {  	[dreg:$0xf] =	wrdreg s25;
	s6 =	spop (v2sf);
	v8 =	vsub.f32 $1.500000000e+00, v28;
	v1 =	vadd.f32 v3, v1;
	v3 =	vmul.f32 v18, v56;
	v28 =	vld [tilespmem:$0x1FDE0]  }
0xee: {  	v36 =	vmul.f32 $5.000000000e-01, v36;
	v40 =	vld [tilespmem:$0x1FDF0];
	s1 =	spop (v2sf);
	s17 =	sadd.f32 s0, s17  }
0xef: {  	(v2sf) =	vpush v0, $0x9;
	v45 =	vld [tilespmem:$0x1FE10];
	s1 =	sadd.f32 s1, s6;
	v46 =	vmul.f32 v3, v50  }
0xf0: {  	(v2sf) =	vpush v0, $0xA;
	v59 =	vmov s4;
	v36 =	vbroadcast v36, $0x0;
	v49 =	vld [tilespmem:$0x1FE20];
	s3 =	spop (v2sf);
	s17 =	sadd.f32 s17, s29  }
0xf1: {  	(v2sf) =	vpush v0, $0xB;
	s4 =	spop (v2sf);
	v11 =	vmul.f32 v8, v11;
	v50 =	vld [tilespmem:$0x1FE30];
	s29 =	rddreg [dreg:$0x14];
	v56 =	vmul.f32 v46, v3  }
0xf2: {  	(v2sf) =	vpush v0, $0xC;
	s11 =	spop (v2sf);
	s1 =	sadd.f32 s1, s3;
	v8 =	vmul.f32 v5, v23;
	v18 =	vmul.f32 v5, v28  }
0xf3: {  	(v2sf) =	vpush v0, $0xD;
	s5 =	spop (v2sf);
	v29 =	vmul.f32 v11, v29;
	v23 =	vmul.f32 v5, v44;
	v44 =	vld [tilespmem:$0x1FE40];
	s20 =	sadd.f32 s17, s20  }
0xf4: {  	v46 =	vld [tilespmem:$0x1FE60];
	s7 =	spop (v2sf);
	s1 =	sadd.f32 s1, s4;
	v9 =	vadd.f32 v8, v9;
	v8 =	vmul.f32 v5, v40;
	v18 =	vadd.f32 v18, v19  }
0xf5: {  	s28 =	spop (v2sf);
	v19 =	vmul.f32 v5, v45;
	v5 =	vmul.f32 v5, v49;
	v23 =	vadd.f32 v23, v16;
	s9 =	sadd.f32 s20, s19  }
0xf6: {  	s25 =	spop (v2sf);
	v16 =	vmul.f32 v11, v50;
	v45 =	vld [tilespmem:$0x1FE50];
	(v2sf) =	vpush v0, $0xE;
	v49 =	vmul.f32 v11, v13;
	s19 =	sadd.f32 s8, s16  }
0xf7: {  	v50 =	vsub.f32 $1.500000000e+00, v56;
	v56 =	vmul.f32 v11, v25;
	v13 =	vld [tilespmem:s2+$0xFFFFFF90];
	s1 =	sadd.f32 s1, s11;
	(v2sf) =	vpush v0, $0xF  }
0xf8: {  	v10 =	vadd.f32 v8, v10;
	v19 =	vadd.f32 v19, v20;
	v8 =	vld [tilespmem:s2+$0xFFFFFF80];
	s9 =	sadd.f32 s9, s29;
	v20 =	vmul.f32 v11, v44  }
0xf9: {  	v40 =	vmul.f32 v11, v46;
	v2 =	vadd.f32 v5, v2;
	v3 =	vmul.f32 v50, v3;
	s20 =	sadd.f32 s19, s30  }
0xfa: {  	v4 =	vadd.f32 v16, v4;
	v16 =	vld [tilespmem:s2+$0xFFFFFFA0];
	s1 =	sadd.f32 s1, s5;
	v1 =	vadd.f32 v20, v1;
	v20 =	vbroadcast v59, $0x0  }
0xfb: {  	v5 =	vadd.f32 v56, v23;
	s29 =	rddreg [dreg:$0xf];
	v40 =	vadd.f32 v40, v18;
	v34 =	vmul.f32 v3, v34  }
0xfc: {  	v25 =	vld [tilespmem:s2+$0xFFFFFFB0];
	v10 =	vadd.f32 v49, v10;
	s3 =	sadd.f32 s20, s21;
	v28 =	vmul.f32 v11, v45;
	v46 =	vmul.f32 v20, v36  }
0xfd: {  	v19 =	vadd.f32 v29, v19;
	s1 =	sadd.f32 s1, s7;
	v50 =	vmul.f32 v13, v13;
	v49 =	vmul.f32 v8, v8  }
0xfe: {  	v29 =	vmul.f32 v3, v14;
	v18 =	vld [tilespmem:s2+$0xFFFFFFC0];
	s3 =	sadd.f32 s3, s18;
	v28 =	vadd.f32 v28, v9;
	v9 =	vmul.f32 v46, v20  }
0xff: {  	v11 =	vmul.f32 v11, v12;
	s1 =	sadd.f32 s1, s28;
	v56 =	vmul.f32 v16, v16;
	v12 =	vadd.f32 v50, v49  }
0x100: {  	v30 =	vmul.f32 v3, v30;
	v23 =	vmul.f32 v3, v37;
	s28 =	rddreg [dreg:$0x12];
	v59 =	vsub.f32 $1.500000000e+00, v9;
	v9 =	vld [tilespmem:s2+$0xFFFFFFD0]  }
0x101: {  	s1 =	sadd.f32 s1, s25;
	v49 =	vmov s9;
	s9 =	sshrl.u32 s9, $0x1;
	v50 =	vmul.f32 v25, v25;
	v14 =	vadd.f32 v56, v12  }
0x102: {  	s10 =	spop (v2sf);
	s3 =	sadd.f32 s3, s23;
	s17 =	ssub.s32 $0x5F3759DF, s9;
	v20 =	vmul.f32 v59, v20;
	v59 =	vmul.f32 $5.000000000e-01, v49  }
0x103: {  	s1 =	sadd.f32 s1, s10;
	v56 =	vmov s17;
	v49 =	vadd.f32 v50, v14;
	v50 =	vmul.f32 v18, v18  }
0x104: {  	s24 =	spop (v2sf);
	v2 =	vadd.f32 v11, v2;
	s3 =	sadd.f32 s3, s26;
	v12 =	vld [tilespmem:s2+$0xFFFFFFE0];
	v11 =	vbroadcast v56, $0x0;
	v37 =	vbroadcast v59, $0x0  }
0x105: {  	s1 =	sadd.f32 s1, s24;
	v56 =	vadd.f32 v50, v49;
	v45 =	vmul.f32 v20, v36;
	v59 =	vmul.f32 v9, v9  }
0x106: {  	s22 =	spop (v2sf);
	v41 =	vmul.f32 v3, v41;
	s3 =	sadd.f32 s3, s28;
	v14 =	vld [tilespmem:s2+$0xFFFFFFF0];
	v46 =	vmul.f32 v11, v37  }
0x107: {  	v1 =	vadd.f32 v29, v1;
	s1 =	sadd.f32 s1, s22;
	v29 =	vmul.f32 v45, v20;
	v49 =	vadd.f32 v59, v56;
	v59 =	vld [tilespmem:$0x1FE70]  }
0x108: {  	s13 =	spop (v2sf);
	v4 =	vadd.f32 v34, v4;
	v23 =	vadd.f32 v23, v40;
	s3 =	sadd.f32 s3, s29;
	v36 =	vmul.f32 v46, v11  }
0x109: {  	v10 =	vadd.f32 v41, v10;
	v50 =	vmul.f32 v12, v12;
	s1 =	sadd.f32 s1, s13;
	v29 =	vsub.f32 $1.500000000e+00, v29  }
0x10a: {  	v38 =	vmul.f32 v3, v38;
	s0 =	spop (v2sf);
	v28 =	vadd.f32 v30, v28;
	s3 =	sadd.f32 s3, s31;
	v36 =	vsub.f32 $1.500000000e+00, v36  }
0x10b: {  	v56 =	vmul.f32 v14, v14;
	s0 =	sadd.f32 s1, s0;
	v30 =	vadd.f32 v50, v49;
	v20 =	vmul.f32 v29, v20  }
0x10c: {  	v5 =	vadd.f32 v38, v5;
	s4 =	spop (v2sf);
	s30 =	sshrl.u32 s3, $0x1;
	v40 =	vmul.f32 v3, v59;
	v11 =	vmul.f32 v36, v11  }
0x10d: {  	s31 =	ssub.s32 $0x5F3759DF, s30;
	s0 =	sadd.f32 s0, s4;
	v38 =	vadd.f32 v56, v30;
	v36 =	vld [tilespmem:$0x1FE80];
	v17 =	vmul.f32 v20, v17;
	v29 =	vmul.f32 v20, v15  }
0x10e: {  	s5 =	spop (v2sf);
	v56 =	vmov s31;
	v44 =	vmul.f32 v20, v42;
	v46 =	vmul.f32 v20, v47  }
0x10f: {  	s0 =	sadd.f32 s0, s5;
	v47 =	vmul.f32 v20, v51;
	v49 =	vmul.f32 v20, v57;
	v15 =	vld [tilespmem:s2+$0x0];
	(v2sf) =	vpush v38, $0x0  }
0x110: {  	v41 =	vld [tilespmem:$0x1FE90];
	v51 =	vmov s3;
	v57 =	vbroadcast v56, $0x0;
	(v2sf) =	vpush v38, $0x1  }
0x111: {  	v56 =	vmov s0;
	v4 =	vadd.f32 v17, v4;
	(v2sf) =	vpush v38, $0x2  }
0x112: {  	v17 =	vld [tilespmem:s2+$0x10];
	v10 =	vadd.f32 v46, v10;
	(v2sf) =	vpush v38, $0x3;
	v0 =	vmul.f32 v3, v36  }
0x113: {  	v3 =	vadd.f32 v40, v19;
	v40 =	vmul.f32 v11, v37;
	(v2sf) =	vpush v38, $0x4  }
0x114: {  	v5 =	vadd.f32 v47, v5;
	v59 =	vmul.f32 v15, v15;
	(v2sf) =	vpush v38, $0x5  }
0x115: {  	v0 =	vadd.f32 v0, v2;
	v2 =	vmul.f32 v20, v41;
	v45 =	vmul.f32 v40, v11  }
0x116: {  	v19 =	vld [tilespmem:s2+$0x20];
	v40 =	vmul.f32 v20, v60;
	v20 =	vmul.f32 $5.000000000e-01, v51;
	(v2sf) =	vpush v38, $0x6  }
0x117: {  	v60 =	vmul.f32 v17, v17;
	v3 =	vadd.f32 v49, v3;
	v50 =	vsub.f32 $1.500000000e+00, v45  }
0x118: {  	(v2sf) =	vpush v38, $0x7;
	v1 =	vadd.f32 v2, v1;
	v41 =	vbroadcast v20, $0x0;
	v20 =	vld [tilespmem:s2+$0x30]  }
0x119: {  	v2 =	vadd.f32 v29, v28;
	v28 =	vadd.f32 v44, v23;
	v11 =	vmul.f32 v50, v11  }
0x11a: {  	v23 =	vld [tilespmem:s2+$0x40];
	v29 =	vadd.f32 v60, v59;
	v0 =	vadd.f32 v40, v0;
	v49 =	vmul.f32 v57, v41  }
0x11b: {  	(v2sf) =	vpush v38, $0x8;
	v50 =	vmul.f32 v19, v19;
	v37 =	vmul.f32 v11, v63  }
0x11c: {  	v30 =	vld [tilespmem:s2+$0x50];
	(v2sf) =	vpush v38, $0x9;
	v63 =	vmul.f32 v11, v58;
	v40 =	vmul.f32 v11, v54  }
0x11d: {  	v42 =	vmul.f32 v49, v57;
	v44 =	vadd.f32 v50, v29;
	v51 =	vmul.f32 v20, v20  }
0x11e: {  	s8 =	sshrl.u32 s0, $0x1;
	(v2sf) =	vpush v38, $0xA;
	v47 =	vmul.f32 v11, v61;
	v29 =	vld [tilespmem:s2+$0x60];
	v49 =	vmul.f32 v11, v62;
	s6 =	spop (v2sf)  }
0x11f: {  	s3 =	ssub.s32 $0x5F3759DF, s8;
	v54 =	vmul.f32 v23, v23;
	v42 =	vsub.f32 $1.500000000e+00, v42;
	v44 =	vadd.f32 v51, v44;
	s7 =	spop (v2sf)  }
0x120: {  	v34 =	vld [tilespmem:s2+$0x70];
	v58 =	vmov s3;
	v50 =	vmul.f32 $5.000000000e-01, v56;
	v4 =	vadd.f32 v37, v4;
	s1 =	sadd.f32 s7, s6  }
0x121: {  	v42 =	vmul.f32 v42, v57;
	v57 =	vmul.f32 v30, v30;
	s9 =	spop (v2sf);
	v44 =	vadd.f32 v54, v44  }
0x122: {  	v50 =	vbroadcast v50, $0x0;
	v1 =	vadd.f32 v63, v1;
	v51 =	vbroadcast v58, $0x0;
	s0 =	sadd.f32 s1, s9  }
0x123: {  	(v2sf) =	vpush v38, $0xB;
	v59 =	vmul.f32 v29, v29;
	s10 =	spop (v2sf);
	v44 =	vadd.f32 v57, v44  }
0x124: {  	(v2sf) =	vpush v38, $0xC;
	v63 =	vmul.f32 v51, v50;
	v41 =	vmul.f32 v42, v41;
	s0 =	sadd.f32 s0, s10  }
0x125: {  	v61 =	vmul.f32 v34, v34;
	(v2sf) =	vpush v38, $0xD;
	s11 =	spop (v2sf);
	v60 =	vadd.f32 v59, v44  }
0x126: {  	(v2sf) =	vpush v38, $0xE;
	v45 =	vmul.f32 v63, v51;
	v62 =	vmul.f32 v41, v42;
	s0 =	sadd.f32 s0, s11  }
0x127: {  	v46 =	vmul.f32 v11, v53;
	(v2sf) =	vpush v38, $0xF;
	s12 =	spop (v2sf);
	v53 =	vadd.f32 v61, v60  }
0x128: {  	s13 =	spop (v2sf);
	v56 =	vsub.f32 $1.500000000e+00, v45;
	v36 =	vsub.f32 $1.500000000e+00, v62;
	s0 =	sadd.f32 s0, s12  }
0x129: {  	v39 =	vmul.f32 v11, v39;
	v2 =	vadd.f32 v40, v2;
	(v2sf) =	vpush v53, $0x0  }
0x12a: {  	v28 =	vadd.f32 v46, v28;
	v38 =	vmul.f32 v56, v51;
	v36 =	vmul.f32 v36, v42;
	v54 =	vld [tilespmem:$0x1FEA0];
	s0 =	sadd.f32 s0, s13  }
0x12b: {  	v10 =	vadd.f32 v47, v10;
	s14 =	spop (v2sf);
	(v2sf) =	vpush v53, $0x1;
	v37 =	vld [tilespmem:s2+$0x80]  }
0x12c: {  	v3 =	vadd.f32 v39, v3;
	v61 =	vmul.f32 v38, v50;
	v35 =	vmul.f32 v36, v35;
	v57 =	vld [tilespmem:$0x1FEB0];
	s0 =	sadd.f32 s0, s14  }
0x12d: {  	v39 =	vld [tilespmem:s2+$0x90];
	v59 =	vmul.f32 v36, v43;
	v42 =	vmul.f32 v36, v48;
	s15 =	spop (v2sf);
	(v2sf) =	vpush v53, $0x2  }
0x12e: {  	v5 =	vadd.f32 v49, v5;
	v60 =	vmul.f32 v36, v52;
	v43 =	vld [tilespmem:s2+$0xA0];
	v62 =	vmul.f32 v36, v55;
	s0 =	sadd.f32 s0, s15  }
0x12f: {  	v32 =	vmul.f32 v36, v32;
	v50 =	vld [tilespmem:s2+$0xB0];
	s16 =	spop (v2sf);
	(v2sf) =	vpush v53, $0x3;
	v4 =	vadd.f32 v35, v4  }
0x130: {  	v52 =	vld [tilespmem:s2+$0xC0];
	v63 =	vmul.f32 v61, v38;
	v2 =	vadd.f32 v59, v2;
	v28 =	vadd.f32 v42, v28;
	s0 =	sadd.f32 s0, s16  }
0x131: {  	v45 =	vld [tilespmem:s2+$0xE0];
	v10 =	vadd.f32 v60, v10;
	s17 =	spop (v2sf);
	(v2sf) =	vpush v53, $0x4;
	v58 =	vmul.f32 v36, v57  }
0x132: {  	v47 =	vld [tilespmem:s2+$0xF0];
	v5 =	vadd.f32 v62, v5;
	v49 =	vmul.f32 v37, v37;
	v56 =	vmul.f32 v39, v39;
	s0 =	sadd.f32 s0, s17  }
0x133: {  	v27 =	vmul.f32 v36, v27;
	v44 =	vld [tilespmem:s2+$0x100];
	v35 =	vsub.f32 $1.500000000e+00, v63;
	s18 =	spop (v2sf);
	(v2sf) =	vpush v53, $0x5  }
0x134: {  	v1 =	vadd.f32 v58, v1;
	v57 =	vadd.f32 v56, v49;
	v58 =	vmul.f32 v43, v43;
	s0 =	sadd.f32 s0, s18  }
0x135: {  	v11 =	vmul.f32 v11, v54;
	s19 =	spop (v2sf);
	(v2sf) =	vpush v53, $0x6;
	v35 =	vmul.f32 v35, v38;
	v49 =	vld [tilespmem:s2+$0xD0]  }
0x136: {  	v60 =	vmul.f32 v50, v50;
	v61 =	vmul.f32 v52, v52;
	s20 =	spop (v2sf);
	v59 =	vadd.f32 v58, v57;
	s0 =	sadd.f32 s0, s19  }
0x137: {  	v63 =	vmul.f32 v45, v45;
	v46 =	vmul.f32 v47, v47;
	(v2sf) =	vpush v53, $0x7;
	s21 =	spop (v2sf)  }
0x138: {  	v42 =	vld [tilespmem:s2+$0x110];
	v55 =	vmul.f32 v44, v44;
	v0 =	vadd.f32 v11, v0;
	s22 =	spop (v2sf);
	v11 =	vadd.f32 v60, v59;
	s0 =	sadd.f32 s0, s20  }
0x139: {  	v33 =	vmul.f32 v35, v33;
	v31 =	vmul.f32 v35, v31;
	(v2sf) =	vpush v53, $0x8;
	s23 =	spop (v2sf)  }
0x13a: {  	(v2sf) =	vpush v53, $0x9;
	v62 =	vmul.f32 v49, v49;
	v11 =	vadd.f32 v61, v11;
	s24 =	spop (v2sf);
	s0 =	sadd.f32 s0, s21  }
0x13b: {  	v3 =	vadd.f32 v32, v3;
	v26 =	vmul.f32 v35, v26;
	v24 =	vmul.f32 v35, v24;
	s3 =	sadd.f32 s24, s23  }
0x13c: {  	v22 =	vmul.f32 v35, v22;
	(v2sf) =	vpush v53, $0xA;
	v11 =	vadd.f32 v62, v11;
	s25 =	spop (v2sf);
	s0 =	sadd.f32 s0, s22  }
0x13d: {  	v56 =	vmul.f32 v42, v42;
	v0 =	vadd.f32 v27, v0;
	(v2sf) =	vpush v53, $0xB;
	s1 =	sadd.f32 s3, s25  }
0x13e: {  	(v2sf) =	vpush v53, $0xC;
	s26 =	spop (v2sf);
	v11 =	vadd.f32 v63, v11;
	v32 =	vmov s0;
	s0 =	sshrl.u32 s0, $0x1  }
0x13f: {  	v41 =	vld [tilespmem:s2+$0x120];
	v33 =	vadd.f32 v33, v4;
	(v2sf) =	vpush v53, $0xD;
	s1 =	sadd.f32 s1, s26;
	s0 =	ssub.s32 $0x5F3759DF, s0;
	v48 =	vmul.f32 $5.000000000e-01, v32  }
0x140: {  	(v2sf) =	vpush v53, $0xE;
	s28 =	spop (v2sf);
	v40 =	vadd.f32 v46, v11;
	v51 =	vmov s0  }
0x141: {  	v36 =	vld [tilespmem:s2+$0x130];
	(v2sf) =	vpush v53, $0xF;
	s29 =	sadd.f32 s1, s28;
	v4 =	vbroadcast v51, $0x0;
	v54 =	vbroadcast v48, $0x0  }
0x142: {  	v27 =	vmul.f32 v35, v21;
	v38 =	vadd.f32 v31, v1;
	s30 =	spop (v2sf);
	(v2sf) =	vpush v40, $0x0  }
0x143: {  	v2 =	vadd.f32 v26, v2;
	(v2sf) =	vpush v40, $0x1;
	v32 =	vld [tilespmem:s2+$0x140];
	s0 =	sadd.f32 s29, s30;
	v57 =	vmul.f32 v4, v54  }
0x144: {  	v21 =	vadd.f32 v56, v55;
	v58 =	vmul.f32 v41, v41;
	s31 =	spop (v2sf);
	(v2sf) =	vpush v40, $0x2  }
0x145: {  	v1 =	vadd.f32 v24, v28;
	v26 =	vld [tilespmem:s2+$0x150];
	(v2sf) =	vpush v40, $0x3;
	s0 =	sadd.f32 s0, s31;
	v59 =	vmul.f32 v57, v4  }
0x146: {  	v60 =	vadd.f32 v58, v21;
	v61 =	vmul.f32 v36, v36;
	s3 =	spop (v2sf);
	(v2sf) =	vpush v40, $0x4  }
0x147: {  	v7 =	vmul.f32 v35, v7;
	v21 =	vld [tilespmem:s2+$0x160];
	(v2sf) =	vpush v40, $0x5;
	s0 =	sadd.f32 s0, s3;
	v24 =	vsub.f32 $1.500000000e+00, v59  }
0x148: {  	v28 =	vadd.f32 v61, v60;
	s4 =	spop (v2sf);
	(v2sf) =	vpush v40, $0x6;
	v62 =	vmul.f32 v32, v32  }
0x149: {  	v31 =	vadd.f32 v22, v10;
	v22 =	vld [tilespmem:s2+$0x180];
	s5 =	spop (v2sf);
	(v2sf) =	vpush v40, $0x7;
	s0 =	sadd.f32 s0, s4;
	v63 =	vmul.f32 v24, v4  }
0x14a: {  	v53 =	vmul.f32 v26, v26;
	(v2sf) =	vpush v40, $0x8;
	v51 =	vadd.f32 v62, v28;
	v24 =	vld [tilespmem:s2+$0x170]  }
0x14b: {  	v6 =	vmul.f32 v35, v6;
	v60 =	vld [tilespmem:s2+$0x1A0];
	s6 =	spop (v2sf);
	(v2sf) =	vpush v40, $0x9;
	s0 =	sadd.f32 s0, s5;
	v54 =	vmul.f32 v63, v54  }
0x14c: {  	v61 =	vld [tilespmem:s2+$0x1B0];
	v55 =	vmul.f32 v21, v21;
	s7 =	spop (v2sf);
	(v2sf) =	vpush v40, $0xA;
	v10 =	vadd.f32 v53, v51  }
0x14d: {  	s8 =	spop (v2sf);
	v57 =	vld [tilespmem:s2+$0x190];
	v4 =	vadd.f32 v27, v5;
	(v2sf) =	vpush v40, $0xB;
	s0 =	sadd.f32 s0, s6;
	v56 =	vmul.f32 v54, v63  }
0x14e: {  	v62 =	vmul.f32 v22, v22;
	s9 =	spop (v2sf);
	v51 =	vld [tilespmem:s2+$0x1C0];
	v27 =	vadd.f32 v7, v3;
	(v2sf) =	vpush v40, $0xC  }
0x14f: {  	v58 =	vadd.f32 v55, v10;
	s0 =	sadd.f32 s0, s7;
	v59 =	vmul.f32 v24, v24;
	v3 =	vsub.f32 $1.500000000e+00, v56  }
0x150: {  	s10 =	spop (v2sf);
	v53 =	vmul.f32 v60, v60;
	v10 =	vadd.f32 v6, v0;
	(v2sf) =	vpush v40, $0xD  }
0x151: {  	s11 =	spop (v2sf);
	(v2sf) =	vpush v40, $0xE;
	s0 =	sadd.f32 s0, s8;
	v28 =	vadd.f32 v59, v58;
	v5 =	vmul.f32 v3, v63  }
0x152: {  	v55 =	vld [tilespmem:s2+$0x1D0];
	s12 =	spop (v2sf);
	(v2sf) =	vpush v40, $0xF;
	v56 =	vmul.f32 v61, v61;
	v63 =	vmul.f32 v57, v57  }
0x153: {  	s13 =	spop (v2sf);
	v59 =	vmul.f32 v51, v51;
	s0 =	sadd.f32 s0, s9;
	(v2sf) =	vpush v28, $0x0;
	v46 =	vmul.f32 v5, v8  }
0x154: {  	s14 =	spop (v2sf);
	v48 =	vmul.f32 v5, v13;
	(v2sf) =	vpush v28, $0x1;
	v0 =	vadd.f32 v63, v62  }
0x155: {  	s15 =	spop (v2sf);
	s0 =	sadd.f32 s0, s10;
	v54 =	vmul.f32 v5, v16;
	v16 =	vmul.f32 v5, v25;
	(v2sf) =	vpush v28, $0x2  }
0x156: {  	s1 =	sadd.f32 s13, s12;
	s16 =	spop (v2sf);
	v18 =	vmul.f32 v5, v18;
	(v2sf) =	vpush v28, $0x3;
	v0 =	vadd.f32 v53, v0  }
0x157: {  	[tilespmem:$0x1FEC0] =	vst v57;
	s17 =	spop (v2sf);
	v62 =	vmul.f32 v55, v55;
	s0 =	sadd.f32 s0, s11;
	v3 =	vadd.f32 v46, v33;
	(v2sf) =	vpush v28, $0x4  }
0x158: {  	[tilespmem:$0x1FF00] =	vst v55;
	v57 =	vld [tilespmem:s2+$0x1E0];
	s18 =	spop (v2sf);
	v55 =	vmul.f32 v5, v9;
	v2 =	vadd.f32 v54, v2;
	(v2sf) =	vpush v28, $0x5  }
0x159: {  	[tilespmem:$0x1FED0] =	vst v60;
	s1 =	sadd.f32 s1, s14;
	v58 =	vadd.f32 v56, v0;
	v0 =	vadd.f32 v48, v38;
	s20 =	sshrl.u32 s0, $0x1;
	v60 =	vmov s0;
	v38 =	vld [tilespmem:s2+$0x200]  }
0x15a: {  	s19 =	spop (v2sf);
	v1 =	vadd.f32 v16, v1;
	v48 =	vld [tilespmem:s2+$0x210];
	(v2sf) =	vpush v28, $0x6;
	s23 =	ssub.s32 $0x5F3759DF, s20;
	v7 =	vmul.f32 $5.000000000e-01, v60  }
0x15b: {  	[tilespmem:$0x1FEE0] =	vst v61;
	v61 =	vld [tilespmem:s2+$0x1F0];
	s21 =	sadd.f32 s1, s15;
	s22 =	spop (v2sf);
	(v2sf) =	vpush v28, $0x7;
	v25 =	vadd.f32 v59, v58;
	v63 =	vmov s23  }
0x15c: {  	s24 =	spop (v2sf);
	(v2sf) =	vpush v28, $0x8;
	v35 =	vbroadcast v63, $0x0;
	v40 =	vbroadcast v7, $0x0  }
0x15d: {  	v54 =	vld [tilespmem:s2+$0x220];
	v33 =	vadd.f32 v55, v4;
	v11 =	vmul.f32 v57, v57;
	s0 =	sadd.f32 s21, s16;
	s25 =	spop (v2sf);
	(v2sf) =	vpush v28, $0x9  }
0x15e: {  	s26 =	spop (v2sf);
	v25 =	vadd.f32 v62, v25;
	(v2sf) =	vpush v28, $0xA;
	v53 =	vmul.f32 v35, v40  }
0x15f: {  	[tilespmem:$0x1FF10] =	vst v57;
	v56 =	vld [tilespmem:s2+$0x230];
	s0 =	sadd.f32 s0, s17;
	s28 =	spop (v2sf);
	v57 =	vmul.f32 v38, v38;
	v58 =	vmul.f32 v48, v48;
	(v2sf) =	vpush v28, $0xB  }
0x160: {  	[tilespmem:$0x1FEF0] =	vst v51;
	v51 =	vmul.f32 v61, v61;
	s29 =	spop (v2sf);
	v25 =	vadd.f32 v11, v25;
	(v2sf) =	vpush v28, $0xC  }
0x161: {  	v59 =	vld [tilespmem:s2+$0x240];
	s6 =	sadd.f32 s0, s18;
	s30 =	spop (v2sf);
	v13 =	vmul.f32 v53, v35;
	v16 =	vadd.f32 v58, v57;
	(v2sf) =	vpush v28, $0xD  }
0x162: {  	[tilespmem:$0x1FF20] =	vst v61;
	v60 =	vmul.f32 v54, v54;
	s31 =	spop (v2sf);
	v25 =	vadd.f32 v51, v25;
	(v2sf) =	vpush v28, $0xE  }
0x163: {  	v62 =	vld [tilespmem:s2+$0x250];
	[tilespmem:$0x1FF40] =	vst v48;
	v48 =	vmul.f32 v5, v12;
	s6 =	sadd.f32 s6, s19;
	v13 =	vsub.f32 $1.500000000e+00, v13;
	s7 =	spop (v2sf);
	(v2sf) =	vpush v28, $0xF  }
0x164: {  	[tilespmem:$0x1FF60] =	vst v56;
	v12 =	vmul.f32 v56, v56;
	v56 =	vld [tilespmem:s2+$0x280];
	v63 =	vadd.f32 v60, v16;
	s11 =	spop (v2sf);
	(v2sf) =	vpush v25, $0x0  }
0x165: {  	[tilespmem:$0x1FF30] =	vst v38;
	v38 =	vadd.f32 v18, v31;
	v57 =	vld [tilespmem:s2+$0x290];
	s6 =	sadd.f32 s6, s22;
	v61 =	vmul.f32 v13, v35;
	s12 =	spop (v2sf);
	(v2sf) =	vpush v25, $0x1  }
0x166: {  	v46 =	vmul.f32 v59, v59;
	v16 =	vld [tilespmem:s2+$0x260];
	v28 =	vadd.f32 v12, v63;
	s13 =	spop (v2sf);
	(v2sf) =	vpush v25, $0x2  }
0x167: {  	v5 =	vmul.f32 v5, v14;
	v51 =	vld [tilespmem:s2+$0x270];
	s6 =	sadd.f32 s6, s24;
	v13 =	vmul.f32 v61, v40;
	s20 =	spop (v2sf);
	(v2sf) =	vpush v25, $0x3  }
0x168: {  	[tilespmem:$0x1FF50] =	vst v54;
	v54 =	vmul.f32 v62, v62;
	v53 =	vadd.f32 v46, v28;
	s21 =	spop (v2sf);
	(v2sf) =	vpush v25, $0x4  }
0x169: {  	v14 =	vld [tilespmem:s2+$0x2C0];
	v35 =	vadd.f32 v48, v27;
	s5 =	sadd.f32 s6, s25;
	v4 =	vmul.f32 v13, v61;
	s22 =	spop (v2sf);
	(v2sf) =	vpush v25, $0x5  }
0x16a: {  	v11 =	vmul.f32 v56, v56;
	s15 =	sadd.f32 s11, s7;
	v27 =	vadd.f32 v54, v53;
	s23 =	spop (v2sf);
	(v2sf) =	vpush v25, $0x6  }
0x16b: {  	s4 =	sadd.f32 s5, s26;
	v55 =	vmul.f32 v16, v16;
	v4 =	vsub.f32 $1.500000000e+00, v4;
	s24 =	spop (v2sf);
	(v2sf) =	vpush v25, $0x7  }
0x16c: {  	[tilespmem:$0x1FF70] =	vst v59;
	v12 =	vmul.f32 v57, v57;
	v59 =	vmul.f32 v51, v51;
	s15 =	sadd.f32 s15, s12;
	s6 =	spop (v2sf);
	(v2sf) =	vpush v25, $0x8  }
0x16d: {  	v63 =	vld [tilespmem:s2+$0x2B0];
	s3 =	sadd.f32 s4, s28;
	v58 =	vadd.f32 v55, v27;
	v4 =	vmul.f32 v4, v61;
	s18 =	spop (v2sf);
	(v2sf) =	vpush v25, $0x9  }
0x16e: {  	v40 =	vadd.f32 v5, v10;
	v53 =	vmul.f32 v14, v14;
	s14 =	sadd.f32 s15, s13;
	s19 =	spop (v2sf);
	(v2sf) =	vpush v25, $0xA  }
0x16f: {  	s1 =	sadd.f32 s3, s29;
	v5 =	vadd.f32 v59, v58;
	v60 =	vmul.f32 v4, v15;
	s5 =	spop (v2sf);
	(v2sf) =	vpush v25, $0xB  }
0x170: {  	[tilespmem:$0x1FF80] =	vst v62;
	s13 =	sadd.f32 s14, s20;
	v61 =	vld [tilespmem:s2+$0x2A0];
	v31 =	vmul.f32 v4, v17;
	v62 =	vmul.f32 v4, v19;
	s3 =	spop (v2sf);
	(v2sf) =	vpush v25, $0xC  }
0x171: {  	[tilespmem:$0x1FFA0] =	vst v51;
	s25 =	sadd.f32 s1, s30;
	v48 =	vmul.f32 v4, v20;
	v51 =	vmul.f32 v4, v23;
	s0 =	spop (v2sf);
	(v2sf) =	vpush v25, $0xD  }
0x172: {  	s12 =	sadd.f32 s13, s21;
	v23 =	vadd.f32 v12, v11;
	v17 =	vmul.f32 v63, v63;
	s1 =	spop (v2sf);
	(v2sf) =	vpush v25, $0xE  }
0x173: {  	v30 =	vmul.f32 v4, v30;
	s9 =	sadd.f32 s25, s31;
	v3 =	vadd.f32 v60, v3;
	s26 =	spop (v2sf);
	(v2sf) =	vpush v25, $0xF  }
0x174: {  	[tilespmem:$0x1FFC0] =	vst v57;
	v28 =	vld [tilespmem:s2+$0x310];
	v8 =	vmul.f32 v4, v29;
	v57 =	vadd.f32 v31, v0;
	s28 =	spop (v2sf);
	(v2sf) =	vpush v5, $0x0  }
0x175: {  	s11 =	sadd.f32 s12, s22;
	s29 =	sshrl.u32 s9, $0x1;
	v13 =	vmov s9;
	v15 =	vmul.f32 v61, v61;
	s30 =	spop (v2sf);
	(v2sf) =	vpush v5, $0x1  }
0x176: {  	v20 =	vld [tilespmem:s2+$0x2D0];
	v46 =	vadd.f32 v62, v2;
	s14 =	ssub.s32 $0x5F3759DF, s29;
	v25 =	vmul.f32 $5.000000000e-01, v13;
	s31 =	spop (v2sf);
	(v2sf) =	vpush v5, $0x2  }
0x177: {  	[tilespmem:$0x1FF90] =	vst v16;
	s10 =	sadd.f32 s11, s23;
	v16 =	vmov s14;
	v27 =	vadd.f32 v15, v23;
	s13 =	spop (v2sf);
	(v2sf) =	vpush v5, $0x3  }
0x178: {  	v18 =	vbroadcast v16, $0x0;
	v19 =	vbroadcast v25, $0x0;
	s14 =	spop (v2sf);
	(v2sf) =	vpush v5, $0x4  }
0x179: {  	v11 =	vmul.f32 v28, v28;
	v23 =	vld [tilespmem:s2+$0x2E0];
	s8 =	sadd.f32 s10, s24;
	v27 =	vadd.f32 v17, v27;
	s21 =	spop (v2sf);
	(v2sf) =	vpush v5, $0x5  }
0x17a: {  	[tilespmem:$0x1FFB0] =	vst v56;
	v2 =	vadd.f32 v48, v1;
	s15 =	sadd.f32 s28, s26;
	v25 =	vld [tilespmem:s2+$0x2F0];
	v56 =	vmul.f32 v18, v19;
	s22 =	spop (v2sf);
	(v2sf) =	vpush v5, $0x6  }
0x17b: {  	v58 =	vmul.f32 v20, v20;
	s7 =	sadd.f32 s8, s6;
	v27 =	vadd.f32 v53, v27;
	s23 =	spop (v2sf);
	(v2sf) =	vpush v5, $0x7  }
0x17c: {  	v29 =	vld [tilespmem:s2+$0x330];
	v54 =	vadd.f32 v30, v33;
	s16 =	sadd.f32 s15, s30;
	v0 =	vmul.f32 v56, v18;
	s24 =	spop (v2sf);
	(v2sf) =	vpush v5, $0x8  }
0x17d: {  	v4 =	vmul.f32 v4, v34;
	s25 =	sadd.f32 s7, s18;
	v59 =	vadd.f32 v58, v27;
	s9 =	spop (v2sf);
	(v2sf) =	vpush v5, $0x9  }
0x17e: {  	v60 =	vmul.f32 v23, v23;
	v27 =	vld [tilespmem:s2+$0x300];
	s15 =	sadd.f32 s16, s31;
	v0 =	vsub.f32 $1.500000000e+00, v0;
	s8 =	spop (v2sf);
	(v2sf) =	vpush v5, $0xA  }
0x17f: {  	[tilespmem:$0x1FFE0] =	vst v63;
	v31 =	vld [tilespmem:s2+$0x320];
	v6 =	vadd.f32 v8, v35;
	s16 =	sadd.f32 s25, s19;
	v62 =	vmul.f32 v25, v25;
	s20 =	spop (v2sf);
	(v2sf) =	vpush v5, $0xB  }
0x180: {  	v30 =	vld [tilespmem:s2+$0x340];
	[tilespmem:$0x1FFD0] =	vst v61;
	v61 =	vadd.f32 v60, v59;
	s15 =	sadd.f32 s15, s13;
	v63 =	vmul.f32 v0, v18;
	s7 =	spop (v2sf);
	(v2sf) =	vpush v5, $0xC  }
0x181: {  	v33 =	vld [tilespmem:s2+$0x350];
	v55 =	vadd.f32 v4, v40;
	v15 =	vmul.f32 v29, v29;
	s5 =	sadd.f32 s16, s5;
	s6 =	spop (v2sf);
	(v2sf) =	vpush v5, $0xD  }
0x182: {  	v35 =	vld [tilespmem:s2+$0x360];
	v48 =	vadd.f32 v62, v61;
	s15 =	sadd.f32 s15, s14;
	v9 =	vmul.f32 v63, v19;
	s4 =	spop (v2sf);
	(v2sf) =	vpush v5, $0xE  }
0x183: {  	v53 =	vadd.f32 v51, v38;
	v38 =	vld [tilespmem:s2+$0x370];
	s3 =	sadd.f32 s5, s3;
	v10 =	vmul.f32 v27, v27;
	s26 =	spop (v2sf);
	(v2sf) =	vpush v5, $0xF  }
0x184: {  	v13 =	vmul.f32 v31, v31;
	s14 =	sadd.f32 s15, s21;
	v12 =	vmul.f32 v9, v63;
	s28 =	spop (v2sf);
	(v2sf) =	vpush v48, $0x0  }
0x185: {  	v16 =	vmul.f32 v30, v30;
	s0 =	sadd.f32 s3, s0;
	v5 =	vadd.f32 v11, v10;
	s29 =	spop (v2sf);
	(v2sf) =	vpush v48, $0x1  }
0x186: {  	[tilespmem:$0x1FFF0] =	vst v14;
	v18 =	vmul.f32 v33, v33;
	s13 =	sadd.f32 s14, s22;
	v14 =	vsub.f32 $1.500000000e+00, v12;
	s30 =	spop (v2sf);
	(v2sf) =	vpush v48, $0x2  }
0x187: {  	v34 =	vld [tilespmem:s2+$0x380];
	v61 =	vmul.f32 v35, v35;
	s1 =	sadd.f32 s0, s1;
	v5 =	vadd.f32 v13, v5;
	s31 =	spop (v2sf);
	(v2sf) =	vpush v48, $0x3  }
0x188: {  	v62 =	vmul.f32 v38, v38;
	s15 =	sadd.f32 s13, s23;
	v1 =	vmul.f32 v14, v63;
	s14 =	spop (v2sf);
	(v2sf) =	vpush v48, $0x4  }
0x189: {  	v11 =	vmov s1;
	v5 =	vadd.f32 v15, v5;
	s21 =	spop (v2sf);
	(v2sf) =	vpush v48, $0x5  }
0x18a: {  	v12 =	vmul.f32 $5.000000000e-01, v11;
	s23 =	sadd.f32 s15, s24;
	v17 =	vmul.f32 v1, v37;
	s22 =	spop (v2sf);
	(v2sf) =	vpush v48, $0x6  }
0x18b: {  	v40 =	vld [tilespmem:s2+$0x3B0];
	s25 =	sadd.f32 s28, s26;
	v19 =	vmul.f32 v1, v39;
	v5 =	vadd.f32 v16, v5;
	s24 =	spop (v2sf);
	(v2sf) =	vpush v48, $0x7  }
0x18c: {  	s1 =	sshrl.u32 s1, $0x1;
	v63 =	vmul.f32 v34, v34;
	s0 =	sadd.f32 s23, s9;
	v56 =	vadd.f32 v17, v3;
	s26 =	spop (v2sf);
	(v2sf) =	vpush v48, $0x8  }
0x18d: {  	s1 =	ssub.s32 $0x5F3759DF, s1;
	v37 =	vld [tilespmem:s2+$0x390];
	s3 =	sadd.f32 s25, s29;
	v8 =	vmul.f32 v1, v43;
	v57 =	vadd.f32 v19, v57;
	s11 =	spop (v2sf);
	(v2sf) =	vpush v48, $0x9  }
0x18e: {  	v13 =	vmov s1;
	v39 =	vld [tilespmem:s2+$0x3A0];
	s0 =	sadd.f32 s0, s8;
	v60 =	vadd.f32 v18, v5;
	s9 =	spop (v2sf);
	(v2sf) =	vpush v48, $0xA  }
0x18f: {  	v43 =	vld [tilespmem:s2+$0x3C0];
	v11 =	vmul.f32 v1, v49;
	s28 =	sadd.f32 s3, s30;
	v58 =	vadd.f32 v8, v46;
	s8 =	spop (v2sf);
	(v2sf) =	vpush v48, $0xB  }
0x190: {  	v14 =	vmul.f32 v40, v40;
	s10 =	sadd.f32 s0, s20;
	v3 =	vadd.f32 v61, v60;
	s5 =	spop (v2sf);
	(v2sf) =	vpush v48, $0xC  }
0x191: {  	v15 =	vbroadcast v12, $0x0;
	v46 =	vld [tilespmem:s2+$0x3D0];
	v59 =	vadd.f32 v11, v54;
	s17 =	sadd.f32 s28, s31;
	s3 =	spop (v2sf);
	(v2sf) =	vpush v48, $0xD  }
0x192: {  	v50 =	vmul.f32 v1, v50;
	v54 =	vld [tilespmem:s2+$0x440];
	s7 =	sadd.f32 s10, s7;
	v3 =	vadd.f32 v62, v3;
	s0 =	spop (v2sf);
	(v2sf) =	vpush v48, $0xE  }
0x193: {  	v5 =	vbroadcast v13, $0x0;
	v7 =	vmul.f32 v37, v37;
	s16 =	sadd.f32 s17, s14;
	s29 =	spop (v2sf);
	(v2sf) =	vpush v48, $0xF  }
0x194: {  	v51 =	vld [tilespmem:s2+$0x3F0];
	v10 =	vmul.f32 v39, v39;
	v16 =	vmul.f32 v43, v43;
	s6 =	sadd.f32 s7, s6;
	s30 =	spop (v2sf);
	(v2sf) =	vpush v3, $0x0  }
0x195: {  	v49 =	vld [tilespmem:s2+$0x430];
	v17 =	vmul.f32 v5, v15;
	v60 =	vadd.f32 v50, v2;
	s15 =	sadd.f32 s16, s21;
	s31 =	spop (v2sf);
	(v2sf) =	vpush v3, $0x1  }
0x196: {  	v9 =	vadd.f32 v7, v63;
	v18 =	vmul.f32 v46, v46;
	s1 =	sadd.f32 s6, s4;
	s18 =	spop (v2sf);
	(v2sf) =	vpush v3, $0x2  }
0x197: {  	v50 =	vld [tilespmem:s2+$0x400];
	v63 =	vmul.f32 v54, v54;
	v19 =	vmul.f32 v17, v5;
	s21 =	sadd.f32 s15, s22;
	s20 =	spop (v2sf);
	(v2sf) =	vpush v3, $0x3  }
0x198: {  	v4 =	vadd.f32 v10, v9;
	v9 =	vmul.f32 v1, v52;
	v52 =	vld [tilespmem:s2+$0x410];
	s10 =	sadd.f32 s30, s29;
	s22 =	spop (v2sf);
	(v2sf) =	vpush v3, $0x4  }
0x199: {  	v10 =	vmul.f32 v51, v51;
	v2 =	vsub.f32 $1.500000000e+00, v19;
	v48 =	vld [tilespmem:s2+$0x3E0];
	s6 =	sadd.f32 s21, s24;
	s23 =	spop (v2sf);
	(v2sf) =	vpush v3, $0x5  }
0x19a: {  	v19 =	vmul.f32 v49, v49;
	v4 =	vadd.f32 v14, v4;
	s7 =	sadd.f32 s10, s31;
	s24 =	spop (v2sf);
	(v2sf) =	vpush v3, $0x6  }
0x19b: {  	v61 =	vadd.f32 v9, v53;
	v2 =	vmul.f32 v2, v5;
	s6 =	sadd.f32 s6, s26;
	s25 =	spop (v2sf);
	(v2sf) =	vpush v3, $0x7  }
0x19c: {  	v53 =	vld [tilespmem:s2+$0x420];
	v13 =	vmul.f32 v50, v50;
	v4 =	vadd.f32 v16, v4;
	s7 =	sadd.f32 s7, s18;
	s26 =	spop (v2sf);
	(v2sf) =	vpush v3, $0x8  }
0x19d: {  	s19 =	rddreg [dreg:$0xa];
	v12 =	vmul.f32 v2, v15;
	v14 =	vmul.f32 v52, v52;
	s28 =	spop (v2sf);
	(v2sf) =	vpush v3, $0x9  }
0x19e: {  	v4 =	vadd.f32 v18, v4;
	v8 =	vmul.f32 v48, v48;
	s4 =	sadd.f32 s7, s20;
	s29 =	spop (v2sf);
	(v2sf) =	vpush v3, $0xA  }
0x19f: {  	s6 =	sadd.f32 s6, s11;
	v0 =	vadd.f32 v14, v13;
	v15 =	vmul.f32 v12, v2;
	s10 =	spop (v2sf);
	(v2sf) =	vpush v3, $0xB  }
0x1a0: {  	v16 =	vmul.f32 v1, v45;
	v4 =	vadd.f32 v8, v4;
	s15 =	sadd.f32 s4, s22;
	s7 =	spop (v2sf);
	(v2sf) =	vpush v3, $0xC  }
0x1a1: {  	v17 =	vmul.f32 v53, v53;
	s9 =	sadd.f32 s6, s9;
	v18 =	vsub.f32 $1.500000000e+00, v15;
	s6 =	spop (v2sf);
	(v2sf) =	vpush v3, $0xD  }
0x1a2: {  	v1 =	vmul.f32 v1, v47;
	v45 =	vld [tilespmem:s2+$0x450];
	v4 =	vadd.f32 v10, v4;
	s30 =	sadd.f32 s15, s23;
	s4 =	spop (v2sf);
	(v2sf) =	vpush v3, $0xE  }
0x1a3: {  	v12 =	vmov s1;
	v62 =	vadd.f32 v17, v0;
	s8 =	sadd.f32 s9, s8;
	(v2sf) =	vpush v3, $0xF;
	s31 =	spop (v2sf)  }
0x1a4: {  	v14 =	vmul.f32 $5.000000000e-01, v12;
	v8 =	vadd.f32 v16, v6;
	s9 =	sadd.f32 s30, s24;
	s16 =	spop (v2sf);
	(v2sf) =	vpush v4, $0x0  }
0x1a5: {  	v7 =	vmul.f32 v18, v2;
	v62 =	vadd.f32 v19, v62;
	s5 =	sadd.f32 s8, s5;
	s17 =	spop (v2sf);
	(v2sf) =	vpush v4, $0x1  }
0x1a6: {  	v6 =	vbroadcast v14, $0x0;
	v10 =	vadd.f32 v1, v55;
	s9 =	sadd.f32 s9, s25;
	s20 =	spop (v2sf);
	(v2sf) =	vpush v4, $0x2  }
0x1a7: {  	v1 =	vmul.f32 v45, v45;
	v0 =	vmul.f32 v7, v44;
	s8 =	sadd.f32 s16, s31;
	s31 =	sshrl.u32 s1, $0x1;
	s21 =	spop (v2sf);
	(v2sf) =	vpush v4, $0x3  }
0x1a8: {  	v47 =	vld [tilespmem:s2+$0x460];
	v5 =	vadd.f32 v63, v62;
	v11 =	vmul.f32 v7, v41;
	s3 =	sadd.f32 s5, s3;
	s16 =	ssub.s32 $0x5F3759DF, s31;
	s22 =	spop (v2sf);
	(v2sf) =	vpush v4, $0x4  }
0x1a9: {  	v55 =	vld [tilespmem:s2+$0x4A0];
	v2 =	vmul.f32 v7, v42;
	s23 =	sadd.f32 s9, s26;
	v15 =	vmov s16;
	s24 =	spop (v2sf);
	(v2sf) =	vpush v4, $0x5  }
0x1aa: {  	v44 =	vld [tilespmem:s2+$0x470];
	v62 =	vadd.f32 v11, v58;
	s13 =	sadd.f32 s3, s0;
	v58 =	vbroadcast v15, $0x0;
	s25 =	spop (v2sf);
	(v2sf) =	vpush v4, $0x6  }
0x1ab: {  	v42 =	vld [tilespmem:s2+$0x480];
	v18 =	vmul.f32 v7, v36;
	v9 =	vadd.f32 v0, v56;
	s3 =	sadd.f32 s23, s28;
	s26 =	spop (v2sf);
	(v2sf) =	vpush v4, $0x7  }
0x1ac: {  	v41 =	vld [tilespmem:s2+$0x490];
	v5 =	vadd.f32 v1, v5;
	s8 =	sadd.f32 s8, s17;
	v19 =	vmul.f32 v58, v6;
	s28 =	spop (v2sf);
	(v2sf) =	vpush v4, $0x8  }
0x1ad: {  	v63 =	vadd.f32 v2, v57;
	v3 =	vmul.f32 v47, v47;
	s3 =	sadd.f32 s3, s29;
	s29 =	spop (v2sf);
	(v2sf) =	vpush v4, $0x9  }
0x1ae: {  	v36 =	vld [tilespmem:s2+$0x4C0];
	v12 =	vadd.f32 v18, v60;
	s30 =	sadd.f32 s8, s20;
	v1 =	vmul.f32 v19, v58;
	s8 =	spop (v2sf);
	(v2sf) =	vpush v4, $0xA  }
0x1af: {  	v11 =	vmul.f32 v55, v55;
	v5 =	vadd.f32 v3, v5;
	s10 =	sadd.f32 s3, s10;
	s5 =	spop (v2sf);
	(v2sf) =	vpush v4, $0xB  }
0x1b0: {  	v13 =	vmul.f32 v44, v44;
	s11 =	sadd.f32 s30, s21;
	v1 =	vsub.f32 $1.500000000e+00, v1;
	s3 =	spop (v2sf);
	(v2sf) =	vpush v4, $0xC  }
0x1b1: {  	v16 =	vmul.f32 v42, v42;
	v17 =	vmul.f32 v41, v41;
	s7 =	sadd.f32 s10, s7;
	s1 =	spop (v2sf);
	(v2sf) =	vpush v4, $0xD  }
0x1b2: {  	v56 =	vld [tilespmem:s2+$0x4B0];
	v5 =	vadd.f32 v13, v5;
	s11 =	sadd.f32 s11, s22;
	v1 =	vmul.f32 v1, v58;
	s0 =	spop (v2sf);
	(v2sf) =	vpush v4, $0xE  }
0x1b3: {  	v18 =	vmul.f32 v36, v36;
	v2 =	vmov s13;
	s6 =	sadd.f32 s7, s6;
	(v2sf) =	vpush v4, $0xF;
	s17 =	spop (v2sf)  }
0x1b4: {  	v57 =	vld [tilespmem:s2+$0x4D0];
	v15 =	vmul.f32 v7, v21;
	s10 =	sadd.f32 s11, s24;
	v6 =	vmul.f32 v1, v6;
	s18 =	spop (v2sf);
	(v2sf) =	vpush v5, $0x0  }
0x1b5: {  	v58 =	vld [tilespmem:s2+$0x4F0];
	s4 =	sadd.f32 s6, s4;
	v4 =	vadd.f32 v17, v16;
	v17 =	vmul.f32 v7, v32;
	s20 =	spop (v2sf);
	(v2sf) =	vpush v5, $0x1  }
0x1b6: {  	s10 =	sadd.f32 s10, s25;
	v13 =	vmul.f32 v6, v1;
	v6 =	vadd.f32 v15, v8;
	s21 =	spop (v2sf);
	(v2sf) =	vpush v5, $0x2  }
0x1b7: {  	v16 =	vmul.f32 v56, v56;
	s7 =	sadd.f32 s18, s17;
	v0 =	vadd.f32 v11, v4;
	s22 =	spop (v2sf);
	(v2sf) =	vpush v5, $0x3  }
0x1b8: {  	s12 =	sshra.s32 s19, $0x2;
	s10 =	sadd.f32 s10, s26;
	v32 =	vld [tilespmem:s2+$0x4E0];
	v60 =	vadd.f32 v17, v61;
	v61 =	vmul.f32 v7, v26;
	s23 =	spop (v2sf);
	(v2sf) =	vpush v5, $0x4  }
0x1b9: {  	v19 =	vmul.f32 v57, v57;
	v26 =	vld [tilespmem:s12+$0x14300];
	s6 =	sadd.f32 s7, s20;
	v0 =	vadd.f32 v16, v0;
	s24 =	spop (v2sf);
	(v2sf) =	vpush v5, $0x5  }
0x1ba: {  	s25 =	sadd.f32 s10, s28;
	v14 =	vmul.f32 v58, v58;
	v61 =	vadd.f32 v61, v59;
	v59 =	vld [tilespmem:s12+$0x14310];
	s26 =	spop (v2sf);
	(v2sf) =	vpush v5, $0x6  }
0x1bb: {  	v7 =	vmul.f32 v7, v24;
	v3 =	vsub.f32 $1.500000000e+00, v13;
	s6 =	sadd.f32 s6, s21;
	s28 =	spop (v2sf);
	(v2sf) =	vpush v5, $0x7  }
0x1bc: {  	v4 =	vmul.f32 $5.000000000e-01, v2;
	s7 =	sadd.f32 s25, s29;
	v0 =	vadd.f32 v18, v0;
	s29 =	spop (v2sf);
	(v2sf) =	vpush v5, $0x8  }
0x1bd: {  	v21 =	vld [tilespmem:s12+$0x14320];
	v13 =	vadd.f32 v7, v10;
	v11 =	vmul.f32 v32, v32;
	s6 =	sadd.f32 s6, s22;
	s30 =	spop (v2sf);
	(v2sf) =	vpush v5, $0x9  }
0x1be: {  	v8 =	vmul.f32 v3, v1;
	s7 =	sadd.f32 s7, s8;
	v0 =	vadd.f32 v19, v0;
	s31 =	spop (v2sf);
	(v2sf) =	vpush v5, $0xA  }
0x1bf: {  	v18 =	vld [tilespmem:s12+$0x14330];
	v16 =	vmul.f32 v26, v26;
	v17 =	vmul.f32 v59, v59;
	s6 =	sadd.f32 s6, s23;
	s8 =	spop (v2sf);
	(v2sf) =	vpush v5, $0xB  }
0x1c0: {  	v3 =	vbroadcast v4, $0x0;
	s5 =	sadd.f32 s7, s5;
	v0 =	vadd.f32 v11, v0;
	s7 =	spop (v2sf);
	(v2sf) =	vpush v5, $0xC  }
0x1c1: {  	v19 =	vmul.f32 v8, v22;
	s23 =	sshrl.u32 s13, $0x1;
	v1 =	vadd.f32 v17, v16;
	s16 =	sadd.f32 s6, s24;
	s6 =	spop (v2sf);
	(v2sf) =	vpush v5, $0xD  }
0x1c2: {  	v22 =	vld [tilespmem:s12+$0x14340];
	s25 =	ssub.s32 $0x5F3759DF, s23;
	v24 =	vadd.f32 v14, v0;
	v0 =	vmul.f32 v21, v21;
	(v2sf) =	vpush v5, $0xE  }
0x1c3: {  	s3 =	sadd.f32 s5, s3;
	v11 =	vadd.f32 v19, v9;
	s5 =	spop (v2sf);
	(v2sf) =	vpush v5, $0xF;
	v5 =	vmov s25  }
0x1c4: {  	v4 =	vld [tilespmem:$0x1FEC0];
	v14 =	vmul.f32 v18, v18;
	s11 =	sadd.f32 s16, s26;
	v7 =	vadd.f32 v0, v1;
	s17 =	spop (v2sf);
	v9 =	vbroadcast v5, $0x0  }
0x1c5: {  	s20 =	spop (v2sf);
	(v2sf) =	vpush v24, $0x0  }
0x1c6: {  	v17 =	vld [tilespmem:s12+$0x14350];
	s11 =	sadd.f32 s11, s28;
	v10 =	vadd.f32 v14, v7;
	s21 =	spop (v2sf);
	(v2sf) =	vpush v24, $0x1;
	v7 =	vmul.f32 v9, v3  }
0x1c7: {  	v16 =	vld [tilespmem:s12+$0x14360];
	s1 =	sadd.f32 s3, s1;
	v19 =	vmul.f32 v22, v22;
	s22 =	spop (v2sf);
	(v2sf) =	vpush v24, $0x2  }
0x1c8: {  	s11 =	sadd.f32 s11, s29;
	s24 =	spop (v2sf);
	(v2sf) =	vpush v24, $0x3;
	v1 =	vmul.f32 v7, v9  }
0x1c9: {  	s0 =	sadd.f32 s1, s0;
	v5 =	vmul.f32 v8, v4;
	v0 =	vadd.f32 v19, v10;
	s26 =	spop (v2sf);
	(v2sf) =	vpush v24, $0x4  }
0x1ca: {  	v15 =	vld [tilespmem:s12+$0x14370];
	s10 =	sadd.f32 s11, s30;
	s28 =	spop (v2sf);
	(v2sf) =	vpush v24, $0x5;
	v1 =	vsub.f32 $1.500000000e+00, v1  }
0x1cb: {  	s3 =	sadd.f32 s20, s17;
	v19 =	vmul.f32 v17, v17;
	v10 =	vld [tilespmem:$0x1FEE0];
	v14 =	vadd.f32 v5, v63;
	s29 =	spop (v2sf);
	(v2sf) =	vpush v24, $0x6  }
0x1cc: {  	v63 =	vmul.f32 v16, v16;
	s9 =	sadd.f32 s10, s31;
	s30 =	spop (v2sf);
	(v2sf) =	vpush v24, $0x7;
	v1 =	vmul.f32 v1, v9;
	v9 =	vld [tilespmem:$0x1FED0]  }
0x1cd: {  	v5 =	vmov s4;
	s3 =	sadd.f32 s3, s21;
	v0 =	vadd.f32 v19, v0;
	s31 =	spop (v2sf);
	(v2sf) =	vpush v24, $0x8  }
0x1ce: {  	v7 =	vmul.f32 $5.000000000e-01, v5;
	v5 =	vld [tilespmem:$0x1FEF0];
	s10 =	sadd.f32 s9, s8;
	s18 =	spop (v2sf);
	(v2sf) =	vpush v24, $0x9  }
0x1cf: {  	v4 =	vmul.f32 v15, v15;
	s1 =	sadd.f32 s3, s22;
	v0 =	vadd.f32 v63, v0;
	s20 =	spop (v2sf);
	(v2sf) =	vpush v24, $0xA  }
0x1d0: {  	s22 =	sshrl.u32 s4, $0x1;
	v19 =	vmul.f32 v8, v10;
	s3 =	sadd.f32 s10, s7;
	s8 =	spop (v2sf);
	(v2sf) =	vpush v24, $0xB  }
0x1d1: {  	s1 =	sadd.f32 s1, s24;
	v63 =	vadd.f32 v4, v0;
	s24 =	ssub.s32 $0x5F3759DF, s22;
	s7 =	spop (v2sf);
	(v2sf) =	vpush v24, $0xC;
	v9 =	vmul.f32 v8, v9  }
0x1d2: {  	v4 =	vmov s24;
	v10 =	vadd.f32 v19, v12;
	s21 =	sadd.f32 s3, s6;
	s6 =	spop (v2sf);
	(v2sf) =	vpush v24, $0xD  }
0x1d3: {  	v19 =	vld [tilespmem:$0x1FF10];
	s3 =	spop (v2sf);
	(v2sf) =	vpush v24, $0xE;
	v9 =	vadd.f32 v9, v62;
	v62 =	vmul.f32 v8, v5  }
0x1d4: {  	(v2sf) =	vpush v24, $0xF;
	v24 =	vbroadcast v4, $0x0;
	v4 =	vbroadcast v7, $0x0;
	v7 =	vld [tilespmem:$0x1FF00]  }
0x1d5: {  	v60 =	vadd.f32 v62, v60;
	v62 =	vld [tilespmem:$0x1FF20];
	_ =	sdelay $0x3  }
0x1d6: {  	s1 =	sadd.f32 s1, s26;
	v3 =	vmul.f32 v1, v3;
	v2 =	vmul.f32 v8, v19  }
0x1d7: {  	v0 =	vmul.f32 v8, v7;
	v8 =	vmul.f32 v8, v62  }
0x1d8: {  	s11 =	sadd.f32 s1, s28;
	v3 =	vmul.f32 v3, v1  }
0x1d9: {  	s1 =	sadd.f32 s21, s5;
	s23 =	spop (v2sf);
	v8 =	vadd.f32 v8, v13;
	v13 =	vld [tilespmem:$0x1FF30]  }
0x1da: {  	s11 =	sadd.f32 s11, s29;
	v3 =	vsub.f32 $1.500000000e+00, v3;
	s25 =	spop (v2sf)  }
0x1db: {  	(v2sf) =	vpush v63, $0x0;
	s4 =	sadd.f32 s25, s23;
	s28 =	spop (v2sf);
	v12 =	vmul.f32 v24, v4  }
0x1dc: {  	s26 =	sadd.f32 s11, s30;
	v1 =	vmul.f32 v3, v1;
	(v2sf) =	vpush v63, $0x1;
	s29 =	spop (v2sf)  }
0x1dd: {  	v19 =	vmov s0;
	s4 =	sadd.f32 s4, s28;
	s30 =	spop (v2sf);
	v12 =	vmul.f32 v12, v24  }
0x1de: {  	s5 =	sadd.f32 s26, s31;
	(v2sf) =	vpush v63, $0x2;
	s31 =	spop (v2sf);
	v62 =	vmul.f32 $5.000000000e-01, v19;
	v19 =	vmul.f32 v1, v13  }
0x1df: {  	s4 =	sadd.f32 s4, s29;
	s15 =	spop (v2sf);
	(v2sf) =	vpush v63, $0x3;
	v5 =	vadd.f32 v0, v61;
	v61 =	vld [tilespmem:$0x1FF40]  }
0x1e0: {  	s5 =	sadd.f32 s5, s18;
	v12 =	vsub.f32 $1.500000000e+00, v12;
	v11 =	vadd.f32 v19, v11;
	v19 =	vld [tilespmem:$0x1FF70]  }
0x1e1: {  	s17 =	sshrl.u32 s0, $0x1;
	v7 =	vadd.f32 v2, v6;
	s16 =	spop (v2sf);
	s4 =	sadd.f32 s4, s30  }
0x1e2: {  	s18 =	ssub.s32 $0x5F3759DF, s17;
	s5 =	sadd.f32 s5, s20;
	s20 =	spop (v2sf);
	(v2sf) =	vpush v63, $0x4;
	v3 =	vmul.f32 v12, v24;
	v6 =	vbroadcast v62, $0x0;
	v62 =	vld [tilespmem:$0x1FF50]  }
0x1e3: {  	v2 =	vmov s18;
	s21 =	spop (v2sf);
	s4 =	sadd.f32 s4, s31  }
0x1e4: {  	v12 =	vbroadcast v2, $0x0;
	s22 =	sadd.f32 s5, s8;
	(v2sf) =	vpush v63, $0x5;
	s23 =	spop (v2sf);
	v4 =	vmul.f32 v3, v4  }
0x1e5: {  	s24 =	spop (v2sf);
	s4 =	sadd.f32 s4, s15;
	v24 =	vmul.f32 v1, v61;
	v0 =	vmul.f32 v1, v19;
	v19 =	vld [tilespmem:$0x1FF90]  }
0x1e6: {  	s0 =	sadd.f32 s22, s7;
	(v2sf) =	vpush v63, $0x6;
	s25 =	spop (v2sf);
	v4 =	vmul.f32 v4, v3;
	v13 =	vld [tilespmem:$0x1FF60]  }
0x1e7: {  	s26 =	spop (v2sf);
	v61 =	vmul.f32 v1, v62;
	v62 =	vmul.f32 v12, v6;
	s10 =	sadd.f32 s4, s16;
	v14 =	vadd.f32 v24, v14;
	v24 =	vld [tilespmem:$0x1FF80]  }
0x1e8: {  	(v2sf) =	vpush v63, $0x7;
	s6 =	sadd.f32 s0, s6;
	s28 =	spop (v2sf)  }
0x1e9: {  	v4 =	vsub.f32 $1.500000000e+00, v4;
	s29 =	spop (v2sf);
	v62 =	vmul.f32 v62, v12;
	s9 =	sadd.f32 s10, s20  }
0x1ea: {  	s3 =	sadd.f32 s6, s3;
	(v2sf) =	vpush v63, $0x8;
	s30 =	spop (v2sf);
	v2 =	vmul.f32 v1, v19;
	v19 =	vld [tilespmem:$0x1FFA0]  }
0x1eb: {  	v9 =	vadd.f32 v61, v9;
	v3 =	vmul.f32 v4, v3;
	s31 =	spop (v2sf);
	v62 =	vsub.f32 $1.500000000e+00, v62;
	s9 =	sadd.f32 s9, s21  }
0x1ec: {  	(v2sf) =	vpush v63, $0x9;
	s6 =	sadd.f32 s31, s30;
	v13 =	vmul.f32 v1, v13;
	v24 =	vmul.f32 v1, v24  }
0x1ed: {  	s11 =	spop (v2sf);
	(v2sf) =	vpush v63, $0xA;
	v20 =	vmul.f32 v3, v20;
	v12 =	vmul.f32 v62, v12;
	s5 =	sadd.f32 s9, s23  }
0x1ee: {  	v23 =	vmul.f32 v3, v23;
	s6 =	sadd.f32 s6, s11;
	v10 =	vadd.f32 v13, v10;
	v5 =	vadd.f32 v24, v5  }
0x1ef: {  	v62 =	vld [tilespmem:$0x1FFB0];
	s15 =	spop (v2sf);
	v24 =	vmul.f32 v12, v6;
	s5 =	sadd.f32 s5, s24;
	v1 =	vmul.f32 v1, v19;
	v19 =	vmov s1;
	s1 =	sshrl.u32 s1, $0x1  }
0x1f0: {  	(v2sf) =	vpush v63, $0xB;
	s6 =	sadd.f32 s6, s15;
	v0 =	vadd.f32 v0, v60;
	s1 =	ssub.s32 $0x5F3759DF, s1;
	v61 =	vmul.f32 $5.000000000e-01, v19;
	v19 =	vld [tilespmem:$0x1FFC0]  }
0x1f1: {  	s14 =	sshrl.u32 s3, $0x1;
	s17 =	spop (v2sf);
	(v2sf) =	vpush v63, $0xC;
	v4 =	vmul.f32 v24, v12;
	s16 =	sadd.f32 s5, s25;
	v60 =	vmov s1  }
0x1f2: {  	s5 =	sadd.f32 s6, s17;
	v2 =	vadd.f32 v2, v7;
	s1 =	ssub.s32 $0x5F3759DF, s14;
	v6 =	vbroadcast v60, $0x0;
	v7 =	vbroadcast v61, $0x0  }
0x1f3: {  	v5 =	vadd.f32 v20, v5;
	s18 =	spop (v2sf);
	v4 =	vsub.f32 $1.500000000e+00, v4;
	v24 =	vmov s1;
	s1 =	sadd.f32 s16, s26  }
0x1f4: {  	(v2sf) =	vpush v63, $0xD;
	v13 =	vmul.f32 v3, v62;
	v62 =	vld [tilespmem:$0x1FFD0];
	s5 =	sadd.f32 s5, s18;
	v61 =	vmul.f32 v6, v7  }
0x1f5: {  	s20 =	spop (v2sf);
	v4 =	vmul.f32 v4, v12;
	v12 =	vmov s3;
	s1 =	sadd.f32 s1, s28;
	v60 =	vmul.f32 v3, v19;
	v19 =	vld [tilespmem:$0x1FFE0]  }
0x1f6: {  	(v2sf) =	vpush v63, $0xE;
	s3 =	sadd.f32 s5, s20;
	v12 =	vmul.f32 $5.000000000e-01, v12;
	v61 =	vmul.f32 v61, v6  }
0x1f7: {  	s21 =	spop (v2sf);
	(v2sf) =	vpush v63, $0xF;
	v11 =	vadd.f32 v13, v11;
	v20 =	vmul.f32 v4, v29;
	s0 =	sadd.f32 s1, s29  }
0x1f8: {  	v2 =	vadd.f32 v23, v2;
	v12 =	vbroadcast v12, $0x0;
	s1 =	sadd.f32 s3, s21;
	v61 =	vsub.f32 $1.500000000e+00, v61  }
0x1f9: {  	s22 =	spop (v2sf);
	v1 =	vadd.f32 v1, v8;
	v8 =	vmul.f32 v3, v62;
	v14 =	vadd.f32 v60, v14  }
0x1fa: {  	v60 =	vmov s0;
	s0 =	sshrl.u32 s0, $0x1;
	s1 =	sadd.f32 s1, s22;
	v62 =	vmul.f32 v3, v19;
	v19 =	vld [tilespmem:$0x1FFF0];
	v6 =	vmul.f32 v61, v6  }
0x1fb: {  	s23 =	spop (v2sf);
	v8 =	vadd.f32 v8, v9;
	v24 =	vbroadcast v24, $0x0;
	s0 =	ssub.s32 $0x5F3759DF, s0;
	v13 =	vmul.f32 $5.000000000e-01, v60  }
0x1fc: {  	v9 =	vmul.f32 v4, v31;
	v61 =	vmov s0;
	s0 =	sadd.f32 s1, s23;
	v7 =	vmul.f32 v6, v7  }
0x1fd: {  	s24 =	spop (v2sf);
	v63 =	vmul.f32 v24, v12;
	v13 =	vbroadcast v13, $0x0;
	v10 =	vadd.f32 v62, v10  }
0x1fe: {  	v8 =	vadd.f32 v9, v8;
	s0 =	sadd.f32 s0, s24;
	v62 =	vmul.f32 v4, v33;
	v7 =	vmul.f32 v7, v6  }
0x1ff: {  	s25 =	spop (v2sf);
	v10 =	vadd.f32 v20, v10;
	v19 =	vmul.f32 v3, v19;
	v3 =	vmul.f32 v3, v25  }
0x200: {  	s0 =	sadd.f32 s0, s25;
	v5 =	vadd.f32 v62, v5;
	v25 =	vmul.f32 v4, v27;
	v27 =	vmul.f32 v4, v28  }
0x201: {  	s26 =	spop (v2sf);
	v28 =	vmul.f32 v63, v24;
	v63 =	vmul.f32 v4, v35;
	v7 =	vsub.f32 $1.500000000e+00, v7  }
0x202: {  	s0 =	sadd.f32 s0, s26;
	v0 =	vadd.f32 v19, v0;
	v19 =	vbroadcast v61, $0x0;
	v1 =	vadd.f32 v3, v1  }
0x203: {  	s28 =	spop (v2sf);
	v61 =	vmul.f32 v4, v30;
	v28 =	vsub.f32 $1.500000000e+00, v28;
	v6 =	vmul.f32 v7, v6  }
0x204: {  	v4 =	vmul.f32 v4, v38;
	v11 =	vadd.f32 v25, v11;
	s0 =	sadd.f32 s0, s28;
	v60 =	vmul.f32 v19, v13  }
0x205: {  	s29 =	spop (v2sf);
	v14 =	vadd.f32 v27, v14;
	v33 =	vmul.f32 v28, v24;
	v35 =	vmul.f32 v6, v34  }
0x206: {  	v2 =	vadd.f32 v63, v2;
	v38 =	vmul.f32 v6, v37;
	s0 =	sadd.f32 s0, s29;
	v23 =	vmul.f32 v60, v19  }
0x207: {  	s30 =	spop (v2sf);
	v0 =	vadd.f32 v61, v0;
	v39 =	vmul.f32 v6, v39;
	v40 =	vmul.f32 v6, v40  }
0x208: {  	v61 =	vmul.f32 v6, v46;
	v12 =	vmul.f32 v33, v12;
	s0 =	sadd.f32 s0, s30;
	v31 =	vsub.f32 $1.500000000e+00, v23  }
0x209: {  	v1 =	vadd.f32 v4, v1;
	v62 =	vmul.f32 v6, v48;
	v60 =	vmul.f32 v6, v43  }
0x20a: {  	v12 =	vmul.f32 v12, v33;
	s1 =	sshrl.u32 s0, $0x1;
	v63 =	vmov s0;
	v7 =	vmul.f32 v31, v19  }
0x20b: {  	v6 =	vmul.f32 v6, v51;
	v11 =	vadd.f32 v35, v11;
	s31 =	ssub.s32 $0x5F3759DF, s1;
	v30 =	vmul.f32 $5.000000000e-01, v63  }
0x20c: {  	v12 =	vsub.f32 $1.500000000e+00, v12;
	v31 =	vmov s31;
	v13 =	vmul.f32 v7, v13  }
0x20d: {  	v3 =	vadd.f32 v38, v14;
	v14 =	vbroadcast v31, $0x0;
	v19 =	vbroadcast v30, $0x0  }
0x20e: {  	v8 =	vadd.f32 v39, v8;
	v10 =	vadd.f32 v40, v10;
	v9 =	vmul.f32 v12, v33  }
0x20f: {  	v5 =	vadd.f32 v61, v5;
	v13 =	vmul.f32 v13, v7;
	v33 =	vmul.f32 v14, v19  }
0x210: {  	v2 =	vadd.f32 v62, v2;
	v34 =	vmul.f32 v9, v50;
	v35 =	vmul.f32 v9, v52  }
0x211: {  	v0 =	vadd.f32 v60, v0;
	v37 =	vmul.f32 v9, v53;
	v38 =	vmul.f32 v9, v49  }
0x212: {  	v39 =	vmul.f32 v9, v54;
	v13 =	vsub.f32 $1.500000000e+00, v13;
	v12 =	vmul.f32 v33, v14  }
0x213: {  	v1 =	vadd.f32 v6, v1;
	v40 =	vmul.f32 v9, v45;
	v43 =	vmul.f32 v9, v47  }
0x214: {  	v11 =	vadd.f32 v34, v11;
	v7 =	vmul.f32 v13, v7;
	v12 =	vsub.f32 $1.500000000e+00, v12  }
0x215: {  	v9 =	vmul.f32 v9, v44;
	v3 =	vadd.f32 v35, v3;
	v4 =	vadd.f32 v37, v8  }
0x216: {  	v6 =	vadd.f32 v38, v10;
	v45 =	vmul.f32 v12, v14;
	v46 =	vmul.f32 v7, v42  }
0x217: {  	v0 =	vadd.f32 v39, v0;
	v2 =	vadd.f32 v43, v2;
	v47 =	vmul.f32 v7, v41  }
0x218: {  	v48 =	vmul.f32 v7, v55;
	v11 =	vadd.f32 v46, v11;
	v49 =	vmul.f32 v45, v19  }
0x219: {  	v1 =	vadd.f32 v9, v1;
	v50 =	vmul.f32 v7, v56;
	v3 =	vadd.f32 v47, v3  }
0x21a: {  	v51 =	vmul.f32 v7, v36;
	v4 =	vadd.f32 v48, v4;
	[tilespmem:s12+$0x15300] =	vst v11;
	v52 =	vmul.f32 v49, v45  }
0x21b: {  	v53 =	vmul.f32 v7, v57;
	v54 =	vmul.f32 v7, v32;
	v6 =	vadd.f32 v50, v6;
	[tilespmem:s12+$0x15310] =	vst v3  }
0x21c: {  	v7 =	vmul.f32 v7, v58;
	v0 =	vadd.f32 v51, v0;
	[tilespmem:s12+$0x15320] =	vst v4;
	v55 =	vsub.f32 $1.500000000e+00, v52  }
0x21d: {  	v5 =	vadd.f32 v40, v5;
	v2 =	vadd.f32 v54, v2;
	[tilespmem:s12+$0x15330] =	vst v6  }
0x21e: {  	v1 =	vadd.f32 v7, v1;
	[tilespmem:s12+$0x15340] =	vst v0;
	v56 =	vmul.f32 v55, v45  }
0x21f: {  	v3 =	vadd.f32 v53, v5;
	[tilespmem:s12+$0x15360] =	vst v2  }
0x220: {  	[tilespmem:s12+$0x15370] =	vst v1;
	v57 =	vmul.f32 v56, v26  }
0x221: {  	[tilespmem:s12+$0x15350] =	vst v3;
	v58 =	vmul.f32 v56, v59  }
0x222: {  	v59 =	vmul.f32 v56, v21;
	[tilespmem:s12+$0x16300] =	vst v57  }
0x223: {  	v60 =	vmul.f32 v56, v18;
	[tilespmem:s12+$0x16310] =	vst v58  }
0x224: {  	p0 =	sne.s32 s19, $0x3E00;
	v61 =	vmul.f32 v56, v22;
	[tilespmem:s12+$0x16320] =	vst v59  }
.Ltmp0:
0x225: {  	v62 =	vmul.f32 v56, v17;
	[tilespmem:s12+$0x16330] =	vst v60;
	(pc) =	sbr.rel @p0 .LBB2_2-.Ltmp0, $4  }
0x226: {  	v63 =	vmul.f32 v56, v16;
	[tilespmem:s12+$0x16340] =	vst v61  }
0x227: {  	v0 =	vmul.f32 v56, v15;
	[tilespmem:s12+$0x16350] =	vst v62  }
0x228: {  	[tilespmem:s12+$0x16360] =	vst v63  }
0x229: {  	s19 =	sadd.s32 $0x200, s19;
	s2 =	sadd.s32 $0xA00, s2;
	[tilespmem:s12+$0x16370] =	vst v0  }
0x22a: {  	s7 =	simm.s32 $0x0;
	s0 =	rddreg [dreg:$0x6];
	s1 =	simm.s32 $0x15300  }
0x22b: {  	[hbm4b:s0+s7] =	stream.linear.scatter [tilespmem:s1], [sflag:$0x7], $0x1000, $0x38;
	[tilespmem:$0x17300] =	vst v63  }
0x22c: {  	s1 =	simm.s32 $0x7  }
0x22d: {  	_ =	swait.ge [sflag:s1], $0x1000  }
0x22e: {  	[sflag:s1] =	ssyncset.done $0x0  }
0x22f: {  	s2 =	simm.s32 $0x16300;
	s29 =	rddreg [dreg:$0x7];
	[sflag:s1] =	ssyncadd.s32 $0xFFFFF000  }
0x230: {  	[hbm4b:s29+s7] =	stream.linear.scatter [tilespmem:s2], [sflag:$0x7], $0x1000, $0x38;
	[tilespmem:$0x17300] =	vst v63  }
0x231: {  	_ =	swait.ge [sflag:s1], $0x1000  }
0x232: {  	s30 =	rddreg [dreg:$0x9]  }
0x233: {  	s31 =	rddreg [dreg:$0x8];
	s2 =	sadd.s32 $0x1, s30  }
0x234: {  	p0 =	sne.s32 s2, s31  }
.Ltmp1:
0x235: {  	_ = 	snop;
	(pc) =	sbr.rel @p0 .LBB2_1-.Ltmp1, $3  }
0x236: {  	_ =	sdelay $0x1  }
0x237: {  	[sflag:s1] =	ssyncset.done $0x0  }
0x238: {  	[sflag:s1] =	ssyncadd.s32 $0xFFFFF000  }
0x239: {  	_ =	sfence.sel $0x180000  }
0x23a: {  	[bflag:$0x0] =	sbarrier.arrive $0xFFFF  }
0x23b: {  	_ =	strace $0x90000047  }
0x23c: {  	s0 =	stileid.u32;
	[bflag:$0x2] =	sbarrier.arrive $0xFFFF  }
0x23d: {  	p0 =	sne.s32 s0, $0x0;
	s0 =	rddreg [dreg:$0x3]  }
0x23e: {  	s0 =	sadd.s32 @!p0 $0x100000, s0  }
0x23f: {  	[sflag:s0] =	ssyncadd.tile.s32 @!p0 $0x1;
	_ =	shalt  }
.Lfunc_end2:
_tile_overlayer_lowered:
.L_overlay_start_2:
0x240: {  	(tag) =	ssettag $0x2  }
0x241: {  	s0 =	rddreg [dreg:$0x0];
	s2 =	stileid.u32  }
0x242: {  	s1 =	rddreg [dreg:$0x1];
	p0 =	sne.s32 s2, $0x0  }
0x243: {  	s3 =	rddreg [dreg:$0x2];
	[bflag:$0x3] =	sbarrier.arrive $0xFFFF;
	s2 =	simm.s32 @!p0 $0x1C07  }
0x244: {  	[timem:s3], [sflag:s2] =	dma.local @!p0 [hbm:s0], s1  }
0x245: {  	s0 =	simm.s32 @!p0 $0x7  }
0x246: {  	_ =	swait.ge @!p0 [sflag:s0], s1  }
0x247: {  	s1 =	ssub.s32 @!p0 $0x0, s1;
	[sflag:s0] =	ssyncset.done @!p0 $0x0  }
0x248: {  	[sflag:s0] =	ssyncadd.s32 @!p0 s1  }
0x249: {  	[bflag:$0x3] =	sbarrier.arrive $0xFFFF  }
0x24a: {  	_ =	shalt  }

</sc_bundles>
